<compile_context>
chip_gen: v7x
topology: tpu7x:2x2x1
jax: 0.10.2.dev20260603
libtpu: 0.0.44.dev20260713+nightly
codegen_flags: <defaults>
</compile_context>

<pallas_src>
import functools

import jax
import jax.numpy as jnp
from jax import lax
from jax.experimental import pallas as pl
from jax.experimental.pallas import tpu as pltpu
from jax.experimental.pallas import tpu_sc as plsc

N = 10000
DI = 128
DH = 128
DO = 40
E = 320000

NC = 2
NS = 16
NW = NC * NS
CH = 128
NCH = E // CH
CPW = NCH // NW
NTAIL = NCH - CPW * NW
HC = CPW // 2
RPW = N // NS

_mesh = plsc.VectorSubcoreMesh(core_axis_name="c", subcore_axis_name="s")
_sc_params = pltpu.CompilerParams(use_tc_tiling_on_sc=False)


def _zero_rows(buf, d):
    zero = jnp.zeros((16,), jnp.float32)

    def body(i, _):
        for t in range(-(-d // 16)):
            buf[i, pl.ds(min(16 * t, d - 16), 16)] = zero
        return ()

    lax.fori_loop(0, CH, body, (), unroll=False)


def _zero_spmem_slice(buf, table, sid, d):
    base = sid * RPW
    for k in range(4):
        pltpu.sync_copy(buf, table.at[pl.ds(base + k * CH, CH)])
    pltpu.sync_copy(buf.at[pl.ds(0, RPW - 4 * CH)],
                    table.at[pl.ds(base + 4 * CH, RPW - 4 * CH)])


def _make_deg():
    @functools.partial(
        pl.kernel,
        out_type=jax.ShapeDtypeStruct((NC, N, 16), jnp.float32),
        mesh=_mesh,
        scratch_types=[
            pltpu.VMEM((HC, CH), jnp.int32),
            pltpu.VMEM((1, CH), jnp.int32),
            pltpu.VMEM((CH, 16), jnp.float32),
            pltpu.VMEM((CH, 16), jnp.float32),
            pltpu.VMEM_SHARED((N, 16), jnp.float32),
            pltpu.SemaphoreType.DMA,
        ],
        compiler_params=_sc_params,
    )
    def deg_kernel(e_hbm, out_hbm, dst_v, tdst_v, ones_v, zbuf, deg_sp, dsem):
        cid = lax.axis_index("c")
        sid = lax.axis_index("s")
        wid = cid * NS + sid
        one = jnp.ones((16,), jnp.float32)

        def fill_ones(i, _):
            ones_v[i] = one
            return ()

        lax.fori_loop(0, CH, fill_ones, (), unroll=False)
        _zero_rows(zbuf, 16)
        _zero_spmem_slice(zbuf, deg_sp, sid, 16)
        plsc.subcore_barrier()

        def drain_one():
            pltpu.make_async_copy(out_hbm.at[0, pl.ds(0, CH)], zbuf, dsem).wait()

        for h in range(2):
            pltpu.sync_copy(e_hbm.at[1, pl.ds(wid * CPW + h * HC, HC)], dst_v)

            def body(j, _):
                pltpu.async_copy(ones_v, deg_sp.at[dst_v.at[j]], dsem, add=True)

                @pl.when(j >= 12)
                def _():
                    drain_one()

                return ()

            lax.fori_loop(0, HC, body, (), unroll=False)
            for _ in range(12):
                drain_one()

        @pl.when(wid < NTAIL)
        def _():
            pltpu.sync_copy(e_hbm.at[1, pl.ds(NW * CPW + wid, 1)], tdst_v)
            pltpu.sync_copy(ones_v, deg_sp.at[tdst_v.at[0]], add=True)

        plsc.subcore_barrier()
        pltpu.sync_copy(deg_sp.at[pl.ds(sid * RPW, RPW)],
                        out_hbm.at[cid, pl.ds(sid * RPW, RPW)])

    return deg_kernel


def _make_agg(d, paired, out_minor=None):
    om = d if out_minor is None else out_minor
    nbuf = 4 if paired else 2
    scratch = [
        pltpu.VMEM((HC, CH), jnp.int32),
        pltpu.VMEM((HC, CH), jnp.int32),
        pltpu.VMEM((1, CH), jnp.int32),
        pltpu.VMEM((1, CH), jnp.int32),
    ] + [pltpu.VMEM((CH, d), jnp.float32)] * nbuf + [
        pltpu.VMEM_SHARED((N, d), jnp.float32),
        pltpu.SemaphoreType.DMA,
        pltpu.SemaphoreType.DMA,
        pltpu.SemaphoreType.DMA,
        pltpu.SemaphoreType.DMA,
    ]

    @functools.partial(
        pl.kernel,
        out_type=jax.ShapeDtypeStruct((NC, N, om), jnp.float32),
        mesh=_mesh,
        scratch_types=scratch,
        compiler_params=_sc_params,
    )
    def agg_kernel(table_hbm, e_hbm, out_hbm, src_v, dst_v, tsrc_v, tdst_v,
                   *bufs_and_sems):
        bufs = bufs_and_sems[:nbuf]
        acc_sp = bufs_and_sems[nbuf]
        g0, g1, s0, s1 = bufs_and_sems[nbuf + 1:]
        buf0, buf1 = bufs[0], bufs[1]
        cid = lax.axis_index("c")
        sid = lax.axis_index("s")
        wid = cid * NS + sid

        def wait(sem, n=1):
            for _ in range(n):
                pltpu.make_async_copy(table_hbm.at[pl.ds(0, CH)], buf0,
                                      sem).wait()

        def gather(c, buf, sem):
            pltpu.async_copy(table_hbm.at[src_v.at[c]], buf, sem)

        def scat_sync(c, buf):
            pltpu.sync_copy(buf, acc_sp.at[dst_v.at[c]], add=True)

        def scat_async(c, buf, sem):
            pltpu.async_copy(buf, acc_sp.at[dst_v.at[c]], sem, add=True)

        _zero_rows(buf0, d)
        _zero_spmem_slice(buf0, acc_sp, sid, d)
        plsc.subcore_barrier()

        for h in range(2):
            base = wid * CPW + h * HC
            pltpu.sync_copy(e_hbm.at[0, pl.ds(base, HC)], src_v)
            pltpu.sync_copy(e_hbm.at[1, pl.ds(base, HC)], dst_v)

            if not paired:
                gather(0, buf0, g0)

                def body(jj, _):
                    j = jj * 2
                    gather(j + 1, buf1, g1)
                    wait(g0)
                    scat_sync(j, buf0)

                    @pl.when(j + 2 < HC)
                    def _():
                        gather(j + 2, buf0, g0)

                    wait(g1)
                    scat_sync(j + 1, buf1)
                    return ()

                lax.fori_loop(0, (HC - 1) // 2, body, (), unroll=False)
                wait(g0)
                scat_sync(HC - 1, buf0)
            else:
                b0a, b0b, b1a, b1b = bufs
                gather(0, b0a, g0)
                gather(1, b0b, g0)
                gather(2, b1a, g1)
                gather(3, b1b, g1)

                def body(jj, _):
                    c = jj * 4
                    wait(g0, 2)
                    scat_async(c, b0a, s0)
                    scat_async(c + 1, b0b, s0)
                    wait(g1, 2)
                    scat_async(c + 2, b1a, s1)
                    scat_async(c + 3, b1b, s1)
                    wait(s0, 2)
                    gather(c + 4, b0a, g0)
                    gather(c + 5, b0b, g0)
                    wait(s1, 2)
                    gather(c + 6, b1a, g1)

                    @pl.when(c + 7 < HC)
                    def _():
                        gather(c + 7, b1b, g1)

                    return ()

                lax.fori_loop(0, (HC - 3) // 4, body, (), unroll=False)
                wait(g0, 2)
                scat_sync(HC - 3, b0a)
                scat_sync(HC - 2, b0b)
                wait(g1)
                scat_sync(HC - 1, b1a)

        @pl.when(wid < NTAIL)
        def _():
            pltpu.sync_copy(e_hbm.at[0, pl.ds(NW * CPW + wid, 1)], tsrc_v)
            pltpu.sync_copy(e_hbm.at[1, pl.ds(NW * CPW + wid, 1)], tdst_v)
            pltpu.async_copy(table_hbm.at[tsrc_v.at[0]], buf0, g0)
            wait(g0)
            pltpu.sync_copy(buf0, acc_sp.at[tdst_v.at[0]], add=True)

        plsc.subcore_barrier()
        if om == d:
            pltpu.sync_copy(acc_sp.at[pl.ds(sid * RPW, RPW)],
                            out_hbm.at[cid, pl.ds(sid * RPW, RPW)])
        else:
            pltpu.sync_copy(
                acc_sp.at[pl.ds(sid * RPW, RPW)],
                out_hbm.at[cid, pl.ds(sid * RPW, RPW), pl.ds(0, d)])

    return agg_kernel


_deg_call = _make_deg()
_agg128 = _make_agg(DH, paired=False)
_agg40 = _make_agg(DO, paired=True, out_minor=128)

BR = 2000


def _mm_body(x_ref, w1_ref, h_ref):
    h_ref[...] = jnp.dot(x_ref[...], w1_ref[...],
                         preferred_element_type=jnp.float32)


def _dis(deg_ref):
    deg = deg_ref[0, :, 0:1] + deg_ref[1, :, 0:1] + 1.0
    return lax.rsqrt(deg)


def _scale_body(deg_ref, h_ref, hs_ref):
    hs_ref[...] = _dis(deg_ref) * h_ref[...]


def _tc2_body(deg_ref, acc_ref, hs1_ref, b1_ref, w2_ref, hs2_ref):
    dis = _dis(deg_ref)
    agg = (acc_ref[0] + acc_ref[1] + hs1_ref[...]) * dis
    m1 = jnp.maximum(agg + b1_ref[...], 0.0)
    h2 = jnp.dot(m1, w2_ref[...], preferred_element_type=jnp.float32)
    hs2_ref[...] = dis * h2


def _tc3_body(deg_ref, acc_ref, hs2_ref, b2_ref, out_ref):
    acc = acc_ref[0, :, 0:DO] + acc_ref[1, :, 0:DO]
    agg = (acc + hs2_ref[...]) * _dis(deg_ref)
    out_ref[...] = agg + b2_ref[...]


def kernel(x, edge_index, W1, b1, W2, b2):
    e3 = edge_index.astype(jnp.int32).reshape(2, NCH, CH)

    grid = (N // BR,)
    row = lambda w: pl.BlockSpec((BR, w), lambda i: (i, 0))
    deg_spec = pl.BlockSpec((2, BR, 16), lambda i: (0, i, 0))
    acc_spec = lambda w: pl.BlockSpec((2, BR, w), lambda i: (0, i, 0))
    full = lambda a, b: pl.BlockSpec((a, b), lambda i: (0, 0))

    degs = _deg_call(e3)

    h1 = pl.pallas_call(
        _mm_body,
        grid=grid,
        in_specs=[row(DI), full(DI, DH)],
        out_specs=row(DH),
        out_shape=jax.ShapeDtypeStruct((N, DH), jnp.float32),
    )(x, W1)

    hs1 = pl.pallas_call(
        _scale_body,
        grid=grid,
        in_specs=[deg_spec, row(DH)],
        out_specs=row(DH),
        out_shape=jax.ShapeDtypeStruct((N, DH), jnp.float32),
    )(degs, h1)

    acc1 = _agg128(hs1, e3)

    hs2 = pl.pallas_call(
        _tc2_body,
        grid=grid,
        in_specs=[deg_spec, acc_spec(DH), row(DH), full(1, DH), full(DH, DO)],
        out_specs=row(DO),
        out_shape=jax.ShapeDtypeStruct((N, DO), jnp.float32),
    )(degs, acc1, hs1, b1.reshape(1, DH), W2)

    acc2 = _agg40(hs2, e3)

    out = pl.pallas_call(
        _tc3_body,
        grid=grid,
        in_specs=[deg_spec, acc_spec(DH), row(DO), full(1, DO)],
        out_specs=row(DO),
        out_shape=jax.ShapeDtypeStruct((N, DO), jnp.float32),
    )(degs, acc2, hs2, b2.reshape(1, DO))

    return out

# --- scband reference (transcript-rebuilt; emitter-appended) ---
"""Pipeline reference for scband-gcn-352187318670 (READ-ONLY COPY).

The authoritative reference and input builder live on the scoring server;
editing this copy changes nothing except your own understanding.
"""

import jax, jax.numpy as jnp
import numpy as np

N_NODES = 10000
D_IN = 128
D_HID = 128
D_OUT = 40
N_EDGES = 320000


def gcn_conv(x, edge_index, W, b, num_nodes):
    # GCNConv: out = D^{-1/2} (A + I) D^{-1/2} (X W) + b
    src = edge_index[0]
    dst = edge_index[1]
    loop = jnp.arange(num_nodes, dtype=edge_index.dtype)
    src = jnp.concatenate([src, loop])
    dst = jnp.concatenate([dst, loop])
    deg = jnp.zeros((num_nodes,), dtype=x.dtype).at[dst].add(1.0)
    deg_inv_sqrt = jnp.where(deg > 0, jax.lax.rsqrt(jnp.maximum(deg, 1e-12)), 0.0)
    norm = deg_inv_sqrt[src] * deg_inv_sqrt[dst]
    h = x @ W
    msg = jnp.take(h, src, axis=0) * norm[:, None]
    out = jax.ops.segment_sum(msg, dst, num_segments=num_nodes)
    return out + b


def setup_inputs(seed: int = 0) -> dict:
    key = jax.random.key(seed)
    k_x, k_e, k_w1, k_b1, k_w2, k_b2 = jax.random.split(key, 6)
    x = jax.random.normal(k_x, (N_NODES, D_IN), dtype=jnp.float32)
    edge_index = jax.random.randint(k_e, (2, N_EDGES), 0, N_NODES, dtype=jnp.int64)
    # Glorot-style init for GCNConv weights
    s1 = (6.0 / (D_IN + D_HID)) ** 0.5
    s2 = (6.0 / (D_HID + D_OUT)) ** 0.5
    W1 = jax.random.uniform(k_w1, (D_IN, D_HID), dtype=jnp.float32, minval=-s1, maxval=s1)
    b1 = jnp.zeros((D_HID,), dtype=jnp.float32)
    W2 = jax.random.uniform(k_w2, (D_HID, D_OUT), dtype=jnp.float32, minval=-s2, maxval=s2)
    b2 = jnp.zeros((D_OUT,), dtype=jnp.float32)
    return {"x": x, "edge_index": edge_index, "W1": W1, "b1": b1, "W2": W2, "b2": b2}


def reference(x, edge_index, W1, b1, W2, b2):
    # forward of GCN (eval mode: dropout is identity)
    h = gcn_conv(x, edge_index, W1, b1, N_NODES)
    h = jax.nn.relu(h)
    # F.dropout(training=False) -> identity
    out = gcn_conv(h, edge_index, W2, b2, N_NODES)
    return out

if __name__ == "__main__":
    import jax
    _d = setup_inputs()
    print(jax.jit(kernel)(*tuple(_d.values())))

</pallas_src>

<mosaic_0001>
#map = affine_map<(d0, d1) -> (0, 0)>
#map1 = affine_map<(d0, d1) -> (0, 0, 0)>
module attributes {stable_mosaic.version = 14 : i64} {
  func.func @agg_kernel(%arg0: i32, %arg1: i32, %arg2: memref<10000x128xf32, #tpu.memory_space<hbm>>, %arg3: memref<2x2500x128xi32, #tpu.memory_space<hbm>>, %arg4: memref<2x10000x128xf32, #tpu.memory_space<hbm>>, %arg5: memref<39x128xi32, #tpu.memory_space<vmem>>, %arg6: memref<39x128xi32, #tpu.memory_space<vmem>>, %arg7: memref<1x128xi32, #tpu.memory_space<vmem>>, %arg8: memref<1x128xi32, #tpu.memory_space<vmem>>, %arg9: memref<128x128xf32, #tpu.memory_space<vmem>>, %arg10: memref<128x128xf32, #tpu.memory_space<vmem>>, %arg11: memref<10000x128xf32, #tpu.memory_space<vmem_shared>>, %arg12: memref<!tpu.dma_semaphore, #tpu.memory_space<semaphore_mem>>, %arg13: memref<!tpu.dma_semaphore, #tpu.memory_space<semaphore_mem>>, %arg14: memref<!tpu.dma_semaphore, #tpu.memory_space<semaphore_mem>>, %arg15: memref<!tpu.dma_semaphore, #tpu.memory_space<semaphore_mem>>) attributes {dimension_semantics = [#tpu.dimension_semantics<core_parallel>, #tpu.dimension_semantics<subcore_parallel>], iteration_bounds = array<i64: 2, 16>, scalar_prefetch = 0 : i64, scratch_operands = 11 : i64, tpu.core_type = #tpu.core_type<sc_vector_subcore>, window_params = [{transform_indices = #map}, {transform_indices = #map1}, {transform_indices = #map1}]} {
    %mul3A = arith.constant 16 : i32
    %mul3A_0 = arith.muli %arg0, %mul3A : i32
    %add3A = arith.addi %mul3A_0, %arg1 : i32
    %broadcast_in_dim3A = arith.constant 0.000000e+00 : f32
    %broadcast_in_dim3A_1 = vector.broadcast %broadcast_in_dim3A : f32 to vector<16xf32>
    %scan3A = arith.constant 0 : i32
    %scan3A_2 = arith.constant 128 : i32
    %scan3A_3 = arith.addi %scan3A, %scan3A_2 : i32
    %scan3A_4 = arith.constant 1 : i32
    scf.for %scan3A_72 = %scan3A to %scan3A_3 step %scan3A_4  : i32 {
      %swap3A = arith.index_cast %scan3A_72 : i32 to index
      %swap3A_73 = arith.constant 0 : index
      %swap3A_74 = tpu.vector_load %arg9[%swap3A, %swap3A_73] {strides = array<i32>} : memref<128x128xf32, #tpu.memory_space<vmem>>, vector<1x16xf32>,
      %swap3A_75 = vector.shape_cast %swap3A_74 : vector<1x16xf32> to vector<16xf32>
      %swap3A_76 = vector.shape_cast %broadcast_in_dim3A_1 : vector<16xf32> to vector<1x16xf32>
      tpu.vector_store %arg9[%swap3A, %swap3A_73], %swap3A_76 {strides = array<i32>} : memref<128x128xf32, #tpu.memory_space<vmem>>, vector<1x16xf32>,
      %swap3A_77 = arith.index_cast %scan3A_72 : i32 to index
      %swap3A_78 = arith.constant 16 : index
      %swap3A_79 = tpu.vector_load %arg9[%swap3A_77, %swap3A_78] {strides = array<i32>} : memref<128x128xf32, #tpu.memory_space<vmem>>, vector<1x16xf32>,
      %swap3A_80 = vector.shape_cast %swap3A_79 : vector<1x16xf32> to vector<16xf32>
      %swap3A_81 = vector.shape_cast %broadcast_in_dim3A_1 : vector<16xf32> to vector<1x16xf32>
      tpu.vector_store %arg9[%swap3A_77, %swap3A_78], %swap3A_81 {strides = array<i32>} : memref<128x128xf32, #tpu.memory_space<vmem>>, vector<1x16xf32>,
      %swap3A_82 = arith.index_cast %scan3A_72 : i32 to index
      %swap3A_83 = arith.constant 32 : index
      %swap3A_84 = tpu.vector_load %arg9[%swap3A_82, %swap3A_83] {strides = array<i32>} : memref<128x128xf32, #tpu.memory_space<vmem>>, vector<1x16xf32>,
      %swap3A_85 = vector.shape_cast %swap3A_84 : vector<1x16xf32> to vector<16xf32>
      %swap3A_86 = vector.shape_cast %broadcast_in_dim3A_1 : vector<16xf32> to vector<1x16xf32>
      tpu.vector_store %arg9[%swap3A_82, %swap3A_83], %swap3A_86 {strides = array<i32>} : memref<128x128xf32, #tpu.memory_space<vmem>>, vector<1x16xf32>,
      %swap3A_87 = arith.index_cast %scan3A_72 : i32 to index
      %swap3A_88 = arith.constant 48 : index
      %swap3A_89 = tpu.vector_load %arg9[%swap3A_87, %swap3A_88] {strides = array<i32>} : memref<128x128xf32, #tpu.memory_space<vmem>>, vector<1x16xf32>,
      %swap3A_90 = vector.shape_cast %swap3A_89 : vector<1x16xf32> to vector<16xf32>
      %swap3A_91 = vector.shape_cast %broadcast_in_dim3A_1 : vector<16xf32> to vector<1x16xf32>
      tpu.vector_store %arg9[%swap3A_87, %swap3A_88], %swap3A_91 {strides = array<i32>} : memref<128x128xf32, #tpu.memory_space<vmem>>, vector<1x16xf32>,
      %swap3A_92 = arith.index_cast %scan3A_72 : i32 to index
      %swap3A_93 = arith.constant 64 : index
      %swap3A_94 = tpu.vector_load %arg9[%swap3A_92, %swap3A_93] {strides = array<i32>} : memref<128x128xf32, #tpu.memory_space<vmem>>, vector<1x16xf32>,
      %swap3A_95 = vector.shape_cast %swap3A_94 : vector<1x16xf32> to vector<16xf32>
      %swap3A_96 = vector.shape_cast %broadcast_in_dim3A_1 : vector<16xf32> to vector<1x16xf32>
      tpu.vector_store %arg9[%swap3A_92, %swap3A_93], %swap3A_96 {strides = array<i32>} : memref<128x128xf32, #tpu.memory_space<vmem>>, vector<1x16xf32>,
      %swap3A_97 = arith.index_cast %scan3A_72 : i32 to index
      %swap3A_98 = arith.constant 80 : index
      %swap3A_99 = tpu.vector_load %arg9[%swap3A_97, %swap3A_98] {strides = array<i32>} : memref<128x128xf32, #tpu.memory_space<vmem>>, vector<1x16xf32>,
      %swap3A_100 = vector.shape_cast %swap3A_99 : vector<1x16xf32> to vector<16xf32>
      %swap3A_101 = vector.shape_cast %broadcast_in_dim3A_1 : vector<16xf32> to vector<1x16xf32>
      tpu.vector_store %arg9[%swap3A_97, %swap3A_98], %swap3A_101 {strides = array<i32>} : memref<128x128xf32, #tpu.memory_space<vmem>>, vector<1x16xf32>,
      %swap3A_102 = arith.index_cast %scan3A_72 : i32 to index
      %swap3A_103 = arith.constant 96 : index
      %swap3A_104 = tpu.vector_load %arg9[%swap3A_102, %swap3A_103] {strides = array<i32>} : memref<128x128xf32, #tpu.memory_space<vmem>>, vector<1x16xf32>,
      %swap3A_105 = vector.shape_cast %swap3A_104 : vector<1x16xf32> to vector<16xf32>
      %swap3A_106 = vector.shape_cast %broadcast_in_dim3A_1 : vector<16xf32> to vector<1x16xf32>
      tpu.vector_store %arg9[%swap3A_102, %swap3A_103], %swap3A_106 {strides = array<i32>} : memref<128x128xf32, #tpu.memory_space<vmem>>, vector<1x16xf32>,
      %swap3A_107 = arith.index_cast %scan3A_72 : i32 to index
      %swap3A_108 = arith.constant 112 : index
      %swap3A_109 = tpu.vector_load %arg9[%swap3A_107, %swap3A_108] {strides = array<i32>} : memref<128x128xf32, #tpu.memory_space<vmem>>, vector<1x16xf32>,
      %swap3A_110 = vector.shape_cast %swap3A_109 : vector<1x16xf32> to vector<16xf32>
      %swap3A_111 = vector.shape_cast %broadcast_in_dim3A_1 : vector<16xf32> to vector<1x16xf32>
      tpu.vector_store %arg9[%swap3A_107, %swap3A_108], %swap3A_111 {strides = array<i32>} : memref<128x128xf32, #tpu.memory_space<vmem>>, vector<1x16xf32>,
    }
    %scan3A_5 = arith.constant 128 : i32
    %mul3A_6 = arith.constant 625 : i32
    %mul3A_7 = arith.muli %arg1, %mul3A_6 : i32
    %add3A_8 = arith.constant 0 : i32
    %add3A_9 = arith.addi %mul3A_7, %add3A_8 : i32
    "tpu.region"() ({
      %run_scoped3A_72 = tpu.sem_alloc : memref<!tpu.dma_semaphore, #tpu.memory_space<semaphore_mem>>
      %dma_start3A_73 = arith.constant 0 : i32
      %dma_start3A_74 = tpu.memref_slice %arg11[%add3A_9, %dma_start3A_73] : memref<10000x128xf32, #tpu.memory_space<vmem_shared>> -> memref<128x128xf32, #tpu.memory_space<vmem_shared>>
      %dma_start3A_75 = arith.constant 0 : i32
      %dma_start3A_76 = tpu.memref_slice %arg11[%add3A_9, %dma_start3A_75] : memref<10000x128xf32, #tpu.memory_space<vmem_shared>> -> memref<128x128xf32, #tpu.memory_space<vmem_shared>>
      tpu.enqueue_dma source(%arg9 : memref<128x128xf32, #tpu.memory_space<vmem>>) target(%dma_start3A_76 : memref<128x128xf32, #tpu.memory_space<vmem_shared>>) target_semaphore(%run_scoped3A_72 : memref<!tpu.dma_semaphore, #tpu.memory_space<semaphore_mem>>)
      %dma_wait3A_77 = arith.constant 0 : i32
      %dma_wait3A_78 = tpu.memref_slice %arg11[%add3A_9, %dma_wait3A_77] : memref<10000x128xf32, #tpu.memory_space<vmem_shared>> -> memref<128x128xf32, #tpu.memory_space<vmem_shared>>
      %dma_wait3A_79 = arith.constant 0 : i32
      %dma_wait3A_80 = tpu.memref_slice %arg11[%add3A_9, %dma_wait3A_79] : memref<10000x128xf32, #tpu.memory_space<vmem_shared>> -> memref<128x128xf32, #tpu.memory_space<vmem_shared>>
      tpu.wait_dma2 semaphore(%run_scoped3A_72 : memref<!tpu.dma_semaphore, #tpu.memory_space<semaphore_mem>>) src(%arg9 : memref<128x128xf32, #tpu.memory_space<vmem>>) dst(%dma_wait3A_80 : memref<128x128xf32, #tpu.memory_space<vmem_shared>>)
      tpu.yield
    }) : () -> ()
    %add3A_10 = arith.constant 128 : i32
    %add3A_11 = arith.addi %mul3A_7, %add3A_10 : i32
    "tpu.region"() ({
      %run_scoped3A_72 = tpu.sem_alloc : memref<!tpu.dma_semaphore, #tpu.memory_space<semaphore_mem>>
      %dma_start3A_73 = arith.constant 0 : i32
      %dma_start3A_74 = tpu.memref_slice %arg11[%add3A_11, %dma_start3A_73] : memref<10000x128xf32, #tpu.memory_space<vmem_shared>> -> memref<128x128xf32, #tpu.memory_space<vmem_shared>>
      %dma_start3A_75 = arith.constant 0 : i32
      %dma_start3A_76 = tpu.memref_slice %arg11[%add3A_11, %dma_start3A_75] : memref<10000x128xf32, #tpu.memory_space<vmem_shared>> -> memref<128x128xf32, #tpu.memory_space<vmem_shared>>
      tpu.enqueue_dma source(%arg9 : memref<128x128xf32, #tpu.memory_space<vmem>>) target(%dma_start3A_76 : memref<128x128xf32, #tpu.memory_space<vmem_shared>>) target_semaphore(%run_scoped3A_72 : memref<!tpu.dma_semaphore, #tpu.memory_space<semaphore_mem>>)
      %dma_wait3A_77 = arith.constant 0 : i32
      %dma_wait3A_78 = tpu.memref_slice %arg11[%add3A_11, %dma_wait3A_77] : memref<10000x128xf32, #tpu.memory_space<vmem_shared>> -> memref<128x128xf32, #tpu.memory_space<vmem_shared>>
      %dma_wait3A_79 = arith.constant 0 : i32
      %dma_wait3A_80 = tpu.memref_slice %arg11[%add3A_11, %dma_wait3A_79] : memref<10000x128xf32, #tpu.memory_space<vmem_shared>> -> memref<128x128xf32, #tpu.memory_space<vmem_shared>>
      tpu.wait_dma2 semaphore(%run_scoped3A_72 : memref<!tpu.dma_semaphore, #tpu.memory_space<semaphore_mem>>) src(%arg9 : memref<128x128xf32, #tpu.memory_space<vmem>>) dst(%dma_wait3A_80 : memref<128x128xf32, #tpu.memory_space<vmem_shared>>)
      tpu.yield
    }) : () -> ()
    %add3A_12 = arith.constant 256 : i32
    %add3A_13 = arith.addi %mul3A_7, %add3A_12 : i32
    "tpu.region"() ({
      %run_scoped3A_72 = tpu.sem_alloc : memref<!tpu.dma_semaphore, #tpu.memory_space<semaphore_mem>>
      %dma_start3A_73 = arith.constant 0 : i32
      %dma_start3A_74 = tpu.memref_slice %arg11[%add3A_13, %dma_start3A_73] : memref<10000x128xf32, #tpu.memory_space<vmem_shared>> -> memref<128x128xf32, #tpu.memory_space<vmem_shared>>
      %dma_start3A_75 = arith.constant 0 : i32
      %dma_start3A_76 = tpu.memref_slice %arg11[%add3A_13, %dma_start3A_75] : memref<10000x128xf32, #tpu.memory_space<vmem_shared>> -> memref<128x128xf32, #tpu.memory_space<vmem_shared>>
      tpu.enqueue_dma source(%arg9 : memref<128x128xf32, #tpu.memory_space<vmem>>) target(%dma_start3A_76 : memref<128x128xf32, #tpu.memory_space<vmem_shared>>) target_semaphore(%run_scoped3A_72 : memref<!tpu.dma_semaphore, #tpu.memory_space<semaphore_mem>>)
      %dma_wait3A_77 = arith.constant 0 : i32
      %dma_wait3A_78 = tpu.memref_slice %arg11[%add3A_13, %dma_wait3A_77] : memref<10000x128xf32, #tpu.memory_space<vmem_shared>> -> memref<128x128xf32, #tpu.memory_space<vmem_shared>>
      %dma_wait3A_79 = arith.constant 0 : i32
      %dma_wait3A_80 = tpu.memref_slice %arg11[%add3A_13, %dma_wait3A_79] : memref<10000x128xf32, #tpu.memory_space<vmem_shared>> -> memref<128x128xf32, #tpu.memory_space<vmem_shared>>
      tpu.wait_dma2 semaphore(%run_scoped3A_72 : memref<!tpu.dma_semaphore, #tpu.memory_space<semaphore_mem>>) src(%arg9 : memref<128x128xf32, #tpu.memory_space<vmem>>) dst(%dma_wait3A_80 : memref<128x128xf32, #tpu.memory_space<vmem_shared>>)
      tpu.yield
    }) : () -> ()
    %add3A_14 = arith.constant 384 : i32
    %add3A_15 = arith.addi %mul3A_7, %add3A_14 : i32
    "tpu.region"() ({
      %run_scoped3A_72 = tpu.sem_alloc : memref<!tpu.dma_semaphore, #tpu.memory_space<semaphore_mem>>
      %dma_start3A_73 = arith.constant 0 : i32
      %dma_start3A_74 = tpu.memref_slice %arg11[%add3A_15, %dma_start3A_73] : memref<10000x128xf32, #tpu.memory_space<vmem_shared>> -> memref<128x128xf32, #tpu.memory_space<vmem_shared>>
      %dma_start3A_75 = arith.constant 0 : i32
      %dma_start3A_76 = tpu.memref_slice %arg11[%add3A_15, %dma_start3A_75] : memref<10000x128xf32, #tpu.memory_space<vmem_shared>> -> memref<128x128xf32, #tpu.memory_space<vmem_shared>>
      tpu.enqueue_dma source(%arg9 : memref<128x128xf32, #tpu.memory_space<vmem>>) target(%dma_start3A_76 : memref<128x128xf32, #tpu.memory_space<vmem_shared>>) target_semaphore(%run_scoped3A_72 : memref<!tpu.dma_semaphore, #tpu.memory_space<semaphore_mem>>)
      %dma_wait3A_77 = arith.constant 0 : i32
      %dma_wait3A_78 = tpu.memref_slice %arg11[%add3A_15, %dma_wait3A_77] : memref<10000x128xf32, #tpu.memory_space<vmem_shared>> -> memref<128x128xf32, #tpu.memory_space<vmem_shared>>
      %dma_wait3A_79 = arith.constant 0 : i32
      %dma_wait3A_80 = tpu.memref_slice %arg11[%add3A_15, %dma_wait3A_79] : memref<10000x128xf32, #tpu.memory_space<vmem_shared>> -> memref<128x128xf32, #tpu.memory_space<vmem_shared>>
      tpu.wait_dma2 semaphore(%run_scoped3A_72 : memref<!tpu.dma_semaphore, #tpu.memory_space<semaphore_mem>>) src(%arg9 : memref<128x128xf32, #tpu.memory_space<vmem>>) dst(%dma_wait3A_80 : memref<128x128xf32, #tpu.memory_space<vmem_shared>>)
      tpu.yield
    }) : () -> ()
    %add3A_16 = arith.constant 512 : i32
    %add3A_17 = arith.addi %mul3A_7, %add3A_16 : i32
    "tpu.region"() ({
      %run_scoped3A_72 = tpu.sem_alloc : memref<!tpu.dma_semaphore, #tpu.memory_space<semaphore_mem>>
      %dma_start3A_73 = arith.constant 0 : i32
      %dma_start3A_74 = arith.constant 0 : i32
      %dma_start3A_75 = tpu.memref_slice %arg9[%dma_start3A_73, %dma_start3A_74] : memref<128x128xf32, #tpu.memory_space<vmem>> -> memref<113x128xf32, #tpu.memory_space<vmem>>
      %dma_start3A_76 = arith.constant 0 : i32
      %dma_start3A_77 = tpu.memref_slice %arg11[%add3A_17, %dma_start3A_76] : memref<10000x128xf32, #tpu.memory_space<vmem_shared>> -> memref<113x128xf32, #tpu.memory_space<vmem_shared>>
      %dma_start3A_78 = arith.constant 0 : i32
      %dma_start3A_79 = tpu.memref_slice %arg11[%add3A_17, %dma_start3A_78] : memref<10000x128xf32, #tpu.memory_space<vmem_shared>> -> memref<113x128xf32, #tpu.memory_space<vmem_shared>>
      %dma_start3A_80 = arith.constant 0 : i32
      %dma_start3A_81 = arith.constant 0 : i32
      %dma_start3A_82 = tpu.memref_slice %arg9[%dma_start3A_80, %dma_start3A_81] : memref<128x128xf32, #tpu.memory_space<vmem>> -> memref<113x128xf32, #tpu.memory_space<vmem>>
      tpu.enqueue_dma source(%dma_start3A_82 : memref<113x128xf32, #tpu.memory_space<vmem>>) target(%dma_start3A_79 : memref<113x128xf32, #tpu.memory_space<vmem_shared>>) target_semaphore(%run_scoped3A_72 : memref<!tpu.dma_semaphore, #tpu.memory_space<semaphore_mem>>)
      %dma_wait3A_83 = arith.constant 0 : i32
      %dma_wait3A_84 = arith.constant 0 : i32
      %dma_wait3A_85 = tpu.memref_slice %arg9[%dma_wait3A_83, %dma_wait3A_84] : memref<128x128xf32, #tpu.memory_space<vmem>> -> memref<113x128xf32, #tpu.memory_space<vmem>>
      %dma_wait3A_86 = arith.constant 0 : i32
      %dma_wait3A_87 = tpu.memref_slice %arg11[%add3A_17, %dma_wait3A_86] : memref<10000x128xf32, #tpu.memory_space<vmem_shared>> -> memref<113x128xf32, #tpu.memory_space<vmem_shared>>
      %dma_wait3A_88 = arith.constant 0 : i32
      %dma_wait3A_89 = tpu.memref_slice %arg11[%add3A_17, %dma_wait3A_88] : memref<10000x128xf32, #tpu.memory_space<vmem_shared>> -> memref<113x128xf32, #tpu.memory_space<vmem_shared>>
      %dma_wait3A_90 = arith.constant 0 : i32
      %dma_wait3A_91 = arith.constant 0 : i32
      %dma_wait3A_92 = tpu.memref_slice %arg9[%dma_wait3A_90, %dma_wait3A_91] : memref<128x128xf32, #tpu.memory_space<vmem>> -> memref<113x128xf32, #tpu.memory_space<vmem>>
      tpu.wait_dma2 semaphore(%run_scoped3A_72 : memref<!tpu.dma_semaphore, #tpu.memory_space<semaphore_mem>>) src(%dma_wait3A_92 : memref<113x128xf32, #tpu.memory_space<vmem>>) dst(%dma_wait3A_89 : memref<113x128xf32, #tpu.memory_space<vmem_shared>>)
      tpu.yield
    }) : () -> ()
    %barrier3A = arith.constant 0 : index
    tpu.barrier barrier_id(%barrier3A)
    %mul3A_18 = arith.constant 78 : i32
    %mul3A_19 = arith.muli %add3A, %mul3A_18 : i32
    %add3A_20 = arith.constant 0 : i32
    %add3A_21 = arith.addi %mul3A_19, %add3A_20 : i32
    %run_scoped3A = arith.constant 0 : i32
    "tpu.region"() ({
      %run_scoped3A_72 = tpu.sem_alloc : memref<!tpu.dma_semaphore, #tpu.memory_space<semaphore_mem>>
      %dma_start3A_73 = arith.constant 0 : i32
      %dma_start3A_74 = tpu.memref_slice %arg3[%run_scoped3A, %add3A_21, %dma_start3A_73] : memref<2x2500x128xi32, #tpu.memory_space<hbm>> -> memref<1x39x128xi32, #tpu.memory_space<hbm>>
      %dma_start3A_75 = tpu.memref_squeeze %dma_start3A_74 : memref<1x39x128xi32, #tpu.memory_space<hbm>> -> memref<39x128xi32, #tpu.memory_space<hbm>>
      %dma_start3A_76 = arith.constant 0 : i32
      %dma_start3A_77 = tpu.memref_slice %arg3[%run_scoped3A, %add3A_21, %dma_start3A_76] : memref<2x2500x128xi32, #tpu.memory_space<hbm>> -> memref<1x39x128xi32, #tpu.memory_space<hbm>>
      %dma_start3A_78 = tpu.memref_squeeze %dma_start3A_77 : memref<1x39x128xi32, #tpu.memory_space<hbm>> -> memref<39x128xi32, #tpu.memory_space<hbm>>
      tpu.enqueue_dma source(%dma_start3A_78 : memref<39x128xi32, #tpu.memory_space<hbm>>) target(%arg5 : memref<39x128xi32, #tpu.memory_space<vmem>>) target_semaphore(%run_scoped3A_72 : memref<!tpu.dma_semaphore, #tpu.memory_space<semaphore_mem>>)
      %dma_wait3A_79 = arith.constant 0 : i32
      %dma_wait3A_80 = tpu.memref_slice %arg3[%run_scoped3A, %add3A_21, %dma_wait3A_79] : memref<2x2500x128xi32, #tpu.memory_space<hbm>> -> memref<1x39x128xi32, #tpu.memory_space<hbm>>
      %dma_wait3A_81 = tpu.memref_squeeze %dma_wait3A_80 : memref<1x39x128xi32, #tpu.memory_space<hbm>> -> memref<39x128xi32, #tpu.memory_space<hbm>>
      %dma_wait3A_82 = arith.constant 0 : i32
      %dma_wait3A_83 = tpu.memref_slice %arg3[%run_scoped3A, %add3A_21, %dma_wait3A_82] : memref<2x2500x128xi32, #tpu.memory_space<hbm>> -> memref<1x39x128xi32, #tpu.memory_space<hbm>>
      %dma_wait3A_84 = tpu.memref_squeeze %dma_wait3A_83 : memref<1x39x128xi32, #tpu.memory_space<hbm>> -> memref<39x128xi32, #tpu.memory_space<hbm>>
      tpu.wait_dma2 semaphore(%run_scoped3A_72 : memref<!tpu.dma_semaphore, #tpu.memory_space<semaphore_mem>>) src(%dma_wait3A_84 : memref<39x128xi32, #tpu.memory_space<hbm>>) dst(%arg5 : memref<39x128xi32, #tpu.memory_space<vmem>>)
      tpu.yield
    }) : () -> ()
    %run_scoped3A_22 = arith.constant 1 : i32
    "tpu.region"() ({
      %run_scoped3A_72 = tpu.sem_alloc : memref<!tpu.dma_semaphore, #tpu.memory_space<semaphore_mem>>
      %dma_start3A_73 = arith.constant 0 : i32
      %dma_start3A_74 = tpu.memref_slice %arg3[%run_scoped3A_22, %add3A_21, %dma_start3A_73] : memref<2x2500x128xi32, #tpu.memory_space<hbm>> -> memref<1x39x128xi32, #tpu.memory_space<hbm>>
      %dma_start3A_75 = tpu.memref_squeeze %dma_start3A_74 : memref<1x39x128xi32, #tpu.memory_space<hbm>> -> memref<39x128xi32, #tpu.memory_space<hbm>>
      %dma_start3A_76 = arith.constant 0 : i32
      %dma_start3A_77 = tpu.memref_slice %arg3[%run_scoped3A_22, %add3A_21, %dma_start3A_76] : memref<2x2500x128xi32, #tpu.memory_space<hbm>> -> memref<1x39x128xi32, #tpu.memory_space<hbm>>
      %dma_start3A_78 = tpu.memref_squeeze %dma_start3A_77 : memref<1x39x128xi32, #tpu.memory_space<hbm>> -> memref<39x128xi32, #tpu.memory_space<hbm>>
      tpu.enqueue_dma source(%dma_start3A_78 : memref<39x128xi32, #tpu.memory_space<hbm>>) target(%arg6 : memref<39x128xi32, #tpu.memory_space<vmem>>) target_semaphore(%run_scoped3A_72 : memref<!tpu.dma_semaphore, #tpu.memory_space<semaphore_mem>>)
      %dma_wait3A_79 = arith.constant 0 : i32
      %dma_wait3A_80 = tpu.memref_slice %arg3[%run_scoped3A_22, %add3A_21, %dma_wait3A_79] : memref<2x2500x128xi32, #tpu.memory_space<hbm>> -> memref<1x39x128xi32, #tpu.memory_space<hbm>>
      %dma_wait3A_81 = tpu.memref_squeeze %dma_wait3A_80 : memref<1x39x128xi32, #tpu.memory_space<hbm>> -> memref<39x128xi32, #tpu.memory_space<hbm>>
      %dma_wait3A_82 = arith.constant 0 : i32
      %dma_wait3A_83 = tpu.memref_slice %arg3[%run_scoped3A_22, %add3A_21, %dma_wait3A_82] : memref<2x2500x128xi32, #tpu.memory_space<hbm>> -> memref<1x39x128xi32, #tpu.memory_space<hbm>>
      %dma_wait3A_84 = tpu.memref_squeeze %dma_wait3A_83 : memref<1x39x128xi32, #tpu.memory_space<hbm>> -> memref<39x128xi32, #tpu.memory_space<hbm>>
      tpu.wait_dma2 semaphore(%run_scoped3A_72 : memref<!tpu.dma_semaphore, #tpu.memory_space<semaphore_mem>>) src(%dma_wait3A_84 : memref<39x128xi32, #tpu.memory_space<hbm>>) dst(%arg6 : memref<39x128xi32, #tpu.memory_space<vmem>>)
      tpu.yield
    }) : () -> ()
    %dma_start3A = arith.constant 0 : i32
    %dma_start3A_23 = arith.constant 0 : i32
    %dma_start3A_24 = tpu.memref_slice %arg5[%dma_start3A, %dma_start3A_23] : memref<39x128xi32, #tpu.memory_space<vmem>> -> memref<1x128xi32, #tpu.memory_space<vmem>>
    %dma_start3A_25 = tpu.memref_squeeze %dma_start3A_24 : memref<1x128xi32, #tpu.memory_space<vmem>> -> memref<128xi32, #tpu.memory_space<vmem>>
    %dma_start3A_26 = arith.constant 0 : i32
    %dma_start3A_27 = arith.constant 0 : i32
    %dma_start3A_28 = tpu.memref_slice %arg2[%dma_start3A_26, %dma_start3A_27] : memref<10000x128xf32, #tpu.memory_space<hbm>> -> memref<10000x128xf32, #tpu.memory_space<hbm>>
    tpu.enqueue_indirect_dma source(%dma_start3A_28 : memref<10000x128xf32, #tpu.memory_space<hbm>>) target(%arg9 : memref<128x128xf32, #tpu.memory_space<vmem>>) offsets(%dma_start3A_25 : memref<128xi32, #tpu.memory_space<vmem>>) semaphore(%arg12 : memref<!tpu.dma_semaphore, #tpu.memory_space<semaphore_mem>>)
    %scan3A_29 = arith.constant 0 : i32
    %scan3A_30 = arith.constant 19 : i32
    %scan3A_31 = arith.addi %scan3A_29, %scan3A_30 : i32
    %scan3A_32 = arith.constant 1 : i32
    scf.for %scan3A_72 = %scan3A_29 to %scan3A_31 step %scan3A_32  : i32 {
      %mul3A_73 = arith.constant 2 : i32
      %mul3A_74 = arith.muli %scan3A_72, %mul3A_73 : i32
      %add3A_75 = arith.constant 1 : i32
      %add3A_76 = arith.addi %mul3A_74, %add3A_75 : i32
      %dma_start3A_77 = arith.constant 0 : i32
      %dma_start3A_78 = tpu.memref_slice %arg5[%add3A_76, %dma_start3A_77] : memref<39x128xi32, #tpu.memory_space<vmem>> -> memref<1x128xi32, #tpu.memory_space<vmem>>
      %dma_start3A_79 = tpu.memref_squeeze %dma_start3A_78 : memref<1x128xi32, #tpu.memory_space<vmem>> -> memref<128xi32, #tpu.memory_space<vmem>>
      %dma_start3A_80 = arith.constant 0 : i32
      %dma_start3A_81 = arith.constant 0 : i32
      %dma_start3A_82 = tpu.memref_slice %arg2[%dma_start3A_80, %dma_start3A_81] : memref<10000x128xf32, #tpu.memory_space<hbm>> -> memref<10000x128xf32, #tpu.memory_space<hbm>>
      tpu.enqueue_indirect_dma source(%dma_start3A_82 : memref<10000x128xf32, #tpu.memory_space<hbm>>) target(%arg10 : memref<128x128xf32, #tpu.memory_space<vmem>>) offsets(%dma_start3A_79 : memref<128xi32, #tpu.memory_space<vmem>>) semaphore(%arg13 : memref<!tpu.dma_semaphore, #tpu.memory_space<semaphore_mem>>)
      %dma_wait3A_83 = arith.constant 0 : i32
      %dma_wait3A_84 = arith.constant 0 : i32
      %dma_wait3A_85 = tpu.memref_slice %arg2[%dma_wait3A_83, %dma_wait3A_84] : memref<10000x128xf32, #tpu.memory_space<hbm>> -> memref<128x128xf32, #tpu.memory_space<hbm>>
      %dma_wait3A_86 = arith.constant 0 : i32
      %dma_wait3A_87 = arith.constant 0 : i32
      %dma_wait3A_88 = tpu.memref_slice %arg2[%dma_wait3A_86, %dma_wait3A_87] : memref<10000x128xf32, #tpu.memory_space<hbm>> -> memref<128x128xf32, #tpu.memory_space<hbm>>
      tpu.wait_dma2 semaphore(%arg12 : memref<!tpu.dma_semaphore, #tpu.memory_space<semaphore_mem>>) src(%dma_wait3A_88 : memref<128x128xf32, #tpu.memory_space<hbm>>) dst(%arg9 : memref<128x128xf32, #tpu.memory_space<vmem>>)
      "tpu.region"() ({
        %run_scoped3A_104 = tpu.sem_alloc : memref<!tpu.dma_semaphore, #tpu.memory_space<semaphore_mem>>
        %dma_start3A_105 = arith.constant 0 : i32
        %dma_start3A_106 = tpu.memref_slice %arg6[%mul3A_74, %dma_start3A_105] : memref<39x128xi32, #tpu.memory_space<vmem>> -> memref<1x128xi32, #tpu.memory_space<vmem>>
        %dma_start3A_107 = tpu.memref_squeeze %dma_start3A_106 : memref<1x128xi32, #tpu.memory_space<vmem>> -> memref<128xi32, #tpu.memory_space<vmem>>
        %dma_start3A_108 = arith.constant 0 : i32
        %dma_start3A_109 = arith.constant 0 : i32
        %dma_start3A_110 = tpu.memref_slice %arg11[%dma_start3A_108, %dma_start3A_109] : memref<10000x128xf32, #tpu.memory_space<vmem_shared>> -> memref<10000x128xf32, #tpu.memory_space<vmem_shared>>
        tpu.enqueue_indirect_dma source(%arg9 : memref<128x128xf32, #tpu.memory_space<vmem>>) target(%dma_start3A_110 : memref<10000x128xf32, #tpu.memory_space<vmem_shared>>) offsets(%dma_start3A_107 : memref<128xi32, #tpu.memory_space<vmem>>) semaphore(%run_scoped3A_104 : memref<!tpu.dma_semaphore, #tpu.memory_space<semaphore_mem>>) {add = true}
        %dma_wait3A_111 = arith.constant 0 : i32
        %dma_wait3A_112 = tpu.memref_slice %arg6[%mul3A_74, %dma_wait3A_111] : memref<39x128xi32, #tpu.memory_space<vmem>> -> memref<1x128xi32, #tpu.memory_space<vmem>>
        %dma_wait3A_113 = tpu.memref_squeeze %dma_wait3A_112 : memref<1x128xi32, #tpu.memory_space<vmem>> -> memref<128xi32, #tpu.memory_space<vmem>>
        %dma_wait3A_114 = arith.constant 0 : i32
        %dma_wait3A_115 = arith.constant 0 : i32
        %dma_wait3A_116 = tpu.memref_slice %arg11[%dma_wait3A_114, %dma_wait3A_115] : memref<10000x128xf32, #tpu.memory_space<vmem_shared>> -> memref<10000x128xf32, #tpu.memory_space<vmem_shared>>
        tpu.wait_indirect_dma semaphore(%run_scoped3A_104 : memref<!tpu.dma_semaphore, #tpu.memory_space<semaphore_mem>>) src(%arg9 : memref<128x128xf32, #tpu.memory_space<vmem>>) dst(%dma_wait3A_116 : memref<10000x128xf32, #tpu.memory_space<vmem_shared>>)
        tpu.yield
      }) : () -> ()
      %add3A_89 = arith.constant 2 : i32
      %add3A_90 = arith.addi %mul3A_74, %add3A_89 : i32
      %lt3A_91 = arith.constant 39 : i32
      %lt3A_92 = arith.cmpi slt, %add3A_90, %lt3A_91 : i32
      %convert_element_type3A_93 = arith.extui %lt3A_92 : i1 to i32
      %cond3A_94 = arith.constant 0 : i32
      %cond3A_95 = arith.cmpi ne, %convert_element_type3A_93, %cond3A_94 : i32
      scf.if %cond3A_95 {
        %add3A_104 = arith.constant 2 : i32
        %add3A_105 = arith.addi %mul3A_74, %add3A_104 : i32
        %dma_start3A_106 = arith.constant 0 : i32
        %dma_start3A_107 = tpu.memref_slice %arg5[%add3A_105, %dma_start3A_106] : memref<39x128xi32, #tpu.memory_space<vmem>> -> memref<1x128xi32, #tpu.memory_space<vmem>>
        %dma_start3A_108 = tpu.memref_squeeze %dma_start3A_107 : memref<1x128xi32, #tpu.memory_space<vmem>> -> memref<128xi32, #tpu.memory_space<vmem>>
        %dma_start3A_109 = arith.constant 0 : i32
        %dma_start3A_110 = arith.constant 0 : i32
        %dma_start3A_111 = tpu.memref_slice %arg2[%dma_start3A_109, %dma_start3A_110] : memref<10000x128xf32, #tpu.memory_space<hbm>> -> memref<10000x128xf32, #tpu.memory_space<hbm>>
        tpu.enqueue_indirect_dma source(%dma_start3A_111 : memref<10000x128xf32, #tpu.memory_space<hbm>>) target(%arg9 : memref<128x128xf32, #tpu.memory_space<vmem>>) offsets(%dma_start3A_108 : memref<128xi32, #tpu.memory_space<vmem>>) semaphore(%arg12 : memref<!tpu.dma_semaphore, #tpu.memory_space<semaphore_mem>>)
      } else {
      }
      %dma_wait3A_96 = arith.constant 0 : i32
      %dma_wait3A_97 = arith.constant 0 : i32
      %dma_wait3A_98 = tpu.memref_slice %arg2[%dma_wait3A_96, %dma_wait3A_97] : memref<10000x128xf32, #tpu.memory_space<hbm>> -> memref<128x128xf32, #tpu.memory_space<hbm>>
      %dma_wait3A_99 = arith.constant 0 : i32
      %dma_wait3A_100 = arith.constant 0 : i32
      %dma_wait3A_101 = tpu.memref_slice %arg2[%dma_wait3A_99, %dma_wait3A_100] : memref<10000x128xf32, #tpu.memory_space<hbm>> -> memref<128x128xf32, #tpu.memory_space<hbm>>
      tpu.wait_dma2 semaphore(%arg13 : memref<!tpu.dma_semaphore, #tpu.memory_space<semaphore_mem>>) src(%dma_wait3A_101 : memref<128x128xf32, #tpu.memory_space<hbm>>) dst(%arg9 : memref<128x128xf32, #tpu.memory_space<vmem>>)
      %add3A_102 = arith.constant 1 : i32
      %add3A_103 = arith.addi %mul3A_74, %add3A_102 : i32
      "tpu.region"() ({
        %run_scoped3A_104 = tpu.sem_alloc : memref<!tpu.dma_semaphore, #tpu.memory_space<semaphore_mem>>
        %dma_start3A_105 = arith.constant 0 : i32
        %dma_start3A_106 = tpu.memref_slice %arg6[%add3A_103, %dma_start3A_105] : memref<39x128xi32, #tpu.memory_space<vmem>> -> memref<1x128xi32, #tpu.memory_space<vmem>>
        %dma_start3A_107 = tpu.memref_squeeze %dma_start3A_106 : memref<1x128xi32, #tpu.memory_space<vmem>> -> memref<128xi32, #tpu.memory_space<vmem>>
        %dma_start3A_108 = arith.constant 0 : i32
        %dma_start3A_109 = arith.constant 0 : i32
        %dma_start3A_110 = tpu.memref_slice %arg11[%dma_start3A_108, %dma_start3A_109] : memref<10000x128xf32, #tpu.memory_space<vmem_shared>> -> memref<10000x128xf32, #tpu.memory_space<vmem_shared>>
        tpu.enqueue_indirect_dma source(%arg10 : memref<128x128xf32, #tpu.memory_space<vmem>>) target(%dma_start3A_110 : memref<10000x128xf32, #tpu.memory_space<vmem_shared>>) offsets(%dma_start3A_107 : memref<128xi32, #tpu.memory_space<vmem>>) semaphore(%run_scoped3A_104 : memref<!tpu.dma_semaphore, #tpu.memory_space<semaphore_mem>>) {add = true}
        %dma_wait3A_111 = arith.constant 0 : i32
        %dma_wait3A_112 = tpu.memref_slice %arg6[%add3A_103, %dma_wait3A_111] : memref<39x128xi32, #tpu.memory_space<vmem>> -> memref<1x128xi32, #tpu.memory_space<vmem>>
        %dma_wait3A_113 = tpu.memref_squeeze %dma_wait3A_112 : memref<1x128xi32, #tpu.memory_space<vmem>> -> memref<128xi32, #tpu.memory_space<vmem>>
        %dma_wait3A_114 = arith.constant 0 : i32
        %dma_wait3A_115 = arith.constant 0 : i32
        %dma_wait3A_116 = tpu.memref_slice %arg11[%dma_wait3A_114, %dma_wait3A_115] : memref<10000x128xf32, #tpu.memory_space<vmem_shared>> -> memref<10000x128xf32, #tpu.memory_space<vmem_shared>>
        tpu.wait_indirect_dma semaphore(%run_scoped3A_104 : memref<!tpu.dma_semaphore, #tpu.memory_space<semaphore_mem>>) src(%arg10 : memref<128x128xf32, #tpu.memory_space<vmem>>) dst(%dma_wait3A_116 : memref<10000x128xf32, #tpu.memory_space<vmem_shared>>)
        tpu.yield
      }) : () -> ()
    }
    %scan3A_33 = arith.constant 19 : i32
    %dma_wait3A = arith.constant 0 : i32
    %dma_wait3A_34 = arith.constant 0 : i32
    %dma_wait3A_35 = tpu.memref_slice %arg2[%dma_wait3A, %dma_wait3A_34] : memref<10000x128xf32, #tpu.memory_space<hbm>> -> memref<128x128xf32, #tpu.memory_space<hbm>>
    %dma_wait3A_36 = arith.constant 0 : i32
    %dma_wait3A_37 = arith.constant 0 : i32
    %dma_wait3A_38 = tpu.memref_slice %arg2[%dma_wait3A_36, %dma_wait3A_37] : memref<10000x128xf32, #tpu.memory_space<hbm>> -> memref<128x128xf32, #tpu.memory_space<hbm>>
    tpu.wait_dma2 semaphore(%arg12 : memref<!tpu.dma_semaphore, #tpu.memory_space<semaphore_mem>>) src(%dma_wait3A_38 : memref<128x128xf32, #tpu.memory_space<hbm>>) dst(%arg9 : memref<128x128xf32, #tpu.memory_space<vmem>>)
    %run_scoped3A_39 = arith.constant 38 : i32
    "tpu.region"() ({
      %run_scoped3A_72 = tpu.sem_alloc : memref<!tpu.dma_semaphore, #tpu.memory_space<semaphore_mem>>
      %dma_start3A_73 = arith.constant 0 : i32
      %dma_start3A_74 = tpu.memref_slice %arg6[%run_scoped3A_39, %dma_start3A_73] : memref<39x128xi32, #tpu.memory_space<vmem>> -> memref<1x128xi32, #tpu.memory_space<vmem>>
      %dma_start3A_75 = tpu.memref_squeeze %dma_start3A_74 : memref<1x128xi32, #tpu.memory_space<vmem>> -> memref<128xi32, #tpu.memory_space<vmem>>
      %dma_start3A_76 = arith.constant 0 : i32
      %dma_start3A_77 = arith.constant 0 : i32
      %dma_start3A_78 = tpu.memref_slice %arg11[%dma_start3A_76, %dma_start3A_77] : memref<10000x128xf32, #tpu.memory_space<vmem_shared>> -> memref<10000x128xf32, #tpu.memory_space<vmem_shared>>
      tpu.enqueue_indirect_dma source(%arg9 : memref<128x128xf32, #tpu.memory_space<vmem>>) target(%dma_start3A_78 : memref<10000x128xf32, #tpu.memory_space<vmem_shared>>) offsets(%dma_start3A_75 : memref<128xi32, #tpu.memory_space<vmem>>) semaphore(%run_scoped3A_72 : memref<!tpu.dma_semaphore, #tpu.memory_space<semaphore_mem>>) {add = true}
      %dma_wait3A_79 = arith.constant 0 : i32
      %dma_wait3A_80 = tpu.memref_slice %arg6[%run_scoped3A_39, %dma_wait3A_79] : memref<39x128xi32, #tpu.memory_space<vmem>> -> memref<1x128xi32, #tpu.memory_space<vmem>>
      %dma_wait3A_81 = tpu.memref_squeeze %dma_wait3A_80 : memref<1x128xi32, #tpu.memory_space<vmem>> -> memref<128xi32, #tpu.memory_space<vmem>>
      %dma_wait3A_82 = arith.constant 0 : i32
      %dma_wait3A_83 = arith.constant 0 : i32
      %dma_wait3A_84 = tpu.memref_slice %arg11[%dma_wait3A_82, %dma_wait3A_83] : memref<10000x128xf32, #tpu.memory_space<vmem_shared>> -> memref<10000x128xf32, #tpu.memory_space<vmem_shared>>
      tpu.wait_indirect_dma semaphore(%run_scoped3A_72 : memref<!tpu.dma_semaphore, #tpu.memory_space<semaphore_mem>>) src(%arg9 : memref<128x128xf32, #tpu.memory_space<vmem>>) dst(%dma_wait3A_84 : memref<10000x128xf32, #tpu.memory_space<vmem_shared>>)
      tpu.yield
    }) : () -> ()
    %mul3A_40 = arith.constant 78 : i32
    %mul3A_41 = arith.muli %add3A, %mul3A_40 : i32
    %add3A_42 = arith.constant 39 : i32
    %add3A_43 = arith.addi %mul3A_41, %add3A_42 : i32
    %run_scoped3A_44 = arith.constant 0 : i32
    "tpu.region"() ({
      %run_scoped3A_72 = tpu.sem_alloc : memref<!tpu.dma_semaphore, #tpu.memory_space<semaphore_mem>>
      %dma_start3A_73 = arith.constant 0 : i32
      %dma_start3A_74 = tpu.memref_slice %arg3[%run_scoped3A_44, %add3A_43, %dma_start3A_73] : memref<2x2500x128xi32, #tpu.memory_space<hbm>> -> memref<1x39x128xi32, #tpu.memory_space<hbm>>
      %dma_start3A_75 = tpu.memref_squeeze %dma_start3A_74 : memref<1x39x128xi32, #tpu.memory_space<hbm>> -> memref<39x128xi32, #tpu.memory_space<hbm>>
      %dma_start3A_76 = arith.constant 0 : i32
      %dma_start3A_77 = tpu.memref_slice %arg3[%run_scoped3A_44, %add3A_43, %dma_start3A_76] : memref<2x2500x128xi32, #tpu.memory_space<hbm>> -> memref<1x39x128xi32, #tpu.memory_space<hbm>>
      %dma_start3A_78 = tpu.memref_squeeze %dma_start3A_77 : memref<1x39x128xi32, #tpu.memory_space<hbm>> -> memref<39x128xi32, #tpu.memory_space<hbm>>
      tpu.enqueue_dma source(%dma_start3A_78 : memref<39x128xi32, #tpu.memory_space<hbm>>) target(%arg5 : memref<39x128xi32, #tpu.memory_space<vmem>>) target_semaphore(%run_scoped3A_72 : memref<!tpu.dma_semaphore, #tpu.memory_space<semaphore_mem>>)
      %dma_wait3A_79 = arith.constant 0 : i32
      %dma_wait3A_80 = tpu.memref_slice %arg3[%run_scoped3A_44, %add3A_43, %dma_wait3A_79] : memref<2x2500x128xi32, #tpu.memory_space<hbm>> -> memref<1x39x128xi32, #tpu.memory_space<hbm>>
      %dma_wait3A_81 = tpu.memref_squeeze %dma_wait3A_80 : memref<1x39x128xi32, #tpu.memory_space<hbm>> -> memref<39x128xi32, #tpu.memory_space<hbm>>
      %dma_wait3A_82 = arith.constant 0 : i32
      %dma_wait3A_83 = tpu.memref_slice %arg3[%run_scoped3A_44, %add3A_43, %dma_wait3A_82] : memref<2x2500x128xi32, #tpu.memory_space<hbm>> -> memref<1x39x128xi32, #tpu.memory_space<hbm>>
      %dma_wait3A_84 = tpu.memref_squeeze %dma_wait3A_83 : memref<1x39x128xi32, #tpu.memory_space<hbm>> -> memref<39x128xi32, #tpu.memory_space<hbm>>
      tpu.wait_dma2 semaphore(%run_scoped3A_72 : memref<!tpu.dma_semaphore, #tpu.memory_space<semaphore_mem>>) src(%dma_wait3A_84 : memref<39x128xi32, #tpu.memory_space<hbm>>) dst(%arg5 : memref<39x128xi32, #tpu.memory_space<vmem>>)
      tpu.yield
    }) : () -> ()
    %run_scoped3A_45 = arith.constant 1 : i32
    "tpu.region"() ({
      %run_scoped3A_72 = tpu.sem_alloc : memref<!tpu.dma_semaphore, #tpu.memory_space<semaphore_mem>>
      %dma_start3A_73 = arith.constant 0 : i32
      %dma_start3A_74 = tpu.memref_slice %arg3[%run_scoped3A_45, %add3A_43, %dma_start3A_73] : memref<2x2500x128xi32, #tpu.memory_space<hbm>> -> memref<1x39x128xi32, #tpu.memory_space<hbm>>
      %dma_start3A_75 = tpu.memref_squeeze %dma_start3A_74 : memref<1x39x128xi32, #tpu.memory_space<hbm>> -> memref<39x128xi32, #tpu.memory_space<hbm>>
      %dma_start3A_76 = arith.constant 0 : i32
      %dma_start3A_77 = tpu.memref_slice %arg3[%run_scoped3A_45, %add3A_43, %dma_start3A_76] : memref<2x2500x128xi32, #tpu.memory_space<hbm>> -> memref<1x39x128xi32, #tpu.memory_space<hbm>>
      %dma_start3A_78 = tpu.memref_squeeze %dma_start3A_77 : memref<1x39x128xi32, #tpu.memory_space<hbm>> -> memref<39x128xi32, #tpu.memory_space<hbm>>
      tpu.enqueue_dma source(%dma_start3A_78 : memref<39x128xi32, #tpu.memory_space<hbm>>) target(%arg6 : memref<39x128xi32, #tpu.memory_space<vmem>>) target_semaphore(%run_scoped3A_72 : memref<!tpu.dma_semaphore, #tpu.memory_space<semaphore_mem>>)
      %dma_wait3A_79 = arith.constant 0 : i32
      %dma_wait3A_80 = tpu.memref_slice %arg3[%run_scoped3A_45, %add3A_43, %dma_wait3A_79] : memref<2x2500x128xi32, #tpu.memory_space<hbm>> -> memref<1x39x128xi32, #tpu.memory_space<hbm>>
      %dma_wait3A_81 = tpu.memref_squeeze %dma_wait3A_80 : memref<1x39x128xi32, #tpu.memory_space<hbm>> -> memref<39x128xi32, #tpu.memory_space<hbm>>
      %dma_wait3A_82 = arith.constant 0 : i32
      %dma_wait3A_83 = tpu.memref_slice %arg3[%run_scoped3A_45, %add3A_43, %dma_wait3A_82] : memref<2x2500x128xi32, #tpu.memory_space<hbm>> -> memref<1x39x128xi32, #tpu.memory_space<hbm>>
      %dma_wait3A_84 = tpu.memref_squeeze %dma_wait3A_83 : memref<1x39x128xi32, #tpu.memory_space<hbm>> -> memref<39x128xi32, #tpu.memory_space<hbm>>
      tpu.wait_dma2 semaphore(%run_scoped3A_72 : memref<!tpu.dma_semaphore, #tpu.memory_space<semaphore_mem>>) src(%dma_wait3A_84 : memref<39x128xi32, #tpu.memory_space<hbm>>) dst(%arg6 : memref<39x128xi32, #tpu.memory_space<vmem>>)
      tpu.yield
    }) : () -> ()
    %dma_start3A_46 = arith.constant 0 : i32
    %dma_start3A_47 = arith.constant 0 : i32
    %dma_start3A_48 = tpu.memref_slice %arg5[%dma_start3A_46, %dma_start3A_47] : memref<39x128xi32, #tpu.memory_space<vmem>> -> memref<1x128xi32, #tpu.memory_space<vmem>>
    %dma_start3A_49 = tpu.memref_squeeze %dma_start3A_48 : memref<1x128xi32, #tpu.memory_space<vmem>> -> memref<128xi32, #tpu.memory_space<vmem>>
    %dma_start3A_50 = arith.constant 0 : i32
    %dma_start3A_51 = arith.constant 0 : i32
    %dma_start3A_52 = tpu.memref_slice %arg2[%dma_start3A_50, %dma_start3A_51] : memref<10000x128xf32, #tpu.memory_space<hbm>> -> memref<10000x128xf32, #tpu.memory_space<hbm>>
    tpu.enqueue_indirect_dma source(%dma_start3A_52 : memref<10000x128xf32, #tpu.memory_space<hbm>>) target(%arg9 : memref<128x128xf32, #tpu.memory_space<vmem>>) offsets(%dma_start3A_49 : memref<128xi32, #tpu.memory_space<vmem>>) semaphore(%arg12 : memref<!tpu.dma_semaphore, #tpu.memory_space<semaphore_mem>>)
    %scan3A_53 = arith.constant 0 : i32
    %scan3A_54 = arith.constant 19 : i32
    %scan3A_55 = arith.addi %scan3A_53, %scan3A_54 : i32
    %scan3A_56 = arith.constant 1 : i32
    scf.for %scan3A_72 = %scan3A_53 to %scan3A_55 step %scan3A_56  : i32 {
      %mul3A_73 = arith.constant 2 : i32
      %mul3A_74 = arith.muli %scan3A_72, %mul3A_73 : i32
      %add3A_75 = arith.constant 1 : i32
      %add3A_76 = arith.addi %mul3A_74, %add3A_75 : i32
      %dma_start3A_77 = arith.constant 0 : i32
      %dma_start3A_78 = tpu.memref_slice %arg5[%add3A_76, %dma_start3A_77] : memref<39x128xi32, #tpu.memory_space<vmem>> -> memref<1x128xi32, #tpu.memory_space<vmem>>
      %dma_start3A_79 = tpu.memref_squeeze %dma_start3A_78 : memref<1x128xi32, #tpu.memory_space<vmem>> -> memref<128xi32, #tpu.memory_space<vmem>>
      %dma_start3A_80 = arith.constant 0 : i32
      %dma_start3A_81 = arith.constant 0 : i32
      %dma_start3A_82 = tpu.memref_slice %arg2[%dma_start3A_80, %dma_start3A_81] : memref<10000x128xf32, #tpu.memory_space<hbm>> -> memref<10000x128xf32, #tpu.memory_space<hbm>>
      tpu.enqueue_indirect_dma source(%dma_start3A_82 : memref<10000x128xf32, #tpu.memory_space<hbm>>) target(%arg10 : memref<128x128xf32, #tpu.memory_space<vmem>>) offsets(%dma_start3A_79 : memref<128xi32, #tpu.memory_space<vmem>>) semaphore(%arg13 : memref<!tpu.dma_semaphore, #tpu.memory_space<semaphore_mem>>)
      %dma_wait3A_83 = arith.constant 0 : i32
      %dma_wait3A_84 = arith.constant 0 : i32
      %dma_wait3A_85 = tpu.memref_slice %arg2[%dma_wait3A_83, %dma_wait3A_84] : memref<10000x128xf32, #tpu.memory_space<hbm>> -> memref<128x128xf32, #tpu.memory_space<hbm>>
      %dma_wait3A_86 = arith.constant 0 : i32
      %dma_wait3A_87 = arith.constant 0 : i32
      %dma_wait3A_88 = tpu.memref_slice %arg2[%dma_wait3A_86, %dma_wait3A_87] : memref<10000x128xf32, #tpu.memory_space<hbm>> -> memref<128x128xf32, #tpu.memory_space<hbm>>
      tpu.wait_dma2 semaphore(%arg12 : memref<!tpu.dma_semaphore, #tpu.memory_space<semaphore_mem>>) src(%dma_wait3A_88 : memref<128x128xf32, #tpu.memory_space<hbm>>) dst(%arg9 : memref<128x128xf32, #tpu.memory_space<vmem>>)
      "tpu.region"() ({
        %run_scoped3A_104 = tpu.sem_alloc : memref<!tpu.dma_semaphore, #tpu.memory_space<semaphore_mem>>
        %dma_start3A_105 = arith.constant 0 : i32
        %dma_start3A_106 = tpu.memref_slice %arg6[%mul3A_74, %dma_start3A_105] : memref<39x128xi32, #tpu.memory_space<vmem>> -> memref<1x128xi32, #tpu.memory_space<vmem>>
        %dma_start3A_107 = tpu.memref_squeeze %dma_start3A_106 : memref<1x128xi32, #tpu.memory_space<vmem>> -> memref<128xi32, #tpu.memory_space<vmem>>
        %dma_start3A_108 = arith.constant 0 : i32
        %dma_start3A_109 = arith.constant 0 : i32
        %dma_start3A_110 = tpu.memref_slice %arg11[%dma_start3A_108, %dma_start3A_109] : memref<10000x128xf32, #tpu.memory_space<vmem_shared>> -> memref<10000x128xf32, #tpu.memory_space<vmem_shared>>
        tpu.enqueue_indirect_dma source(%arg9 : memref<128x128xf32, #tpu.memory_space<vmem>>) target(%dma_start3A_110 : memref<10000x128xf32, #tpu.memory_space<vmem_shared>>) offsets(%dma_start3A_107 : memref<128xi32, #tpu.memory_space<vmem>>) semaphore(%run_scoped3A_104 : memref<!tpu.dma_semaphore, #tpu.memory_space<semaphore_mem>>) {add = true}
        %dma_wait3A_111 = arith.constant 0 : i32
        %dma_wait3A_112 = tpu.memref_slice %arg6[%mul3A_74, %dma_wait3A_111] : memref<39x128xi32, #tpu.memory_space<vmem>> -> memref<1x128xi32, #tpu.memory_space<vmem>>
        %dma_wait3A_113 = tpu.memref_squeeze %dma_wait3A_112 : memref<1x128xi32, #tpu.memory_space<vmem>> -> memref<128xi32, #tpu.memory_space<vmem>>
        %dma_wait3A_114 = arith.constant 0 : i32
        %dma_wait3A_115 = arith.constant 0 : i32
        %dma_wait3A_116 = tpu.memref_slice %arg11[%dma_wait3A_114, %dma_wait3A_115] : memref<10000x128xf32, #tpu.memory_space<vmem_shared>> -> memref<10000x128xf32, #tpu.memory_space<vmem_shared>>
        tpu.wait_indirect_dma semaphore(%run_scoped3A_104 : memref<!tpu.dma_semaphore, #tpu.memory_space<semaphore_mem>>) src(%arg9 : memref<128x128xf32, #tpu.memory_space<vmem>>) dst(%dma_wait3A_116 : memref<10000x128xf32, #tpu.memory_space<vmem_shared>>)
        tpu.yield
      }) : () -> ()
      %add3A_89 = arith.constant 2 : i32
      %add3A_90 = arith.addi %mul3A_74, %add3A_89 : i32
      %lt3A_91 = arith.constant 39 : i32
      %lt3A_92 = arith.cmpi slt, %add3A_90, %lt3A_91 : i32
      %convert_element_type3A_93 = arith.extui %lt3A_92 : i1 to i32
      %cond3A_94 = arith.constant 0 : i32
      %cond3A_95 = arith.cmpi ne, %convert_element_type3A_93, %cond3A_94 : i32
      scf.if %cond3A_95 {
        %add3A_104 = arith.constant 2 : i32
        %add3A_105 = arith.addi %mul3A_74, %add3A_104 : i32
        %dma_start3A_106 = arith.constant 0 : i32
        %dma_start3A_107 = tpu.memref_slice %arg5[%add3A_105, %dma_start3A_106] : memref<39x128xi32, #tpu.memory_space<vmem>> -> memref<1x128xi32, #tpu.memory_space<vmem>>
        %dma_start3A_108 = tpu.memref_squeeze %dma_start3A_107 : memref<1x128xi32, #tpu.memory_space<vmem>> -> memref<128xi32, #tpu.memory_space<vmem>>
        %dma_start3A_109 = arith.constant 0 : i32
        %dma_start3A_110 = arith.constant 0 : i32
        %dma_start3A_111 = tpu.memref_slice %arg2[%dma_start3A_109, %dma_start3A_110] : memref<10000x128xf32, #tpu.memory_space<hbm>> -> memref<10000x128xf32, #tpu.memory_space<hbm>>
        tpu.enqueue_indirect_dma source(%dma_start3A_111 : memref<10000x128xf32, #tpu.memory_space<hbm>>) target(%arg9 : memref<128x128xf32, #tpu.memory_space<vmem>>) offsets(%dma_start3A_108 : memref<128xi32, #tpu.memory_space<vmem>>) semaphore(%arg12 : memref<!tpu.dma_semaphore, #tpu.memory_space<semaphore_mem>>)
      } else {
      }
      %dma_wait3A_96 = arith.constant 0 : i32
      %dma_wait3A_97 = arith.constant 0 : i32
      %dma_wait3A_98 = tpu.memref_slice %arg2[%dma_wait3A_96, %dma_wait3A_97] : memref<10000x128xf32, #tpu.memory_space<hbm>> -> memref<128x128xf32, #tpu.memory_space<hbm>>
      %dma_wait3A_99 = arith.constant 0 : i32
      %dma_wait3A_100 = arith.constant 0 : i32
      %dma_wait3A_101 = tpu.memref_slice %arg2[%dma_wait3A_99, %dma_wait3A_100] : memref<10000x128xf32, #tpu.memory_space<hbm>> -> memref<128x128xf32, #tpu.memory_space<hbm>>
      tpu.wait_dma2 semaphore(%arg13 : memref<!tpu.dma_semaphore, #tpu.memory_space<semaphore_mem>>) src(%dma_wait3A_101 : memref<128x128xf32, #tpu.memory_space<hbm>>) dst(%arg9 : memref<128x128xf32, #tpu.memory_space<vmem>>)
      %add3A_102 = arith.constant 1 : i32
      %add3A_103 = arith.addi %mul3A_74, %add3A_102 : i32
      "tpu.region"() ({
        %run_scoped3A_104 = tpu.sem_alloc : memref<!tpu.dma_semaphore, #tpu.memory_space<semaphore_mem>>
        %dma_start3A_105 = arith.constant 0 : i32
        %dma_start3A_106 = tpu.memref_slice %arg6[%add3A_103, %dma_start3A_105] : memref<39x128xi32, #tpu.memory_space<vmem>> -> memref<1x128xi32, #tpu.memory_space<vmem>>
        %dma_start3A_107 = tpu.memref_squeeze %dma_start3A_106 : memref<1x128xi32, #tpu.memory_space<vmem>> -> memref<128xi32, #tpu.memory_space<vmem>>
        %dma_start3A_108 = arith.constant 0 : i32
        %dma_start3A_109 = arith.constant 0 : i32
        %dma_start3A_110 = tpu.memref_slice %arg11[%dma_start3A_108, %dma_start3A_109] : memref<10000x128xf32, #tpu.memory_space<vmem_shared>> -> memref<10000x128xf32, #tpu.memory_space<vmem_shared>>
        tpu.enqueue_indirect_dma source(%arg10 : memref<128x128xf32, #tpu.memory_space<vmem>>) target(%dma_start3A_110 : memref<10000x128xf32, #tpu.memory_space<vmem_shared>>) offsets(%dma_start3A_107 : memref<128xi32, #tpu.memory_space<vmem>>) semaphore(%run_scoped3A_104 : memref<!tpu.dma_semaphore, #tpu.memory_space<semaphore_mem>>) {add = true}
        %dma_wait3A_111 = arith.constant 0 : i32
        %dma_wait3A_112 = tpu.memref_slice %arg6[%add3A_103, %dma_wait3A_111] : memref<39x128xi32, #tpu.memory_space<vmem>> -> memref<1x128xi32, #tpu.memory_space<vmem>>
        %dma_wait3A_113 = tpu.memref_squeeze %dma_wait3A_112 : memref<1x128xi32, #tpu.memory_space<vmem>> -> memref<128xi32, #tpu.memory_space<vmem>>
        %dma_wait3A_114 = arith.constant 0 : i32
        %dma_wait3A_115 = arith.constant 0 : i32
        %dma_wait3A_116 = tpu.memref_slice %arg11[%dma_wait3A_114, %dma_wait3A_115] : memref<10000x128xf32, #tpu.memory_space<vmem_shared>> -> memref<10000x128xf32, #tpu.memory_space<vmem_shared>>
        tpu.wait_indirect_dma semaphore(%run_scoped3A_104 : memref<!tpu.dma_semaphore, #tpu.memory_space<semaphore_mem>>) src(%arg10 : memref<128x128xf32, #tpu.memory_space<vmem>>) dst(%dma_wait3A_116 : memref<10000x128xf32, #tpu.memory_space<vmem_shared>>)
        tpu.yield
      }) : () -> ()
    }
    %scan3A_57 = arith.constant 19 : i32
    %dma_wait3A_58 = arith.constant 0 : i32
    %dma_wait3A_59 = arith.constant 0 : i32
    %dma_wait3A_60 = tpu.memref_slice %arg2[%dma_wait3A_58, %dma_wait3A_59] : memref<10000x128xf32, #tpu.memory_space<hbm>> -> memref<128x128xf32, #tpu.memory_space<hbm>>
    %dma_wait3A_61 = arith.constant 0 : i32
    %dma_wait3A_62 = arith.constant 0 : i32
    %dma_wait3A_63 = tpu.memref_slice %arg2[%dma_wait3A_61, %dma_wait3A_62] : memref<10000x128xf32, #tpu.memory_space<hbm>> -> memref<128x128xf32, #tpu.memory_space<hbm>>
    tpu.wait_dma2 semaphore(%arg12 : memref<!tpu.dma_semaphore, #tpu.memory_space<semaphore_mem>>) src(%dma_wait3A_63 : memref<128x128xf32, #tpu.memory_space<hbm>>) dst(%arg9 : memref<128x128xf32, #tpu.memory_space<vmem>>)
    %run_scoped3A_64 = arith.constant 38 : i32
    "tpu.region"() ({
      %run_scoped3A_72 = tpu.sem_alloc : memref<!tpu.dma_semaphore, #tpu.memory_space<semaphore_mem>>
      %dma_start3A_73 = arith.constant 0 : i32
      %dma_start3A_74 = tpu.memref_slice %arg6[%run_scoped3A_64, %dma_start3A_73] : memref<39x128xi32, #tpu.memory_space<vmem>> -> memref<1x128xi32, #tpu.memory_space<vmem>>
      %dma_start3A_75 = tpu.memref_squeeze %dma_start3A_74 : memref<1x128xi32, #tpu.memory_space<vmem>> -> memref<128xi32, #tpu.memory_space<vmem>>
      %dma_start3A_76 = arith.constant 0 : i32
      %dma_start3A_77 = arith.constant 0 : i32
      %dma_start3A_78 = tpu.memref_slice %arg11[%dma_start3A_76, %dma_start3A_77] : memref<10000x128xf32, #tpu.memory_space<vmem_shared>> -> memref<10000x128xf32, #tpu.memory_space<vmem_shared>>
      tpu.enqueue_indirect_dma source(%arg9 : memref<128x128xf32, #tpu.memory_space<vmem>>) target(%dma_start3A_78 : memref<10000x128xf32, #tpu.memory_space<vmem_shared>>) offsets(%dma_start3A_75 : memref<128xi32, #tpu.memory_space<vmem>>) semaphore(%run_scoped3A_72 : memref<!tpu.dma_semaphore, #tpu.memory_space<semaphore_mem>>) {add = true}
      %dma_wait3A_79 = arith.constant 0 : i32
      %dma_wait3A_80 = tpu.memref_slice %arg6[%run_scoped3A_64, %dma_wait3A_79] : memref<39x128xi32, #tpu.memory_space<vmem>> -> memref<1x128xi32, #tpu.memory_space<vmem>>
      %dma_wait3A_81 = tpu.memref_squeeze %dma_wait3A_80 : memref<1x128xi32, #tpu.memory_space<vmem>> -> memref<128xi32, #tpu.memory_space<vmem>>
      %dma_wait3A_82 = arith.constant 0 : i32
      %dma_wait3A_83 = arith.constant 0 : i32
      %dma_wait3A_84 = tpu.memref_slice %arg11[%dma_wait3A_82, %dma_wait3A_83] : memref<10000x128xf32, #tpu.memory_space<vmem_shared>> -> memref<10000x128xf32, #tpu.memory_space<vmem_shared>>
      tpu.wait_indirect_dma semaphore(%run_scoped3A_72 : memref<!tpu.dma_semaphore, #tpu.memory_space<semaphore_mem>>) src(%arg9 : memref<128x128xf32, #tpu.memory_space<vmem>>) dst(%dma_wait3A_84 : memref<10000x128xf32, #tpu.memory_space<vmem_shared>>)
      tpu.yield
    }) : () -> ()
    %lt3A = arith.constant 4 : i32
    %lt3A_65 = arith.cmpi slt, %add3A, %lt3A : i32
    %convert_element_type3A = arith.extui %lt3A_65 : i1 to i32
    %cond3A = arith.constant 0 : i32
    %cond3A_66 = arith.cmpi ne, %convert_element_type3A, %cond3A : i32
    scf.if %cond3A_66 {
      %add3A_72 = arith.constant 2496 : i32
      %add3A_73 = arith.addi %add3A_72, %add3A : i32
      %run_scoped3A_74 = arith.constant 0 : i32
      "tpu.region"() ({
        %run_scoped3A_92 = tpu.sem_alloc : memref<!tpu.dma_semaphore, #tpu.memory_space<semaphore_mem>>
        %dma_start3A_93 = arith.constant 0 : i32
        %dma_start3A_94 = tpu.memref_slice %arg3[%run_scoped3A_74, %add3A_73, %dma_start3A_93] : memref<2x2500x128xi32, #tpu.memory_space<hbm>> -> memref<1x1x128xi32, #tpu.memory_space<hbm>>
        %dma_start3A_95 = tpu.memref_squeeze %dma_start3A_94 : memref<1x1x128xi32, #tpu.memory_space<hbm>> -> memref<1x128xi32, #tpu.memory_space<hbm>>
        %dma_start3A_96 = arith.constant 0 : i32
        %dma_start3A_97 = tpu.memref_slice %arg3[%run_scoped3A_74, %add3A_73, %dma_start3A_96] : memref<2x2500x128xi32, #tpu.memory_space<hbm>> -> memref<1x1x128xi32, #tpu.memory_space<hbm>>
        %dma_start3A_98 = tpu.memref_squeeze %dma_start3A_97 : memref<1x1x128xi32, #tpu.memory_space<hbm>> -> memref<1x128xi32, #tpu.memory_space<hbm>>
        tpu.enqueue_dma source(%dma_start3A_98 : memref<1x128xi32, #tpu.memory_space<hbm>>) target(%arg7 : memref<1x128xi32, #tpu.memory_space<vmem>>) target_semaphore(%run_scoped3A_92 : memref<!tpu.dma_semaphore, #tpu.memory_space<semaphore_mem>>)
        %dma_wait3A_99 = arith.constant 0 : i32
        %dma_wait3A_100 = tpu.memref_slice %arg3[%run_scoped3A_74, %add3A_73, %dma_wait3A_99] : memref<2x2500x128xi32, #tpu.memory_space<hbm>> -> memref<1x1x128xi32, #tpu.memory_space<hbm>>
        %dma_wait3A_101 = tpu.memref_squeeze %dma_wait3A_100 : memref<1x1x128xi32, #tpu.memory_space<hbm>> -> memref<1x128xi32, #tpu.memory_space<hbm>>
        %dma_wait3A_102 = arith.constant 0 : i32
        %dma_wait3A_103 = tpu.memref_slice %arg3[%run_scoped3A_74, %add3A_73, %dma_wait3A_102] : memref<2x2500x128xi32, #tpu.memory_space<hbm>> -> memref<1x1x128xi32, #tpu.memory_space<hbm>>
        %dma_wait3A_104 = tpu.memref_squeeze %dma_wait3A_103 : memref<1x1x128xi32, #tpu.memory_space<hbm>> -> memref<1x128xi32, #tpu.memory_space<hbm>>
        tpu.wait_dma2 semaphore(%run_scoped3A_92 : memref<!tpu.dma_semaphore, #tpu.memory_space<semaphore_mem>>) src(%dma_wait3A_104 : memref<1x128xi32, #tpu.memory_space<hbm>>) dst(%arg7 : memref<1x128xi32, #tpu.memory_space<vmem>>)
        tpu.yield
      }) : () -> ()
      %add3A_75 = arith.constant 2496 : i32
      %add3A_76 = arith.addi %add3A_75, %add3A : i32
      %run_scoped3A_77 = arith.constant 1 : i32
      "tpu.region"() ({
        %run_scoped3A_92 = tpu.sem_alloc : memref<!tpu.dma_semaphore, #tpu.memory_space<semaphore_mem>>
        %dma_start3A_93 = arith.constant 0 : i32
        %dma_start3A_94 = tpu.memref_slice %arg3[%run_scoped3A_77, %add3A_76, %dma_start3A_93] : memref<2x2500x128xi32, #tpu.memory_space<hbm>> -> memref<1x1x128xi32, #tpu.memory_space<hbm>>
        %dma_start3A_95 = tpu.memref_squeeze %dma_start3A_94 : memref<1x1x128xi32, #tpu.memory_space<hbm>> -> memref<1x128xi32, #tpu.memory_space<hbm>>
        %dma_start3A_96 = arith.constant 0 : i32
        %dma_start3A_97 = tpu.memref_slice %arg3[%run_scoped3A_77, %add3A_76, %dma_start3A_96] : memref<2x2500x128xi32, #tpu.memory_space<hbm>> -> memref<1x1x128xi32, #tpu.memory_space<hbm>>
        %dma_start3A_98 = tpu.memref_squeeze %dma_start3A_97 : memref<1x1x128xi32, #tpu.memory_space<hbm>> -> memref<1x128xi32, #tpu.memory_space<hbm>>
        tpu.enqueue_dma source(%dma_start3A_98 : memref<1x128xi32, #tpu.memory_space<hbm>>) target(%arg8 : memref<1x128xi32, #tpu.memory_space<vmem>>) target_semaphore(%run_scoped3A_92 : memref<!tpu.dma_semaphore, #tpu.memory_space<semaphore_mem>>)
        %dma_wait3A_99 = arith.constant 0 : i32
        %dma_wait3A_100 = tpu.memref_slice %arg3[%run_scoped3A_77, %add3A_76, %dma_wait3A_99] : memref<2x2500x128xi32, #tpu.memory_space<hbm>> -> memref<1x1x128xi32, #tpu.memory_space<hbm>>
        %dma_wait3A_101 = tpu.memref_squeeze %dma_wait3A_100 : memref<1x1x128xi32, #tpu.memory_space<hbm>> -> memref<1x128xi32, #tpu.memory_space<hbm>>
        %dma_wait3A_102 = arith.constant 0 : i32
        %dma_wait3A_103 = tpu.memref_slice %arg3[%run_scoped3A_77, %add3A_76, %dma_wait3A_102] : memref<2x2500x128xi32, #tpu.memory_space<hbm>> -> memref<1x1x128xi32, #tpu.memory_space<hbm>>
        %dma_wait3A_104 = tpu.memref_squeeze %dma_wait3A_103 : memref<1x1x128xi32, #tpu.memory_space<hbm>> -> memref<1x128xi32, #tpu.memory_space<hbm>>
        tpu.wait_dma2 semaphore(%run_scoped3A_92 : memref<!tpu.dma_semaphore, #tpu.memory_space<semaphore_mem>>) src(%dma_wait3A_104 : memref<1x128xi32, #tpu.memory_space<hbm>>) dst(%arg8 : memref<1x128xi32, #tpu.memory_space<vmem>>)
        tpu.yield
      }) : () -> ()
      %dma_start3A_78 = arith.constant 0 : i32
      %dma_start3A_79 = arith.constant 0 : i32
      %dma_start3A_80 = tpu.memref_slice %arg7[%dma_start3A_78, %dma_start3A_79] : memref<1x128xi32, #tpu.memory_space<vmem>> -> memref<1x128xi32, #tpu.memory_space<vmem>>
      %dma_start3A_81 = tpu.memref_squeeze %dma_start3A_80 : memref<1x128xi32, #tpu.memory_space<vmem>> -> memref<128xi32, #tpu.memory_space<vmem>>
      %dma_start3A_82 = arith.constant 0 : i32
      %dma_start3A_83 = arith.constant 0 : i32
      %dma_start3A_84 = tpu.memref_slice %arg2[%dma_start3A_82, %dma_start3A_83] : memref<10000x128xf32, #tpu.memory_space<hbm>> -> memref<10000x128xf32, #tpu.memory_space<hbm>>
      tpu.enqueue_indirect_dma source(%dma_start3A_84 : memref<10000x128xf32, #tpu.memory_space<hbm>>) target(%arg9 : memref<128x128xf32, #tpu.memory_space<vmem>>) offsets(%dma_start3A_81 : memref<128xi32, #tpu.memory_space<vmem>>) semaphore(%arg12 : memref<!tpu.dma_semaphore, #tpu.memory_space<semaphore_mem>>)
      %dma_wait3A_85 = arith.constant 0 : i32
      %dma_wait3A_86 = arith.constant 0 : i32
      %dma_wait3A_87 = tpu.memref_slice %arg2[%dma_wait3A_85, %dma_wait3A_86] : memref<10000x128xf32, #tpu.memory_space<hbm>> -> memref<128x128xf32, #tpu.memory_space<hbm>>
      %dma_wait3A_88 = arith.constant 0 : i32
      %dma_wait3A_89 = arith.constant 0 : i32
      %dma_wait3A_90 = tpu.memref_slice %arg2[%dma_wait3A_88, %dma_wait3A_89] : memref<10000x128xf32, #tpu.memory_space<hbm>> -> memref<128x128xf32, #tpu.memory_space<hbm>>
      tpu.wait_dma2 semaphore(%arg12 : memref<!tpu.dma_semaphore, #tpu.memory_space<semaphore_mem>>) src(%dma_wait3A_90 : memref<128x128xf32, #tpu.memory_space<hbm>>) dst(%arg9 : memref<128x128xf32, #tpu.memory_space<vmem>>)
      %run_scoped3A_91 = arith.constant 0 : i32
      "tpu.region"() ({
        %run_scoped3A_92 = tpu.sem_alloc : memref<!tpu.dma_semaphore, #tpu.memory_space<semaphore_mem>>
        %dma_start3A_93 = arith.constant 0 : i32
        %dma_start3A_94 = tpu.memref_slice %arg8[%run_scoped3A_91, %dma_start3A_93] : memref<1x128xi32, #tpu.memory_space<vmem>> -> memref<1x128xi32, #tpu.memory_space<vmem>>
        %dma_start3A_95 = tpu.memref_squeeze %dma_start3A_94 : memref<1x128xi32, #tpu.memory_space<vmem>> -> memref<128xi32, #tpu.memory_space<vmem>>
        %dma_start3A_96 = arith.constant 0 : i32
        %dma_start3A_97 = arith.constant 0 : i32
        %dma_start3A_98 = tpu.memref_slice %arg11[%dma_start3A_96, %dma_start3A_97] : memref<10000x128xf32, #tpu.memory_space<vmem_shared>> -> memref<10000x128xf32, #tpu.memory_space<vmem_shared>>
        tpu.enqueue_indirect_dma source(%arg9 : memref<128x128xf32, #tpu.memory_space<vmem>>) target(%dma_start3A_98 : memref<10000x128xf32, #tpu.memory_space<vmem_shared>>) offsets(%dma_start3A_95 : memref<128xi32, #tpu.memory_space<vmem>>) semaphore(%run_scoped3A_92 : memref<!tpu.dma_semaphore, #tpu.memory_space<semaphore_mem>>) {add = true}
        %dma_wait3A_99 = arith.constant 0 : i32
        %dma_wait3A_100 = tpu.memref_slice %arg8[%run_scoped3A_91, %dma_wait3A_99] : memref<1x128xi32, #tpu.memory_space<vmem>> -> memref<1x128xi32, #tpu.memory_space<vmem>>
        %dma_wait3A_101 = tpu.memref_squeeze %dma_wait3A_100 : memref<1x128xi32, #tpu.memory_space<vmem>> -> memref<128xi32, #tpu.memory_space<vmem>>
        %dma_wait3A_102 = arith.constant 0 : i32
        %dma_wait3A_103 = arith.constant 0 : i32
        %dma_wait3A_104 = tpu.memref_slice %arg11[%dma_wait3A_102, %dma_wait3A_103] : memref<10000x128xf32, #tpu.memory_space<vmem_shared>> -> memref<10000x128xf32, #tpu.memory_space<vmem_shared>>
        tpu.wait_indirect_dma semaphore(%run_scoped3A_92 : memref<!tpu.dma_semaphore, #tpu.memory_space<semaphore_mem>>) src(%arg9 : memref<128x128xf32, #tpu.memory_space<vmem>>) dst(%dma_wait3A_104 : memref<10000x128xf32, #tpu.memory_space<vmem_shared>>)
        tpu.yield
      }) : () -> ()
    } else {
    }
    %barrier3A_67 = arith.constant 0 : index
    tpu.barrier barrier_id(%barrier3A_67)
    %mul3A_68 = arith.constant 625 : i32
    %mul3A_69 = arith.muli %arg1, %mul3A_68 : i32
    %mul3A_70 = arith.constant 625 : i32
    %mul3A_71 = arith.muli %arg1, %mul3A_70 : i32
    "tpu.region"() ({
      %run_scoped3A_72 = tpu.sem_alloc : memref<!tpu.dma_semaphore, #tpu.memory_space<semaphore_mem>>
      %dma_start3A_73 = arith.constant 0 : i32
      %dma_start3A_74 = tpu.memref_slice %arg4[%arg0, %mul3A_71, %dma_start3A_73] : memref<2x10000x128xf32, #tpu.memory_space<hbm>> -> memref<1x625x128xf32, #tpu.memory_space<hbm>>
      %dma_start3A_75 = tpu.memref_squeeze %dma_start3A_74 : memref<1x625x128xf32, #tpu.memory_space<hbm>> -> memref<625x128xf32, #tpu.memory_space<hbm>>
      %dma_start3A_76 = arith.constant 0 : i32
      %dma_start3A_77 = tpu.memref_slice %arg11[%mul3A_69, %dma_start3A_76] : memref<10000x128xf32, #tpu.memory_space<vmem_shared>> -> memref<625x128xf32, #tpu.memory_space<vmem_shared>>
      tpu.enqueue_dma source(%dma_start3A_77 : memref<625x128xf32, #tpu.memory_space<vmem_shared>>) target(%dma_start3A_75 : memref<625x128xf32, #tpu.memory_space<hbm>>) target_semaphore(%run_scoped3A_72 : memref<!tpu.dma_semaphore, #tpu.memory_space<semaphore_mem>>)
      %dma_wait3A_78 = arith.constant 0 : i32
      %dma_wait3A_79 = tpu.memref_slice %arg4[%arg0, %mul3A_71, %dma_wait3A_78] : memref<2x10000x128xf32, #tpu.memory_space<hbm>> -> memref<1x625x128xf32, #tpu.memory_space<hbm>>
      %dma_wait3A_80 = tpu.memref_squeeze %dma_wait3A_79 : memref<1x625x128xf32, #tpu.memory_space<hbm>> -> memref<625x128xf32, #tpu.memory_space<hbm>>
      %dma_wait3A_81 = arith.constant 0 : i32
      %dma_wait3A_82 = tpu.memref_slice %arg11[%mul3A_69, %dma_wait3A_81] : memref<10000x128xf32, #tpu.memory_space<vmem_shared>> -> memref<625x128xf32, #tpu.memory_space<vmem_shared>>
      tpu.wait_dma2 semaphore(%run_scoped3A_72 : memref<!tpu.dma_semaphore, #tpu.memory_space<semaphore_mem>>) src(%dma_wait3A_82 : memref<625x128xf32, #tpu.memory_space<vmem_shared>>) dst(%dma_wait3A_80 : memref<625x128xf32, #tpu.memory_space<hbm>>)
      tpu.yield
    }) : () -> ()
    return
  }
}

#map = affine_map<(d0, d1) -> (0, 0)>
#map1 = affine_map<(d0, d1) -> (0, 0, 0)>
module attributes {stable_mosaic.version = 14 : i64} {
  func.func @agg_kernel(%arg0: i32, %arg1: i32, %arg2: memref<10000x40xf32, #tpu.memory_space<hbm>>, %arg3: memref<2x2500x128xi32, #tpu.memory_space<hbm>>, %arg4: memref<2x10000x128xf32, #tpu.memory_space<hbm>>, %arg5: memref<39x128xi32, #tpu.memory_space<vmem>>, %arg6: memref<39x128xi32, #tpu.memory_space<vmem>>, %arg7: memref<1x128xi32, #tpu.memory_space<vmem>>, %arg8: memref<1x128xi32, #tpu.memory_space<vmem>>, %arg9: memref<128x40xf32, #tpu.memory_space<vmem>>, %arg10: memref<128x40xf32, #tpu.memory_space<vmem>>, %arg11: memref<128x40xf32, #tpu.memory_space<vmem>>, %arg12: memref<128x40xf32, #tpu.memory_space<vmem>>, %arg13: memref<10000x40xf32, #tpu.memory_space<vmem_shared>>, %arg14: memref<!tpu.dma_semaphore, #tpu.memory_space<semaphore_mem>>, %arg15: memref<!tpu.dma_semaphore, #tpu.memory_space<semaphore_mem>>, %arg16: memref<!tpu.dma_semaphore, #tpu.memory_space<semaphore_mem>>, %arg17: memref<!tpu.dma_semaphore, #tpu.memory_space<semaphore_mem>>) attributes {dimension_semantics = [#tpu.dimension_semantics<core_parallel>, #tpu.dimension_semantics<subcore_parallel>], iteration_bounds = array<i64: 2, 16>, scalar_prefetch = 0 : i64, scratch_operands = 13 : i64, tpu.core_type = #tpu.core_type<sc_vector_subcore>, window_params = [{transform_indices = #map}, {transform_indices = #map1}, {transform_indices = #map1}]} {
    %mul3A = arith.constant 16 : i32
    %mul3A_0 = arith.muli %arg0, %mul3A : i32
    %add3A = arith.addi %mul3A_0, %arg1 : i32
    %broadcast_in_dim3A = arith.constant 0.000000e+00 : f32
    %broadcast_in_dim3A_1 = vector.broadcast %broadcast_in_dim3A : f32 to vector<16xf32>
    %scan3A = arith.constant 0 : i32
    %scan3A_2 = arith.constant 128 : i32
    %scan3A_3 = arith.addi %scan3A, %scan3A_2 : i32
    %scan3A_4 = arith.constant 1 : i32
    scf.for %scan3A_142 = %scan3A to %scan3A_3 step %scan3A_4  : i32 {
      %swap3A = arith.index_cast %scan3A_142 : i32 to index
      %swap3A_143 = arith.constant 0 : index
      %swap3A_144 = tpu.vector_load %arg9[%swap3A, %swap3A_143] {strides = array<i32>} : memref<128x40xf32, #tpu.memory_space<vmem>>, vector<1x16xf32>,
      %swap3A_145 = vector.shape_cast %swap3A_144 : vector<1x16xf32> to vector<16xf32>
      %swap3A_146 = vector.shape_cast %broadcast_in_dim3A_1 : vector<16xf32> to vector<1x16xf32>
      tpu.vector_store %arg9[%swap3A, %swap3A_143], %swap3A_146 {strides = array<i32>} : memref<128x40xf32, #tpu.memory_space<vmem>>, vector<1x16xf32>,
      %swap3A_147 = arith.index_cast %scan3A_142 : i32 to index
      %swap3A_148 = arith.constant 16 : index
      %swap3A_149 = tpu.vector_load %arg9[%swap3A_147, %swap3A_148] {strides = array<i32>} : memref<128x40xf32, #tpu.memory_space<vmem>>, vector<1x16xf32>,
      %swap3A_150 = vector.shape_cast %swap3A_149 : vector<1x16xf32> to vector<16xf32>
      %swap3A_151 = vector.shape_cast %broadcast_in_dim3A_1 : vector<16xf32> to vector<1x16xf32>
      tpu.vector_store %arg9[%swap3A_147, %swap3A_148], %swap3A_151 {strides = array<i32>} : memref<128x40xf32, #tpu.memory_space<vmem>>, vector<1x16xf32>,
      %swap3A_152 = arith.index_cast %scan3A_142 : i32 to index
      %swap3A_153 = arith.constant 24 : index
      %swap3A_154 = tpu.vector_load %arg9[%swap3A_152, %swap3A_153] {strides = array<i32>} : memref<128x40xf32, #tpu.memory_space<vmem>>, vector<1x16xf32>,
      %swap3A_155 = vector.shape_cast %swap3A_154 : vector<1x16xf32> to vector<16xf32>
      %swap3A_156 = vector.shape_cast %broadcast_in_dim3A_1 : vector<16xf32> to vector<1x16xf32>
      tpu.vector_store %arg9[%swap3A_152, %swap3A_153], %swap3A_156 {strides = array<i32>} : memref<128x40xf32, #tpu.memory_space<vmem>>, vector<1x16xf32>,
    }
    %scan3A_5 = arith.constant 128 : i32
    %mul3A_6 = arith.constant 625 : i32
    %mul3A_7 = arith.muli %arg1, %mul3A_6 : i32
    %add3A_8 = arith.constant 0 : i32
    %add3A_9 = arith.addi %mul3A_7, %add3A_8 : i32
    "tpu.region"() ({
      %run_scoped3A_142 = tpu.sem_alloc : memref<!tpu.dma_semaphore, #tpu.memory_space<semaphore_mem>>
      %dma_start3A_143 = arith.constant 0 : i32
      %dma_start3A_144 = tpu.memref_slice %arg13[%add3A_9, %dma_start3A_143] : memref<10000x40xf32, #tpu.memory_space<vmem_shared>> -> memref<128x40xf32, #tpu.memory_space<vmem_shared>>
      %dma_start3A_145 = arith.constant 0 : i32
      %dma_start3A_146 = tpu.memref_slice %arg13[%add3A_9, %dma_start3A_145] : memref<10000x40xf32, #tpu.memory_space<vmem_shared>> -> memref<128x40xf32, #tpu.memory_space<vmem_shared>>
      tpu.enqueue_dma source(%arg9 : memref<128x40xf32, #tpu.memory_space<vmem>>) target(%dma_start3A_146 : memref<128x40xf32, #tpu.memory_space<vmem_shared>>) target_semaphore(%run_scoped3A_142 : memref<!tpu.dma_semaphore, #tpu.memory_space<semaphore_mem>>)
      %dma_wait3A_147 = arith.constant 0 : i32
      %dma_wait3A_148 = tpu.memref_slice %arg13[%add3A_9, %dma_wait3A_147] : memref<10000x40xf32, #tpu.memory_space<vmem_shared>> -> memref<128x40xf32, #tpu.memory_space<vmem_shared>>
      %dma_wait3A_149 = arith.constant 0 : i32
      %dma_wait3A_150 = tpu.memref_slice %arg13[%add3A_9, %dma_wait3A_149] : memref<10000x40xf32, #tpu.memory_space<vmem_shared>> -> memref<128x40xf32, #tpu.memory_space<vmem_shared>>
      tpu.wait_dma2 semaphore(%run_scoped3A_142 : memref<!tpu.dma_semaphore, #tpu.memory_space<semaphore_mem>>) src(%arg9 : memref<128x40xf32, #tpu.memory_space<vmem>>) dst(%dma_wait3A_150 : memref<128x40xf32, #tpu.memory_space<vmem_shared>>)
      tpu.yield
    }) : () -> ()
    %add3A_10 = arith.constant 128 : i32
    %add3A_11 = arith.addi %mul3A_7, %add3A_10 : i32
    "tpu.region"() ({
      %run_scoped3A_142 = tpu.sem_alloc : memref<!tpu.dma_semaphore, #tpu.memory_space<semaphore_mem>>
      %dma_start3A_143 = arith.constant 0 : i32
      %dma_start3A_144 = tpu.memref_slice %arg13[%add3A_11, %dma_start3A_143] : memref<10000x40xf32, #tpu.memory_space<vmem_shared>> -> memref<128x40xf32, #tpu.memory_space<vmem_shared>>
      %dma_start3A_145 = arith.constant 0 : i32
      %dma_start3A_146 = tpu.memref_slice %arg13[%add3A_11, %dma_start3A_145] : memref<10000x40xf32, #tpu.memory_space<vmem_shared>> -> memref<128x40xf32, #tpu.memory_space<vmem_shared>>
      tpu.enqueue_dma source(%arg9 : memref<128x40xf32, #tpu.memory_space<vmem>>) target(%dma_start3A_146 : memref<128x40xf32, #tpu.memory_space<vmem_shared>>) target_semaphore(%run_scoped3A_142 : memref<!tpu.dma_semaphore, #tpu.memory_space<semaphore_mem>>)
      %dma_wait3A_147 = arith.constant 0 : i32
      %dma_wait3A_148 = tpu.memref_slice %arg13[%add3A_11, %dma_wait3A_147] : memref<10000x40xf32, #tpu.memory_space<vmem_shared>> -> memref<128x40xf32, #tpu.memory_space<vmem_shared>>
      %dma_wait3A_149 = arith.constant 0 : i32
      %dma_wait3A_150 = tpu.memref_slice %arg13[%add3A_11, %dma_wait3A_149] : memref<10000x40xf32, #tpu.memory_space<vmem_shared>> -> memref<128x40xf32, #tpu.memory_space<vmem_shared>>
      tpu.wait_dma2 semaphore(%run_scoped3A_142 : memref<!tpu.dma_semaphore, #tpu.memory_space<semaphore_mem>>) src(%arg9 : memref<128x40xf32, #tpu.memory_space<vmem>>) dst(%dma_wait3A_150 : memref<128x40xf32, #tpu.memory_space<vmem_shared>>)
      tpu.yield
    }) : () -> ()
    %add3A_12 = arith.constant 256 : i32
    %add3A_13 = arith.addi %mul3A_7, %add3A_12 : i32
    "tpu.region"() ({
      %run_scoped3A_142 = tpu.sem_alloc : memref<!tpu.dma_semaphore, #tpu.memory_space<semaphore_mem>>
      %dma_start3A_143 = arith.constant 0 : i32
      %dma_start3A_144 = tpu.memref_slice %arg13[%add3A_13, %dma_start3A_143] : memref<10000x40xf32, #tpu.memory_space<vmem_shared>> -> memref<128x40xf32, #tpu.memory_space<vmem_shared>>
      %dma_start3A_145 = arith.constant 0 : i32
      %dma_start3A_146 = tpu.memref_slice %arg13[%add3A_13, %dma_start3A_145] : memref<10000x40xf32, #tpu.memory_space<vmem_shared>> -> memref<128x40xf32, #tpu.memory_space<vmem_shared>>
      tpu.enqueue_dma source(%arg9 : memref<128x40xf32, #tpu.memory_space<vmem>>) target(%dma_start3A_146 : memref<128x40xf32, #tpu.memory_space<vmem_shared>>) target_semaphore(%run_scoped3A_142 : memref<!tpu.dma_semaphore, #tpu.memory_space<semaphore_mem>>)
      %dma_wait3A_147 = arith.constant 0 : i32
      %dma_wait3A_148 = tpu.memref_slice %arg13[%add3A_13, %dma_wait3A_147] : memref<10000x40xf32, #tpu.memory_space<vmem_shared>> -> memref<128x40xf32, #tpu.memory_space<vmem_shared>>
      %dma_wait3A_149 = arith.constant 0 : i32
      %dma_wait3A_150 = tpu.memref_slice %arg13[%add3A_13, %dma_wait3A_149] : memref<10000x40xf32, #tpu.memory_space<vmem_shared>> -> memref<128x40xf32, #tpu.memory_space<vmem_shared>>
      tpu.wait_dma2 semaphore(%run_scoped3A_142 : memref<!tpu.dma_semaphore, #tpu.memory_space<semaphore_mem>>) src(%arg9 : memref<128x40xf32, #tpu.memory_space<vmem>>) dst(%dma_wait3A_150 : memref<128x40xf32, #tpu.memory_space<vmem_shared>>)
      tpu.yield
    }) : () -> ()
    %add3A_14 = arith.constant 384 : i32
    %add3A_15 = arith.addi %mul3A_7, %add3A_14 : i32
    "tpu.region"() ({
      %run_scoped3A_142 = tpu.sem_alloc : memref<!tpu.dma_semaphore, #tpu.memory_space<semaphore_mem>>
      %dma_start3A_143 = arith.constant 0 : i32
      %dma_start3A_144 = tpu.memref_slice %arg13[%add3A_15, %dma_start3A_143] : memref<10000x40xf32, #tpu.memory_space<vmem_shared>> -> memref<128x40xf32, #tpu.memory_space<vmem_shared>>
      %dma_start3A_145 = arith.constant 0 : i32
      %dma_start3A_146 = tpu.memref_slice %arg13[%add3A_15, %dma_start3A_145] : memref<10000x40xf32, #tpu.memory_space<vmem_shared>> -> memref<128x40xf32, #tpu.memory_space<vmem_shared>>
      tpu.enqueue_dma source(%arg9 : memref<128x40xf32, #tpu.memory_space<vmem>>) target(%dma_start3A_146 : memref<128x40xf32, #tpu.memory_space<vmem_shared>>) target_semaphore(%run_scoped3A_142 : memref<!tpu.dma_semaphore, #tpu.memory_space<semaphore_mem>>)
      %dma_wait3A_147 = arith.constant 0 : i32
      %dma_wait3A_148 = tpu.memref_slice %arg13[%add3A_15, %dma_wait3A_147] : memref<10000x40xf32, #tpu.memory_space<vmem_shared>> -> memref<128x40xf32, #tpu.memory_space<vmem_shared>>
      %dma_wait3A_149 = arith.constant 0 : i32
      %dma_wait3A_150 = tpu.memref_slice %arg13[%add3A_15, %dma_wait3A_149] : memref<10000x40xf32, #tpu.memory_space<vmem_shared>> -> memref<128x40xf32, #tpu.memory_space<vmem_shared>>
      tpu.wait_dma2 semaphore(%run_scoped3A_142 : memref<!tpu.dma_semaphore, #tpu.memory_space<semaphore_mem>>) src(%arg9 : memref<128x40xf32, #tpu.memory_space<vmem>>) dst(%dma_wait3A_150 : memref<128x40xf32, #tpu.memory_space<vmem_shared>>)
      tpu.yield
    }) : () -> ()
    %add3A_16 = arith.constant 512 : i32
    %add3A_17 = arith.addi %mul3A_7, %add3A_16 : i32
    "tpu.region"() ({
      %run_scoped3A_142 = tpu.sem_alloc : memref<!tpu.dma_semaphore, #tpu.memory_space<semaphore_mem>>
      %dma_start3A_143 = arith.constant 0 : i32
      %dma_start3A_144 = arith.constant 0 : i32
      %dma_start3A_145 = tpu.memref_slice %arg9[%dma_start3A_143, %dma_start3A_144] : memref<128x40xf32, #tpu.memory_space<vmem>> -> memref<113x40xf32, #tpu.memory_space<vmem>>
      %dma_start3A_146 = arith.constant 0 : i32
      %dma_start3A_147 = tpu.memref_slice %arg13[%add3A_17, %dma_start3A_146] : memref<10000x40xf32, #tpu.memory_space<vmem_shared>> -> memref<113x40xf32, #tpu.memory_space<vmem_shared>>
      %dma_start3A_148 = arith.constant 0 : i32
      %dma_start3A_149 = tpu.memref_slice %arg13[%add3A_17, %dma_start3A_148] : memref<10000x40xf32, #tpu.memory_space<vmem_shared>> -> memref<113x40xf32, #tpu.memory_space<vmem_shared>>
      %dma_start3A_150 = arith.constant 0 : i32
      %dma_start3A_151 = arith.constant 0 : i32
      %dma_start3A_152 = tpu.memref_slice %arg9[%dma_start3A_150, %dma_start3A_151] : memref<128x40xf32, #tpu.memory_space<vmem>> -> memref<113x40xf32, #tpu.memory_space<vmem>>
      tpu.enqueue_dma source(%dma_start3A_152 : memref<113x40xf32, #tpu.memory_space<vmem>>) target(%dma_start3A_149 : memref<113x40xf32, #tpu.memory_space<vmem_shared>>) target_semaphore(%run_scoped3A_142 : memref<!tpu.dma_semaphore, #tpu.memory_space<semaphore_mem>>)
      %dma_wait3A_153 = arith.constant 0 : i32
      %dma_wait3A_154 = arith.constant 0 : i32
      %dma_wait3A_155 = tpu.memref_slice %arg9[%dma_wait3A_153, %dma_wait3A_154] : memref<128x40xf32, #tpu.memory_space<vmem>> -> memref<113x40xf32, #tpu.memory_space<vmem>>
      %dma_wait3A_156 = arith.constant 0 : i32
      %dma_wait3A_157 = tpu.memref_slice %arg13[%add3A_17, %dma_wait3A_156] : memref<10000x40xf32, #tpu.memory_space<vmem_shared>> -> memref<113x40xf32, #tpu.memory_space<vmem_shared>>
      %dma_wait3A_158 = arith.constant 0 : i32
      %dma_wait3A_159 = tpu.memref_slice %arg13[%add3A_17, %dma_wait3A_158] : memref<10000x40xf32, #tpu.memory_space<vmem_shared>> -> memref<113x40xf32, #tpu.memory_space<vmem_shared>>
      %dma_wait3A_160 = arith.constant 0 : i32
      %dma_wait3A_161 = arith.constant 0 : i32
      %dma_wait3A_162 = tpu.memref_slice %arg9[%dma_wait3A_160, %dma_wait3A_161] : memref<128x40xf32, #tpu.memory_space<vmem>> -> memref<113x40xf32, #tpu.memory_space<vmem>>
      tpu.wait_dma2 semaphore(%run_scoped3A_142 : memref<!tpu.dma_semaphore, #tpu.memory_space<semaphore_mem>>) src(%dma_wait3A_162 : memref<113x40xf32, #tpu.memory_space<vmem>>) dst(%dma_wait3A_159 : memref<113x40xf32, #tpu.memory_space<vmem_shared>>)
      tpu.yield
    }) : () -> ()
    %barrier3A = arith.constant 0 : index
    tpu.barrier barrier_id(%barrier3A)
    %mul3A_18 = arith.constant 78 : i32
    %mul3A_19 = arith.muli %add3A, %mul3A_18 : i32
    %add3A_20 = arith.constant 0 : i32
    %add3A_21 = arith.addi %mul3A_19, %add3A_20 : i32
    %run_scoped3A = arith.constant 0 : i32
    "tpu.region"() ({
      %run_scoped3A_142 = tpu.sem_alloc : memref<!tpu.dma_semaphore, #tpu.memory_space<semaphore_mem>>
      %dma_start3A_143 = arith.constant 0 : i32
      %dma_start3A_144 = tpu.memref_slice %arg3[%run_scoped3A, %add3A_21, %dma_start3A_143] : memref<2x2500x128xi32, #tpu.memory_space<hbm>> -> memref<1x39x128xi32, #tpu.memory_space<hbm>>
      %dma_start3A_145 = tpu.memref_squeeze %dma_start3A_144 : memref<1x39x128xi32, #tpu.memory_space<hbm>> -> memref<39x128xi32, #tpu.memory_space<hbm>>
      %dma_start3A_146 = arith.constant 0 : i32
      %dma_start3A_147 = tpu.memref_slice %arg3[%run_scoped3A, %add3A_21, %dma_start3A_146] : memref<2x2500x128xi32, #tpu.memory_space<hbm>> -> memref<1x39x128xi32, #tpu.memory_space<hbm>>
      %dma_start3A_148 = tpu.memref_squeeze %dma_start3A_147 : memref<1x39x128xi32, #tpu.memory_space<hbm>> -> memref<39x128xi32, #tpu.memory_space<hbm>>
      tpu.enqueue_dma source(%dma_start3A_148 : memref<39x128xi32, #tpu.memory_space<hbm>>) target(%arg5 : memref<39x128xi32, #tpu.memory_space<vmem>>) target_semaphore(%run_scoped3A_142 : memref<!tpu.dma_semaphore, #tpu.memory_space<semaphore_mem>>)
      %dma_wait3A_149 = arith.constant 0 : i32
      %dma_wait3A_150 = tpu.memref_slice %arg3[%run_scoped3A, %add3A_21, %dma_wait3A_149] : memref<2x2500x128xi32, #tpu.memory_space<hbm>> -> memref<1x39x128xi32, #tpu.memory_space<hbm>>
      %dma_wait3A_151 = tpu.memref_squeeze %dma_wait3A_150 : memref<1x39x128xi32, #tpu.memory_space<hbm>> -> memref<39x128xi32, #tpu.memory_space<hbm>>
      %dma_wait3A_152 = arith.constant 0 : i32
      %dma_wait3A_153 = tpu.memref_slice %arg3[%run_scoped3A, %add3A_21, %dma_wait3A_152] : memref<2x2500x128xi32, #tpu.memory_space<hbm>> -> memref<1x39x128xi32, #tpu.memory_space<hbm>>
      %dma_wait3A_154 = tpu.memref_squeeze %dma_wait3A_153 : memref<1x39x128xi32, #tpu.memory_space<hbm>> -> memref<39x128xi32, #tpu.memory_space<hbm>>
      tpu.wait_dma2 semaphore(%run_scoped3A_142 : memref<!tpu.dma_semaphore, #tpu.memory_space<semaphore_mem>>) src(%dma_wait3A_154 : memref<39x128xi32, #tpu.memory_space<hbm>>) dst(%arg5 : memref<39x128xi32, #tpu.memory_space<vmem>>)
      tpu.yield
    }) : () -> ()
    %run_scoped3A_22 = arith.constant 1 : i32
    "tpu.region"() ({
      %run_scoped3A_142 = tpu.sem_alloc : memref<!tpu.dma_semaphore, #tpu.memory_space<semaphore_mem>>
      %dma_start3A_143 = arith.constant 0 : i32
      %dma_start3A_144 = tpu.memref_slice %arg3[%run_scoped3A_22, %add3A_21, %dma_start3A_143] : memref<2x2500x128xi32, #tpu.memory_space<hbm>> -> memref<1x39x128xi32, #tpu.memory_space<hbm>>
      %dma_start3A_145 = tpu.memref_squeeze %dma_start3A_144 : memref<1x39x128xi32, #tpu.memory_space<hbm>> -> memref<39x128xi32, #tpu.memory_space<hbm>>
      %dma_start3A_146 = arith.constant 0 : i32
      %dma_start3A_147 = tpu.memref_slice %arg3[%run_scoped3A_22, %add3A_21, %dma_start3A_146] : memref<2x2500x128xi32, #tpu.memory_space<hbm>> -> memref<1x39x128xi32, #tpu.memory_space<hbm>>
      %dma_start3A_148 = tpu.memref_squeeze %dma_start3A_147 : memref<1x39x128xi32, #tpu.memory_space<hbm>> -> memref<39x128xi32, #tpu.memory_space<hbm>>
      tpu.enqueue_dma source(%dma_start3A_148 : memref<39x128xi32, #tpu.memory_space<hbm>>) target(%arg6 : memref<39x128xi32, #tpu.memory_space<vmem>>) target_semaphore(%run_scoped3A_142 : memref<!tpu.dma_semaphore, #tpu.memory_space<semaphore_mem>>)
      %dma_wait3A_149 = arith.constant 0 : i32
      %dma_wait3A_150 = tpu.memref_slice %arg3[%run_scoped3A_22, %add3A_21, %dma_wait3A_149] : memref<2x2500x128xi32, #tpu.memory_space<hbm>> -> memref<1x39x128xi32, #tpu.memory_space<hbm>>
      %dma_wait3A_151 = tpu.memref_squeeze %dma_wait3A_150 : memref<1x39x128xi32, #tpu.memory_space<hbm>> -> memref<39x128xi32, #tpu.memory_space<hbm>>
      %dma_wait3A_152 = arith.constant 0 : i32
      %dma_wait3A_153 = tpu.memref_slice %arg3[%run_scoped3A_22, %add3A_21, %dma_wait3A_152] : memref<2x2500x128xi32, #tpu.memory_space<hbm>> -> memref<1x39x128xi32, #tpu.memory_space<hbm>>
      %dma_wait3A_154 = tpu.memref_squeeze %dma_wait3A_153 : memref<1x39x128xi32, #tpu.memory_space<hbm>> -> memref<39x128xi32, #tpu.memory_space<hbm>>
      tpu.wait_dma2 semaphore(%run_scoped3A_142 : memref<!tpu.dma_semaphore, #tpu.memory_space<semaphore_mem>>) src(%dma_wait3A_154 : memref<39x128xi32, #tpu.memory_space<hbm>>) dst(%arg6 : memref<39x128xi32, #tpu.memory_space<vmem>>)
      tpu.yield
    }) : () -> ()
    %dma_start3A = arith.constant 0 : i32
    %dma_start3A_23 = arith.constant 0 : i32
    %dma_start3A_24 = tpu.memref_slice %arg5[%dma_start3A, %dma_start3A_23] : memref<39x128xi32, #tpu.memory_space<vmem>> -> memref<1x128xi32, #tpu.memory_space<vmem>>
    %dma_start3A_25 = tpu.memref_squeeze %dma_start3A_24 : memref<1x128xi32, #tpu.memory_space<vmem>> -> memref<128xi32, #tpu.memory_space<vmem>>
    %dma_start3A_26 = arith.constant 0 : i32
    %dma_start3A_27 = arith.constant 0 : i32
    %dma_start3A_28 = tpu.memref_slice %arg2[%dma_start3A_26, %dma_start3A_27] : memref<10000x40xf32, #tpu.memory_space<hbm>> -> memref<10000x40xf32, #tpu.memory_space<hbm>>
    tpu.enqueue_indirect_dma source(%dma_start3A_28 : memref<10000x40xf32, #tpu.memory_space<hbm>>) target(%arg9 : memref<128x40xf32, #tpu.memory_space<vmem>>) offsets(%dma_start3A_25 : memref<128xi32, #tpu.memory_space<vmem>>) semaphore(%arg14 : memref<!tpu.dma_semaphore, #tpu.memory_space<semaphore_mem>>)
    %dma_start3A_29 = arith.constant 1 : i32
    %dma_start3A_30 = arith.constant 0 : i32
    %dma_start3A_31 = tpu.memref_slice %arg5[%dma_start3A_29, %dma_start3A_30] : memref<39x128xi32, #tpu.memory_space<vmem>> -> memref<1x128xi32, #tpu.memory_space<vmem>>
    %dma_start3A_32 = tpu.memref_squeeze %dma_start3A_31 : memref<1x128xi32, #tpu.memory_space<vmem>> -> memref<128xi32, #tpu.memory_space<vmem>>
    %dma_start3A_33 = arith.constant 0 : i32
    %dma_start3A_34 = arith.constant 0 : i32
    %dma_start3A_35 = tpu.memref_slice %arg2[%dma_start3A_33, %dma_start3A_34] : memref<10000x40xf32, #tpu.memory_space<hbm>> -> memref<10000x40xf32, #tpu.memory_space<hbm>>
    tpu.enqueue_indirect_dma source(%dma_start3A_35 : memref<10000x40xf32, #tpu.memory_space<hbm>>) target(%arg10 : memref<128x40xf32, #tpu.memory_space<vmem>>) offsets(%dma_start3A_32 : memref<128xi32, #tpu.memory_space<vmem>>) semaphore(%arg14 : memref<!tpu.dma_semaphore, #tpu.memory_space<semaphore_mem>>)
    %dma_start3A_36 = arith.constant 2 : i32
    %dma_start3A_37 = arith.constant 0 : i32
    %dma_start3A_38 = tpu.memref_slice %arg5[%dma_start3A_36, %dma_start3A_37] : memref<39x128xi32, #tpu.memory_space<vmem>> -> memref<1x128xi32, #tpu.memory_space<vmem>>
    %dma_start3A_39 = tpu.memref_squeeze %dma_start3A_38 : memref<1x128xi32, #tpu.memory_space<vmem>> -> memref<128xi32, #tpu.memory_space<vmem>>
    %dma_start3A_40 = arith.constant 0 : i32
    %dma_start3A_41 = arith.constant 0 : i32
    %dma_start3A_42 = tpu.memref_slice %arg2[%dma_start3A_40, %dma_start3A_41] : memref<10000x40xf32, #tpu.memory_space<hbm>> -> memref<10000x40xf32, #tpu.memory_space<hbm>>
    tpu.enqueue_indirect_dma source(%dma_start3A_42 : memref<10000x40xf32, #tpu.memory_space<hbm>>) target(%arg11 : memref<128x40xf32, #tpu.memory_space<vmem>>) offsets(%dma_start3A_39 : memref<128xi32, #tpu.memory_space<vmem>>) semaphore(%arg15 : memref<!tpu.dma_semaphore, #tpu.memory_space<semaphore_mem>>)
    %dma_start3A_43 = arith.constant 3 : i32
    %dma_start3A_44 = arith.constant 0 : i32
    %dma_start3A_45 = tpu.memref_slice %arg5[%dma_start3A_43, %dma_start3A_44] : memref<39x128xi32, #tpu.memory_space<vmem>> -> memref<1x128xi32, #tpu.memory_space<vmem>>
    %dma_start3A_46 = tpu.memref_squeeze %dma_start3A_45 : memref<1x128xi32, #tpu.memory_space<vmem>> -> memref<128xi32, #tpu.memory_space<vmem>>
    %dma_start3A_47 = arith.constant 0 : i32
    %dma_start3A_48 = arith.constant 0 : i32
    %dma_start3A_49 = tpu.memref_slice %arg2[%dma_start3A_47, %dma_start3A_48] : memref<10000x40xf32, #tpu.memory_space<hbm>> -> memref<10000x40xf32, #tpu.memory_space<hbm>>
    tpu.enqueue_indirect_dma source(%dma_start3A_49 : memref<10000x40xf32, #tpu.memory_space<hbm>>) target(%arg12 : memref<128x40xf32, #tpu.memory_space<vmem>>) offsets(%dma_start3A_46 : memref<128xi32, #tpu.memory_space<vmem>>) semaphore(%arg15 : memref<!tpu.dma_semaphore, #tpu.memory_space<semaphore_mem>>)
    %scan3A_50 = arith.constant 0 : i32
    %scan3A_51 = arith.constant 9 : i32
    %scan3A_52 = arith.addi %scan3A_50, %scan3A_51 : i32
    %scan3A_53 = arith.constant 1 : i32
    scf.for %scan3A_142 = %scan3A_50 to %scan3A_52 step %scan3A_53  : i32 {
      %mul3A_143 = arith.constant 4 : i32
      %mul3A_144 = arith.muli %scan3A_142, %mul3A_143 : i32
      %dma_wait3A_145 = arith.constant 0 : i32
      %dma_wait3A_146 = arith.constant 0 : i32
      %dma_wait3A_147 = tpu.memref_slice %arg2[%dma_wait3A_145, %dma_wait3A_146] : memref<10000x40xf32, #tpu.memory_space<hbm>> -> memref<128x40xf32, #tpu.memory_space<hbm>>
      %dma_wait3A_148 = arith.constant 0 : i32
      %dma_wait3A_149 = arith.constant 0 : i32
      %dma_wait3A_150 = tpu.memref_slice %arg2[%dma_wait3A_148, %dma_wait3A_149] : memref<10000x40xf32, #tpu.memory_space<hbm>> -> memref<128x40xf32, #tpu.memory_space<hbm>>
      tpu.wait_dma2 semaphore(%arg14 : memref<!tpu.dma_semaphore, #tpu.memory_space<semaphore_mem>>) src(%dma_wait3A_150 : memref<128x40xf32, #tpu.memory_space<hbm>>) dst(%arg9 : memref<128x40xf32, #tpu.memory_space<vmem>>)
      %dma_wait3A_151 = arith.constant 0 : i32
      %dma_wait3A_152 = arith.constant 0 : i32
      %dma_wait3A_153 = tpu.memref_slice %arg2[%dma_wait3A_151, %dma_wait3A_152] : memref<10000x40xf32, #tpu.memory_space<hbm>> -> memref<128x40xf32, #tpu.memory_space<hbm>>
      %dma_wait3A_154 = arith.constant 0 : i32
      %dma_wait3A_155 = arith.constant 0 : i32
      %dma_wait3A_156 = tpu.memref_slice %arg2[%dma_wait3A_154, %dma_wait3A_155] : memref<10000x40xf32, #tpu.memory_space<hbm>> -> memref<128x40xf32, #tpu.memory_space<hbm>>
      tpu.wait_dma2 semaphore(%arg14 : memref<!tpu.dma_semaphore, #tpu.memory_space<semaphore_mem>>) src(%dma_wait3A_156 : memref<128x40xf32, #tpu.memory_space<hbm>>) dst(%arg9 : memref<128x40xf32, #tpu.memory_space<vmem>>)
      %dma_start3A_157 = arith.constant 0 : i32
      %dma_start3A_158 = tpu.memref_slice %arg6[%mul3A_144, %dma_start3A_157] : memref<39x128xi32, #tpu.memory_space<vmem>> -> memref<1x128xi32, #tpu.memory_space<vmem>>
      %dma_start3A_159 = tpu.memref_squeeze %dma_start3A_158 : memref<1x128xi32, #tpu.memory_space<vmem>> -> memref<128xi32, #tpu.memory_space<vmem>>
      %dma_start3A_160 = arith.constant 0 : i32
      %dma_start3A_161 = arith.constant 0 : i32
      %dma_start3A_162 = tpu.memref_slice %arg13[%dma_start3A_160, %dma_start3A_161] : memref<10000x40xf32, #tpu.memory_space<vmem_shared>> -> memref<10000x40xf32, #tpu.memory_space<vmem_shared>>
      tpu.enqueue_indirect_dma source(%arg9 : memref<128x40xf32, #tpu.memory_space<vmem>>) target(%dma_start3A_162 : memref<10000x40xf32, #tpu.memory_space<vmem_shared>>) offsets(%dma_start3A_159 : memref<128xi32, #tpu.memory_space<vmem>>) semaphore(%arg16 : memref<!tpu.dma_semaphore, #tpu.memory_space<semaphore_mem>>) {add = true}
      %add3A_163 = arith.constant 1 : i32
      %add3A_164 = arith.addi %mul3A_144, %add3A_163 : i32
      %dma_start3A_165 = arith.constant 0 : i32
      %dma_start3A_166 = tpu.memref_slice %arg6[%add3A_164, %dma_start3A_165] : memref<39x128xi32, #tpu.memory_space<vmem>> -> memref<1x128xi32, #tpu.memory_space<vmem>>
      %dma_start3A_167 = tpu.memref_squeeze %dma_start3A_166 : memref<1x128xi32, #tpu.memory_space<vmem>> -> memref<128xi32, #tpu.memory_space<vmem>>
      %dma_start3A_168 = arith.constant 0 : i32
      %dma_start3A_169 = arith.constant 0 : i32
      %dma_start3A_170 = tpu.memref_slice %arg13[%dma_start3A_168, %dma_start3A_169] : memref<10000x40xf32, #tpu.memory_space<vmem_shared>> -> memref<10000x40xf32, #tpu.memory_space<vmem_shared>>
      tpu.enqueue_indirect_dma source(%arg10 : memref<128x40xf32, #tpu.memory_space<vmem>>) target(%dma_start3A_170 : memref<10000x40xf32, #tpu.memory_space<vmem_shared>>) offsets(%dma_start3A_167 : memref<128xi32, #tpu.memory_space<vmem>>) semaphore(%arg16 : memref<!tpu.dma_semaphore, #tpu.memory_space<semaphore_mem>>) {add = true}
      %dma_wait3A_171 = arith.constant 0 : i32
      %dma_wait3A_172 = arith.constant 0 : i32
      %dma_wait3A_173 = tpu.memref_slice %arg2[%dma_wait3A_171, %dma_wait3A_172] : memref<10000x40xf32, #tpu.memory_space<hbm>> -> memref<128x40xf32, #tpu.memory_space<hbm>>
      %dma_wait3A_174 = arith.constant 0 : i32
      %dma_wait3A_175 = arith.constant 0 : i32
      %dma_wait3A_176 = tpu.memref_slice %arg2[%dma_wait3A_174, %dma_wait3A_175] : memref<10000x40xf32, #tpu.memory_space<hbm>> -> memref<128x40xf32, #tpu.memory_space<hbm>>
      tpu.wait_dma2 semaphore(%arg15 : memref<!tpu.dma_semaphore, #tpu.memory_space<semaphore_mem>>) src(%dma_wait3A_176 : memref<128x40xf32, #tpu.memory_space<hbm>>) dst(%arg9 : memref<128x40xf32, #tpu.memory_space<vmem>>)
      %dma_wait3A_177 = arith.constant 0 : i32
      %dma_wait3A_178 = arith.constant 0 : i32
      %dma_wait3A_179 = tpu.memref_slice %arg2[%dma_wait3A_177, %dma_wait3A_178] : memref<10000x40xf32, #tpu.memory_space<hbm>> -> memref<128x40xf32, #tpu.memory_space<hbm>>
      %dma_wait3A_180 = arith.constant 0 : i32
      %dma_wait3A_181 = arith.constant 0 : i32
      %dma_wait3A_182 = tpu.memref_slice %arg2[%dma_wait3A_180, %dma_wait3A_181] : memref<10000x40xf32, #tpu.memory_space<hbm>> -> memref<128x40xf32, #tpu.memory_space<hbm>>
      tpu.wait_dma2 semaphore(%arg15 : memref<!tpu.dma_semaphore, #tpu.memory_space<semaphore_mem>>) src(%dma_wait3A_182 : memref<128x40xf32, #tpu.memory_space<hbm>>) dst(%arg9 : memref<128x40xf32, #tpu.memory_space<vmem>>)
      %add3A_183 = arith.constant 2 : i32
      %add3A_184 = arith.addi %mul3A_144, %add3A_183 : i32
      %dma_start3A_185 = arith.constant 0 : i32
      %dma_start3A_186 = tpu.memref_slice %arg6[%add3A_184, %dma_start3A_185] : memref<39x128xi32, #tpu.memory_space<vmem>> -> memref<1x128xi32, #tpu.memory_space<vmem>>
      %dma_start3A_187 = tpu.memref_squeeze %dma_start3A_186 : memref<1x128xi32, #tpu.memory_space<vmem>> -> memref<128xi32, #tpu.memory_space<vmem>>
      %dma_start3A_188 = arith.constant 0 : i32
      %dma_start3A_189 = arith.constant 0 : i32
      %dma_start3A_190 = tpu.memref_slice %arg13[%dma_start3A_188, %dma_start3A_189] : memref<10000x40xf32, #tpu.memory_space<vmem_shared>> -> memref<10000x40xf32, #tpu.memory_space<vmem_shared>>
      tpu.enqueue_indirect_dma source(%arg11 : memref<128x40xf32, #tpu.memory_space<vmem>>) target(%dma_start3A_190 : memref<10000x40xf32, #tpu.memory_space<vmem_shared>>) offsets(%dma_start3A_187 : memref<128xi32, #tpu.memory_space<vmem>>) semaphore(%arg17 : memref<!tpu.dma_semaphore, #tpu.memory_space<semaphore_mem>>) {add = true}
      %add3A_191 = arith.constant 3 : i32
      %add3A_192 = arith.addi %mul3A_144, %add3A_191 : i32
      %dma_start3A_193 = arith.constant 0 : i32
      %dma_start3A_194 = tpu.memref_slice %arg6[%add3A_192, %dma_start3A_193] : memref<39x128xi32, #tpu.memory_space<vmem>> -> memref<1x128xi32, #tpu.memory_space<vmem>>
      %dma_start3A_195 = tpu.memref_squeeze %dma_start3A_194 : memref<1x128xi32, #tpu.memory_space<vmem>> -> memref<128xi32, #tpu.memory_space<vmem>>
      %dma_start3A_196 = arith.constant 0 : i32
      %dma_start3A_197 = arith.constant 0 : i32
      %dma_start3A_198 = tpu.memref_slice %arg13[%dma_start3A_196, %dma_start3A_197] : memref<10000x40xf32, #tpu.memory_space<vmem_shared>> -> memref<10000x40xf32, #tpu.memory_space<vmem_shared>>
      tpu.enqueue_indirect_dma source(%arg12 : memref<128x40xf32, #tpu.memory_space<vmem>>) target(%dma_start3A_198 : memref<10000x40xf32, #tpu.memory_space<vmem_shared>>) offsets(%dma_start3A_195 : memref<128xi32, #tpu.memory_space<vmem>>) semaphore(%arg17 : memref<!tpu.dma_semaphore, #tpu.memory_space<semaphore_mem>>) {add = true}
      %dma_wait3A_199 = arith.constant 0 : i32
      %dma_wait3A_200 = arith.constant 0 : i32
      %dma_wait3A_201 = tpu.memref_slice %arg2[%dma_wait3A_199, %dma_wait3A_200] : memref<10000x40xf32, #tpu.memory_space<hbm>> -> memref<128x40xf32, #tpu.memory_space<hbm>>
      %dma_wait3A_202 = arith.constant 0 : i32
      %dma_wait3A_203 = arith.constant 0 : i32
      %dma_wait3A_204 = tpu.memref_slice %arg2[%dma_wait3A_202, %dma_wait3A_203] : memref<10000x40xf32, #tpu.memory_space<hbm>> -> memref<128x40xf32, #tpu.memory_space<hbm>>
      tpu.wait_dma2 semaphore(%arg16 : memref<!tpu.dma_semaphore, #tpu.memory_space<semaphore_mem>>) src(%dma_wait3A_204 : memref<128x40xf32, #tpu.memory_space<hbm>>) dst(%arg9 : memref<128x40xf32, #tpu.memory_space<vmem>>)
      %dma_wait3A_205 = arith.constant 0 : i32
      %dma_wait3A_206 = arith.constant 0 : i32
      %dma_wait3A_207 = tpu.memref_slice %arg2[%dma_wait3A_205, %dma_wait3A_206] : memref<10000x40xf32, #tpu.memory_space<hbm>> -> memref<128x40xf32, #tpu.memory_space<hbm>>
      %dma_wait3A_208 = arith.constant 0 : i32
      %dma_wait3A_209 = arith.constant 0 : i32
      %dma_wait3A_210 = tpu.memref_slice %arg2[%dma_wait3A_208, %dma_wait3A_209] : memref<10000x40xf32, #tpu.memory_space<hbm>> -> memref<128x40xf32, #tpu.memory_space<hbm>>
      tpu.wait_dma2 semaphore(%arg16 : memref<!tpu.dma_semaphore, #tpu.memory_space<semaphore_mem>>) src(%dma_wait3A_210 : memref<128x40xf32, #tpu.memory_space<hbm>>) dst(%arg9 : memref<128x40xf32, #tpu.memory_space<vmem>>)
      %add3A_211 = arith.constant 4 : i32
      %add3A_212 = arith.addi %mul3A_144, %add3A_211 : i32
      %dma_start3A_213 = arith.constant 0 : i32
      %dma_start3A_214 = tpu.memref_slice %arg5[%add3A_212, %dma_start3A_213] : memref<39x128xi32, #tpu.memory_space<vmem>> -> memref<1x128xi32, #tpu.memory_space<vmem>>
      %dma_start3A_215 = tpu.memref_squeeze %dma_start3A_214 : memref<1x128xi32, #tpu.memory_space<vmem>> -> memref<128xi32, #tpu.memory_space<vmem>>
      %dma_start3A_216 = arith.constant 0 : i32
      %dma_start3A_217 = arith.constant 0 : i32
      %dma_start3A_218 = tpu.memref_slice %arg2[%dma_start3A_216, %dma_start3A_217] : memref<10000x40xf32, #tpu.memory_space<hbm>> -> memref<10000x40xf32, #tpu.memory_space<hbm>>
      tpu.enqueue_indirect_dma source(%dma_start3A_218 : memref<10000x40xf32, #tpu.memory_space<hbm>>) target(%arg9 : memref<128x40xf32, #tpu.memory_space<vmem>>) offsets(%dma_start3A_215 : memref<128xi32, #tpu.memory_space<vmem>>) semaphore(%arg14 : memref<!tpu.dma_semaphore, #tpu.memory_space<semaphore_mem>>)
      %add3A_219 = arith.constant 5 : i32
      %add3A_220 = arith.addi %mul3A_144, %add3A_219 : i32
      %dma_start3A_221 = arith.constant 0 : i32
      %dma_start3A_222 = tpu.memref_slice %arg5[%add3A_220, %dma_start3A_221] : memref<39x128xi32, #tpu.memory_space<vmem>> -> memref<1x128xi32, #tpu.memory_space<vmem>>
      %dma_start3A_223 = tpu.memref_squeeze %dma_start3A_222 : memref<1x128xi32, #tpu.memory_space<vmem>> -> memref<128xi32, #tpu.memory_space<vmem>>
      %dma_start3A_224 = arith.constant 0 : i32
      %dma_start3A_225 = arith.constant 0 : i32
      %dma_start3A_226 = tpu.memref_slice %arg2[%dma_start3A_224, %dma_start3A_225] : memref<10000x40xf32, #tpu.memory_space<hbm>> -> memref<10000x40xf32, #tpu.memory_space<hbm>>
      tpu.enqueue_indirect_dma source(%dma_start3A_226 : memref<10000x40xf32, #tpu.memory_space<hbm>>) target(%arg10 : memref<128x40xf32, #tpu.memory_space<vmem>>) offsets(%dma_start3A_223 : memref<128xi32, #tpu.memory_space<vmem>>) semaphore(%arg14 : memref<!tpu.dma_semaphore, #tpu.memory_space<semaphore_mem>>)
      %dma_wait3A_227 = arith.constant 0 : i32
      %dma_wait3A_228 = arith.constant 0 : i32
      %dma_wait3A_229 = tpu.memref_slice %arg2[%dma_wait3A_227, %dma_wait3A_228] : memref<10000x40xf32, #tpu.memory_space<hbm>> -> memref<128x40xf32, #tpu.memory_space<hbm>>
      %dma_wait3A_230 = arith.constant 0 : i32
      %dma_wait3A_231 = arith.constant 0 : i32
      %dma_wait3A_232 = tpu.memref_slice %arg2[%dma_wait3A_230, %dma_wait3A_231] : memref<10000x40xf32, #tpu.memory_space<hbm>> -> memref<128x40xf32, #tpu.memory_space<hbm>>
      tpu.wait_dma2 semaphore(%arg17 : memref<!tpu.dma_semaphore, #tpu.memory_space<semaphore_mem>>) src(%dma_wait3A_232 : memref<128x40xf32, #tpu.memory_space<hbm>>) dst(%arg9 : memref<128x40xf32, #tpu.memory_space<vmem>>)
      %dma_wait3A_233 = arith.constant 0 : i32
      %dma_wait3A_234 = arith.constant 0 : i32
      %dma_wait3A_235 = tpu.memref_slice %arg2[%dma_wait3A_233, %dma_wait3A_234] : memref<10000x40xf32, #tpu.memory_space<hbm>> -> memref<128x40xf32, #tpu.memory_space<hbm>>
      %dma_wait3A_236 = arith.constant 0 : i32
      %dma_wait3A_237 = arith.constant 0 : i32
      %dma_wait3A_238 = tpu.memref_slice %arg2[%dma_wait3A_236, %dma_wait3A_237] : memref<10000x40xf32, #tpu.memory_space<hbm>> -> memref<128x40xf32, #tpu.memory_space<hbm>>
      tpu.wait_dma2 semaphore(%arg17 : memref<!tpu.dma_semaphore, #tpu.memory_space<semaphore_mem>>) src(%dma_wait3A_238 : memref<128x40xf32, #tpu.memory_space<hbm>>) dst(%arg9 : memref<128x40xf32, #tpu.memory_space<vmem>>)
      %add3A_239 = arith.constant 6 : i32
      %add3A_240 = arith.addi %mul3A_144, %add3A_239 : i32
      %dma_start3A_241 = arith.constant 0 : i32
      %dma_start3A_242 = tpu.memref_slice %arg5[%add3A_240, %dma_start3A_241] : memref<39x128xi32, #tpu.memory_space<vmem>> -> memref<1x128xi32, #tpu.memory_space<vmem>>
      %dma_start3A_243 = tpu.memref_squeeze %dma_start3A_242 : memref<1x128xi32, #tpu.memory_space<vmem>> -> memref<128xi32, #tpu.memory_space<vmem>>
      %dma_start3A_244 = arith.constant 0 : i32
      %dma_start3A_245 = arith.constant 0 : i32
      %dma_start3A_246 = tpu.memref_slice %arg2[%dma_start3A_244, %dma_start3A_245] : memref<10000x40xf32, #tpu.memory_space<hbm>> -> memref<10000x40xf32, #tpu.memory_space<hbm>>
      tpu.enqueue_indirect_dma source(%dma_start3A_246 : memref<10000x40xf32, #tpu.memory_space<hbm>>) target(%arg11 : memref<128x40xf32, #tpu.memory_space<vmem>>) offsets(%dma_start3A_243 : memref<128xi32, #tpu.memory_space<vmem>>) semaphore(%arg15 : memref<!tpu.dma_semaphore, #tpu.memory_space<semaphore_mem>>)
      %add3A_247 = arith.constant 7 : i32
      %add3A_248 = arith.addi %mul3A_144, %add3A_247 : i32
      %lt3A_249 = arith.constant 39 : i32
      %lt3A_250 = arith.cmpi slt, %add3A_248, %lt3A_249 : i32
      %convert_element_type3A_251 = arith.extui %lt3A_250 : i1 to i32
      %cond3A_252 = arith.constant 0 : i32
      %cond3A_253 = arith.cmpi ne, %convert_element_type3A_251, %cond3A_252 : i32
      scf.if %cond3A_253 {
        %add3A_254 = arith.constant 7 : i32
        %add3A_255 = arith.addi %mul3A_144, %add3A_254 : i32
        %dma_start3A_256 = arith.constant 0 : i32
        %dma_start3A_257 = tpu.memref_slice %arg5[%add3A_255, %dma_start3A_256] : memref<39x128xi32, #tpu.memory_space<vmem>> -> memref<1x128xi32, #tpu.memory_space<vmem>>
        %dma_start3A_258 = tpu.memref_squeeze %dma_start3A_257 : memref<1x128xi32, #tpu.memory_space<vmem>> -> memref<128xi32, #tpu.memory_space<vmem>>
        %dma_start3A_259 = arith.constant 0 : i32
        %dma_start3A_260 = arith.constant 0 : i32
        %dma_start3A_261 = tpu.memref_slice %arg2[%dma_start3A_259, %dma_start3A_260] : memref<10000x40xf32, #tpu.memory_space<hbm>> -> memref<10000x40xf32, #tpu.memory_space<hbm>>
        tpu.enqueue_indirect_dma source(%dma_start3A_261 : memref<10000x40xf32, #tpu.memory_space<hbm>>) target(%arg12 : memref<128x40xf32, #tpu.memory_space<vmem>>) offsets(%dma_start3A_258 : memref<128xi32, #tpu.memory_space<vmem>>) semaphore(%arg15 : memref<!tpu.dma_semaphore, #tpu.memory_space<semaphore_mem>>)
      } else {
      }
    }
    %scan3A_54 = arith.constant 9 : i32
    %dma_wait3A = arith.constant 0 : i32
    %dma_wait3A_55 = arith.constant 0 : i32
    %dma_wait3A_56 = tpu.memref_slice %arg2[%dma_wait3A, %dma_wait3A_55] : memref<10000x40xf32, #tpu.memory_space<hbm>> -> memref<128x40xf32, #tpu.memory_space<hbm>>
    %dma_wait3A_57 = arith.constant 0 : i32
    %dma_wait3A_58 = arith.constant 0 : i32
    %dma_wait3A_59 = tpu.memref_slice %arg2[%dma_wait3A_57, %dma_wait3A_58] : memref<10000x40xf32, #tpu.memory_space<hbm>> -> memref<128x40xf32, #tpu.memory_space<hbm>>
    tpu.wait_dma2 semaphore(%arg14 : memref<!tpu.dma_semaphore, #tpu.memory_space<semaphore_mem>>) src(%dma_wait3A_59 : memref<128x40xf32, #tpu.memory_space<hbm>>) dst(%arg9 : memref<128x40xf32, #tpu.memory_space<vmem>>)
    %dma_wait3A_60 = arith.constant 0 : i32
    %dma_wait3A_61 = arith.constant 0 : i32
    %dma_wait3A_62 = tpu.memref_slice %arg2[%dma_wait3A_60, %dma_wait3A_61] : memref<10000x40xf32, #tpu.memory_space<hbm>> -> memref<128x40xf32, #tpu.memory_space<hbm>>
    %dma_wait3A_63 = arith.constant 0 : i32
    %dma_wait3A_64 = arith.constant 0 : i32
    %dma_wait3A_65 = tpu.memref_slice %arg2[%dma_wait3A_63, %dma_wait3A_64] : memref<10000x40xf32, #tpu.memory_space<hbm>> -> memref<128x40xf32, #tpu.memory_space<hbm>>
    tpu.wait_dma2 semaphore(%arg14 : memref<!tpu.dma_semaphore, #tpu.memory_space<semaphore_mem>>) src(%dma_wait3A_65 : memref<128x40xf32, #tpu.memory_space<hbm>>) dst(%arg9 : memref<128x40xf32, #tpu.memory_space<vmem>>)
    %run_scoped3A_66 = arith.constant 36 : i32
    "tpu.region"() ({
      %run_scoped3A_142 = tpu.sem_alloc : memref<!tpu.dma_semaphore, #tpu.memory_space<semaphore_mem>>
      %dma_start3A_143 = arith.constant 0 : i32
      %dma_start3A_144 = tpu.memref_slice %arg6[%run_scoped3A_66, %dma_start3A_143] : memref<39x128xi32, #tpu.memory_space<vmem>> -> memref<1x128xi32, #tpu.memory_space<vmem>>
      %dma_start3A_145 = tpu.memref_squeeze %dma_start3A_144 : memref<1x128xi32, #tpu.memory_space<vmem>> -> memref<128xi32, #tpu.memory_space<vmem>>
      %dma_start3A_146 = arith.constant 0 : i32
      %dma_start3A_147 = arith.constant 0 : i32
      %dma_start3A_148 = tpu.memref_slice %arg13[%dma_start3A_146, %dma_start3A_147] : memref<10000x40xf32, #tpu.memory_space<vmem_shared>> -> memref<10000x40xf32, #tpu.memory_space<vmem_shared>>
      tpu.enqueue_indirect_dma source(%arg9 : memref<128x40xf32, #tpu.memory_space<vmem>>) target(%dma_start3A_148 : memref<10000x40xf32, #tpu.memory_space<vmem_shared>>) offsets(%dma_start3A_145 : memref<128xi32, #tpu.memory_space<vmem>>) semaphore(%run_scoped3A_142 : memref<!tpu.dma_semaphore, #tpu.memory_space<semaphore_mem>>) {add = true}
      %dma_wait3A_149 = arith.constant 0 : i32
      %dma_wait3A_150 = tpu.memref_slice %arg6[%run_scoped3A_66, %dma_wait3A_149] : memref<39x128xi32, #tpu.memory_space<vmem>> -> memref<1x128xi32, #tpu.memory_space<vmem>>
      %dma_wait3A_151 = tpu.memref_squeeze %dma_wait3A_150 : memref<1x128xi32, #tpu.memory_space<vmem>> -> memref<128xi32, #tpu.memory_space<vmem>>
      %dma_wait3A_152 = arith.constant 0 : i32
      %dma_wait3A_153 = arith.constant 0 : i32
      %dma_wait3A_154 = tpu.memref_slice %arg13[%dma_wait3A_152, %dma_wait3A_153] : memref<10000x40xf32, #tpu.memory_space<vmem_shared>> -> memref<10000x40xf32, #tpu.memory_space<vmem_shared>>
      tpu.wait_indirect_dma semaphore(%run_scoped3A_142 : memref<!tpu.dma_semaphore, #tpu.memory_space<semaphore_mem>>) src(%arg9 : memref<128x40xf32, #tpu.memory_space<vmem>>) dst(%dma_wait3A_154 : memref<10000x40xf32, #tpu.memory_space<vmem_shared>>)
      tpu.yield
    }) : () -> ()
    %run_scoped3A_67 = arith.constant 37 : i32
    "tpu.region"() ({
      %run_scoped3A_142 = tpu.sem_alloc : memref<!tpu.dma_semaphore, #tpu.memory_space<semaphore_mem>>
      %dma_start3A_143 = arith.constant 0 : i32
      %dma_start3A_144 = tpu.memref_slice %arg6[%run_scoped3A_67, %dma_start3A_143] : memref<39x128xi32, #tpu.memory_space<vmem>> -> memref<1x128xi32, #tpu.memory_space<vmem>>
      %dma_start3A_145 = tpu.memref_squeeze %dma_start3A_144 : memref<1x128xi32, #tpu.memory_space<vmem>> -> memref<128xi32, #tpu.memory_space<vmem>>
      %dma_start3A_146 = arith.constant 0 : i32
      %dma_start3A_147 = arith.constant 0 : i32
      %dma_start3A_148 = tpu.memref_slice %arg13[%dma_start3A_146, %dma_start3A_147] : memref<10000x40xf32, #tpu.memory_space<vmem_shared>> -> memref<10000x40xf32, #tpu.memory_space<vmem_shared>>
      tpu.enqueue_indirect_dma source(%arg10 : memref<128x40xf32, #tpu.memory_space<vmem>>) target(%dma_start3A_148 : memref<10000x40xf32, #tpu.memory_space<vmem_shared>>) offsets(%dma_start3A_145 : memref<128xi32, #tpu.memory_space<vmem>>) semaphore(%run_scoped3A_142 : memref<!tpu.dma_semaphore, #tpu.memory_space<semaphore_mem>>) {add = true}
      %dma_wait3A_149 = arith.constant 0 : i32
      %dma_wait3A_150 = tpu.memref_slice %arg6[%run_scoped3A_67, %dma_wait3A_149] : memref<39x128xi32, #tpu.memory_space<vmem>> -> memref<1x128xi32, #tpu.memory_space<vmem>>
      %dma_wait3A_151 = tpu.memref_squeeze %dma_wait3A_150 : memref<1x128xi32, #tpu.memory_space<vmem>> -> memref<128xi32, #tpu.memory_space<vmem>>
      %dma_wait3A_152 = arith.constant 0 : i32
      %dma_wait3A_153 = arith.constant 0 : i32
      %dma_wait3A_154 = tpu.memref_slice %arg13[%dma_wait3A_152, %dma_wait3A_153] : memref<10000x40xf32, #tpu.memory_space<vmem_shared>> -> memref<10000x40xf32, #tpu.memory_space<vmem_shared>>
      tpu.wait_indirect_dma semaphore(%run_scoped3A_142 : memref<!tpu.dma_semaphore, #tpu.memory_space<semaphore_mem>>) src(%arg10 : memref<128x40xf32, #tpu.memory_space<vmem>>) dst(%dma_wait3A_154 : memref<10000x40xf32, #tpu.memory_space<vmem_shared>>)
      tpu.yield
    }) : () -> ()
    %dma_wait3A_68 = arith.constant 0 : i32
    %dma_wait3A_69 = arith.constant 0 : i32
    %dma_wait3A_70 = tpu.memref_slice %arg2[%dma_wait3A_68, %dma_wait3A_69] : memref<10000x40xf32, #tpu.memory_space<hbm>> -> memref<128x40xf32, #tpu.memory_space<hbm>>
    %dma_wait3A_71 = arith.constant 0 : i32
    %dma_wait3A_72 = arith.constant 0 : i32
    %dma_wait3A_73 = tpu.memref_slice %arg2[%dma_wait3A_71, %dma_wait3A_72] : memref<10000x40xf32, #tpu.memory_space<hbm>> -> memref<128x40xf32, #tpu.memory_space<hbm>>
    tpu.wait_dma2 semaphore(%arg15 : memref<!tpu.dma_semaphore, #tpu.memory_space<semaphore_mem>>) src(%dma_wait3A_73 : memref<128x40xf32, #tpu.memory_space<hbm>>) dst(%arg9 : memref<128x40xf32, #tpu.memory_space<vmem>>)
    %run_scoped3A_74 = arith.constant 38 : i32
    "tpu.region"() ({
      %run_scoped3A_142 = tpu.sem_alloc : memref<!tpu.dma_semaphore, #tpu.memory_space<semaphore_mem>>
      %dma_start3A_143 = arith.constant 0 : i32
      %dma_start3A_144 = tpu.memref_slice %arg6[%run_scoped3A_74, %dma_start3A_143] : memref<39x128xi32, #tpu.memory_space<vmem>> -> memref<1x128xi32, #tpu.memory_space<vmem>>
      %dma_start3A_145 = tpu.memref_squeeze %dma_start3A_144 : memref<1x128xi32, #tpu.memory_space<vmem>> -> memref<128xi32, #tpu.memory_space<vmem>>
      %dma_start3A_146 = arith.constant 0 : i32
      %dma_start3A_147 = arith.constant 0 : i32
      %dma_start3A_148 = tpu.memref_slice %arg13[%dma_start3A_146, %dma_start3A_147] : memref<10000x40xf32, #tpu.memory_space<vmem_shared>> -> memref<10000x40xf32, #tpu.memory_space<vmem_shared>>
      tpu.enqueue_indirect_dma source(%arg11 : memref<128x40xf32, #tpu.memory_space<vmem>>) target(%dma_start3A_148 : memref<10000x40xf32, #tpu.memory_space<vmem_shared>>) offsets(%dma_start3A_145 : memref<128xi32, #tpu.memory_space<vmem>>) semaphore(%run_scoped3A_142 : memref<!tpu.dma_semaphore, #tpu.memory_space<semaphore_mem>>) {add = true}
      %dma_wait3A_149 = arith.constant 0 : i32
      %dma_wait3A_150 = tpu.memref_slice %arg6[%run_scoped3A_74, %dma_wait3A_149] : memref<39x128xi32, #tpu.memory_space<vmem>> -> memref<1x128xi32, #tpu.memory_space<vmem>>
      %dma_wait3A_151 = tpu.memref_squeeze %dma_wait3A_150 : memref<1x128xi32, #tpu.memory_space<vmem>> -> memref<128xi32, #tpu.memory_space<vmem>>
      %dma_wait3A_152 = arith.constant 0 : i32
      %dma_wait3A_153 = arith.constant 0 : i32
      %dma_wait3A_154 = tpu.memref_slice %arg13[%dma_wait3A_152, %dma_wait3A_153] : memref<10000x40xf32, #tpu.memory_space<vmem_shared>> -> memref<10000x40xf32, #tpu.memory_space<vmem_shared>>
      tpu.wait_indirect_dma semaphore(%run_scoped3A_142 : memref<!tpu.dma_semaphore, #tpu.memory_space<semaphore_mem>>) src(%arg11 : memref<128x40xf32, #tpu.memory_space<vmem>>) dst(%dma_wait3A_154 : memref<10000x40xf32, #tpu.memory_space<vmem_shared>>)
      tpu.yield
    }) : () -> ()
    %mul3A_75 = arith.constant 78 : i32
    %mul3A_76 = arith.muli %add3A, %mul3A_75 : i32
    %add3A_77 = arith.constant 39 : i32
    %add3A_78 = arith.addi %mul3A_76, %add3A_77 : i32
    %run_scoped3A_79 = arith.constant 0 : i32
    "tpu.region"() ({
      %run_scoped3A_142 = tpu.sem_alloc : memref<!tpu.dma_semaphore, #tpu.memory_space<semaphore_mem>>
      %dma_start3A_143 = arith.constant 0 : i32
      %dma_start3A_144 = tpu.memref_slice %arg3[%run_scoped3A_79, %add3A_78, %dma_start3A_143] : memref<2x2500x128xi32, #tpu.memory_space<hbm>> -> memref<1x39x128xi32, #tpu.memory_space<hbm>>
      %dma_start3A_145 = tpu.memref_squeeze %dma_start3A_144 : memref<1x39x128xi32, #tpu.memory_space<hbm>> -> memref<39x128xi32, #tpu.memory_space<hbm>>
      %dma_start3A_146 = arith.constant 0 : i32
      %dma_start3A_147 = tpu.memref_slice %arg3[%run_scoped3A_79, %add3A_78, %dma_start3A_146] : memref<2x2500x128xi32, #tpu.memory_space<hbm>> -> memref<1x39x128xi32, #tpu.memory_space<hbm>>
      %dma_start3A_148 = tpu.memref_squeeze %dma_start3A_147 : memref<1x39x128xi32, #tpu.memory_space<hbm>> -> memref<39x128xi32, #tpu.memory_space<hbm>>
      tpu.enqueue_dma source(%dma_start3A_148 : memref<39x128xi32, #tpu.memory_space<hbm>>) target(%arg5 : memref<39x128xi32, #tpu.memory_space<vmem>>) target_semaphore(%run_scoped3A_142 : memref<!tpu.dma_semaphore, #tpu.memory_space<semaphore_mem>>)
      %dma_wait3A_149 = arith.constant 0 : i32
      %dma_wait3A_150 = tpu.memref_slice %arg3[%run_scoped3A_79, %add3A_78, %dma_wait3A_149] : memref<2x2500x128xi32, #tpu.memory_space<hbm>> -> memref<1x39x128xi32, #tpu.memory_space<hbm>>
      %dma_wait3A_151 = tpu.memref_squeeze %dma_wait3A_150 : memref<1x39x128xi32, #tpu.memory_space<hbm>> -> memref<39x128xi32, #tpu.memory_space<hbm>>
      %dma_wait3A_152 = arith.constant 0 : i32
      %dma_wait3A_153 = tpu.memref_slice %arg3[%run_scoped3A_79, %add3A_78, %dma_wait3A_152] : memref<2x2500x128xi32, #tpu.memory_space<hbm>> -> memref<1x39x128xi32, #tpu.memory_space<hbm>>
      %dma_wait3A_154 = tpu.memref_squeeze %dma_wait3A_153 : memref<1x39x128xi32, #tpu.memory_space<hbm>> -> memref<39x128xi32, #tpu.memory_space<hbm>>
      tpu.wait_dma2 semaphore(%run_scoped3A_142 : memref<!tpu.dma_semaphore, #tpu.memory_space<semaphore_mem>>) src(%dma_wait3A_154 : memref<39x128xi32, #tpu.memory_space<hbm>>) dst(%arg5 : memref<39x128xi32, #tpu.memory_space<vmem>>)
      tpu.yield
    }) : () -> ()
    %run_scoped3A_80 = arith.constant 1 : i32
    "tpu.region"() ({
      %run_scoped3A_142 = tpu.sem_alloc : memref<!tpu.dma_semaphore, #tpu.memory_space<semaphore_mem>>
      %dma_start3A_143 = arith.constant 0 : i32
      %dma_start3A_144 = tpu.memref_slice %arg3[%run_scoped3A_80, %add3A_78, %dma_start3A_143] : memref<2x2500x128xi32, #tpu.memory_space<hbm>> -> memref<1x39x128xi32, #tpu.memory_space<hbm>>
      %dma_start3A_145 = tpu.memref_squeeze %dma_start3A_144 : memref<1x39x128xi32, #tpu.memory_space<hbm>> -> memref<39x128xi32, #tpu.memory_space<hbm>>
      %dma_start3A_146 = arith.constant 0 : i32
      %dma_start3A_147 = tpu.memref_slice %arg3[%run_scoped3A_80, %add3A_78, %dma_start3A_146] : memref<2x2500x128xi32, #tpu.memory_space<hbm>> -> memref<1x39x128xi32, #tpu.memory_space<hbm>>
      %dma_start3A_148 = tpu.memref_squeeze %dma_start3A_147 : memref<1x39x128xi32, #tpu.memory_space<hbm>> -> memref<39x128xi32, #tpu.memory_space<hbm>>
      tpu.enqueue_dma source(%dma_start3A_148 : memref<39x128xi32, #tpu.memory_space<hbm>>) target(%arg6 : memref<39x128xi32, #tpu.memory_space<vmem>>) target_semaphore(%run_scoped3A_142 : memref<!tpu.dma_semaphore, #tpu.memory_space<semaphore_mem>>)
      %dma_wait3A_149 = arith.constant 0 : i32
      %dma_wait3A_150 = tpu.memref_slice %arg3[%run_scoped3A_80, %add3A_78, %dma_wait3A_149] : memref<2x2500x128xi32, #tpu.memory_space<hbm>> -> memref<1x39x128xi32, #tpu.memory_space<hbm>>
      %dma_wait3A_151 = tpu.memref_squeeze %dma_wait3A_150 : memref<1x39x128xi32, #tpu.memory_space<hbm>> -> memref<39x128xi32, #tpu.memory_space<hbm>>
      %dma_wait3A_152 = arith.constant 0 : i32
      %dma_wait3A_153 = tpu.memref_slice %arg3[%run_scoped3A_80, %add3A_78, %dma_wait3A_152] : memref<2x2500x128xi32, #tpu.memory_space<hbm>> -> memref<1x39x128xi32, #tpu.memory_space<hbm>>
      %dma_wait3A_154 = tpu.memref_squeeze %dma_wait3A_153 : memref<1x39x128xi32, #tpu.memory_space<hbm>> -> memref<39x128xi32, #tpu.memory_space<hbm>>
      tpu.wait_dma2 semaphore(%run_scoped3A_142 : memref<!tpu.dma_semaphore, #tpu.memory_space<semaphore_mem>>) src(%dma_wait3A_154 : memref<39x128xi32, #tpu.memory_space<hbm>>) dst(%arg6 : memref<39x128xi32, #tpu.memory_space<vmem>>)
      tpu.yield
    }) : () -> ()
    %dma_start3A_81 = arith.constant 0 : i32
    %dma_start3A_82 = arith.constant 0 : i32
    %dma_start3A_83 = tpu.memref_slice %arg5[%dma_start3A_81, %dma_start3A_82] : memref<39x128xi32, #tpu.memory_space<vmem>> -> memref<1x128xi32, #tpu.memory_space<vmem>>
    %dma_start3A_84 = tpu.memref_squeeze %dma_start3A_83 : memref<1x128xi32, #tpu.memory_space<vmem>> -> memref<128xi32, #tpu.memory_space<vmem>>
    %dma_start3A_85 = arith.constant 0 : i32
    %dma_start3A_86 = arith.constant 0 : i32
    %dma_start3A_87 = tpu.memref_slice %arg2[%dma_start3A_85, %dma_start3A_86] : memref<10000x40xf32, #tpu.memory_space<hbm>> -> memref<10000x40xf32, #tpu.memory_space<hbm>>
    tpu.enqueue_indirect_dma source(%dma_start3A_87 : memref<10000x40xf32, #tpu.memory_space<hbm>>) target(%arg9 : memref<128x40xf32, #tpu.memory_space<vmem>>) offsets(%dma_start3A_84 : memref<128xi32, #tpu.memory_space<vmem>>) semaphore(%arg14 : memref<!tpu.dma_semaphore, #tpu.memory_space<semaphore_mem>>)
    %dma_start3A_88 = arith.constant 1 : i32
    %dma_start3A_89 = arith.constant 0 : i32
    %dma_start3A_90 = tpu.memref_slice %arg5[%dma_start3A_88, %dma_start3A_89] : memref<39x128xi32, #tpu.memory_space<vmem>> -> memref<1x128xi32, #tpu.memory_space<vmem>>
    %dma_start3A_91 = tpu.memref_squeeze %dma_start3A_90 : memref<1x128xi32, #tpu.memory_space<vmem>> -> memref<128xi32, #tpu.memory_space<vmem>>
    %dma_start3A_92 = arith.constant 0 : i32
    %dma_start3A_93 = arith.constant 0 : i32
    %dma_start3A_94 = tpu.memref_slice %arg2[%dma_start3A_92, %dma_start3A_93] : memref<10000x40xf32, #tpu.memory_space<hbm>> -> memref<10000x40xf32, #tpu.memory_space<hbm>>
    tpu.enqueue_indirect_dma source(%dma_start3A_94 : memref<10000x40xf32, #tpu.memory_space<hbm>>) target(%arg10 : memref<128x40xf32, #tpu.memory_space<vmem>>) offsets(%dma_start3A_91 : memref<128xi32, #tpu.memory_space<vmem>>) semaphore(%arg14 : memref<!tpu.dma_semaphore, #tpu.memory_space<semaphore_mem>>)
    %dma_start3A_95 = arith.constant 2 : i32
    %dma_start3A_96 = arith.constant 0 : i32
    %dma_start3A_97 = tpu.memref_slice %arg5[%dma_start3A_95, %dma_start3A_96] : memref<39x128xi32, #tpu.memory_space<vmem>> -> memref<1x128xi32, #tpu.memory_space<vmem>>
    %dma_start3A_98 = tpu.memref_squeeze %dma_start3A_97 : memref<1x128xi32, #tpu.memory_space<vmem>> -> memref<128xi32, #tpu.memory_space<vmem>>
    %dma_start3A_99 = arith.constant 0 : i32
    %dma_start3A_100 = arith.constant 0 : i32
    %dma_start3A_101 = tpu.memref_slice %arg2[%dma_start3A_99, %dma_start3A_100] : memref<10000x40xf32, #tpu.memory_space<hbm>> -> memref<10000x40xf32, #tpu.memory_space<hbm>>
    tpu.enqueue_indirect_dma source(%dma_start3A_101 : memref<10000x40xf32, #tpu.memory_space<hbm>>) target(%arg11 : memref<128x40xf32, #tpu.memory_space<vmem>>) offsets(%dma_start3A_98 : memref<128xi32, #tpu.memory_space<vmem>>) semaphore(%arg15 : memref<!tpu.dma_semaphore, #tpu.memory_space<semaphore_mem>>)
    %dma_start3A_102 = arith.constant 3 : i32
    %dma_start3A_103 = arith.constant 0 : i32
    %dma_start3A_104 = tpu.memref_slice %arg5[%dma_start3A_102, %dma_start3A_103] : memref<39x128xi32, #tpu.memory_space<vmem>> -> memref<1x128xi32, #tpu.memory_space<vmem>>
    %dma_start3A_105 = tpu.memref_squeeze %dma_start3A_104 : memref<1x128xi32, #tpu.memory_space<vmem>> -> memref<128xi32, #tpu.memory_space<vmem>>
    %dma_start3A_106 = arith.constant 0 : i32
    %dma_start3A_107 = arith.constant 0 : i32
    %dma_start3A_108 = tpu.memref_slice %arg2[%dma_start3A_106, %dma_start3A_107] : memref<10000x40xf32, #tpu.memory_space<hbm>> -> memref<10000x40xf32, #tpu.memory_space<hbm>>
    tpu.enqueue_indirect_dma source(%dma_start3A_108 : memref<10000x40xf32, #tpu.memory_space<hbm>>) target(%arg12 : memref<128x40xf32, #tpu.memory_space<vmem>>) offsets(%dma_start3A_105 : memref<128xi32, #tpu.memory_space<vmem>>) semaphore(%arg15 : memref<!tpu.dma_semaphore, #tpu.memory_space<semaphore_mem>>)
    %scan3A_109 = arith.constant 0 : i32
    %scan3A_110 = arith.constant 9 : i32
    %scan3A_111 = arith.addi %scan3A_109, %scan3A_110 : i32
    %scan3A_112 = arith.constant 1 : i32
    scf.for %scan3A_142 = %scan3A_109 to %scan3A_111 step %scan3A_112  : i32 {
      %mul3A_143 = arith.constant 4 : i32
      %mul3A_144 = arith.muli %scan3A_142, %mul3A_143 : i32
      %dma_wait3A_145 = arith.constant 0 : i32
      %dma_wait3A_146 = arith.constant 0 : i32
      %dma_wait3A_147 = tpu.memref_slice %arg2[%dma_wait3A_145, %dma_wait3A_146] : memref<10000x40xf32, #tpu.memory_space<hbm>> -> memref<128x40xf32, #tpu.memory_space<hbm>>
      %dma_wait3A_148 = arith.constant 0 : i32
      %dma_wait3A_149 = arith.constant 0 : i32
      %dma_wait3A_150 = tpu.memref_slice %arg2[%dma_wait3A_148, %dma_wait3A_149] : memref<10000x40xf32, #tpu.memory_space<hbm>> -> memref<128x40xf32, #tpu.memory_space<hbm>>
      tpu.wait_dma2 semaphore(%arg14 : memref<!tpu.dma_semaphore, #tpu.memory_space<semaphore_mem>>) src(%dma_wait3A_150 : memref<128x40xf32, #tpu.memory_space<hbm>>) dst(%arg9 : memref<128x40xf32, #tpu.memory_space<vmem>>)
      %dma_wait3A_151 = arith.constant 0 : i32
      %dma_wait3A_152 = arith.constant 0 : i32
      %dma_wait3A_153 = tpu.memref_slice %arg2[%dma_wait3A_151, %dma_wait3A_152] : memref<10000x40xf32, #tpu.memory_space<hbm>> -> memref<128x40xf32, #tpu.memory_space<hbm>>
      %dma_wait3A_154 = arith.constant 0 : i32
      %dma_wait3A_155 = arith.constant 0 : i32
      %dma_wait3A_156 = tpu.memref_slice %arg2[%dma_wait3A_154, %dma_wait3A_155] : memref<10000x40xf32, #tpu.memory_space<hbm>> -> memref<128x40xf32, #tpu.memory_space<hbm>>
      tpu.wait_dma2 semaphore(%arg14 : memref<!tpu.dma_semaphore, #tpu.memory_space<semaphore_mem>>) src(%dma_wait3A_156 : memref<128x40xf32, #tpu.memory_space<hbm>>) dst(%arg9 : memref<128x40xf32, #tpu.memory_space<vmem>>)
      %dma_start3A_157 = arith.constant 0 : i32
      %dma_start3A_158 = tpu.memref_slice %arg6[%mul3A_144, %dma_start3A_157] : memref<39x128xi32, #tpu.memory_space<vmem>> -> memref<1x128xi32, #tpu.memory_space<vmem>>
      %dma_start3A_159 = tpu.memref_squeeze %dma_start3A_158 : memref<1x128xi32, #tpu.memory_space<vmem>> -> memref<128xi32, #tpu.memory_space<vmem>>
      %dma_start3A_160 = arith.constant 0 : i32
      %dma_start3A_161 = arith.constant 0 : i32
      %dma_start3A_162 = tpu.memref_slice %arg13[%dma_start3A_160, %dma_start3A_161] : memref<10000x40xf32, #tpu.memory_space<vmem_shared>> -> memref<10000x40xf32, #tpu.memory_space<vmem_shared>>
      tpu.enqueue_indirect_dma source(%arg9 : memref<128x40xf32, #tpu.memory_space<vmem>>) target(%dma_start3A_162 : memref<10000x40xf32, #tpu.memory_space<vmem_shared>>) offsets(%dma_start3A_159 : memref<128xi32, #tpu.memory_space<vmem>>) semaphore(%arg16 : memref<!tpu.dma_semaphore, #tpu.memory_space<semaphore_mem>>) {add = true}
      %add3A_163 = arith.constant 1 : i32
      %add3A_164 = arith.addi %mul3A_144, %add3A_163 : i32
      %dma_start3A_165 = arith.constant 0 : i32
      %dma_start3A_166 = tpu.memref_slice %arg6[%add3A_164, %dma_start3A_165] : memref<39x128xi32, #tpu.memory_space<vmem>> -> memref<1x128xi32, #tpu.memory_space<vmem>>
      %dma_start3A_167 = tpu.memref_squeeze %dma_start3A_166 : memref<1x128xi32, #tpu.memory_space<vmem>> -> memref<128xi32, #tpu.memory_space<vmem>>
      %dma_start3A_168 = arith.constant 0 : i32
      %dma_start3A_169 = arith.constant 0 : i32
      %dma_start3A_170 = tpu.memref_slice %arg13[%dma_start3A_168, %dma_start3A_169] : memref<10000x40xf32, #tpu.memory_space<vmem_shared>> -> memref<10000x40xf32, #tpu.memory_space<vmem_shared>>
      tpu.enqueue_indirect_dma source(%arg10 : memref<128x40xf32, #tpu.memory_space<vmem>>) target(%dma_start3A_170 : memref<10000x40xf32, #tpu.memory_space<vmem_shared>>) offsets(%dma_start3A_167 : memref<128xi32, #tpu.memory_space<vmem>>) semaphore(%arg16 : memref<!tpu.dma_semaphore, #tpu.memory_space<semaphore_mem>>) {add = true}
      %dma_wait3A_171 = arith.constant 0 : i32
      %dma_wait3A_172 = arith.constant 0 : i32
      %dma_wait3A_173 = tpu.memref_slice %arg2[%dma_wait3A_171, %dma_wait3A_172] : memref<10000x40xf32, #tpu.memory_space<hbm>> -> memref<128x40xf32, #tpu.memory_space<hbm>>
      %dma_wait3A_174 = arith.constant 0 : i32
      %dma_wait3A_175 = arith.constant 0 : i32
      %dma_wait3A_176 = tpu.memref_slice %arg2[%dma_wait3A_174, %dma_wait3A_175] : memref<10000x40xf32, #tpu.memory_space<hbm>> -> memref<128x40xf32, #tpu.memory_space<hbm>>
      tpu.wait_dma2 semaphore(%arg15 : memref<!tpu.dma_semaphore, #tpu.memory_space<semaphore_mem>>) src(%dma_wait3A_176 : memref<128x40xf32, #tpu.memory_space<hbm>>) dst(%arg9 : memref<128x40xf32, #tpu.memory_space<vmem>>)
      %dma_wait3A_177 = arith.constant 0 : i32
      %dma_wait3A_178 = arith.constant 0 : i32
      %dma_wait3A_179 = tpu.memref_slice %arg2[%dma_wait3A_177, %dma_wait3A_178] : memref<10000x40xf32, #tpu.memory_space<hbm>> -> memref<128x40xf32, #tpu.memory_space<hbm>>
      %dma_wait3A_180 = arith.constant 0 : i32
      %dma_wait3A_181 = arith.constant 0 : i32
      %dma_wait3A_182 = tpu.memref_slice %arg2[%dma_wait3A_180, %dma_wait3A_181] : memref<10000x40xf32, #tpu.memory_space<hbm>> -> memref<128x40xf32, #tpu.memory_space<hbm>>
      tpu.wait_dma2 semaphore(%arg15 : memref<!tpu.dma_semaphore, #tpu.memory_space<semaphore_mem>>) src(%dma_wait3A_182 : memref<128x40xf32, #tpu.memory_space<hbm>>) dst(%arg9 : memref<128x40xf32, #tpu.memory_space<vmem>>)
      %add3A_183 = arith.constant 2 : i32
      %add3A_184 = arith.addi %mul3A_144, %add3A_183 : i32
      %dma_start3A_185 = arith.constant 0 : i32
      %dma_start3A_186 = tpu.memref_slice %arg6[%add3A_184, %dma_start3A_185] : memref<39x128xi32, #tpu.memory_space<vmem>> -> memref<1x128xi32, #tpu.memory_space<vmem>>
      %dma_start3A_187 = tpu.memref_squeeze %dma_start3A_186 : memref<1x128xi32, #tpu.memory_space<vmem>> -> memref<128xi32, #tpu.memory_space<vmem>>
      %dma_start3A_188 = arith.constant 0 : i32
      %dma_start3A_189 = arith.constant 0 : i32
      %dma_start3A_190 = tpu.memref_slice %arg13[%dma_start3A_188, %dma_start3A_189] : memref<10000x40xf32, #tpu.memory_space<vmem_shared>> -> memref<10000x40xf32, #tpu.memory_space<vmem_shared>>
      tpu.enqueue_indirect_dma source(%arg11 : memref<128x40xf32, #tpu.memory_space<vmem>>) target(%dma_start3A_190 : memref<10000x40xf32, #tpu.memory_space<vmem_shared>>) offsets(%dma_start3A_187 : memref<128xi32, #tpu.memory_space<vmem>>) semaphore(%arg17 : memref<!tpu.dma_semaphore, #tpu.memory_space<semaphore_mem>>) {add = true}
      %add3A_191 = arith.constant 3 : i32
      %add3A_192 = arith.addi %mul3A_144, %add3A_191 : i32
      %dma_start3A_193 = arith.constant 0 : i32
      %dma_start3A_194 = tpu.memref_slice %arg6[%add3A_192, %dma_start3A_193] : memref<39x128xi32, #tpu.memory_space<vmem>> -> memref<1x128xi32, #tpu.memory_space<vmem>>
      %dma_start3A_195 = tpu.memref_squeeze %dma_start3A_194 : memref<1x128xi32, #tpu.memory_space<vmem>> -> memref<128xi32, #tpu.memory_space<vmem>>
      %dma_start3A_196 = arith.constant 0 : i32
      %dma_start3A_197 = arith.constant 0 : i32
      %dma_start3A_198 = tpu.memref_slice %arg13[%dma_start3A_196, %dma_start3A_197] : memref<10000x40xf32, #tpu.memory_space<vmem_shared>> -> memref<10000x40xf32, #tpu.memory_space<vmem_shared>>
      tpu.enqueue_indirect_dma source(%arg12 : memref<128x40xf32, #tpu.memory_space<vmem>>) target(%dma_start3A_198 : memref<10000x40xf32, #tpu.memory_space<vmem_shared>>) offsets(%dma_start3A_195 : memref<128xi32, #tpu.memory_space<vmem>>) semaphore(%arg17 : memref<!tpu.dma_semaphore, #tpu.memory_space<semaphore_mem>>) {add = true}
      %dma_wait3A_199 = arith.constant 0 : i32
      %dma_wait3A_200 = arith.constant 0 : i32
      %dma_wait3A_201 = tpu.memref_slice %arg2[%dma_wait3A_199, %dma_wait3A_200] : memref<10000x40xf32, #tpu.memory_space<hbm>> -> memref<128x40xf32, #tpu.memory_space<hbm>>
      %dma_wait3A_202 = arith.constant 0 : i32
      %dma_wait3A_203 = arith.constant 0 : i32
      %dma_wait3A_204 = tpu.memref_slice %arg2[%dma_wait3A_202, %dma_wait3A_203] : memref<10000x40xf32, #tpu.memory_space<hbm>> -> memref<128x40xf32, #tpu.memory_space<hbm>>
      tpu.wait_dma2 semaphore(%arg16 : memref<!tpu.dma_semaphore, #tpu.memory_space<semaphore_mem>>) src(%dma_wait3A_204 : memref<128x40xf32, #tpu.memory_space<hbm>>) dst(%arg9 : memref<128x40xf32, #tpu.memory_space<vmem>>)
      %dma_wait3A_205 = arith.constant 0 : i32
      %dma_wait3A_206 = arith.constant 0 : i32
      %dma_wait3A_207 = tpu.memref_slice %arg2[%dma_wait3A_205, %dma_wait3A_206] : memref<10000x40xf32, #tpu.memory_space<hbm>> -> memref<128x40xf32, #tpu.memory_space<hbm>>
      %dma_wait3A_208 = arith.constant 0 : i32
      %dma_wait3A_209 = arith.constant 0 : i32
      %dma_wait3A_210 = tpu.memref_slice %arg2[%dma_wait3A_208, %dma_wait3A_209] : memref<10000x40xf32, #tpu.memory_space<hbm>> -> memref<128x40xf32, #tpu.memory_space<hbm>>
      tpu.wait_dma2 semaphore(%arg16 : memref<!tpu.dma_semaphore, #tpu.memory_space<semaphore_mem>>) src(%dma_wait3A_210 : memref<128x40xf32, #tpu.memory_space<hbm>>) dst(%arg9 : memref<128x40xf32, #tpu.memory_space<vmem>>)
      %add3A_211 = arith.constant 4 : i32
      %add3A_212 = arith.addi %mul3A_144, %add3A_211 : i32
      %dma_start3A_213 = arith.constant 0 : i32
      %dma_start3A_214 = tpu.memref_slice %arg5[%add3A_212, %dma_start3A_213] : memref<39x128xi32, #tpu.memory_space<vmem>> -> memref<1x128xi32, #tpu.memory_space<vmem>>
      %dma_start3A_215 = tpu.memref_squeeze %dma_start3A_214 : memref<1x128xi32, #tpu.memory_space<vmem>> -> memref<128xi32, #tpu.memory_space<vmem>>
      %dma_start3A_216 = arith.constant 0 : i32
      %dma_start3A_217 = arith.constant 0 : i32
      %dma_start3A_218 = tpu.memref_slice %arg2[%dma_start3A_216, %dma_start3A_217] : memref<10000x40xf32, #tpu.memory_space<hbm>> -> memref<10000x40xf32, #tpu.memory_space<hbm>>
      tpu.enqueue_indirect_dma source(%dma_start3A_218 : memref<10000x40xf32, #tpu.memory_space<hbm>>) target(%arg9 : memref<128x40xf32, #tpu.memory_space<vmem>>) offsets(%dma_start3A_215 : memref<128xi32, #tpu.memory_space<vmem>>) semaphore(%arg14 : memref<!tpu.dma_semaphore, #tpu.memory_space<semaphore_mem>>)
      %add3A_219 = arith.constant 5 : i32
      %add3A_220 = arith.addi %mul3A_144, %add3A_219 : i32
      %dma_start3A_221 = arith.constant 0 : i32
      %dma_start3A_222 = tpu.memref_slice %arg5[%add3A_220, %dma_start3A_221] : memref<39x128xi32, #tpu.memory_space<vmem>> -> memref<1x128xi32, #tpu.memory_space<vmem>>
      %dma_start3A_223 = tpu.memref_squeeze %dma_start3A_222 : memref<1x128xi32, #tpu.memory_space<vmem>> -> memref<128xi32, #tpu.memory_space<vmem>>
      %dma_start3A_224 = arith.constant 0 : i32
      %dma_start3A_225 = arith.constant 0 : i32
      %dma_start3A_226 = tpu.memref_slice %arg2[%dma_start3A_224, %dma_start3A_225] : memref<10000x40xf32, #tpu.memory_space<hbm>> -> memref<10000x40xf32, #tpu.memory_space<hbm>>
      tpu.enqueue_indirect_dma source(%dma_start3A_226 : memref<10000x40xf32, #tpu.memory_space<hbm>>) target(%arg10 : memref<128x40xf32, #tpu.memory_space<vmem>>) offsets(%dma_start3A_223 : memref<128xi32, #tpu.memory_space<vmem>>) semaphore(%arg14 : memref<!tpu.dma_semaphore, #tpu.memory_space<semaphore_mem>>)
      %dma_wait3A_227 = arith.constant 0 : i32
      %dma_wait3A_228 = arith.constant 0 : i32
      %dma_wait3A_229 = tpu.memref_slice %arg2[%dma_wait3A_227, %dma_wait3A_228] : memref<10000x40xf32, #tpu.memory_space<hbm>> -> memref<128x40xf32, #tpu.memory_space<hbm>>
      %dma_wait3A_230 = arith.constant 0 : i32
      %dma_wait3A_231 = arith.constant 0 : i32
      %dma_wait3A_232 = tpu.memref_slice %arg2[%dma_wait3A_230, %dma_wait3A_231] : memref<10000x40xf32, #tpu.memory_space<hbm>> -> memref<128x40xf32, #tpu.memory_space<hbm>>
      tpu.wait_dma2 semaphore(%arg17 : memref<!tpu.dma_semaphore, #tpu.memory_space<semaphore_mem>>) src(%dma_wait3A_232 : memref<128x40xf32, #tpu.memory_space<hbm>>) dst(%arg9 : memref<128x40xf32, #tpu.memory_space<vmem>>)
      %dma_wait3A_233 = arith.constant 0 : i32
      %dma_wait3A_234 = arith.constant 0 : i32
      %dma_wait3A_235 = tpu.memref_slice %arg2[%dma_wait3A_233, %dma_wait3A_234] : memref<10000x40xf32, #tpu.memory_space<hbm>> -> memref<128x40xf32, #tpu.memory_space<hbm>>
      %dma_wait3A_236 = arith.constant 0 : i32
      %dma_wait3A_237 = arith.constant 0 : i32
      %dma_wait3A_238 = tpu.memref_slice %arg2[%dma_wait3A_236, %dma_wait3A_237] : memref<10000x40xf32, #tpu.memory_space<hbm>> -> memref<128x40xf32, #tpu.memory_space<hbm>>
      tpu.wait_dma2 semaphore(%arg17 : memref<!tpu.dma_semaphore, #tpu.memory_space<semaphore_mem>>) src(%dma_wait3A_238 : memref<128x40xf32, #tpu.memory_space<hbm>>) dst(%arg9 : memref<128x40xf32, #tpu.memory_space<vmem>>)
      %add3A_239 = arith.constant 6 : i32
      %add3A_240 = arith.addi %mul3A_144, %add3A_239 : i32
      %dma_start3A_241 = arith.constant 0 : i32
      %dma_start3A_242 = tpu.memref_slice %arg5[%add3A_240, %dma_start3A_241] : memref<39x128xi32, #tpu.memory_space<vmem>> -> memref<1x128xi32, #tpu.memory_space<vmem>>
      %dma_start3A_243 = tpu.memref_squeeze %dma_start3A_242 : memref<1x128xi32, #tpu.memory_space<vmem>> -> memref<128xi32, #tpu.memory_space<vmem>>
      %dma_start3A_244 = arith.constant 0 : i32
      %dma_start3A_245 = arith.constant 0 : i32
      %dma_start3A_246 = tpu.memref_slice %arg2[%dma_start3A_244, %dma_start3A_245] : memref<10000x40xf32, #tpu.memory_space<hbm>> -> memref<10000x40xf32, #tpu.memory_space<hbm>>
      tpu.enqueue_indirect_dma source(%dma_start3A_246 : memref<10000x40xf32, #tpu.memory_space<hbm>>) target(%arg11 : memref<128x40xf32, #tpu.memory_space<vmem>>) offsets(%dma_start3A_243 : memref<128xi32, #tpu.memory_space<vmem>>) semaphore(%arg15 : memref<!tpu.dma_semaphore, #tpu.memory_space<semaphore_mem>>)
      %add3A_247 = arith.constant 7 : i32
      %add3A_248 = arith.addi %mul3A_144, %add3A_247 : i32
      %lt3A_249 = arith.constant 39 : i32
      %lt3A_250 = arith.cmpi slt, %add3A_248, %lt3A_249 : i32
      %convert_element_type3A_251 = arith.extui %lt3A_250 : i1 to i32
      %cond3A_252 = arith.constant 0 : i32
      %cond3A_253 = arith.cmpi ne, %convert_element_type3A_251, %cond3A_252 : i32
      scf.if %cond3A_253 {
        %add3A_254 = arith.constant 7 : i32
        %add3A_255 = arith.addi %mul3A_144, %add3A_254 : i32
        %dma_start3A_256 = arith.constant 0 : i32
        %dma_start3A_257 = tpu.memref_slice %arg5[%add3A_255, %dma_start3A_256] : memref<39x128xi32, #tpu.memory_space<vmem>> -> memref<1x128xi32, #tpu.memory_space<vmem>>
        %dma_start3A_258 = tpu.memref_squeeze %dma_start3A_257 : memref<1x128xi32, #tpu.memory_space<vmem>> -> memref<128xi32, #tpu.memory_space<vmem>>
        %dma_start3A_259 = arith.constant 0 : i32
        %dma_start3A_260 = arith.constant 0 : i32
        %dma_start3A_261 = tpu.memref_slice %arg2[%dma_start3A_259, %dma_start3A_260] : memref<10000x40xf32, #tpu.memory_space<hbm>> -> memref<10000x40xf32, #tpu.memory_space<hbm>>
        tpu.enqueue_indirect_dma source(%dma_start3A_261 : memref<10000x40xf32, #tpu.memory_space<hbm>>) target(%arg12 : memref<128x40xf32, #tpu.memory_space<vmem>>) offsets(%dma_start3A_258 : memref<128xi32, #tpu.memory_space<vmem>>) semaphore(%arg15 : memref<!tpu.dma_semaphore, #tpu.memory_space<semaphore_mem>>)
      } else {
      }
    }
    %scan3A_113 = arith.constant 9 : i32
    %dma_wait3A_114 = arith.constant 0 : i32
    %dma_wait3A_115 = arith.constant 0 : i32
    %dma_wait3A_116 = tpu.memref_slice %arg2[%dma_wait3A_114, %dma_wait3A_115] : memref<10000x40xf32, #tpu.memory_space<hbm>> -> memref<128x40xf32, #tpu.memory_space<hbm>>
    %dma_wait3A_117 = arith.constant 0 : i32
    %dma_wait3A_118 = arith.constant 0 : i32
    %dma_wait3A_119 = tpu.memref_slice %arg2[%dma_wait3A_117, %dma_wait3A_118] : memref<10000x40xf32, #tpu.memory_space<hbm>> -> memref<128x40xf32, #tpu.memory_space<hbm>>
    tpu.wait_dma2 semaphore(%arg14 : memref<!tpu.dma_semaphore, #tpu.memory_space<semaphore_mem>>) src(%dma_wait3A_119 : memref<128x40xf32, #tpu.memory_space<hbm>>) dst(%arg9 : memref<128x40xf32, #tpu.memory_space<vmem>>)
    %dma_wait3A_120 = arith.constant 0 : i32
    %dma_wait3A_121 = arith.constant 0 : i32
    %dma_wait3A_122 = tpu.memref_slice %arg2[%dma_wait3A_120, %dma_wait3A_121] : memref<10000x40xf32, #tpu.memory_space<hbm>> -> memref<128x40xf32, #tpu.memory_space<hbm>>
    %dma_wait3A_123 = arith.constant 0 : i32
    %dma_wait3A_124 = arith.constant 0 : i32
    %dma_wait3A_125 = tpu.memref_slice %arg2[%dma_wait3A_123, %dma_wait3A_124] : memref<10000x40xf32, #tpu.memory_space<hbm>> -> memref<128x40xf32, #tpu.memory_space<hbm>>
    tpu.wait_dma2 semaphore(%arg14 : memref<!tpu.dma_semaphore, #tpu.memory_space<semaphore_mem>>) src(%dma_wait3A_125 : memref<128x40xf32, #tpu.memory_space<hbm>>) dst(%arg9 : memref<128x40xf32, #tpu.memory_space<vmem>>)
    %run_scoped3A_126 = arith.constant 36 : i32
    "tpu.region"() ({
      %run_scoped3A_142 = tpu.sem_alloc : memref<!tpu.dma_semaphore, #tpu.memory_space<semaphore_mem>>
      %dma_start3A_143 = arith.constant 0 : i32
      %dma_start3A_144 = tpu.memref_slice %arg6[%run_scoped3A_126, %dma_start3A_143] : memref<39x128xi32, #tpu.memory_space<vmem>> -> memref<1x128xi32, #tpu.memory_space<vmem>>
      %dma_start3A_145 = tpu.memref_squeeze %dma_start3A_144 : memref<1x128xi32, #tpu.memory_space<vmem>> -> memref<128xi32, #tpu.memory_space<vmem>>
      %dma_start3A_146 = arith.constant 0 : i32
      %dma_start3A_147 = arith.constant 0 : i32
      %dma_start3A_148 = tpu.memref_slice %arg13[%dma_start3A_146, %dma_start3A_147] : memref<10000x40xf32, #tpu.memory_space<vmem_shared>> -> memref<10000x40xf32, #tpu.memory_space<vmem_shared>>
      tpu.enqueue_indirect_dma source(%arg9 : memref<128x40xf32, #tpu.memory_space<vmem>>) target(%dma_start3A_148 : memref<10000x40xf32, #tpu.memory_space<vmem_shared>>) offsets(%dma_start3A_145 : memref<128xi32, #tpu.memory_space<vmem>>) semaphore(%run_scoped3A_142 : memref<!tpu.dma_semaphore, #tpu.memory_space<semaphore_mem>>) {add = true}
      %dma_wait3A_149 = arith.constant 0 : i32
      %dma_wait3A_150 = tpu.memref_slice %arg6[%run_scoped3A_126, %dma_wait3A_149] : memref<39x128xi32, #tpu.memory_space<vmem>> -> memref<1x128xi32, #tpu.memory_space<vmem>>
      %dma_wait3A_151 = tpu.memref_squeeze %dma_wait3A_150 : memref<1x128xi32, #tpu.memory_space<vmem>> -> memref<128xi32, #tpu.memory_space<vmem>>
      %dma_wait3A_152 = arith.constant 0 : i32
      %dma_wait3A_153 = arith.constant 0 : i32
      %dma_wait3A_154 = tpu.memref_slice %arg13[%dma_wait3A_152, %dma_wait3A_153] : memref<10000x40xf32, #tpu.memory_space<vmem_shared>> -> memref<10000x40xf32, #tpu.memory_space<vmem_shared>>
      tpu.wait_indirect_dma semaphore(%run_scoped3A_142 : memref<!tpu.dma_semaphore, #tpu.memory_space<semaphore_mem>>) src(%arg9 : memref<128x40xf32, #tpu.memory_space<vmem>>) dst(%dma_wait3A_154 : memref<10000x40xf32, #tpu.memory_space<vmem_shared>>)
      tpu.yield
    }) : () -> ()
    %run_scoped3A_127 = arith.constant 37 : i32
    "tpu.region"() ({
      %run_scoped3A_142 = tpu.sem_alloc : memref<!tpu.dma_semaphore, #tpu.memory_space<semaphore_mem>>
      %dma_start3A_143 = arith.constant 0 : i32
      %dma_start3A_144 = tpu.memref_slice %arg6[%run_scoped3A_127, %dma_start3A_143] : memref<39x128xi32, #tpu.memory_space<vmem>> -> memref<1x128xi32, #tpu.memory_space<vmem>>
      %dma_start3A_145 = tpu.memref_squeeze %dma_start3A_144 : memref<1x128xi32, #tpu.memory_space<vmem>> -> memref<128xi32, #tpu.memory_space<vmem>>
      %dma_start3A_146 = arith.constant 0 : i32
      %dma_start3A_147 = arith.constant 0 : i32
      %dma_start3A_148 = tpu.memref_slice %arg13[%dma_start3A_146, %dma_start3A_147] : memref<10000x40xf32, #tpu.memory_space<vmem_shared>> -> memref<10000x40xf32, #tpu.memory_space<vmem_shared>>
      tpu.enqueue_indirect_dma source(%arg10 : memref<128x40xf32, #tpu.memory_space<vmem>>) target(%dma_start3A_148 : memref<10000x40xf32, #tpu.memory_space<vmem_shared>>) offsets(%dma_start3A_145 : memref<128xi32, #tpu.memory_space<vmem>>) semaphore(%run_scoped3A_142 : memref<!tpu.dma_semaphore, #tpu.memory_space<semaphore_mem>>) {add = true}
      %dma_wait3A_149 = arith.constant 0 : i32
      %dma_wait3A_150 = tpu.memref_slice %arg6[%run_scoped3A_127, %dma_wait3A_149] : memref<39x128xi32, #tpu.memory_space<vmem>> -> memref<1x128xi32, #tpu.memory_space<vmem>>
      %dma_wait3A_151 = tpu.memref_squeeze %dma_wait3A_150 : memref<1x128xi32, #tpu.memory_space<vmem>> -> memref<128xi32, #tpu.memory_space<vmem>>
      %dma_wait3A_152 = arith.constant 0 : i32
      %dma_wait3A_153 = arith.constant 0 : i32
      %dma_wait3A_154 = tpu.memref_slice %arg13[%dma_wait3A_152, %dma_wait3A_153] : memref<10000x40xf32, #tpu.memory_space<vmem_shared>> -> memref<10000x40xf32, #tpu.memory_space<vmem_shared>>
      tpu.wait_indirect_dma semaphore(%run_scoped3A_142 : memref<!tpu.dma_semaphore, #tpu.memory_space<semaphore_mem>>) src(%arg10 : memref<128x40xf32, #tpu.memory_space<vmem>>) dst(%dma_wait3A_154 : memref<10000x40xf32, #tpu.memory_space<vmem_shared>>)
      tpu.yield
    }) : () -> ()
    %dma_wait3A_128 = arith.constant 0 : i32
    %dma_wait3A_129 = arith.constant 0 : i32
    %dma_wait3A_130 = tpu.memref_slice %arg2[%dma_wait3A_128, %dma_wait3A_129] : memref<10000x40xf32, #tpu.memory_space<hbm>> -> memref<128x40xf32, #tpu.memory_space<hbm>>
    %dma_wait3A_131 = arith.constant 0 : i32
    %dma_wait3A_132 = arith.constant 0 : i32
    %dma_wait3A_133 = tpu.memref_slice %arg2[%dma_wait3A_131, %dma_wait3A_132] : memref<10000x40xf32, #tpu.memory_space<hbm>> -> memref<128x40xf32, #tpu.memory_space<hbm>>
    tpu.wait_dma2 semaphore(%arg15 : memref<!tpu.dma_semaphore, #tpu.memory_space<semaphore_mem>>) src(%dma_wait3A_133 : memref<128x40xf32, #tpu.memory_space<hbm>>) dst(%arg9 : memref<128x40xf32, #tpu.memory_space<vmem>>)
    %run_scoped3A_134 = arith.constant 38 : i32
    "tpu.region"() ({
      %run_scoped3A_142 = tpu.sem_alloc : memref<!tpu.dma_semaphore, #tpu.memory_space<semaphore_mem>>
      %dma_start3A_143 = arith.constant 0 : i32
      %dma_start3A_144 = tpu.memref_slice %arg6[%run_scoped3A_134, %dma_start3A_143] : memref<39x128xi32, #tpu.memory_space<vmem>> -> memref<1x128xi32, #tpu.memory_space<vmem>>
      %dma_start3A_145 = tpu.memref_squeeze %dma_start3A_144 : memref<1x128xi32, #tpu.memory_space<vmem>> -> memref<128xi32, #tpu.memory_space<vmem>>
      %dma_start3A_146 = arith.constant 0 : i32
      %dma_start3A_147 = arith.constant 0 : i32
      %dma_start3A_148 = tpu.memref_slice %arg13[%dma_start3A_146, %dma_start3A_147] : memref<10000x40xf32, #tpu.memory_space<vmem_shared>> -> memref<10000x40xf32, #tpu.memory_space<vmem_shared>>
      tpu.enqueue_indirect_dma source(%arg11 : memref<128x40xf32, #tpu.memory_space<vmem>>) target(%dma_start3A_148 : memref<10000x40xf32, #tpu.memory_space<vmem_shared>>) offsets(%dma_start3A_145 : memref<128xi32, #tpu.memory_space<vmem>>) semaphore(%run_scoped3A_142 : memref<!tpu.dma_semaphore, #tpu.memory_space<semaphore_mem>>) {add = true}
      %dma_wait3A_149 = arith.constant 0 : i32
      %dma_wait3A_150 = tpu.memref_slice %arg6[%run_scoped3A_134, %dma_wait3A_149] : memref<39x128xi32, #tpu.memory_space<vmem>> -> memref<1x128xi32, #tpu.memory_space<vmem>>
      %dma_wait3A_151 = tpu.memref_squeeze %dma_wait3A_150 : memref<1x128xi32, #tpu.memory_space<vmem>> -> memref<128xi32, #tpu.memory_space<vmem>>
      %dma_wait3A_152 = arith.constant 0 : i32
      %dma_wait3A_153 = arith.constant 0 : i32
      %dma_wait3A_154 = tpu.memref_slice %arg13[%dma_wait3A_152, %dma_wait3A_153] : memref<10000x40xf32, #tpu.memory_space<vmem_shared>> -> memref<10000x40xf32, #tpu.memory_space<vmem_shared>>
      tpu.wait_indirect_dma semaphore(%run_scoped3A_142 : memref<!tpu.dma_semaphore, #tpu.memory_space<semaphore_mem>>) src(%arg11 : memref<128x40xf32, #tpu.memory_space<vmem>>) dst(%dma_wait3A_154 : memref<10000x40xf32, #tpu.memory_space<vmem_shared>>)
      tpu.yield
    }) : () -> ()
    %lt3A = arith.constant 4 : i32
    %lt3A_135 = arith.cmpi slt, %add3A, %lt3A : i32
    %convert_element_type3A = arith.extui %lt3A_135 : i1 to i32
    %cond3A = arith.constant 0 : i32
    %cond3A_136 = arith.cmpi ne, %convert_element_type3A, %cond3A : i32
    scf.if %cond3A_136 {
      %add3A_142 = arith.constant 2496 : i32
      %add3A_143 = arith.addi %add3A_142, %add3A : i32
      %run_scoped3A_144 = arith.constant 0 : i32
      "tpu.region"() ({
        %run_scoped3A_162 = tpu.sem_alloc : memref<!tpu.dma_semaphore, #tpu.memory_space<semaphore_mem>>
        %dma_start3A_163 = arith.constant 0 : i32
        %dma_start3A_164 = tpu.memref_slice %arg3[%run_scoped3A_144, %add3A_143, %dma_start3A_163] : memref<2x2500x128xi32, #tpu.memory_space<hbm>> -> memref<1x1x128xi32, #tpu.memory_space<hbm>>
        %dma_start3A_165 = tpu.memref_squeeze %dma_start3A_164 : memref<1x1x128xi32, #tpu.memory_space<hbm>> -> memref<1x128xi32, #tpu.memory_space<hbm>>
        %dma_start3A_166 = arith.constant 0 : i32
        %dma_start3A_167 = tpu.memref_slice %arg3[%run_scoped3A_144, %add3A_143, %dma_start3A_166] : memref<2x2500x128xi32, #tpu.memory_space<hbm>> -> memref<1x1x128xi32, #tpu.memory_space<hbm>>
        %dma_start3A_168 = tpu.memref_squeeze %dma_start3A_167 : memref<1x1x128xi32, #tpu.memory_space<hbm>> -> memref<1x128xi32, #tpu.memory_space<hbm>>
        tpu.enqueue_dma source(%dma_start3A_168 : memref<1x128xi32, #tpu.memory_space<hbm>>) target(%arg7 : memref<1x128xi32, #tpu.memory_space<vmem>>) target_semaphore(%run_scoped3A_162 : memref<!tpu.dma_semaphore, #tpu.memory_space<semaphore_mem>>)
        %dma_wait3A_169 = arith.constant 0 : i32
        %dma_wait3A_170 = tpu.memref_slice %arg3[%run_scoped3A_144, %add3A_143, %dma_wait3A_169] : memref<2x2500x128xi32, #tpu.memory_space<hbm>> -> memref<1x1x128xi32, #tpu.memory_space<hbm>>
        %dma_wait3A_171 = tpu.memref_squeeze %dma_wait3A_170 : memref<1x1x128xi32, #tpu.memory_space<hbm>> -> memref<1x128xi32, #tpu.memory_space<hbm>>
        %dma_wait3A_172 = arith.constant 0 : i32
        %dma_wait3A_173 = tpu.memref_slice %arg3[%run_scoped3A_144, %add3A_143, %dma_wait3A_172] : memref<2x2500x128xi32, #tpu.memory_space<hbm>> -> memref<1x1x128xi32, #tpu.memory_space<hbm>>
        %dma_wait3A_174 = tpu.memref_squeeze %dma_wait3A_173 : memref<1x1x128xi32, #tpu.memory_space<hbm>> -> memref<1x128xi32, #tpu.memory_space<hbm>>
        tpu.wait_dma2 semaphore(%run_scoped3A_162 : memref<!tpu.dma_semaphore, #tpu.memory_space<semaphore_mem>>) src(%dma_wait3A_174 : memref<1x128xi32, #tpu.memory_space<hbm>>) dst(%arg7 : memref<1x128xi32, #tpu.memory_space<vmem>>)
        tpu.yield
      }) : () -> ()
      %add3A_145 = arith.constant 2496 : i32
      %add3A_146 = arith.addi %add3A_145, %add3A : i32
      %run_scoped3A_147 = arith.constant 1 : i32
      "tpu.region"() ({
        %run_scoped3A_162 = tpu.sem_alloc : memref<!tpu.dma_semaphore, #tpu.memory_space<semaphore_mem>>
        %dma_start3A_163 = arith.constant 0 : i32
        %dma_start3A_164 = tpu.memref_slice %arg3[%run_scoped3A_147, %add3A_146, %dma_start3A_163] : memref<2x2500x128xi32, #tpu.memory_space<hbm>> -> memref<1x1x128xi32, #tpu.memory_space<hbm>>
        %dma_start3A_165 = tpu.memref_squeeze %dma_start3A_164 : memref<1x1x128xi32, #tpu.memory_space<hbm>> -> memref<1x128xi32, #tpu.memory_space<hbm>>
        %dma_start3A_166 = arith.constant 0 : i32
        %dma_start3A_167 = tpu.memref_slice %arg3[%run_scoped3A_147, %add3A_146, %dma_start3A_166] : memref<2x2500x128xi32, #tpu.memory_space<hbm>> -> memref<1x1x128xi32, #tpu.memory_space<hbm>>
        %dma_start3A_168 = tpu.memref_squeeze %dma_start3A_167 : memref<1x1x128xi32, #tpu.memory_space<hbm>> -> memref<1x128xi32, #tpu.memory_space<hbm>>
        tpu.enqueue_dma source(%dma_start3A_168 : memref<1x128xi32, #tpu.memory_space<hbm>>) target(%arg8 : memref<1x128xi32, #tpu.memory_space<vmem>>) target_semaphore(%run_scoped3A_162 : memref<!tpu.dma_semaphore, #tpu.memory_space<semaphore_mem>>)
        %dma_wait3A_169 = arith.constant 0 : i32
        %dma_wait3A_170 = tpu.memref_slice %arg3[%run_scoped3A_147, %add3A_146, %dma_wait3A_169] : memref<2x2500x128xi32, #tpu.memory_space<hbm>> -> memref<1x1x128xi32, #tpu.memory_space<hbm>>
        %dma_wait3A_171 = tpu.memref_squeeze %dma_wait3A_170 : memref<1x1x128xi32, #tpu.memory_space<hbm>> -> memref<1x128xi32, #tpu.memory_space<hbm>>
        %dma_wait3A_172 = arith.constant 0 : i32
        %dma_wait3A_173 = tpu.memref_slice %arg3[%run_scoped3A_147, %add3A_146, %dma_wait3A_172] : memref<2x2500x128xi32, #tpu.memory_space<hbm>> -> memref<1x1x128xi32, #tpu.memory_space<hbm>>
        %dma_wait3A_174 = tpu.memref_squeeze %dma_wait3A_173 : memref<1x1x128xi32, #tpu.memory_space<hbm>> -> memref<1x128xi32, #tpu.memory_space<hbm>>
        tpu.wait_dma2 semaphore(%run_scoped3A_162 : memref<!tpu.dma_semaphore, #tpu.memory_space<semaphore_mem>>) src(%dma_wait3A_174 : memref<1x128xi32, #tpu.memory_space<hbm>>) dst(%arg8 : memref<1x128xi32, #tpu.memory_space<vmem>>)
        tpu.yield
      }) : () -> ()
      %dma_start3A_148 = arith.constant 0 : i32
      %dma_start3A_149 = arith.constant 0 : i32
      %dma_start3A_150 = tpu.memref_slice %arg7[%dma_start3A_148, %dma_start3A_149] : memref<1x128xi32, #tpu.memory_space<vmem>> -> memref<1x128xi32, #tpu.memory_space<vmem>>
      %dma_start3A_151 = tpu.memref_squeeze %dma_start3A_150 : memref<1x128xi32, #tpu.memory_space<vmem>> -> memref<128xi32, #tpu.memory_space<vmem>>
      %dma_start3A_152 = arith.constant 0 : i32
      %dma_start3A_153 = arith.constant 0 : i32
      %dma_start3A_154 = tpu.memref_slice %arg2[%dma_start3A_152, %dma_start3A_153] : memref<10000x40xf32, #tpu.memory_space<hbm>> -> memref<10000x40xf32, #tpu.memory_space<hbm>>
      tpu.enqueue_indirect_dma source(%dma_start3A_154 : memref<10000x40xf32, #tpu.memory_space<hbm>>) target(%arg9 : memref<128x40xf32, #tpu.memory_space<vmem>>) offsets(%dma_start3A_151 : memref<128xi32, #tpu.memory_space<vmem>>) semaphore(%arg14 : memref<!tpu.dma_semaphore, #tpu.memory_space<semaphore_mem>>)
      %dma_wait3A_155 = arith.constant 0 : i32
      %dma_wait3A_156 = arith.constant 0 : i32
      %dma_wait3A_157 = tpu.memref_slice %arg2[%dma_wait3A_155, %dma_wait3A_156] : memref<10000x40xf32, #tpu.memory_space<hbm>> -> memref<128x40xf32, #tpu.memory_space<hbm>>
      %dma_wait3A_158 = arith.constant 0 : i32
      %dma_wait3A_159 = arith.constant 0 : i32
      %dma_wait3A_160 = tpu.memref_slice %arg2[%dma_wait3A_158, %dma_wait3A_159] : memref<10000x40xf32, #tpu.memory_space<hbm>> -> memref<128x40xf32, #tpu.memory_space<hbm>>
      tpu.wait_dma2 semaphore(%arg14 : memref<!tpu.dma_semaphore, #tpu.memory_space<semaphore_mem>>) src(%dma_wait3A_160 : memref<128x40xf32, #tpu.memory_space<hbm>>) dst(%arg9 : memref<128x40xf32, #tpu.memory_space<vmem>>)
      %run_scoped3A_161 = arith.constant 0 : i32
      "tpu.region"() ({
        %run_scoped3A_162 = tpu.sem_alloc : memref<!tpu.dma_semaphore, #tpu.memory_space<semaphore_mem>>
        %dma_start3A_163 = arith.constant 0 : i32
        %dma_start3A_164 = tpu.memref_slice %arg8[%run_scoped3A_161, %dma_start3A_163] : memref<1x128xi32, #tpu.memory_space<vmem>> -> memref<1x128xi32, #tpu.memory_space<vmem>>
        %dma_start3A_165 = tpu.memref_squeeze %dma_start3A_164 : memref<1x128xi32, #tpu.memory_space<vmem>> -> memref<128xi32, #tpu.memory_space<vmem>>
        %dma_start3A_166 = arith.constant 0 : i32
        %dma_start3A_167 = arith.constant 0 : i32
        %dma_start3A_168 = tpu.memref_slice %arg13[%dma_start3A_166, %dma_start3A_167] : memref<10000x40xf32, #tpu.memory_space<vmem_shared>> -> memref<10000x40xf32, #tpu.memory_space<vmem_shared>>
        tpu.enqueue_indirect_dma source(%arg9 : memref<128x40xf32, #tpu.memory_space<vmem>>) target(%dma_start3A_168 : memref<10000x40xf32, #tpu.memory_space<vmem_shared>>) offsets(%dma_start3A_165 : memref<128xi32, #tpu.memory_space<vmem>>) semaphore(%run_scoped3A_162 : memref<!tpu.dma_semaphore, #tpu.memory_space<semaphore_mem>>) {add = true}
        %dma_wait3A_169 = arith.constant 0 : i32
        %dma_wait3A_170 = tpu.memref_slice %arg8[%run_scoped3A_161, %dma_wait3A_169] : memref<1x128xi32, #tpu.memory_space<vmem>> -> memref<1x128xi32, #tpu.memory_space<vmem>>
        %dma_wait3A_171 = tpu.memref_squeeze %dma_wait3A_170 : memref<1x128xi32, #tpu.memory_space<vmem>> -> memref<128xi32, #tpu.memory_space<vmem>>
        %dma_wait3A_172 = arith.constant 0 : i32
        %dma_wait3A_173 = arith.constant 0 : i32
        %dma_wait3A_174 = tpu.memref_slice %arg13[%dma_wait3A_172, %dma_wait3A_173] : memref<10000x40xf32, #tpu.memory_space<vmem_shared>> -> memref<10000x40xf32, #tpu.memory_space<vmem_shared>>
        tpu.wait_indirect_dma semaphore(%run_scoped3A_162 : memref<!tpu.dma_semaphore, #tpu.memory_space<semaphore_mem>>) src(%arg9 : memref<128x40xf32, #tpu.memory_space<vmem>>) dst(%dma_wait3A_174 : memref<10000x40xf32, #tpu.memory_space<vmem_shared>>)
        tpu.yield
      }) : () -> ()
    } else {
    }
    %barrier3A_137 = arith.constant 0 : index
    tpu.barrier barrier_id(%barrier3A_137)
    %mul3A_138 = arith.constant 625 : i32
    %mul3A_139 = arith.muli %arg1, %mul3A_138 : i32
    %mul3A_140 = arith.constant 625 : i32
    %mul3A_141 = arith.muli %arg1, %mul3A_140 : i32
    "tpu.region"() ({
      %run_scoped3A_142 = tpu.sem_alloc : memref<!tpu.dma_semaphore, #tpu.memory_space<semaphore_mem>>
      %dma_start3A_143 = arith.constant 0 : i32
      %dma_start3A_144 = tpu.memref_slice %arg4[%arg0, %mul3A_141, %dma_start3A_143] : memref<2x10000x128xf32, #tpu.memory_space<hbm>> -> memref<1x625x40xf32, #tpu.memory_space<hbm>>
      %dma_start3A_145 = tpu.memref_squeeze %dma_start3A_144 : memref<1x625x40xf32, #tpu.memory_space<hbm>> -> memref<625x40xf32, #tpu.memory_space<hbm>>
      %dma_start3A_146 = arith.constant 0 : i32
      %dma_start3A_147 = tpu.memref_slice %arg13[%mul3A_139, %dma_start3A_146] : memref<10000x40xf32, #tpu.memory_space<vmem_shared>> -> memref<625x40xf32, #tpu.memory_space<vmem_shared>>
      tpu.enqueue_dma source(%dma_start3A_147 : memref<625x40xf32, #tpu.memory_space<vmem_shared>>) target(%dma_start3A_145 : memref<625x40xf32, #tpu.memory_space<hbm>>) target_semaphore(%run_scoped3A_142 : memref<!tpu.dma_semaphore, #tpu.memory_space<semaphore_mem>>)
      %dma_wait3A_148 = arith.constant 0 : i32
      %dma_wait3A_149 = tpu.memref_slice %arg4[%arg0, %mul3A_141, %dma_wait3A_148] : memref<2x10000x128xf32, #tpu.memory_space<hbm>> -> memref<1x625x40xf32, #tpu.memory_space<hbm>>
      %dma_wait3A_150 = tpu.memref_squeeze %dma_wait3A_149 : memref<1x625x40xf32, #tpu.memory_space<hbm>> -> memref<625x40xf32, #tpu.memory_space<hbm>>
      %dma_wait3A_151 = arith.constant 0 : i32
      %dma_wait3A_152 = tpu.memref_slice %arg13[%mul3A_139, %dma_wait3A_151] : memref<10000x40xf32, #tpu.memory_space<vmem_shared>> -> memref<625x40xf32, #tpu.memory_space<vmem_shared>>
      tpu.wait_dma2 semaphore(%run_scoped3A_142 : memref<!tpu.dma_semaphore, #tpu.memory_space<semaphore_mem>>) src(%dma_wait3A_152 : memref<625x40xf32, #tpu.memory_space<vmem_shared>>) dst(%dma_wait3A_150 : memref<625x40xf32, #tpu.memory_space<hbm>>)
      tpu.yield
    }) : () -> ()
    return
  }
}

#map = affine_map<(d0, d1) -> (0, 0, 0)>
module attributes {stable_mosaic.version = 14 : i64} {
  func.func @deg_kernel(%arg0: i32, %arg1: i32, %arg2: memref<2x2500x128xi32, #tpu.memory_space<hbm>>, %arg3: memref<2x10000x16xf32, #tpu.memory_space<hbm>>, %arg4: memref<39x128xi32, #tpu.memory_space<vmem>>, %arg5: memref<1x128xi32, #tpu.memory_space<vmem>>, %arg6: memref<128x16xf32, #tpu.memory_space<vmem>>, %arg7: memref<128x16xf32, #tpu.memory_space<vmem>>, %arg8: memref<10000x16xf32, #tpu.memory_space<vmem_shared>>, %arg9: memref<!tpu.dma_semaphore, #tpu.memory_space<semaphore_mem>>) attributes {dimension_semantics = [#tpu.dimension_semantics<core_parallel>, #tpu.dimension_semantics<subcore_parallel>], iteration_bounds = array<i64: 2, 16>, scalar_prefetch = 0 : i64, scratch_operands = 6 : i64, tpu.core_type = #tpu.core_type<sc_vector_subcore>, window_params = [{transform_indices = #map}, {transform_indices = #map}]} {
    %mul3A = arith.constant 16 : i32
    %mul3A_0 = arith.muli %arg0, %mul3A : i32
    %add3A = arith.addi %mul3A_0, %arg1 : i32
    %broadcast_in_dim3A = arith.constant 1.000000e+00 : f32
    %broadcast_in_dim3A_1 = vector.broadcast %broadcast_in_dim3A : f32 to vector<16xf32>
    %scan3A = arith.constant 0 : i32
    %scan3A_2 = arith.constant 128 : i32
    %scan3A_3 = arith.addi %scan3A, %scan3A_2 : i32
    %scan3A_4 = arith.constant 1 : i32
    scf.for %scan3A_266 = %scan3A to %scan3A_3 step %scan3A_4  : i32 {
      %swap3A = arith.index_cast %scan3A_266 : i32 to index
      %swap3A_267 = arith.constant 0 : index
      %swap3A_268 = tpu.vector_load %arg6[%swap3A, %swap3A_267] {strides = array<i32>} : memref<128x16xf32, #tpu.memory_space<vmem>>, vector<1x16xf32>,
      %swap3A_269 = vector.shape_cast %swap3A_268 : vector<1x16xf32> to vector<16xf32>
      %swap3A_270 = vector.shape_cast %broadcast_in_dim3A_1 : vector<16xf32> to vector<1x16xf32>
      tpu.vector_store %arg6[%swap3A, %swap3A_267], %swap3A_270 {strides = array<i32>} : memref<128x16xf32, #tpu.memory_space<vmem>>, vector<1x16xf32>,
    }
    %scan3A_5 = arith.constant 128 : i32
    %broadcast_in_dim3A_6 = arith.constant 0.000000e+00 : f32
    %broadcast_in_dim3A_7 = vector.broadcast %broadcast_in_dim3A_6 : f32 to vector<16xf32>
    %scan3A_8 = arith.constant 0 : i32
    %scan3A_9 = arith.constant 128 : i32
    %scan3A_10 = arith.addi %scan3A_8, %scan3A_9 : i32
    %scan3A_11 = arith.constant 1 : i32
    scf.for %scan3A_266 = %scan3A_8 to %scan3A_10 step %scan3A_11  : i32 {
      %swap3A = arith.index_cast %scan3A_266 : i32 to index
      %swap3A_267 = arith.constant 0 : index
      %swap3A_268 = tpu.vector_load %arg7[%swap3A, %swap3A_267] {strides = array<i32>} : memref<128x16xf32, #tpu.memory_space<vmem>>, vector<1x16xf32>,
      %swap3A_269 = vector.shape_cast %swap3A_268 : vector<1x16xf32> to vector<16xf32>
      %swap3A_270 = vector.shape_cast %broadcast_in_dim3A_7 : vector<16xf32> to vector<1x16xf32>
      tpu.vector_store %arg7[%swap3A, %swap3A_267], %swap3A_270 {strides = array<i32>} : memref<128x16xf32, #tpu.memory_space<vmem>>, vector<1x16xf32>,
    }
    %scan3A_12 = arith.constant 128 : i32
    %mul3A_13 = arith.constant 625 : i32
    %mul3A_14 = arith.muli %arg1, %mul3A_13 : i32
    %add3A_15 = arith.constant 0 : i32
    %add3A_16 = arith.addi %mul3A_14, %add3A_15 : i32
    "tpu.region"() ({
      %run_scoped3A_266 = tpu.sem_alloc : memref<!tpu.dma_semaphore, #tpu.memory_space<semaphore_mem>>
      %dma_start3A = arith.constant 0 : i32
      %dma_start3A_267 = tpu.memref_slice %arg8[%add3A_16, %dma_start3A] : memref<10000x16xf32, #tpu.memory_space<vmem_shared>> -> memref<128x16xf32, #tpu.memory_space<vmem_shared>>
      %dma_start3A_268 = arith.constant 0 : i32
      %dma_start3A_269 = tpu.memref_slice %arg8[%add3A_16, %dma_start3A_268] : memref<10000x16xf32, #tpu.memory_space<vmem_shared>> -> memref<128x16xf32, #tpu.memory_space<vmem_shared>>
      tpu.enqueue_dma source(%arg7 : memref<128x16xf32, #tpu.memory_space<vmem>>) target(%dma_start3A_269 : memref<128x16xf32, #tpu.memory_space<vmem_shared>>) target_semaphore(%run_scoped3A_266 : memref<!tpu.dma_semaphore, #tpu.memory_space<semaphore_mem>>)
      %dma_wait3A_270 = arith.constant 0 : i32
      %dma_wait3A_271 = tpu.memref_slice %arg8[%add3A_16, %dma_wait3A_270] : memref<10000x16xf32, #tpu.memory_space<vmem_shared>> -> memref<128x16xf32, #tpu.memory_space<vmem_shared>>
      %dma_wait3A_272 = arith.constant 0 : i32
      %dma_wait3A_273 = tpu.memref_slice %arg8[%add3A_16, %dma_wait3A_272] : memref<10000x16xf32, #tpu.memory_space<vmem_shared>> -> memref<128x16xf32, #tpu.memory_space<vmem_shared>>
      tpu.wait_dma2 semaphore(%run_scoped3A_266 : memref<!tpu.dma_semaphore, #tpu.memory_space<semaphore_mem>>) src(%arg7 : memref<128x16xf32, #tpu.memory_space<vmem>>) dst(%dma_wait3A_273 : memref<128x16xf32, #tpu.memory_space<vmem_shared>>)
      tpu.yield
    }) : () -> ()
    %add3A_17 = arith.constant 128 : i32
    %add3A_18 = arith.addi %mul3A_14, %add3A_17 : i32
    "tpu.region"() ({
      %run_scoped3A_266 = tpu.sem_alloc : memref<!tpu.dma_semaphore, #tpu.memory_space<semaphore_mem>>
      %dma_start3A = arith.constant 0 : i32
      %dma_start3A_267 = tpu.memref_slice %arg8[%add3A_18, %dma_start3A] : memref<10000x16xf32, #tpu.memory_space<vmem_shared>> -> memref<128x16xf32, #tpu.memory_space<vmem_shared>>
      %dma_start3A_268 = arith.constant 0 : i32
      %dma_start3A_269 = tpu.memref_slice %arg8[%add3A_18, %dma_start3A_268] : memref<10000x16xf32, #tpu.memory_space<vmem_shared>> -> memref<128x16xf32, #tpu.memory_space<vmem_shared>>
      tpu.enqueue_dma source(%arg7 : memref<128x16xf32, #tpu.memory_space<vmem>>) target(%dma_start3A_269 : memref<128x16xf32, #tpu.memory_space<vmem_shared>>) target_semaphore(%run_scoped3A_266 : memref<!tpu.dma_semaphore, #tpu.memory_space<semaphore_mem>>)
      %dma_wait3A_270 = arith.constant 0 : i32
      %dma_wait3A_271 = tpu.memref_slice %arg8[%add3A_18, %dma_wait3A_270] : memref<10000x16xf32, #tpu.memory_space<vmem_shared>> -> memref<128x16xf32, #tpu.memory_space<vmem_shared>>
      %dma_wait3A_272 = arith.constant 0 : i32
      %dma_wait3A_273 = tpu.memref_slice %arg8[%add3A_18, %dma_wait3A_272] : memref<10000x16xf32, #tpu.memory_space<vmem_shared>> -> memref<128x16xf32, #tpu.memory_space<vmem_shared>>
      tpu.wait_dma2 semaphore(%run_scoped3A_266 : memref<!tpu.dma_semaphore, #tpu.memory_space<semaphore_mem>>) src(%arg7 : memref<128x16xf32, #tpu.memory_space<vmem>>) dst(%dma_wait3A_273 : memref<128x16xf32, #tpu.memory_space<vmem_shared>>)
      tpu.yield
    }) : () -> ()
    %add3A_19 = arith.constant 256 : i32
    %add3A_20 = arith.addi %mul3A_14, %add3A_19 : i32
    "tpu.region"() ({
      %run_scoped3A_266 = tpu.sem_alloc : memref<!tpu.dma_semaphore, #tpu.memory_space<semaphore_mem>>
      %dma_start3A = arith.constant 0 : i32
      %dma_start3A_267 = tpu.memref_slice %arg8[%add3A_20, %dma_start3A] : memref<10000x16xf32, #tpu.memory_space<vmem_shared>> -> memref<128x16xf32, #tpu.memory_space<vmem_shared>>
      %dma_start3A_268 = arith.constant 0 : i32
      %dma_start3A_269 = tpu.memref_slice %arg8[%add3A_20, %dma_start3A_268] : memref<10000x16xf32, #tpu.memory_space<vmem_shared>> -> memref<128x16xf32, #tpu.memory_space<vmem_shared>>
      tpu.enqueue_dma source(%arg7 : memref<128x16xf32, #tpu.memory_space<vmem>>) target(%dma_start3A_269 : memref<128x16xf32, #tpu.memory_space<vmem_shared>>) target_semaphore(%run_scoped3A_266 : memref<!tpu.dma_semaphore, #tpu.memory_space<semaphore_mem>>)
      %dma_wait3A_270 = arith.constant 0 : i32
      %dma_wait3A_271 = tpu.memref_slice %arg8[%add3A_20, %dma_wait3A_270] : memref<10000x16xf32, #tpu.memory_space<vmem_shared>> -> memref<128x16xf32, #tpu.memory_space<vmem_shared>>
      %dma_wait3A_272 = arith.constant 0 : i32
      %dma_wait3A_273 = tpu.memref_slice %arg8[%add3A_20, %dma_wait3A_272] : memref<10000x16xf32, #tpu.memory_space<vmem_shared>> -> memref<128x16xf32, #tpu.memory_space<vmem_shared>>
      tpu.wait_dma2 semaphore(%run_scoped3A_266 : memref<!tpu.dma_semaphore, #tpu.memory_space<semaphore_mem>>) src(%arg7 : memref<128x16xf32, #tpu.memory_space<vmem>>) dst(%dma_wait3A_273 : memref<128x16xf32, #tpu.memory_space<vmem_shared>>)
      tpu.yield
    }) : () -> ()
    %add3A_21 = arith.constant 384 : i32
    %add3A_22 = arith.addi %mul3A_14, %add3A_21 : i32
    "tpu.region"() ({
      %run_scoped3A_266 = tpu.sem_alloc : memref<!tpu.dma_semaphore, #tpu.memory_space<semaphore_mem>>
      %dma_start3A = arith.constant 0 : i32
      %dma_start3A_267 = tpu.memref_slice %arg8[%add3A_22, %dma_start3A] : memref<10000x16xf32, #tpu.memory_space<vmem_shared>> -> memref<128x16xf32, #tpu.memory_space<vmem_shared>>
      %dma_start3A_268 = arith.constant 0 : i32
      %dma_start3A_269 = tpu.memref_slice %arg8[%add3A_22, %dma_start3A_268] : memref<10000x16xf32, #tpu.memory_space<vmem_shared>> -> memref<128x16xf32, #tpu.memory_space<vmem_shared>>
      tpu.enqueue_dma source(%arg7 : memref<128x16xf32, #tpu.memory_space<vmem>>) target(%dma_start3A_269 : memref<128x16xf32, #tpu.memory_space<vmem_shared>>) target_semaphore(%run_scoped3A_266 : memref<!tpu.dma_semaphore, #tpu.memory_space<semaphore_mem>>)
      %dma_wait3A_270 = arith.constant 0 : i32
      %dma_wait3A_271 = tpu.memref_slice %arg8[%add3A_22, %dma_wait3A_270] : memref<10000x16xf32, #tpu.memory_space<vmem_shared>> -> memref<128x16xf32, #tpu.memory_space<vmem_shared>>
      %dma_wait3A_272 = arith.constant 0 : i32
      %dma_wait3A_273 = tpu.memref_slice %arg8[%add3A_22, %dma_wait3A_272] : memref<10000x16xf32, #tpu.memory_space<vmem_shared>> -> memref<128x16xf32, #tpu.memory_space<vmem_shared>>
      tpu.wait_dma2 semaphore(%run_scoped3A_266 : memref<!tpu.dma_semaphore, #tpu.memory_space<semaphore_mem>>) src(%arg7 : memref<128x16xf32, #tpu.memory_space<vmem>>) dst(%dma_wait3A_273 : memref<128x16xf32, #tpu.memory_space<vmem_shared>>)
      tpu.yield
    }) : () -> ()
    %add3A_23 = arith.constant 512 : i32
    %add3A_24 = arith.addi %mul3A_14, %add3A_23 : i32
    "tpu.region"() ({
      %run_scoped3A_266 = tpu.sem_alloc : memref<!tpu.dma_semaphore, #tpu.memory_space<semaphore_mem>>
      %dma_start3A = arith.constant 0 : i32
      %dma_start3A_267 = arith.constant 0 : i32
      %dma_start3A_268 = tpu.memref_slice %arg7[%dma_start3A, %dma_start3A_267] : memref<128x16xf32, #tpu.memory_space<vmem>> -> memref<113x16xf32, #tpu.memory_space<vmem>>
      %dma_start3A_269 = arith.constant 0 : i32
      %dma_start3A_270 = tpu.memref_slice %arg8[%add3A_24, %dma_start3A_269] : memref<10000x16xf32, #tpu.memory_space<vmem_shared>> -> memref<113x16xf32, #tpu.memory_space<vmem_shared>>
      %dma_start3A_271 = arith.constant 0 : i32
      %dma_start3A_272 = tpu.memref_slice %arg8[%add3A_24, %dma_start3A_271] : memref<10000x16xf32, #tpu.memory_space<vmem_shared>> -> memref<113x16xf32, #tpu.memory_space<vmem_shared>>
      %dma_start3A_273 = arith.constant 0 : i32
      %dma_start3A_274 = arith.constant 0 : i32
      %dma_start3A_275 = tpu.memref_slice %arg7[%dma_start3A_273, %dma_start3A_274] : memref<128x16xf32, #tpu.memory_space<vmem>> -> memref<113x16xf32, #tpu.memory_space<vmem>>
      tpu.enqueue_dma source(%dma_start3A_275 : memref<113x16xf32, #tpu.memory_space<vmem>>) target(%dma_start3A_272 : memref<113x16xf32, #tpu.memory_space<vmem_shared>>) target_semaphore(%run_scoped3A_266 : memref<!tpu.dma_semaphore, #tpu.memory_space<semaphore_mem>>)
      %dma_wait3A_276 = arith.constant 0 : i32
      %dma_wait3A_277 = arith.constant 0 : i32
      %dma_wait3A_278 = tpu.memref_slice %arg7[%dma_wait3A_276, %dma_wait3A_277] : memref<128x16xf32, #tpu.memory_space<vmem>> -> memref<113x16xf32, #tpu.memory_space<vmem>>
      %dma_wait3A_279 = arith.constant 0 : i32
      %dma_wait3A_280 = tpu.memref_slice %arg8[%add3A_24, %dma_wait3A_279] : memref<10000x16xf32, #tpu.memory_space<vmem_shared>> -> memref<113x16xf32, #tpu.memory_space<vmem_shared>>
      %dma_wait3A_281 = arith.constant 0 : i32
      %dma_wait3A_282 = tpu.memref_slice %arg8[%add3A_24, %dma_wait3A_281] : memref<10000x16xf32, #tpu.memory_space<vmem_shared>> -> memref<113x16xf32, #tpu.memory_space<vmem_shared>>
      %dma_wait3A_283 = arith.constant 0 : i32
      %dma_wait3A_284 = arith.constant 0 : i32
      %dma_wait3A_285 = tpu.memref_slice %arg7[%dma_wait3A_283, %dma_wait3A_284] : memref<128x16xf32, #tpu.memory_space<vmem>> -> memref<113x16xf32, #tpu.memory_space<vmem>>
      tpu.wait_dma2 semaphore(%run_scoped3A_266 : memref<!tpu.dma_semaphore, #tpu.memory_space<semaphore_mem>>) src(%dma_wait3A_285 : memref<113x16xf32, #tpu.memory_space<vmem>>) dst(%dma_wait3A_282 : memref<113x16xf32, #tpu.memory_space<vmem_shared>>)
      tpu.yield
    }) : () -> ()
    %barrier3A = arith.constant 0 : index
    tpu.barrier barrier_id(%barrier3A)
    %mul3A_25 = arith.constant 78 : i32
    %mul3A_26 = arith.muli %add3A, %mul3A_25 : i32
    %add3A_27 = arith.constant 0 : i32
    %add3A_28 = arith.addi %mul3A_26, %add3A_27 : i32
    %run_scoped3A = arith.constant 1 : i32
    "tpu.region"() ({
      %run_scoped3A_266 = tpu.sem_alloc : memref<!tpu.dma_semaphore, #tpu.memory_space<semaphore_mem>>
      %dma_start3A = arith.constant 0 : i32
      %dma_start3A_267 = tpu.memref_slice %arg2[%run_scoped3A, %add3A_28, %dma_start3A] : memref<2x2500x128xi32, #tpu.memory_space<hbm>> -> memref<1x39x128xi32, #tpu.memory_space<hbm>>
      %dma_start3A_268 = tpu.memref_squeeze %dma_start3A_267 : memref<1x39x128xi32, #tpu.memory_space<hbm>> -> memref<39x128xi32, #tpu.memory_space<hbm>>
      %dma_start3A_269 = arith.constant 0 : i32
      %dma_start3A_270 = tpu.memref_slice %arg2[%run_scoped3A, %add3A_28, %dma_start3A_269] : memref<2x2500x128xi32, #tpu.memory_space<hbm>> -> memref<1x39x128xi32, #tpu.memory_space<hbm>>
      %dma_start3A_271 = tpu.memref_squeeze %dma_start3A_270 : memref<1x39x128xi32, #tpu.memory_space<hbm>> -> memref<39x128xi32, #tpu.memory_space<hbm>>
      tpu.enqueue_dma source(%dma_start3A_271 : memref<39x128xi32, #tpu.memory_space<hbm>>) target(%arg4 : memref<39x128xi32, #tpu.memory_space<vmem>>) target_semaphore(%run_scoped3A_266 : memref<!tpu.dma_semaphore, #tpu.memory_space<semaphore_mem>>)
      %dma_wait3A_272 = arith.constant 0 : i32
      %dma_wait3A_273 = tpu.memref_slice %arg2[%run_scoped3A, %add3A_28, %dma_wait3A_272] : memref<2x2500x128xi32, #tpu.memory_space<hbm>> -> memref<1x39x128xi32, #tpu.memory_space<hbm>>
      %dma_wait3A_274 = tpu.memref_squeeze %dma_wait3A_273 : memref<1x39x128xi32, #tpu.memory_space<hbm>> -> memref<39x128xi32, #tpu.memory_space<hbm>>
      %dma_wait3A_275 = arith.constant 0 : i32
      %dma_wait3A_276 = tpu.memref_slice %arg2[%run_scoped3A, %add3A_28, %dma_wait3A_275] : memref<2x2500x128xi32, #tpu.memory_space<hbm>> -> memref<1x39x128xi32, #tpu.memory_space<hbm>>
      %dma_wait3A_277 = tpu.memref_squeeze %dma_wait3A_276 : memref<1x39x128xi32, #tpu.memory_space<hbm>> -> memref<39x128xi32, #tpu.memory_space<hbm>>
      tpu.wait_dma2 semaphore(%run_scoped3A_266 : memref<!tpu.dma_semaphore, #tpu.memory_space<semaphore_mem>>) src(%dma_wait3A_277 : memref<39x128xi32, #tpu.memory_space<hbm>>) dst(%arg4 : memref<39x128xi32, #tpu.memory_space<vmem>>)
      tpu.yield
    }) : () -> ()
    %scan3A_29 = arith.constant 0 : i32
    %scan3A_30 = arith.constant 39 : i32
    %scan3A_31 = arith.addi %scan3A_29, %scan3A_30 : i32
    %scan3A_32 = arith.constant 1 : i32
    scf.for %scan3A_266 = %scan3A_29 to %scan3A_31 step %scan3A_32  : i32 {
      %dma_start3A = arith.constant 0 : i32
      %dma_start3A_267 = tpu.memref_slice %arg4[%scan3A_266, %dma_start3A] : memref<39x128xi32, #tpu.memory_space<vmem>> -> memref<1x128xi32, #tpu.memory_space<vmem>>
      %dma_start3A_268 = tpu.memref_squeeze %dma_start3A_267 : memref<1x128xi32, #tpu.memory_space<vmem>> -> memref<128xi32, #tpu.memory_space<vmem>>
      %dma_start3A_269 = arith.constant 0 : i32
      %dma_start3A_270 = arith.constant 0 : i32
      %dma_start3A_271 = tpu.memref_slice %arg8[%dma_start3A_269, %dma_start3A_270] : memref<10000x16xf32, #tpu.memory_space<vmem_shared>> -> memref<10000x16xf32, #tpu.memory_space<vmem_shared>>
      tpu.enqueue_indirect_dma source(%arg6 : memref<128x16xf32, #tpu.memory_space<vmem>>) target(%dma_start3A_271 : memref<10000x16xf32, #tpu.memory_space<vmem_shared>>) offsets(%dma_start3A_268 : memref<128xi32, #tpu.memory_space<vmem>>) semaphore(%arg9 : memref<!tpu.dma_semaphore, #tpu.memory_space<semaphore_mem>>) {add = true}
      %ge3A = arith.constant 12 : i32
      %ge3A_272 = arith.cmpi sge, %scan3A_266, %ge3A : i32
      %convert_element_type3A_273 = arith.extui %ge3A_272 : i1 to i32
      %cond3A_274 = arith.constant 0 : i32
      %cond3A_275 = arith.cmpi ne, %convert_element_type3A_273, %cond3A_274 : i32
      scf.if %cond3A_275 {
        %dma_wait3A_276 = arith.constant 0 : i32
        %dma_wait3A_277 = arith.constant 0 : i32
        %dma_wait3A_278 = arith.constant 0 : i32
        %dma_wait3A_279 = tpu.memref_slice %arg3[%dma_wait3A_276, %dma_wait3A_277, %dma_wait3A_278] : memref<2x10000x16xf32, #tpu.memory_space<hbm>> -> memref<1x128x16xf32, #tpu.memory_space<hbm>>
        %dma_wait3A_280 = tpu.memref_squeeze %dma_wait3A_279 : memref<1x128x16xf32, #tpu.memory_space<hbm>> -> memref<128x16xf32, #tpu.memory_space<hbm>>
        %dma_wait3A_281 = arith.constant 0 : i32
        %dma_wait3A_282 = arith.constant 0 : i32
        %dma_wait3A_283 = tpu.memref_slice %arg3[%dma_wait3A_276, %dma_wait3A_281, %dma_wait3A_282] : memref<2x10000x16xf32, #tpu.memory_space<hbm>> -> memref<1x128x16xf32, #tpu.memory_space<hbm>>
        %dma_wait3A_284 = tpu.memref_squeeze %dma_wait3A_283 : memref<1x128x16xf32, #tpu.memory_space<hbm>> -> memref<128x16xf32, #tpu.memory_space<hbm>>
        tpu.wait_dma2 semaphore(%arg9 : memref<!tpu.dma_semaphore, #tpu.memory_space<semaphore_mem>>) src(%dma_wait3A_284 : memref<128x16xf32, #tpu.memory_space<hbm>>) dst(%arg7 : memref<128x16xf32, #tpu.memory_space<vmem>>)
      } else {
      }
    }
    %scan3A_33 = arith.constant 39 : i32
    %dma_wait3A = arith.constant 0 : i32
    %dma_wait3A_34 = arith.constant 0 : i32
    %dma_wait3A_35 = arith.constant 0 : i32
    %dma_wait3A_36 = tpu.memref_slice %arg3[%dma_wait3A, %dma_wait3A_34, %dma_wait3A_35] : memref<2x10000x16xf32, #tpu.memory_space<hbm>> -> memref<1x128x16xf32, #tpu.memory_space<hbm>>
    %dma_wait3A_37 = tpu.memref_squeeze %dma_wait3A_36 : memref<1x128x16xf32, #tpu.memory_space<hbm>> -> memref<128x16xf32, #tpu.memory_space<hbm>>
    %dma_wait3A_38 = arith.constant 0 : i32
    %dma_wait3A_39 = arith.constant 0 : i32
    %dma_wait3A_40 = tpu.memref_slice %arg3[%dma_wait3A, %dma_wait3A_38, %dma_wait3A_39] : memref<2x10000x16xf32, #tpu.memory_space<hbm>> -> memref<1x128x16xf32, #tpu.memory_space<hbm>>
    %dma_wait3A_41 = tpu.memref_squeeze %dma_wait3A_40 : memref<1x128x16xf32, #tpu.memory_space<hbm>> -> memref<128x16xf32, #tpu.memory_space<hbm>>
    tpu.wait_dma2 semaphore(%arg9 : memref<!tpu.dma_semaphore, #tpu.memory_space<semaphore_mem>>) src(%dma_wait3A_41 : memref<128x16xf32, #tpu.memory_space<hbm>>) dst(%arg7 : memref<128x16xf32, #tpu.memory_space<vmem>>)
    %dma_wait3A_42 = arith.constant 0 : i32
    %dma_wait3A_43 = arith.constant 0 : i32
    %dma_wait3A_44 = arith.constant 0 : i32
    %dma_wait3A_45 = tpu.memref_slice %arg3[%dma_wait3A_42, %dma_wait3A_43, %dma_wait3A_44] : memref<2x10000x16xf32, #tpu.memory_space<hbm>> -> memref<1x128x16xf32, #tpu.memory_space<hbm>>
    %dma_wait3A_46 = tpu.memref_squeeze %dma_wait3A_45 : memref<1x128x16xf32, #tpu.memory_space<hbm>> -> memref<128x16xf32, #tpu.memory_space<hbm>>
    %dma_wait3A_47 = arith.constant 0 : i32
    %dma_wait3A_48 = arith.constant 0 : i32
    %dma_wait3A_49 = tpu.memref_slice %arg3[%dma_wait3A_42, %dma_wait3A_47, %dma_wait3A_48] : memref<2x10000x16xf32, #tpu.memory_space<hbm>> -> memref<1x128x16xf32, #tpu.memory_space<hbm>>
    %dma_wait3A_50 = tpu.memref_squeeze %dma_wait3A_49 : memref<1x128x16xf32, #tpu.memory_space<hbm>> -> memref<128x16xf32, #tpu.memory_space<hbm>>
    tpu.wait_dma2 semaphore(%arg9 : memref<!tpu.dma_semaphore, #tpu.memory_space<semaphore_mem>>) src(%dma_wait3A_50 : memref<128x16xf32, #tpu.memory_space<hbm>>) dst(%arg7 : memref<128x16xf32, #tpu.memory_space<vmem>>)
    %dma_wait3A_51 = arith.constant 0 : i32
    %dma_wait3A_52 = arith.constant 0 : i32
    %dma_wait3A_53 = arith.constant 0 : i32
    %dma_wait3A_54 = tpu.memref_slice %arg3[%dma_wait3A_51, %dma_wait3A_52, %dma_wait3A_53] : memref<2x10000x16xf32, #tpu.memory_space<hbm>> -> memref<1x128x16xf32, #tpu.memory_space<hbm>>
    %dma_wait3A_55 = tpu.memref_squeeze %dma_wait3A_54 : memref<1x128x16xf32, #tpu.memory_space<hbm>> -> memref<128x16xf32, #tpu.memory_space<hbm>>
    %dma_wait3A_56 = arith.constant 0 : i32
    %dma_wait3A_57 = arith.constant 0 : i32
    %dma_wait3A_58 = tpu.memref_slice %arg3[%dma_wait3A_51, %dma_wait3A_56, %dma_wait3A_57] : memref<2x10000x16xf32, #tpu.memory_space<hbm>> -> memref<1x128x16xf32, #tpu.memory_space<hbm>>
    %dma_wait3A_59 = tpu.memref_squeeze %dma_wait3A_58 : memref<1x128x16xf32, #tpu.memory_space<hbm>> -> memref<128x16xf32, #tpu.memory_space<hbm>>
    tpu.wait_dma2 semaphore(%arg9 : memref<!tpu.dma_semaphore, #tpu.memory_space<semaphore_mem>>) src(%dma_wait3A_59 : memref<128x16xf32, #tpu.memory_space<hbm>>) dst(%arg7 : memref<128x16xf32, #tpu.memory_space<vmem>>)
    %dma_wait3A_60 = arith.constant 0 : i32
    %dma_wait3A_61 = arith.constant 0 : i32
    %dma_wait3A_62 = arith.constant 0 : i32
    %dma_wait3A_63 = tpu.memref_slice %arg3[%dma_wait3A_60, %dma_wait3A_61, %dma_wait3A_62] : memref<2x10000x16xf32, #tpu.memory_space<hbm>> -> memref<1x128x16xf32, #tpu.memory_space<hbm>>
    %dma_wait3A_64 = tpu.memref_squeeze %dma_wait3A_63 : memref<1x128x16xf32, #tpu.memory_space<hbm>> -> memref<128x16xf32, #tpu.memory_space<hbm>>
    %dma_wait3A_65 = arith.constant 0 : i32
    %dma_wait3A_66 = arith.constant 0 : i32
    %dma_wait3A_67 = tpu.memref_slice %arg3[%dma_wait3A_60, %dma_wait3A_65, %dma_wait3A_66] : memref<2x10000x16xf32, #tpu.memory_space<hbm>> -> memref<1x128x16xf32, #tpu.memory_space<hbm>>
    %dma_wait3A_68 = tpu.memref_squeeze %dma_wait3A_67 : memref<1x128x16xf32, #tpu.memory_space<hbm>> -> memref<128x16xf32, #tpu.memory_space<hbm>>
    tpu.wait_dma2 semaphore(%arg9 : memref<!tpu.dma_semaphore, #tpu.memory_space<semaphore_mem>>) src(%dma_wait3A_68 : memref<128x16xf32, #tpu.memory_space<hbm>>) dst(%arg7 : memref<128x16xf32, #tpu.memory_space<vmem>>)
    %dma_wait3A_69 = arith.constant 0 : i32
    %dma_wait3A_70 = arith.constant 0 : i32
    %dma_wait3A_71 = arith.constant 0 : i32
    %dma_wait3A_72 = tpu.memref_slice %arg3[%dma_wait3A_69, %dma_wait3A_70, %dma_wait3A_71] : memref<2x10000x16xf32, #tpu.memory_space<hbm>> -> memref<1x128x16xf32, #tpu.memory_space<hbm>>
    %dma_wait3A_73 = tpu.memref_squeeze %dma_wait3A_72 : memref<1x128x16xf32, #tpu.memory_space<hbm>> -> memref<128x16xf32, #tpu.memory_space<hbm>>
    %dma_wait3A_74 = arith.constant 0 : i32
    %dma_wait3A_75 = arith.constant 0 : i32
    %dma_wait3A_76 = tpu.memref_slice %arg3[%dma_wait3A_69, %dma_wait3A_74, %dma_wait3A_75] : memref<2x10000x16xf32, #tpu.memory_space<hbm>> -> memref<1x128x16xf32, #tpu.memory_space<hbm>>
    %dma_wait3A_77 = tpu.memref_squeeze %dma_wait3A_76 : memref<1x128x16xf32, #tpu.memory_space<hbm>> -> memref<128x16xf32, #tpu.memory_space<hbm>>
    tpu.wait_dma2 semaphore(%arg9 : memref<!tpu.dma_semaphore, #tpu.memory_space<semaphore_mem>>) src(%dma_wait3A_77 : memref<128x16xf32, #tpu.memory_space<hbm>>) dst(%arg7 : memref<128x16xf32, #tpu.memory_space<vmem>>)
    %dma_wait3A_78 = arith.constant 0 : i32
    %dma_wait3A_79 = arith.constant 0 : i32
    %dma_wait3A_80 = arith.constant 0 : i32
    %dma_wait3A_81 = tpu.memref_slice %arg3[%dma_wait3A_78, %dma_wait3A_79, %dma_wait3A_80] : memref<2x10000x16xf32, #tpu.memory_space<hbm>> -> memref<1x128x16xf32, #tpu.memory_space<hbm>>
    %dma_wait3A_82 = tpu.memref_squeeze %dma_wait3A_81 : memref<1x128x16xf32, #tpu.memory_space<hbm>> -> memref<128x16xf32, #tpu.memory_space<hbm>>
    %dma_wait3A_83 = arith.constant 0 : i32
    %dma_wait3A_84 = arith.constant 0 : i32
    %dma_wait3A_85 = tpu.memref_slice %arg3[%dma_wait3A_78, %dma_wait3A_83, %dma_wait3A_84] : memref<2x10000x16xf32, #tpu.memory_space<hbm>> -> memref<1x128x16xf32, #tpu.memory_space<hbm>>
    %dma_wait3A_86 = tpu.memref_squeeze %dma_wait3A_85 : memref<1x128x16xf32, #tpu.memory_space<hbm>> -> memref<128x16xf32, #tpu.memory_space<hbm>>
    tpu.wait_dma2 semaphore(%arg9 : memref<!tpu.dma_semaphore, #tpu.memory_space<semaphore_mem>>) src(%dma_wait3A_86 : memref<128x16xf32, #tpu.memory_space<hbm>>) dst(%arg7 : memref<128x16xf32, #tpu.memory_space<vmem>>)
    %dma_wait3A_87 = arith.constant 0 : i32
    %dma_wait3A_88 = arith.constant 0 : i32
    %dma_wait3A_89 = arith.constant 0 : i32
    %dma_wait3A_90 = tpu.memref_slice %arg3[%dma_wait3A_87, %dma_wait3A_88, %dma_wait3A_89] : memref<2x10000x16xf32, #tpu.memory_space<hbm>> -> memref<1x128x16xf32, #tpu.memory_space<hbm>>
    %dma_wait3A_91 = tpu.memref_squeeze %dma_wait3A_90 : memref<1x128x16xf32, #tpu.memory_space<hbm>> -> memref<128x16xf32, #tpu.memory_space<hbm>>
    %dma_wait3A_92 = arith.constant 0 : i32
    %dma_wait3A_93 = arith.constant 0 : i32
    %dma_wait3A_94 = tpu.memref_slice %arg3[%dma_wait3A_87, %dma_wait3A_92, %dma_wait3A_93] : memref<2x10000x16xf32, #tpu.memory_space<hbm>> -> memref<1x128x16xf32, #tpu.memory_space<hbm>>
    %dma_wait3A_95 = tpu.memref_squeeze %dma_wait3A_94 : memref<1x128x16xf32, #tpu.memory_space<hbm>> -> memref<128x16xf32, #tpu.memory_space<hbm>>
    tpu.wait_dma2 semaphore(%arg9 : memref<!tpu.dma_semaphore, #tpu.memory_space<semaphore_mem>>) src(%dma_wait3A_95 : memref<128x16xf32, #tpu.memory_space<hbm>>) dst(%arg7 : memref<128x16xf32, #tpu.memory_space<vmem>>)
    %dma_wait3A_96 = arith.constant 0 : i32
    %dma_wait3A_97 = arith.constant 0 : i32
    %dma_wait3A_98 = arith.constant 0 : i32
    %dma_wait3A_99 = tpu.memref_slice %arg3[%dma_wait3A_96, %dma_wait3A_97, %dma_wait3A_98] : memref<2x10000x16xf32, #tpu.memory_space<hbm>> -> memref<1x128x16xf32, #tpu.memory_space<hbm>>
    %dma_wait3A_100 = tpu.memref_squeeze %dma_wait3A_99 : memref<1x128x16xf32, #tpu.memory_space<hbm>> -> memref<128x16xf32, #tpu.memory_space<hbm>>
    %dma_wait3A_101 = arith.constant 0 : i32
    %dma_wait3A_102 = arith.constant 0 : i32
    %dma_wait3A_103 = tpu.memref_slice %arg3[%dma_wait3A_96, %dma_wait3A_101, %dma_wait3A_102] : memref<2x10000x16xf32, #tpu.memory_space<hbm>> -> memref<1x128x16xf32, #tpu.memory_space<hbm>>
    %dma_wait3A_104 = tpu.memref_squeeze %dma_wait3A_103 : memref<1x128x16xf32, #tpu.memory_space<hbm>> -> memref<128x16xf32, #tpu.memory_space<hbm>>
    tpu.wait_dma2 semaphore(%arg9 : memref<!tpu.dma_semaphore, #tpu.memory_space<semaphore_mem>>) src(%dma_wait3A_104 : memref<128x16xf32, #tpu.memory_space<hbm>>) dst(%arg7 : memref<128x16xf32, #tpu.memory_space<vmem>>)
    %dma_wait3A_105 = arith.constant 0 : i32
    %dma_wait3A_106 = arith.constant 0 : i32
    %dma_wait3A_107 = arith.constant 0 : i32
    %dma_wait3A_108 = tpu.memref_slice %arg3[%dma_wait3A_105, %dma_wait3A_106, %dma_wait3A_107] : memref<2x10000x16xf32, #tpu.memory_space<hbm>> -> memref<1x128x16xf32, #tpu.memory_space<hbm>>
    %dma_wait3A_109 = tpu.memref_squeeze %dma_wait3A_108 : memref<1x128x16xf32, #tpu.memory_space<hbm>> -> memref<128x16xf32, #tpu.memory_space<hbm>>
    %dma_wait3A_110 = arith.constant 0 : i32
    %dma_wait3A_111 = arith.constant 0 : i32
    %dma_wait3A_112 = tpu.memref_slice %arg3[%dma_wait3A_105, %dma_wait3A_110, %dma_wait3A_111] : memref<2x10000x16xf32, #tpu.memory_space<hbm>> -> memref<1x128x16xf32, #tpu.memory_space<hbm>>
    %dma_wait3A_113 = tpu.memref_squeeze %dma_wait3A_112 : memref<1x128x16xf32, #tpu.memory_space<hbm>> -> memref<128x16xf32, #tpu.memory_space<hbm>>
    tpu.wait_dma2 semaphore(%arg9 : memref<!tpu.dma_semaphore, #tpu.memory_space<semaphore_mem>>) src(%dma_wait3A_113 : memref<128x16xf32, #tpu.memory_space<hbm>>) dst(%arg7 : memref<128x16xf32, #tpu.memory_space<vmem>>)
    %dma_wait3A_114 = arith.constant 0 : i32
    %dma_wait3A_115 = arith.constant 0 : i32
    %dma_wait3A_116 = arith.constant 0 : i32
    %dma_wait3A_117 = tpu.memref_slice %arg3[%dma_wait3A_114, %dma_wait3A_115, %dma_wait3A_116] : memref<2x10000x16xf32, #tpu.memory_space<hbm>> -> memref<1x128x16xf32, #tpu.memory_space<hbm>>
    %dma_wait3A_118 = tpu.memref_squeeze %dma_wait3A_117 : memref<1x128x16xf32, #tpu.memory_space<hbm>> -> memref<128x16xf32, #tpu.memory_space<hbm>>
    %dma_wait3A_119 = arith.constant 0 : i32
    %dma_wait3A_120 = arith.constant 0 : i32
    %dma_wait3A_121 = tpu.memref_slice %arg3[%dma_wait3A_114, %dma_wait3A_119, %dma_wait3A_120] : memref<2x10000x16xf32, #tpu.memory_space<hbm>> -> memref<1x128x16xf32, #tpu.memory_space<hbm>>
    %dma_wait3A_122 = tpu.memref_squeeze %dma_wait3A_121 : memref<1x128x16xf32, #tpu.memory_space<hbm>> -> memref<128x16xf32, #tpu.memory_space<hbm>>
    tpu.wait_dma2 semaphore(%arg9 : memref<!tpu.dma_semaphore, #tpu.memory_space<semaphore_mem>>) src(%dma_wait3A_122 : memref<128x16xf32, #tpu.memory_space<hbm>>) dst(%arg7 : memref<128x16xf32, #tpu.memory_space<vmem>>)
    %dma_wait3A_123 = arith.constant 0 : i32
    %dma_wait3A_124 = arith.constant 0 : i32
    %dma_wait3A_125 = arith.constant 0 : i32
    %dma_wait3A_126 = tpu.memref_slice %arg3[%dma_wait3A_123, %dma_wait3A_124, %dma_wait3A_125] : memref<2x10000x16xf32, #tpu.memory_space<hbm>> -> memref<1x128x16xf32, #tpu.memory_space<hbm>>
    %dma_wait3A_127 = tpu.memref_squeeze %dma_wait3A_126 : memref<1x128x16xf32, #tpu.memory_space<hbm>> -> memref<128x16xf32, #tpu.memory_space<hbm>>
    %dma_wait3A_128 = arith.constant 0 : i32
    %dma_wait3A_129 = arith.constant 0 : i32
    %dma_wait3A_130 = tpu.memref_slice %arg3[%dma_wait3A_123, %dma_wait3A_128, %dma_wait3A_129] : memref<2x10000x16xf32, #tpu.memory_space<hbm>> -> memref<1x128x16xf32, #tpu.memory_space<hbm>>
    %dma_wait3A_131 = tpu.memref_squeeze %dma_wait3A_130 : memref<1x128x16xf32, #tpu.memory_space<hbm>> -> memref<128x16xf32, #tpu.memory_space<hbm>>
    tpu.wait_dma2 semaphore(%arg9 : memref<!tpu.dma_semaphore, #tpu.memory_space<semaphore_mem>>) src(%dma_wait3A_131 : memref<128x16xf32, #tpu.memory_space<hbm>>) dst(%arg7 : memref<128x16xf32, #tpu.memory_space<vmem>>)
    %dma_wait3A_132 = arith.constant 0 : i32
    %dma_wait3A_133 = arith.constant 0 : i32
    %dma_wait3A_134 = arith.constant 0 : i32
    %dma_wait3A_135 = tpu.memref_slice %arg3[%dma_wait3A_132, %dma_wait3A_133, %dma_wait3A_134] : memref<2x10000x16xf32, #tpu.memory_space<hbm>> -> memref<1x128x16xf32, #tpu.memory_space<hbm>>
    %dma_wait3A_136 = tpu.memref_squeeze %dma_wait3A_135 : memref<1x128x16xf32, #tpu.memory_space<hbm>> -> memref<128x16xf32, #tpu.memory_space<hbm>>
    %dma_wait3A_137 = arith.constant 0 : i32
    %dma_wait3A_138 = arith.constant 0 : i32
    %dma_wait3A_139 = tpu.memref_slice %arg3[%dma_wait3A_132, %dma_wait3A_137, %dma_wait3A_138] : memref<2x10000x16xf32, #tpu.memory_space<hbm>> -> memref<1x128x16xf32, #tpu.memory_space<hbm>>
    %dma_wait3A_140 = tpu.memref_squeeze %dma_wait3A_139 : memref<1x128x16xf32, #tpu.memory_space<hbm>> -> memref<128x16xf32, #tpu.memory_space<hbm>>
    tpu.wait_dma2 semaphore(%arg9 : memref<!tpu.dma_semaphore, #tpu.memory_space<semaphore_mem>>) src(%dma_wait3A_140 : memref<128x16xf32, #tpu.memory_space<hbm>>) dst(%arg7 : memref<128x16xf32, #tpu.memory_space<vmem>>)
    %mul3A_141 = arith.constant 78 : i32
    %mul3A_142 = arith.muli %add3A, %mul3A_141 : i32
    %add3A_143 = arith.constant 39 : i32
    %add3A_144 = arith.addi %mul3A_142, %add3A_143 : i32
    %run_scoped3A_145 = arith.constant 1 : i32
    "tpu.region"() ({
      %run_scoped3A_266 = tpu.sem_alloc : memref<!tpu.dma_semaphore, #tpu.memory_space<semaphore_mem>>
      %dma_start3A = arith.constant 0 : i32
      %dma_start3A_267 = tpu.memref_slice %arg2[%run_scoped3A_145, %add3A_144, %dma_start3A] : memref<2x2500x128xi32, #tpu.memory_space<hbm>> -> memref<1x39x128xi32, #tpu.memory_space<hbm>>
      %dma_start3A_268 = tpu.memref_squeeze %dma_start3A_267 : memref<1x39x128xi32, #tpu.memory_space<hbm>> -> memref<39x128xi32, #tpu.memory_space<hbm>>
      %dma_start3A_269 = arith.constant 0 : i32
      %dma_start3A_270 = tpu.memref_slice %arg2[%run_scoped3A_145, %add3A_144, %dma_start3A_269] : memref<2x2500x128xi32, #tpu.memory_space<hbm>> -> memref<1x39x128xi32, #tpu.memory_space<hbm>>
      %dma_start3A_271 = tpu.memref_squeeze %dma_start3A_270 : memref<1x39x128xi32, #tpu.memory_space<hbm>> -> memref<39x128xi32, #tpu.memory_space<hbm>>
      tpu.enqueue_dma source(%dma_start3A_271 : memref<39x128xi32, #tpu.memory_space<hbm>>) target(%arg4 : memref<39x128xi32, #tpu.memory_space<vmem>>) target_semaphore(%run_scoped3A_266 : memref<!tpu.dma_semaphore, #tpu.memory_space<semaphore_mem>>)
      %dma_wait3A_272 = arith.constant 0 : i32
      %dma_wait3A_273 = tpu.memref_slice %arg2[%run_scoped3A_145, %add3A_144, %dma_wait3A_272] : memref<2x2500x128xi32, #tpu.memory_space<hbm>> -> memref<1x39x128xi32, #tpu.memory_space<hbm>>
      %dma_wait3A_274 = tpu.memref_squeeze %dma_wait3A_273 : memref<1x39x128xi32, #tpu.memory_space<hbm>> -> memref<39x128xi32, #tpu.memory_space<hbm>>
      %dma_wait3A_275 = arith.constant 0 : i32
      %dma_wait3A_276 = tpu.memref_slice %arg2[%run_scoped3A_145, %add3A_144, %dma_wait3A_275] : memref<2x2500x128xi32, #tpu.memory_space<hbm>> -> memref<1x39x128xi32, #tpu.memory_space<hbm>>
      %dma_wait3A_277 = tpu.memref_squeeze %dma_wait3A_276 : memref<1x39x128xi32, #tpu.memory_space<hbm>> -> memref<39x128xi32, #tpu.memory_space<hbm>>
      tpu.wait_dma2 semaphore(%run_scoped3A_266 : memref<!tpu.dma_semaphore, #tpu.memory_space<semaphore_mem>>) src(%dma_wait3A_277 : memref<39x128xi32, #tpu.memory_space<hbm>>) dst(%arg4 : memref<39x128xi32, #tpu.memory_space<vmem>>)
      tpu.yield
    }) : () -> ()
    %scan3A_146 = arith.constant 0 : i32
    %scan3A_147 = arith.constant 39 : i32
    %scan3A_148 = arith.addi %scan3A_146, %scan3A_147 : i32
    %scan3A_149 = arith.constant 1 : i32
    scf.for %scan3A_266 = %scan3A_146 to %scan3A_148 step %scan3A_149  : i32 {
      %dma_start3A = arith.constant 0 : i32
      %dma_start3A_267 = tpu.memref_slice %arg4[%scan3A_266, %dma_start3A] : memref<39x128xi32, #tpu.memory_space<vmem>> -> memref<1x128xi32, #tpu.memory_space<vmem>>
      %dma_start3A_268 = tpu.memref_squeeze %dma_start3A_267 : memref<1x128xi32, #tpu.memory_space<vmem>> -> memref<128xi32, #tpu.memory_space<vmem>>
      %dma_start3A_269 = arith.constant 0 : i32
      %dma_start3A_270 = arith.constant 0 : i32
      %dma_start3A_271 = tpu.memref_slice %arg8[%dma_start3A_269, %dma_start3A_270] : memref<10000x16xf32, #tpu.memory_space<vmem_shared>> -> memref<10000x16xf32, #tpu.memory_space<vmem_shared>>
      tpu.enqueue_indirect_dma source(%arg6 : memref<128x16xf32, #tpu.memory_space<vmem>>) target(%dma_start3A_271 : memref<10000x16xf32, #tpu.memory_space<vmem_shared>>) offsets(%dma_start3A_268 : memref<128xi32, #tpu.memory_space<vmem>>) semaphore(%arg9 : memref<!tpu.dma_semaphore, #tpu.memory_space<semaphore_mem>>) {add = true}
      %ge3A = arith.constant 12 : i32
      %ge3A_272 = arith.cmpi sge, %scan3A_266, %ge3A : i32
      %convert_element_type3A_273 = arith.extui %ge3A_272 : i1 to i32
      %cond3A_274 = arith.constant 0 : i32
      %cond3A_275 = arith.cmpi ne, %convert_element_type3A_273, %cond3A_274 : i32
      scf.if %cond3A_275 {
        %dma_wait3A_276 = arith.constant 0 : i32
        %dma_wait3A_277 = arith.constant 0 : i32
        %dma_wait3A_278 = arith.constant 0 : i32
        %dma_wait3A_279 = tpu.memref_slice %arg3[%dma_wait3A_276, %dma_wait3A_277, %dma_wait3A_278] : memref<2x10000x16xf32, #tpu.memory_space<hbm>> -> memref<1x128x16xf32, #tpu.memory_space<hbm>>
        %dma_wait3A_280 = tpu.memref_squeeze %dma_wait3A_279 : memref<1x128x16xf32, #tpu.memory_space<hbm>> -> memref<128x16xf32, #tpu.memory_space<hbm>>
        %dma_wait3A_281 = arith.constant 0 : i32
        %dma_wait3A_282 = arith.constant 0 : i32
        %dma_wait3A_283 = tpu.memref_slice %arg3[%dma_wait3A_276, %dma_wait3A_281, %dma_wait3A_282] : memref<2x10000x16xf32, #tpu.memory_space<hbm>> -> memref<1x128x16xf32, #tpu.memory_space<hbm>>
        %dma_wait3A_284 = tpu.memref_squeeze %dma_wait3A_283 : memref<1x128x16xf32, #tpu.memory_space<hbm>> -> memref<128x16xf32, #tpu.memory_space<hbm>>
        tpu.wait_dma2 semaphore(%arg9 : memref<!tpu.dma_semaphore, #tpu.memory_space<semaphore_mem>>) src(%dma_wait3A_284 : memref<128x16xf32, #tpu.memory_space<hbm>>) dst(%arg7 : memref<128x16xf32, #tpu.memory_space<vmem>>)
      } else {
      }
    }
    %scan3A_150 = arith.constant 39 : i32
    %dma_wait3A_151 = arith.constant 0 : i32
    %dma_wait3A_152 = arith.constant 0 : i32
    %dma_wait3A_153 = arith.constant 0 : i32
    %dma_wait3A_154 = tpu.memref_slice %arg3[%dma_wait3A_151, %dma_wait3A_152, %dma_wait3A_153] : memref<2x10000x16xf32, #tpu.memory_space<hbm>> -> memref<1x128x16xf32, #tpu.memory_space<hbm>>
    %dma_wait3A_155 = tpu.memref_squeeze %dma_wait3A_154 : memref<1x128x16xf32, #tpu.memory_space<hbm>> -> memref<128x16xf32, #tpu.memory_space<hbm>>
    %dma_wait3A_156 = arith.constant 0 : i32
    %dma_wait3A_157 = arith.constant 0 : i32
    %dma_wait3A_158 = tpu.memref_slice %arg3[%dma_wait3A_151, %dma_wait3A_156, %dma_wait3A_157] : memref<2x10000x16xf32, #tpu.memory_space<hbm>> -> memref<1x128x16xf32, #tpu.memory_space<hbm>>
    %dma_wait3A_159 = tpu.memref_squeeze %dma_wait3A_158 : memref<1x128x16xf32, #tpu.memory_space<hbm>> -> memref<128x16xf32, #tpu.memory_space<hbm>>
    tpu.wait_dma2 semaphore(%arg9 : memref<!tpu.dma_semaphore, #tpu.memory_space<semaphore_mem>>) src(%dma_wait3A_159 : memref<128x16xf32, #tpu.memory_space<hbm>>) dst(%arg7 : memref<128x16xf32, #tpu.memory_space<vmem>>)
    %dma_wait3A_160 = arith.constant 0 : i32
    %dma_wait3A_161 = arith.constant 0 : i32
    %dma_wait3A_162 = arith.constant 0 : i32
    %dma_wait3A_163 = tpu.memref_slice %arg3[%dma_wait3A_160, %dma_wait3A_161, %dma_wait3A_162] : memref<2x10000x16xf32, #tpu.memory_space<hbm>> -> memref<1x128x16xf32, #tpu.memory_space<hbm>>
    %dma_wait3A_164 = tpu.memref_squeeze %dma_wait3A_163 : memref<1x128x16xf32, #tpu.memory_space<hbm>> -> memref<128x16xf32, #tpu.memory_space<hbm>>
    %dma_wait3A_165 = arith.constant 0 : i32
    %dma_wait3A_166 = arith.constant 0 : i32
    %dma_wait3A_167 = tpu.memref_slice %arg3[%dma_wait3A_160, %dma_wait3A_165, %dma_wait3A_166] : memref<2x10000x16xf32, #tpu.memory_space<hbm>> -> memref<1x128x16xf32, #tpu.memory_space<hbm>>
    %dma_wait3A_168 = tpu.memref_squeeze %dma_wait3A_167 : memref<1x128x16xf32, #tpu.memory_space<hbm>> -> memref<128x16xf32, #tpu.memory_space<hbm>>
    tpu.wait_dma2 semaphore(%arg9 : memref<!tpu.dma_semaphore, #tpu.memory_space<semaphore_mem>>) src(%dma_wait3A_168 : memref<128x16xf32, #tpu.memory_space<hbm>>) dst(%arg7 : memref<128x16xf32, #tpu.memory_space<vmem>>)
    %dma_wait3A_169 = arith.constant 0 : i32
    %dma_wait3A_170 = arith.constant 0 : i32
    %dma_wait3A_171 = arith.constant 0 : i32
    %dma_wait3A_172 = tpu.memref_slice %arg3[%dma_wait3A_169, %dma_wait3A_170, %dma_wait3A_171] : memref<2x10000x16xf32, #tpu.memory_space<hbm>> -> memref<1x128x16xf32, #tpu.memory_space<hbm>>
    %dma_wait3A_173 = tpu.memref_squeeze %dma_wait3A_172 : memref<1x128x16xf32, #tpu.memory_space<hbm>> -> memref<128x16xf32, #tpu.memory_space<hbm>>
    %dma_wait3A_174 = arith.constant 0 : i32
    %dma_wait3A_175 = arith.constant 0 : i32
    %dma_wait3A_176 = tpu.memref_slice %arg3[%dma_wait3A_169, %dma_wait3A_174, %dma_wait3A_175] : memref<2x10000x16xf32, #tpu.memory_space<hbm>> -> memref<1x128x16xf32, #tpu.memory_space<hbm>>
    %dma_wait3A_177 = tpu.memref_squeeze %dma_wait3A_176 : memref<1x128x16xf32, #tpu.memory_space<hbm>> -> memref<128x16xf32, #tpu.memory_space<hbm>>
    tpu.wait_dma2 semaphore(%arg9 : memref<!tpu.dma_semaphore, #tpu.memory_space<semaphore_mem>>) src(%dma_wait3A_177 : memref<128x16xf32, #tpu.memory_space<hbm>>) dst(%arg7 : memref<128x16xf32, #tpu.memory_space<vmem>>)
    %dma_wait3A_178 = arith.constant 0 : i32
    %dma_wait3A_179 = arith.constant 0 : i32
    %dma_wait3A_180 = arith.constant 0 : i32
    %dma_wait3A_181 = tpu.memref_slice %arg3[%dma_wait3A_178, %dma_wait3A_179, %dma_wait3A_180] : memref<2x10000x16xf32, #tpu.memory_space<hbm>> -> memref<1x128x16xf32, #tpu.memory_space<hbm>>
    %dma_wait3A_182 = tpu.memref_squeeze %dma_wait3A_181 : memref<1x128x16xf32, #tpu.memory_space<hbm>> -> memref<128x16xf32, #tpu.memory_space<hbm>>
    %dma_wait3A_183 = arith.constant 0 : i32
    %dma_wait3A_184 = arith.constant 0 : i32
    %dma_wait3A_185 = tpu.memref_slice %arg3[%dma_wait3A_178, %dma_wait3A_183, %dma_wait3A_184] : memref<2x10000x16xf32, #tpu.memory_space<hbm>> -> memref<1x128x16xf32, #tpu.memory_space<hbm>>
    %dma_wait3A_186 = tpu.memref_squeeze %dma_wait3A_185 : memref<1x128x16xf32, #tpu.memory_space<hbm>> -> memref<128x16xf32, #tpu.memory_space<hbm>>
    tpu.wait_dma2 semaphore(%arg9 : memref<!tpu.dma_semaphore, #tpu.memory_space<semaphore_mem>>) src(%dma_wait3A_186 : memref<128x16xf32, #tpu.memory_space<hbm>>) dst(%arg7 : memref<128x16xf32, #tpu.memory_space<vmem>>)
    %dma_wait3A_187 = arith.constant 0 : i32
    %dma_wait3A_188 = arith.constant 0 : i32
    %dma_wait3A_189 = arith.constant 0 : i32
    %dma_wait3A_190 = tpu.memref_slice %arg3[%dma_wait3A_187, %dma_wait3A_188, %dma_wait3A_189] : memref<2x10000x16xf32, #tpu.memory_space<hbm>> -> memref<1x128x16xf32, #tpu.memory_space<hbm>>
    %dma_wait3A_191 = tpu.memref_squeeze %dma_wait3A_190 : memref<1x128x16xf32, #tpu.memory_space<hbm>> -> memref<128x16xf32, #tpu.memory_space<hbm>>
    %dma_wait3A_192 = arith.constant 0 : i32
    %dma_wait3A_193 = arith.constant 0 : i32
    %dma_wait3A_194 = tpu.memref_slice %arg3[%dma_wait3A_187, %dma_wait3A_192, %dma_wait3A_193] : memref<2x10000x16xf32, #tpu.memory_space<hbm>> -> memref<1x128x16xf32, #tpu.memory_space<hbm>>
    %dma_wait3A_195 = tpu.memref_squeeze %dma_wait3A_194 : memref<1x128x16xf32, #tpu.memory_space<hbm>> -> memref<128x16xf32, #tpu.memory_space<hbm>>
    tpu.wait_dma2 semaphore(%arg9 : memref<!tpu.dma_semaphore, #tpu.memory_space<semaphore_mem>>) src(%dma_wait3A_195 : memref<128x16xf32, #tpu.memory_space<hbm>>) dst(%arg7 : memref<128x16xf32, #tpu.memory_space<vmem>>)
    %dma_wait3A_196 = arith.constant 0 : i32
    %dma_wait3A_197 = arith.constant 0 : i32
    %dma_wait3A_198 = arith.constant 0 : i32
    %dma_wait3A_199 = tpu.memref_slice %arg3[%dma_wait3A_196, %dma_wait3A_197, %dma_wait3A_198] : memref<2x10000x16xf32, #tpu.memory_space<hbm>> -> memref<1x128x16xf32, #tpu.memory_space<hbm>>
    %dma_wait3A_200 = tpu.memref_squeeze %dma_wait3A_199 : memref<1x128x16xf32, #tpu.memory_space<hbm>> -> memref<128x16xf32, #tpu.memory_space<hbm>>
    %dma_wait3A_201 = arith.constant 0 : i32
    %dma_wait3A_202 = arith.constant 0 : i32
    %dma_wait3A_203 = tpu.memref_slice %arg3[%dma_wait3A_196, %dma_wait3A_201, %dma_wait3A_202] : memref<2x10000x16xf32, #tpu.memory_space<hbm>> -> memref<1x128x16xf32, #tpu.memory_space<hbm>>
    %dma_wait3A_204 = tpu.memref_squeeze %dma_wait3A_203 : memref<1x128x16xf32, #tpu.memory_space<hbm>> -> memref<128x16xf32, #tpu.memory_space<hbm>>
    tpu.wait_dma2 semaphore(%arg9 : memref<!tpu.dma_semaphore, #tpu.memory_space<semaphore_mem>>) src(%dma_wait3A_204 : memref<128x16xf32, #tpu.memory_space<hbm>>) dst(%arg7 : memref<128x16xf32, #tpu.memory_space<vmem>>)
    %dma_wait3A_205 = arith.constant 0 : i32
    %dma_wait3A_206 = arith.constant 0 : i32
    %dma_wait3A_207 = arith.constant 0 : i32
    %dma_wait3A_208 = tpu.memref_slice %arg3[%dma_wait3A_205, %dma_wait3A_206, %dma_wait3A_207] : memref<2x10000x16xf32, #tpu.memory_space<hbm>> -> memref<1x128x16xf32, #tpu.memory_space<hbm>>
    %dma_wait3A_209 = tpu.memref_squeeze %dma_wait3A_208 : memref<1x128x16xf32, #tpu.memory_space<hbm>> -> memref<128x16xf32, #tpu.memory_space<hbm>>
    %dma_wait3A_210 = arith.constant 0 : i32
    %dma_wait3A_211 = arith.constant 0 : i32
    %dma_wait3A_212 = tpu.memref_slice %arg3[%dma_wait3A_205, %dma_wait3A_210, %dma_wait3A_211] : memref<2x10000x16xf32, #tpu.memory_space<hbm>> -> memref<1x128x16xf32, #tpu.memory_space<hbm>>
    %dma_wait3A_213 = tpu.memref_squeeze %dma_wait3A_212 : memref<1x128x16xf32, #tpu.memory_space<hbm>> -> memref<128x16xf32, #tpu.memory_space<hbm>>
    tpu.wait_dma2 semaphore(%arg9 : memref<!tpu.dma_semaphore, #tpu.memory_space<semaphore_mem>>) src(%dma_wait3A_213 : memref<128x16xf32, #tpu.memory_space<hbm>>) dst(%arg7 : memref<128x16xf32, #tpu.memory_space<vmem>>)
    %dma_wait3A_214 = arith.constant 0 : i32
    %dma_wait3A_215 = arith.constant 0 : i32
    %dma_wait3A_216 = arith.constant 0 : i32
    %dma_wait3A_217 = tpu.memref_slice %arg3[%dma_wait3A_214, %dma_wait3A_215, %dma_wait3A_216] : memref<2x10000x16xf32, #tpu.memory_space<hbm>> -> memref<1x128x16xf32, #tpu.memory_space<hbm>>
    %dma_wait3A_218 = tpu.memref_squeeze %dma_wait3A_217 : memref<1x128x16xf32, #tpu.memory_space<hbm>> -> memref<128x16xf32, #tpu.memory_space<hbm>>
    %dma_wait3A_219 = arith.constant 0 : i32
    %dma_wait3A_220 = arith.constant 0 : i32
    %dma_wait3A_221 = tpu.memref_slice %arg3[%dma_wait3A_214, %dma_wait3A_219, %dma_wait3A_220] : memref<2x10000x16xf32, #tpu.memory_space<hbm>> -> memref<1x128x16xf32, #tpu.memory_space<hbm>>
    %dma_wait3A_222 = tpu.memref_squeeze %dma_wait3A_221 : memref<1x128x16xf32, #tpu.memory_space<hbm>> -> memref<128x16xf32, #tpu.memory_space<hbm>>
    tpu.wait_dma2 semaphore(%arg9 : memref<!tpu.dma_semaphore, #tpu.memory_space<semaphore_mem>>) src(%dma_wait3A_222 : memref<128x16xf32, #tpu.memory_space<hbm>>) dst(%arg7 : memref<128x16xf32, #tpu.memory_space<vmem>>)
    %dma_wait3A_223 = arith.constant 0 : i32
    %dma_wait3A_224 = arith.constant 0 : i32
    %dma_wait3A_225 = arith.constant 0 : i32
    %dma_wait3A_226 = tpu.memref_slice %arg3[%dma_wait3A_223, %dma_wait3A_224, %dma_wait3A_225] : memref<2x10000x16xf32, #tpu.memory_space<hbm>> -> memref<1x128x16xf32, #tpu.memory_space<hbm>>
    %dma_wait3A_227 = tpu.memref_squeeze %dma_wait3A_226 : memref<1x128x16xf32, #tpu.memory_space<hbm>> -> memref<128x16xf32, #tpu.memory_space<hbm>>
    %dma_wait3A_228 = arith.constant 0 : i32
    %dma_wait3A_229 = arith.constant 0 : i32
    %dma_wait3A_230 = tpu.memref_slice %arg3[%dma_wait3A_223, %dma_wait3A_228, %dma_wait3A_229] : memref<2x10000x16xf32, #tpu.memory_space<hbm>> -> memref<1x128x16xf32, #tpu.memory_space<hbm>>
    %dma_wait3A_231 = tpu.memref_squeeze %dma_wait3A_230 : memref<1x128x16xf32, #tpu.memory_space<hbm>> -> memref<128x16xf32, #tpu.memory_space<hbm>>
    tpu.wait_dma2 semaphore(%arg9 : memref<!tpu.dma_semaphore, #tpu.memory_space<semaphore_mem>>) src(%dma_wait3A_231 : memref<128x16xf32, #tpu.memory_space<hbm>>) dst(%arg7 : memref<128x16xf32, #tpu.memory_space<vmem>>)
    %dma_wait3A_232 = arith.constant 0 : i32
    %dma_wait3A_233 = arith.constant 0 : i32
    %dma_wait3A_234 = arith.constant 0 : i32
    %dma_wait3A_235 = tpu.memref_slice %arg3[%dma_wait3A_232, %dma_wait3A_233, %dma_wait3A_234] : memref<2x10000x16xf32, #tpu.memory_space<hbm>> -> memref<1x128x16xf32, #tpu.memory_space<hbm>>
    %dma_wait3A_236 = tpu.memref_squeeze %dma_wait3A_235 : memref<1x128x16xf32, #tpu.memory_space<hbm>> -> memref<128x16xf32, #tpu.memory_space<hbm>>
    %dma_wait3A_237 = arith.constant 0 : i32
    %dma_wait3A_238 = arith.constant 0 : i32
    %dma_wait3A_239 = tpu.memref_slice %arg3[%dma_wait3A_232, %dma_wait3A_237, %dma_wait3A_238] : memref<2x10000x16xf32, #tpu.memory_space<hbm>> -> memref<1x128x16xf32, #tpu.memory_space<hbm>>
    %dma_wait3A_240 = tpu.memref_squeeze %dma_wait3A_239 : memref<1x128x16xf32, #tpu.memory_space<hbm>> -> memref<128x16xf32, #tpu.memory_space<hbm>>
    tpu.wait_dma2 semaphore(%arg9 : memref<!tpu.dma_semaphore, #tpu.memory_space<semaphore_mem>>) src(%dma_wait3A_240 : memref<128x16xf32, #tpu.memory_space<hbm>>) dst(%arg7 : memref<128x16xf32, #tpu.memory_space<vmem>>)
    %dma_wait3A_241 = arith.constant 0 : i32
    %dma_wait3A_242 = arith.constant 0 : i32
    %dma_wait3A_243 = arith.constant 0 : i32
    %dma_wait3A_244 = tpu.memref_slice %arg3[%dma_wait3A_241, %dma_wait3A_242, %dma_wait3A_243] : memref<2x10000x16xf32, #tpu.memory_space<hbm>> -> memref<1x128x16xf32, #tpu.memory_space<hbm>>
    %dma_wait3A_245 = tpu.memref_squeeze %dma_wait3A_244 : memref<1x128x16xf32, #tpu.memory_space<hbm>> -> memref<128x16xf32, #tpu.memory_space<hbm>>
    %dma_wait3A_246 = arith.constant 0 : i32
    %dma_wait3A_247 = arith.constant 0 : i32
    %dma_wait3A_248 = tpu.memref_slice %arg3[%dma_wait3A_241, %dma_wait3A_246, %dma_wait3A_247] : memref<2x10000x16xf32, #tpu.memory_space<hbm>> -> memref<1x128x16xf32, #tpu.memory_space<hbm>>
    %dma_wait3A_249 = tpu.memref_squeeze %dma_wait3A_248 : memref<1x128x16xf32, #tpu.memory_space<hbm>> -> memref<128x16xf32, #tpu.memory_space<hbm>>
    tpu.wait_dma2 semaphore(%arg9 : memref<!tpu.dma_semaphore, #tpu.memory_space<semaphore_mem>>) src(%dma_wait3A_249 : memref<128x16xf32, #tpu.memory_space<hbm>>) dst(%arg7 : memref<128x16xf32, #tpu.memory_space<vmem>>)
    %dma_wait3A_250 = arith.constant 0 : i32
    %dma_wait3A_251 = arith.constant 0 : i32
    %dma_wait3A_252 = arith.constant 0 : i32
    %dma_wait3A_253 = tpu.memref_slice %arg3[%dma_wait3A_250, %dma_wait3A_251, %dma_wait3A_252] : memref<2x10000x16xf32, #tpu.memory_space<hbm>> -> memref<1x128x16xf32, #tpu.memory_space<hbm>>
    %dma_wait3A_254 = tpu.memref_squeeze %dma_wait3A_253 : memref<1x128x16xf32, #tpu.memory_space<hbm>> -> memref<128x16xf32, #tpu.memory_space<hbm>>
    %dma_wait3A_255 = arith.constant 0 : i32
    %dma_wait3A_256 = arith.constant 0 : i32
    %dma_wait3A_257 = tpu.memref_slice %arg3[%dma_wait3A_250, %dma_wait3A_255, %dma_wait3A_256] : memref<2x10000x16xf32, #tpu.memory_space<hbm>> -> memref<1x128x16xf32, #tpu.memory_space<hbm>>
    %dma_wait3A_258 = tpu.memref_squeeze %dma_wait3A_257 : memref<1x128x16xf32, #tpu.memory_space<hbm>> -> memref<128x16xf32, #tpu.memory_space<hbm>>
    tpu.wait_dma2 semaphore(%arg9 : memref<!tpu.dma_semaphore, #tpu.memory_space<semaphore_mem>>) src(%dma_wait3A_258 : memref<128x16xf32, #tpu.memory_space<hbm>>) dst(%arg7 : memref<128x16xf32, #tpu.memory_space<vmem>>)
    %lt3A = arith.constant 4 : i32
    %lt3A_259 = arith.cmpi slt, %add3A, %lt3A : i32
    %convert_element_type3A = arith.extui %lt3A_259 : i1 to i32
    %cond3A = arith.constant 0 : i32
    %cond3A_260 = arith.cmpi ne, %convert_element_type3A, %cond3A : i32
    scf.if %cond3A_260 {
      %add3A_266 = arith.constant 2496 : i32
      %add3A_267 = arith.addi %add3A_266, %add3A : i32
      %run_scoped3A_268 = arith.constant 1 : i32
      "tpu.region"() ({
        %run_scoped3A_270 = tpu.sem_alloc : memref<!tpu.dma_semaphore, #tpu.memory_space<semaphore_mem>>
        %dma_start3A = arith.constant 0 : i32
        %dma_start3A_271 = tpu.memref_slice %arg2[%run_scoped3A_268, %add3A_267, %dma_start3A] : memref<2x2500x128xi32, #tpu.memory_space<hbm>> -> memref<1x1x128xi32, #tpu.memory_space<hbm>>
        %dma_start3A_272 = tpu.memref_squeeze %dma_start3A_271 : memref<1x1x128xi32, #tpu.memory_space<hbm>> -> memref<1x128xi32, #tpu.memory_space<hbm>>
        %dma_start3A_273 = arith.constant 0 : i32
        %dma_start3A_274 = tpu.memref_slice %arg2[%run_scoped3A_268, %add3A_267, %dma_start3A_273] : memref<2x2500x128xi32, #tpu.memory_space<hbm>> -> memref<1x1x128xi32, #tpu.memory_space<hbm>>
        %dma_start3A_275 = tpu.memref_squeeze %dma_start3A_274 : memref<1x1x128xi32, #tpu.memory_space<hbm>> -> memref<1x128xi32, #tpu.memory_space<hbm>>
        tpu.enqueue_dma source(%dma_start3A_275 : memref<1x128xi32, #tpu.memory_space<hbm>>) target(%arg5 : memref<1x128xi32, #tpu.memory_space<vmem>>) target_semaphore(%run_scoped3A_270 : memref<!tpu.dma_semaphore, #tpu.memory_space<semaphore_mem>>)
        %dma_wait3A_276 = arith.constant 0 : i32
        %dma_wait3A_277 = tpu.memref_slice %arg2[%run_scoped3A_268, %add3A_267, %dma_wait3A_276] : memref<2x2500x128xi32, #tpu.memory_space<hbm>> -> memref<1x1x128xi32, #tpu.memory_space<hbm>>
        %dma_wait3A_278 = tpu.memref_squeeze %dma_wait3A_277 : memref<1x1x128xi32, #tpu.memory_space<hbm>> -> memref<1x128xi32, #tpu.memory_space<hbm>>
        %dma_wait3A_279 = arith.constant 0 : i32
        %dma_wait3A_280 = tpu.memref_slice %arg2[%run_scoped3A_268, %add3A_267, %dma_wait3A_279] : memref<2x2500x128xi32, #tpu.memory_space<hbm>> -> memref<1x1x128xi32, #tpu.memory_space<hbm>>
        %dma_wait3A_281 = tpu.memref_squeeze %dma_wait3A_280 : memref<1x1x128xi32, #tpu.memory_space<hbm>> -> memref<1x128xi32, #tpu.memory_space<hbm>>
        tpu.wait_dma2 semaphore(%run_scoped3A_270 : memref<!tpu.dma_semaphore, #tpu.memory_space<semaphore_mem>>) src(%dma_wait3A_281 : memref<1x128xi32, #tpu.memory_space<hbm>>) dst(%arg5 : memref<1x128xi32, #tpu.memory_space<vmem>>)
        tpu.yield
      }) : () -> ()
      %run_scoped3A_269 = arith.constant 0 : i32
      "tpu.region"() ({
        %run_scoped3A_270 = tpu.sem_alloc : memref<!tpu.dma_semaphore, #tpu.memory_space<semaphore_mem>>
        %dma_start3A = arith.constant 0 : i32
        %dma_start3A_271 = tpu.memref_slice %arg5[%run_scoped3A_269, %dma_start3A] : memref<1x128xi32, #tpu.memory_space<vmem>> -> memref<1x128xi32, #tpu.memory_space<vmem>>
        %dma_start3A_272 = tpu.memref_squeeze %dma_start3A_271 : memref<1x128xi32, #tpu.memory_space<vmem>> -> memref<128xi32, #tpu.memory_space<vmem>>
        %dma_start3A_273 = arith.constant 0 : i32
        %dma_start3A_274 = arith.constant 0 : i32
        %dma_start3A_275 = tpu.memref_slice %arg8[%dma_start3A_273, %dma_start3A_274] : memref<10000x16xf32, #tpu.memory_space<vmem_shared>> -> memref<10000x16xf32, #tpu.memory_space<vmem_shared>>
        tpu.enqueue_indirect_dma source(%arg6 : memref<128x16xf32, #tpu.memory_space<vmem>>) target(%dma_start3A_275 : memref<10000x16xf32, #tpu.memory_space<vmem_shared>>) offsets(%dma_start3A_272 : memref<128xi32, #tpu.memory_space<vmem>>) semaphore(%run_scoped3A_270 : memref<!tpu.dma_semaphore, #tpu.memory_space<semaphore_mem>>) {add = true}
        %dma_wait3A_276 = arith.constant 0 : i32
        %dma_wait3A_277 = tpu.memref_slice %arg5[%run_scoped3A_269, %dma_wait3A_276] : memref<1x128xi32, #tpu.memory_space<vmem>> -> memref<1x128xi32, #tpu.memory_space<vmem>>
        %dma_wait3A_278 = tpu.memref_squeeze %dma_wait3A_277 : memref<1x128xi32, #tpu.memory_space<vmem>> -> memref<128xi32, #tpu.memory_space<vmem>>
        %dma_wait3A_279 = arith.constant 0 : i32
        %dma_wait3A_280 = arith.constant 0 : i32
        %dma_wait3A_281 = tpu.memref_slice %arg8[%dma_wait3A_279, %dma_wait3A_280] : memref<10000x16xf32, #tpu.memory_space<vmem_shared>> -> memref<10000x16xf32, #tpu.memory_space<vmem_shared>>
        tpu.wait_indirect_dma semaphore(%run_scoped3A_270 : memref<!tpu.dma_semaphore, #tpu.memory_space<semaphore_mem>>) src(%arg6 : memref<128x16xf32, #tpu.memory_space<vmem>>) dst(%dma_wait3A_281 : memref<10000x16xf32, #tpu.memory_space<vmem_shared>>)
        tpu.yield
      }) : () -> ()
    } else {
    }
    %barrier3A_261 = arith.constant 0 : index
    tpu.barrier barrier_id(%barrier3A_261)
    %mul3A_262 = arith.constant 625 : i32
    %mul3A_263 = arith.muli %arg1, %mul3A_262 : i32
    %mul3A_264 = arith.constant 625 : i32
    %mul3A_265 = arith.muli %arg1, %mul3A_264 : i32
    "tpu.region"() ({
      %run_scoped3A_266 = tpu.sem_alloc : memref<!tpu.dma_semaphore, #tpu.memory_space<semaphore_mem>>
      %dma_start3A = arith.constant 0 : i32
      %dma_start3A_267 = tpu.memref_slice %arg3[%arg0, %mul3A_265, %dma_start3A] : memref<2x10000x16xf32, #tpu.memory_space<hbm>> -> memref<1x625x16xf32, #tpu.memory_space<hbm>>
      %dma_start3A_268 = tpu.memref_squeeze %dma_start3A_267 : memref<1x625x16xf32, #tpu.memory_space<hbm>> -> memref<625x16xf32, #tpu.memory_space<hbm>>
      %dma_start3A_269 = arith.constant 0 : i32
      %dma_start3A_270 = tpu.memref_slice %arg8[%mul3A_263, %dma_start3A_269] : memref<10000x16xf32, #tpu.memory_space<vmem_shared>> -> memref<625x16xf32, #tpu.memory_space<vmem_shared>>
      tpu.enqueue_dma source(%dma_start3A_270 : memref<625x16xf32, #tpu.memory_space<vmem_shared>>) target(%dma_start3A_268 : memref<625x16xf32, #tpu.memory_space<hbm>>) target_semaphore(%run_scoped3A_266 : memref<!tpu.dma_semaphore, #tpu.memory_space<semaphore_mem>>)
      %dma_wait3A_271 = arith.constant 0 : i32
      %dma_wait3A_272 = tpu.memref_slice %arg3[%arg0, %mul3A_265, %dma_wait3A_271] : memref<2x10000x16xf32, #tpu.memory_space<hbm>> -> memref<1x625x16xf32, #tpu.memory_space<hbm>>
      %dma_wait3A_273 = tpu.memref_squeeze %dma_wait3A_272 : memref<1x625x16xf32, #tpu.memory_space<hbm>> -> memref<625x16xf32, #tpu.memory_space<hbm>>
      %dma_wait3A_274 = arith.constant 0 : i32
      %dma_wait3A_275 = tpu.memref_slice %arg8[%mul3A_263, %dma_wait3A_274] : memref<10000x16xf32, #tpu.memory_space<vmem_shared>> -> memref<625x16xf32, #tpu.memory_space<vmem_shared>>
      tpu.wait_dma2 semaphore(%run_scoped3A_266 : memref<!tpu.dma_semaphore, #tpu.memory_space<semaphore_mem>>) src(%dma_wait3A_275 : memref<625x16xf32, #tpu.memory_space<vmem_shared>>) dst(%dma_wait3A_273 : memref<625x16xf32, #tpu.memory_space<hbm>>)
      tpu.yield
    }) : () -> ()
    return
  }
}

module attributes {stable_mosaic.version = 14 : i64} {
  func.func @_mm_body(%arg0: i32, %arg1: memref<2000x128xf32, #tpu.memory_space<vmem>>, %arg2: memref<128x128xf32, #tpu.memory_space<vmem>>, %arg3: memref<2000x128xf32, #tpu.memory_space<vmem>>) attributes {dimension_semantics = [#tpu.dimension_semantics<arbitrary>], iteration_bounds = array<i64: 5>, scalar_prefetch = 0 : i64, scratch_operands = 0 : i64, tpu.core_type = #tpu.core_type<tc>, window_params = [{transform_indices = @transform_0, window_bounds = array<i64: 2000, 128>}, {pipeline_mode = #tpu.pipeline_mode<synchronous>, transform_indices = @transform_1, window_bounds = array<i64: 128, 128>}, {transform_indices = @transform_2, window_bounds = array<i64: 2000, 128>}]} {
    %get3A = arith.constant 0 : index
    %get3A_0 = arith.constant 0 : index
    %get3A_1 = vector.load %arg1[%get3A, %get3A_0] : memref<2000x128xf32, #tpu.memory_space<vmem>>, vector<2000x128xf32>
    %get3A_2 = arith.constant 0 : index
    %get3A_3 = arith.constant 0 : index
    %get3A_4 = vector.load %arg2[%get3A_2, %get3A_3] : memref<128x128xf32, #tpu.memory_space<vmem>>, vector<128x128xf32>
    %dot_general3A = arith.constant dense<0.000000e+00> : vector<2000x128xf32>
    %dot_general3A_5 = tpu.matmul %get3A_1, %get3A_4, %dot_general3A {dimension_numbers = #tpu.dot_dimension_numbers<[1], [0], [0], [1], [0, 0, 1, 1], [], []>, transpose_lhs_hint = false} : vector<2000x128xf32>, vector<128x128xf32>, vector<2000x128xf32> -> vector<2000x128xf32>
    %swap3A = arith.constant 0 : index
    %swap3A_6 = arith.constant 0 : index
    %swap3A_7 = vector.load %arg3[%swap3A, %swap3A_6] : memref<2000x128xf32, #tpu.memory_space<vmem>>, vector<2000x128xf32>
    tpu.vector_store %arg3[%swap3A, %swap3A_6], %dot_general3A_5 {strides = array<i32>} : memref<2000x128xf32, #tpu.memory_space<vmem>>, vector<2000x128xf32>,
    return
  }
  func.func @transform_0(%arg0: i32) -> (i32, i32) {
    %c0_i32 = arith.constant 0 : i32
    %c0_i32_0 = arith.constant 0 : i32
    return %arg0, %c0_i32 : i32, i32
  }
  func.func @transform_1(%arg0: i32) -> (i32, i32) {
    %c0_i32 = arith.constant 0 : i32
    %c0_i32_0 = arith.constant 0 : i32
    %c0_i32_1 = arith.constant 0 : i32
    return %c0_i32, %c0_i32_0 : i32, i32
  }
  func.func @transform_2(%arg0: i32) -> (i32, i32) {
    %c0_i32 = arith.constant 0 : i32
    %c0_i32_0 = arith.constant 0 : i32
    return %arg0, %c0_i32 : i32, i32
  }
}

module attributes {stable_mosaic.version = 14 : i64} {
  func.func @_scale_body(%arg0: i32, %arg1: memref<2x2000x16xf32, #tpu.memory_space<vmem>>, %arg2: memref<2000x128xf32, #tpu.memory_space<vmem>>, %arg3: memref<2000x128xf32, #tpu.memory_space<vmem>>) attributes {dimension_semantics = [#tpu.dimension_semantics<arbitrary>], iteration_bounds = array<i64: 5>, scalar_prefetch = 0 : i64, scratch_operands = 0 : i64, tpu.core_type = #tpu.core_type<tc>, window_params = [{transform_indices = @transform_0, window_bounds = array<i64: 2, 2000, 16>}, {transform_indices = @transform_1, window_bounds = array<i64: 2000, 128>}, {transform_indices = @transform_2, window_bounds = array<i64: 2000, 128>}]} {
    %get3A = arith.constant 0 : index
    %get3A_0 = arith.constant 0 : index
    %get3A_1 = arith.constant 0 : index
    %get3A_2 = vector.load %arg1[%get3A, %get3A_0, %get3A_1] : memref<2x2000x16xf32, #tpu.memory_space<vmem>>, vector<1x2000x1xf32>
    %get3A_3 = vector.shape_cast %get3A_2 : vector<1x2000x1xf32> to vector<2000x1xf32>
    %get3A_4 = arith.constant 1 : index
    %get3A_5 = arith.constant 0 : index
    %get3A_6 = arith.constant 0 : index
    %get3A_7 = vector.load %arg1[%get3A_4, %get3A_5, %get3A_6] : memref<2x2000x16xf32, #tpu.memory_space<vmem>>, vector<1x2000x1xf32>
    %get3A_8 = vector.shape_cast %get3A_7 : vector<1x2000x1xf32> to vector<2000x1xf32>
    %add3A = arith.addf %get3A_3, %get3A_8 : vector<2000x1xf32>
    %add3A_9 = arith.constant 1.000000e+00 : f32
    %add3A_10 = vector.broadcast %add3A_9 : f32 to vector<2000x1xf32>
    %add3A_11 = arith.addf %add3A, %add3A_10 : vector<2000x1xf32>
    %rsqrt3A = math.rsqrt %add3A_11 : vector<2000x1xf32>
    %get3A_12 = arith.constant 0 : index
    %get3A_13 = arith.constant 0 : index
    %get3A_14 = vector.load %arg2[%get3A_12, %get3A_13] : memref<2000x128xf32, #tpu.memory_space<vmem>>, vector<2000x128xf32>
    %mul3A = vector.broadcast %rsqrt3A : vector<2000x1xf32> to vector<2000x128xf32>
    %mul3A_15 = arith.mulf %mul3A, %get3A_14 : vector<2000x128xf32>
    %swap3A = arith.constant 0 : index
    %swap3A_16 = arith.constant 0 : index
    %swap3A_17 = vector.load %arg3[%swap3A, %swap3A_16] : memref<2000x128xf32, #tpu.memory_space<vmem>>, vector<2000x128xf32>
    tpu.vector_store %arg3[%swap3A, %swap3A_16], %mul3A_15 {strides = array<i32>} : memref<2000x128xf32, #tpu.memory_space<vmem>>, vector<2000x128xf32>,
    return
  }
  func.func @transform_0(%arg0: i32) -> (i32, i32, i32) {
    %c0_i32 = arith.constant 0 : i32
    %c0_i32_0 = arith.constant 0 : i32
    %c0_i32_1 = arith.constant 0 : i32
    return %c0_i32, %arg0, %c0_i32_0 : i32, i32, i32
  }
  func.func @transform_1(%arg0: i32) -> (i32, i32) {
    %c0_i32 = arith.constant 0 : i32
    %c0_i32_0 = arith.constant 0 : i32
    return %arg0, %c0_i32 : i32, i32
  }
  func.func @transform_2(%arg0: i32) -> (i32, i32) {
    %c0_i32 = arith.constant 0 : i32
    %c0_i32_0 = arith.constant 0 : i32
    return %arg0, %c0_i32 : i32, i32
  }
}

module attributes {stable_mosaic.version = 14 : i64} {
  func.func @_tc2_body(%arg0: i32, %arg1: memref<2x2000x16xf32, #tpu.memory_space<vmem>>, %arg2: memref<2x2000x128xf32, #tpu.memory_space<vmem>>, %arg3: memref<2000x128xf32, #tpu.memory_space<vmem>>, %arg4: memref<1x128xf32, #tpu.memory_space<vmem>>, %arg5: memref<128x40xf32, #tpu.memory_space<vmem>>, %arg6: memref<2000x40xf32, #tpu.memory_space<vmem>>) attributes {dimension_semantics = [#tpu.dimension_semantics<arbitrary>], iteration_bounds = array<i64: 5>, scalar_prefetch = 0 : i64, scratch_operands = 0 : i64, tpu.core_type = #tpu.core_type<tc>, window_params = [{transform_indices = @transform_0, window_bounds = array<i64: 2, 2000, 16>}, {transform_indices = @transform_1, window_bounds = array<i64: 2, 2000, 128>}, {transform_indices = @transform_2, window_bounds = array<i64: 2000, 128>}, {pipeline_mode = #tpu.pipeline_mode<synchronous>, transform_indices = @transform_3, window_bounds = array<i64: 1, 128>}, {pipeline_mode = #tpu.pipeline_mode<synchronous>, transform_indices = @transform_4, window_bounds = array<i64: 128, 40>}, {transform_indices = @transform_5, window_bounds = array<i64: 2000, 40>}]} {
    %get3A = arith.constant 0 : index
    %get3A_0 = arith.constant 0 : index
    %get3A_1 = arith.constant 0 : index
    %get3A_2 = vector.load %arg1[%get3A, %get3A_0, %get3A_1] : memref<2x2000x16xf32, #tpu.memory_space<vmem>>, vector<1x2000x1xf32>
    %get3A_3 = vector.shape_cast %get3A_2 : vector<1x2000x1xf32> to vector<2000x1xf32>
    %get3A_4 = arith.constant 1 : index
    %get3A_5 = arith.constant 0 : index
    %get3A_6 = arith.constant 0 : index
    %get3A_7 = vector.load %arg1[%get3A_4, %get3A_5, %get3A_6] : memref<2x2000x16xf32, #tpu.memory_space<vmem>>, vector<1x2000x1xf32>
    %get3A_8 = vector.shape_cast %get3A_7 : vector<1x2000x1xf32> to vector<2000x1xf32>
    %add3A = arith.addf %get3A_3, %get3A_8 : vector<2000x1xf32>
    %add3A_9 = arith.constant 1.000000e+00 : f32
    %add3A_10 = vector.broadcast %add3A_9 : f32 to vector<2000x1xf32>
    %add3A_11 = arith.addf %add3A, %add3A_10 : vector<2000x1xf32>
    %rsqrt3A = math.rsqrt %add3A_11 : vector<2000x1xf32>
    %get3A_12 = arith.constant 0 : index
    %get3A_13 = arith.constant 0 : index
    %get3A_14 = arith.constant 0 : index
    %get3A_15 = vector.load %arg2[%get3A_12, %get3A_13, %get3A_14] : memref<2x2000x128xf32, #tpu.memory_space<vmem>>, vector<1x2000x128xf32>
    %get3A_16 = vector.shape_cast %get3A_15 : vector<1x2000x128xf32> to vector<2000x128xf32>
    %get3A_17 = arith.constant 1 : index
    %get3A_18 = arith.constant 0 : index
    %get3A_19 = arith.constant 0 : index
    %get3A_20 = vector.load %arg2[%get3A_17, %get3A_18, %get3A_19] : memref<2x2000x128xf32, #tpu.memory_space<vmem>>, vector<1x2000x128xf32>
    %get3A_21 = vector.shape_cast %get3A_20 : vector<1x2000x128xf32> to vector<2000x128xf32>
    %add3A_22 = arith.addf %get3A_16, %get3A_21 : vector<2000x128xf32>
    %get3A_23 = arith.constant 0 : index
    %get3A_24 = arith.constant 0 : index
    %get3A_25 = vector.load %arg3[%get3A_23, %get3A_24] : memref<2000x128xf32, #tpu.memory_space<vmem>>, vector<2000x128xf32>
    %add3A_26 = arith.addf %add3A_22, %get3A_25 : vector<2000x128xf32>
    %mul3A = vector.broadcast %rsqrt3A : vector<2000x1xf32> to vector<2000x128xf32>
    %mul3A_27 = arith.mulf %add3A_26, %mul3A : vector<2000x128xf32>
    %get3A_28 = arith.constant 0 : index
    %get3A_29 = arith.constant 0 : index
    %get3A_30 = vector.load %arg4[%get3A_28, %get3A_29] : memref<1x128xf32, #tpu.memory_space<vmem>>, vector<1x128xf32>
    %add3A_31 = vector.broadcast %get3A_30 : vector<1x128xf32> to vector<2000x128xf32>
    %add3A_32 = arith.addf %mul3A_27, %add3A_31 : vector<2000x128xf32>
    %max3A = arith.constant 0.000000e+00 : f32
    %max3A_33 = vector.broadcast %max3A : f32 to vector<2000x128xf32>
    %max3A_34 = arith.maximumf %add3A_32, %max3A_33 : vector<2000x128xf32>
    %get3A_35 = arith.constant 0 : index
    %get3A_36 = arith.constant 0 : index
    %get3A_37 = vector.load %arg5[%get3A_35, %get3A_36] : memref<128x40xf32, #tpu.memory_space<vmem>>, vector<128x40xf32>
    %dot_general3A = arith.constant dense<0.000000e+00> : vector<2000x40xf32>
    %dot_general3A_38 = tpu.matmul %max3A_34, %get3A_37, %dot_general3A {dimension_numbers = #tpu.dot_dimension_numbers<[1], [0], [0], [1], [0, 0, 1, 1], [], []>, transpose_lhs_hint = false} : vector<2000x128xf32>, vector<128x40xf32>, vector<2000x40xf32> -> vector<2000x40xf32>
    %mul3A_39 = vector.broadcast %rsqrt3A : vector<2000x1xf32> to vector<2000x40xf32>
    %mul3A_40 = arith.mulf %mul3A_39, %dot_general3A_38 : vector<2000x40xf32>
    %swap3A = arith.constant 0 : index
    %swap3A_41 = arith.constant 0 : index
    %swap3A_42 = vector.load %arg6[%swap3A, %swap3A_41] : memref<2000x40xf32, #tpu.memory_space<vmem>>, vector<2000x40xf32>
    tpu.vector_store %arg6[%swap3A, %swap3A_41], %mul3A_40 {strides = array<i32>} : memref<2000x40xf32, #tpu.memory_space<vmem>>, vector<2000x40xf32>,
    return
  }
  func.func @transform_0(%arg0: i32) -> (i32, i32, i32) {
    %c0_i32 = arith.constant 0 : i32
    %c0_i32_0 = arith.constant 0 : i32
    %c0_i32_1 = arith.constant 0 : i32
    return %c0_i32, %arg0, %c0_i32_0 : i32, i32, i32
  }
  func.func @transform_1(%arg0: i32) -> (i32, i32, i32) {
    %c0_i32 = arith.constant 0 : i32
    %c0_i32_0 = arith.constant 0 : i32
    %c0_i32_1 = arith.constant 0 : i32
    return %c0_i32, %arg0, %c0_i32_0 : i32, i32, i32
  }
  func.func @transform_2(%arg0: i32) -> (i32, i32) {
    %c0_i32 = arith.constant 0 : i32
    %c0_i32_0 = arith.constant 0 : i32
    return %arg0, %c0_i32 : i32, i32
  }
  func.func @transform_3(%arg0: i32) -> (i32, i32) {
    %c0_i32 = arith.constant 0 : i32
    %c0_i32_0 = arith.constant 0 : i32
    %c0_i32_1 = arith.constant 0 : i32
    return %c0_i32, %c0_i32_0 : i32, i32
  }
  func.func @transform_4(%arg0: i32) -> (i32, i32) {
    %c0_i32 = arith.constant 0 : i32
    %c0_i32_0 = arith.constant 0 : i32
    %c0_i32_1 = arith.constant 0 : i32
    return %c0_i32, %c0_i32_0 : i32, i32
  }
  func.func @transform_5(%arg0: i32) -> (i32, i32) {
    %c0_i32 = arith.constant 0 : i32
    %c0_i32_0 = arith.constant 0 : i32
    return %arg0, %c0_i32 : i32, i32
  }
}

module attributes {stable_mosaic.version = 14 : i64} {
  func.func @_tc3_body(%arg0: i32, %arg1: memref<2x2000x16xf32, #tpu.memory_space<vmem>>, %arg2: memref<2x2000x128xf32, #tpu.memory_space<vmem>>, %arg3: memref<2000x40xf32, #tpu.memory_space<vmem>>, %arg4: memref<1x40xf32, #tpu.memory_space<vmem>>, %arg5: memref<2000x40xf32, #tpu.memory_space<vmem>>) attributes {dimension_semantics = [#tpu.dimension_semantics<arbitrary>], iteration_bounds = array<i64: 5>, scalar_prefetch = 0 : i64, scratch_operands = 0 : i64, tpu.core_type = #tpu.core_type<tc>, window_params = [{transform_indices = @transform_0, window_bounds = array<i64: 2, 2000, 16>}, {transform_indices = @transform_1, window_bounds = array<i64: 2, 2000, 128>}, {transform_indices = @transform_2, window_bounds = array<i64: 2000, 40>}, {pipeline_mode = #tpu.pipeline_mode<synchronous>, transform_indices = @transform_3, window_bounds = array<i64: 1, 40>}, {transform_indices = @transform_4, window_bounds = array<i64: 2000, 40>}]} {
    %get3A = arith.constant 0 : index
    %get3A_0 = arith.constant 0 : index
    %get3A_1 = arith.constant 0 : index
    %get3A_2 = vector.load %arg2[%get3A, %get3A_0, %get3A_1] : memref<2x2000x128xf32, #tpu.memory_space<vmem>>, vector<1x2000x40xf32>
    %get3A_3 = vector.shape_cast %get3A_2 : vector<1x2000x40xf32> to vector<2000x40xf32>
    %get3A_4 = arith.constant 1 : index
    %get3A_5 = arith.constant 0 : index
    %get3A_6 = arith.constant 0 : index
    %get3A_7 = vector.load %arg2[%get3A_4, %get3A_5, %get3A_6] : memref<2x2000x128xf32, #tpu.memory_space<vmem>>, vector<1x2000x40xf32>
    %get3A_8 = vector.shape_cast %get3A_7 : vector<1x2000x40xf32> to vector<2000x40xf32>
    %add3A = arith.addf %get3A_3, %get3A_8 : vector<2000x40xf32>
    %get3A_9 = arith.constant 0 : index
    %get3A_10 = arith.constant 0 : index
    %get3A_11 = vector.load %arg3[%get3A_9, %get3A_10] : memref<2000x40xf32, #tpu.memory_space<vmem>>, vector<2000x40xf32>
    %add3A_12 = arith.addf %add3A, %get3A_11 : vector<2000x40xf32>
    %get3A_13 = arith.constant 0 : index
    %get3A_14 = arith.constant 0 : index
    %get3A_15 = arith.constant 0 : index
    %get3A_16 = vector.load %arg1[%get3A_13, %get3A_14, %get3A_15] : memref<2x2000x16xf32, #tpu.memory_space<vmem>>, vector<1x2000x1xf32>
    %get3A_17 = vector.shape_cast %get3A_16 : vector<1x2000x1xf32> to vector<2000x1xf32>
    %get3A_18 = arith.constant 1 : index
    %get3A_19 = arith.constant 0 : index
    %get3A_20 = arith.constant 0 : index
    %get3A_21 = vector.load %arg1[%get3A_18, %get3A_19, %get3A_20] : memref<2x2000x16xf32, #tpu.memory_space<vmem>>, vector<1x2000x1xf32>
    %get3A_22 = vector.shape_cast %get3A_21 : vector<1x2000x1xf32> to vector<2000x1xf32>
    %add3A_23 = arith.addf %get3A_17, %get3A_22 : vector<2000x1xf32>
    %add3A_24 = arith.constant 1.000000e+00 : f32
    %add3A_25 = vector.broadcast %add3A_24 : f32 to vector<2000x1xf32>
    %add3A_26 = arith.addf %add3A_23, %add3A_25 : vector<2000x1xf32>
    %rsqrt3A = math.rsqrt %add3A_26 : vector<2000x1xf32>
    %mul3A = vector.broadcast %rsqrt3A : vector<2000x1xf32> to vector<2000x40xf32>
    %mul3A_27 = arith.mulf %add3A_12, %mul3A : vector<2000x40xf32>
    %get3A_28 = arith.constant 0 : index
    %get3A_29 = arith.constant 0 : index
    %get3A_30 = vector.load %arg4[%get3A_28, %get3A_29] : memref<1x40xf32, #tpu.memory_space<vmem>>, vector<1x40xf32>
    %add3A_31 = vector.broadcast %get3A_30 : vector<1x40xf32> to vector<2000x40xf32>
    %add3A_32 = arith.addf %mul3A_27, %add3A_31 : vector<2000x40xf32>
    %swap3A = arith.constant 0 : index
    %swap3A_33 = arith.constant 0 : index
    %swap3A_34 = vector.load %arg5[%swap3A, %swap3A_33] : memref<2000x40xf32, #tpu.memory_space<vmem>>, vector<2000x40xf32>
    tpu.vector_store %arg5[%swap3A, %swap3A_33], %add3A_32 {strides = array<i32>} : memref<2000x40xf32, #tpu.memory_space<vmem>>, vector<2000x40xf32>,
    return
  }
  func.func @transform_0(%arg0: i32) -> (i32, i32, i32) {
    %c0_i32 = arith.constant 0 : i32
    %c0_i32_0 = arith.constant 0 : i32
    %c0_i32_1 = arith.constant 0 : i32
    return %c0_i32, %arg0, %c0_i32_0 : i32, i32, i32
  }
  func.func @transform_1(%arg0: i32) -> (i32, i32, i32) {
    %c0_i32 = arith.constant 0 : i32
    %c0_i32_0 = arith.constant 0 : i32
    %c0_i32_1 = arith.constant 0 : i32
    return %c0_i32, %arg0, %c0_i32_0 : i32, i32, i32
  }
  func.func @transform_2(%arg0: i32) -> (i32, i32) {
    %c0_i32 = arith.constant 0 : i32
    %c0_i32_0 = arith.constant 0 : i32
    return %arg0, %c0_i32 : i32, i32
  }
  func.func @transform_3(%arg0: i32) -> (i32, i32) {
    %c0_i32 = arith.constant 0 : i32
    %c0_i32_0 = arith.constant 0 : i32
    %c0_i32_1 = arith.constant 0 : i32
    return %c0_i32, %c0_i32_0 : i32, i32
  }
  func.func @transform_4(%arg0: i32) -> (i32, i32) {
    %c0_i32 = arith.constant 0 : i32
    %c0_i32_0 = arith.constant 0 : i32
    return %arg0, %c0_i32 : i32, i32
  }
}

</mosaic_0001>

<sc_bundles>
// kernel: kernel.12.cloned.1.call-start
scs
__scs_entry_jumppad:
0x0: {  	(pc) =	sbr.rel $0x88, $3  }
0x1: {  	(tag) =	ssettag $0x0;
	lr =	simm.s32 $0x1  }
0x2: {  	[smem:$0x3F9B] =	sst lr;
	_ =	strace $0xD0000000  }
0x3: {  	_ = 	snop  }
0x4: {  	_ = 	snop  }
0x5: {  	_ = 	snop  }
0x6: {  	_ = 	snop  }
0x7: {  	_ = 	snop  }
__scs_overlays_trampoline_lowered:
0x8: {  	[smem:$0x3FAA] =	sst s0  }
0x9: {  	[smem:$0x3FAB] =	sst s1  }
0xa: {  	[smem:$0x3FAC] =	sst s2  }
0xb: {  	[smem:$0x3FAD] =	sst s3  }
0xc: {  	[smem:$0x3FAE] =	sst s4  }
0xd: {  	[smem:$0x3FAF] =	sst s5  }
0xe: {  	[smem:$0x3FB0] =	sst s6  }
0xf: {  	[smem:$0x3FB1] =	sst s7  }
0x10: {  	[smem:$0x3FB2] =	sst s8  }
0x11: {  	[smem:$0x3FB3] =	sst s9;
	s0 =	simm.s32 @!p0 $0x0  }
0x12: {  	s1 =	sld [smem:$0x3F99];
	s0 =	simm.s32 @p0 $0x1  }
0x13: {  	[smem:$0x3FB4] =	sst s0;
	s0 =	simm.s32 @!p1 $0x0  }
0x14: {  	s2 =	sld [smem:$0x3F98];
	s0 =	simm.s32 @p1 $0x1  }
0x15: {  	[smem:$0x3FB5] =	sst s0;
	s0 =	simm.s32 @!p2 $0x0  }
0x16: {  	s3 =	sld [smem:$0x3FDB];
	s0 =	simm.s32 @p2 $0x1  }
0x17: {  	s4 =	simm.s32 $0x1BF5;
	[smem:$0x3FB7] =	sst s0  }
0x18: {  	s0 =	sld [smem:$0x3F9A];
	_ =	swait.ge [sflag:s4], $0x0  }
0x19: {  	s7 =	sld [smem:$0x3F9B]  }
0x1a: {  	s8 =	sadd.s32 $0xFFFFE003, lr  }
0x1b: {  	s9 =	sadd.s32 $0xFFFFFEF7, lr;
	s5 =	simm.s32 $0xFFFFFFFF;
	p2 =	slt.u32 s8, $0xFFFFF086  }
0x1c: {  	p1 =	slt.u32 s9, $0xF7A;
	s5 =	simm.s32 @!p2 $0x0  }
0x1d: {  	s5 =	simm.s32 @p1 $0x1;
	p0 =	seq.s32 s7, s2  }
0x1e: {  	s7 =	smul.u32 @!p0 $0xF7A, s2;
	p2 =	seq.s32 @!p0 s5, $0x0  }
0x1f: {  	s9 =	smul.u32 $0xF7A, s1;
	s8 =	simm.s32 @!p0 $0x1BF5;
	p2 =	por !p2, p0  }
0x20: {  	[sflag:s8] =	ssyncset.s32 @!p0 $0xFFFFF086;
	s6 =	sadd.s32 @!p0 s3, s7;
	s7 =	simm.s32 @!p0 $0x108  }
0x21: {  	s3 =	sadd.s32 s3, s9;
	s6 =	sadd.s32 @!p0 $0x88, s6;
	s7 =	simm.s32 @p2 $0x1082  }
0x22: {  	[simem:s7], [sflag:s8] =	dma.local @!p0 [hbm:s6], $0xF7A  }
0x23: {  	s9 =	sor.u32 $0xD0000000, s2;
	s6 =	simm.s32 $0x108;
	_ =	swait.ge @!p0 [sflag:s8], $0x0  }
0x24: {  	s3 =	sadd.s32 $0x88, s3;
	s6 =	simm.s32 @!p1 $0x1082;
	[sflag:s4] =	ssyncset.s32 $0xFFFFF086  }
0x25: {  	[simem:s6], [sflag:s4] =	dma.local [hbm:s3], $0xF7A  }
0x26: {  	[smem:$0x3F9B] =	sst s1;
	(tag) =	ssettag s2;
	_ =	strace s9  }
0x27: {  	s1 =	sld [smem:$0x3FAB]  }
0x28: {  	s2 =	sld [smem:$0x3FAC]  }
0x29: {  	s4 =	sld [smem:$0x3FAE]  }
0x2a: {  	p0 =	seq.s32 s5, $0x0;
	s5 =	sld [smem:$0x3FAF]  }
0x2b: {  	s6 =	sld [smem:$0x3FB0]  }
0x2c: {  	s7 =	sld [smem:$0x3FB1]  }
0x2d: {  	s3 =	simm.s32 $0x108;
	s8 =	sld [smem:$0x3FB2]  }
0x2e: {  	s3 =	simm.s32 @!p0 $0x1082;
	s9 =	sld [smem:$0x3FB3]  }
0x2f: {  	lr =	sadd.s32 s0, s3;
	s0 =	sld [smem:$0x3FAA]  }
0x30: {  	s3 =	sld [smem:$0x3FAD]  }
0x31: {  	[smem:$0x3FB6] =	sst s10  }
0x32: {  	s10 =	sld [smem:$0x3FB4];
	_ =	sdelay $0x3  }
0x33: {  	p0 =	seq.s32 s10, $0x1;
	s10 =	sld [smem:$0x3FB6];
	_ =	sdelay $0x3  }
0x34: {  	[smem:$0x3FB6] =	sst s10  }
0x35: {  	s10 =	sld [smem:$0x3FB5];
	_ =	sdelay $0x3  }
0x36: {  	p1 =	seq.s32 s10, $0x1;
	s10 =	sld [smem:$0x3FB6];
	_ =	sdelay $0x3  }
0x37: {  	[smem:$0x3FB6] =	sst s10  }
0x38: {  	s10 =	sld [smem:$0x3FB7]  }
0x39: {  	_ = 	snop;
	(pc) =	sbr.ind lr, $3  }
0x3a: {  	_ = 	snop  }
0x3b: {  	_ = 	snop  }
0x3c: {  	p2 =	seq.s32 s10, $0x1;
	s10 =	sld [smem:$0x3FB6]  }
0x3d: {  	_ =	shalt  }
0x3e: {  	_ =	shalt  }
0x3f: {  	_ =	shalt  }
0x40: {  	_ =	shalt  }
0x41: {  	_ =	shalt  }
0x42: {  	_ =	shalt  }
0x43: {  	_ =	shalt  }
0x44: {  	_ =	shalt  }
0x45: {  	_ =	shalt  }
0x46: {  	_ =	shalt  }
0x47: {  	_ =	shalt  }
0x48: {  	_ =	shalt  }
0x49: {  	_ =	shalt  }
0x4a: {  	_ =	shalt  }
0x4b: {  	_ =	shalt  }
0x4c: {  	_ =	shalt  }
0x4d: {  	_ =	shalt  }
0x4e: {  	_ =	shalt  }
0x4f: {  	_ =	shalt  }
0x50: {  	_ =	shalt  }
0x51: {  	_ =	shalt  }
0x52: {  	_ =	shalt  }
0x53: {  	_ =	shalt  }
0x54: {  	_ =	shalt  }
0x55: {  	_ =	shalt  }
0x56: {  	_ =	shalt  }
0x57: {  	_ =	shalt  }
0x58: {  	_ =	shalt  }
0x59: {  	_ =	shalt  }
0x5a: {  	_ =	shalt  }
0x5b: {  	_ =	shalt  }
0x5c: {  	_ =	shalt  }
0x5d: {  	_ =	shalt  }
0x5e: {  	_ =	shalt  }
0x5f: {  	_ =	shalt  }
0x60: {  	_ =	shalt  }
0x61: {  	_ =	shalt  }
0x62: {  	_ =	shalt  }
0x63: {  	_ =	shalt  }
0x64: {  	_ =	shalt  }
0x65: {  	_ =	shalt  }
0x66: {  	_ =	shalt  }
0x67: {  	_ =	shalt  }
0x68: {  	_ =	shalt  }
0x69: {  	_ =	shalt  }
0x6a: {  	_ =	shalt  }
0x6b: {  	_ =	shalt  }
0x6c: {  	_ =	shalt  }
0x6d: {  	_ =	shalt  }
0x6e: {  	_ =	shalt  }
0x6f: {  	_ =	shalt  }
0x70: {  	_ =	shalt  }
0x71: {  	_ =	shalt  }
0x72: {  	_ =	shalt  }
0x73: {  	_ =	shalt  }
0x74: {  	_ =	shalt  }
0x75: {  	_ =	shalt  }
0x76: {  	_ =	shalt  }
0x77: {  	_ =	shalt  }
0x78: {  	_ =	shalt  }
0x79: {  	_ =	shalt  }
0x7a: {  	_ =	shalt  }
0x7b: {  	_ =	shalt  }
0x7c: {  	_ =	shalt  }
0x7d: {  	_ =	shalt  }
0x7e: {  	_ =	shalt  }
0x7f: {  	_ =	shalt  }
0x80: {  	_ =	shalt  }
0x81: {  	_ =	shalt  }
0x82: {  	_ =	shalt  }
0x83: {  	_ =	shalt  }
0x84: {  	_ =	shalt  }
0x85: {  	_ =	shalt  }
0x86: {  	_ =	shalt  }
0x87: {  	_ =	shalt  }
.Lfunc_end0:
.L_simem_size_0:
called_computation.1_lowered:
.L_overlay_start_0:
0x88: {  	s2 =	sld [smem:$0x3FD9]  }
0x89: {  	s3 =	sld [smem:$0x3FFE];
	_ =	sdelay $0x1  }
0x8a: {  	s1 =	srdreg.scid  }
0x8b: {  	s0 =	sand.u32 $0x1, s1  }
0x8c: {  	s16 =	sshll.u32 s0, $0xA;
	s2 =	sadd.s32 s3, s2  }
0x8d: {  	s2 =	sadd.s32 s2, s16  }
0x8e: {  	[smem:$0x3FC2] =	sst s2  }
0x8f: {  	_ = 	snop  }
0x90: {  	(tm) =	ssettm $0x1  }
0x91: {  	s17 =	sld [smem:$0x3FFB];
	_ =	sdelay $0x3  }
0x92: {  	_ =	strace s17  }
0x93: {  	s2 =	sld [smem:$0x3FFC];
	_ =	sdelay $0x3  }
0x94: {  	_ =	strace s2  }
0x95: {  	s2 =	sld [smem:$0x3FFD];
	_ =	sdelay $0x3  }
0x96: {  	_ =	strace s2  }
0x97: {  	_ =	strace $0x8FFFFFFF  }
0x98: {  	s18 =	sld [smem:$0x3FDB];
	_ =	sdelay $0x1  }
0x99: {  	s19 =	simm.s32 $_scs_section_size  }
0x9a: {  	s4 =	simm.s32 $_size__tile_overlayer_lowered;
	s5 =	simm.s32 $_tile_overlayer_lowered  }
0x9b: {  	s22 =	simm.s32 $0x1BFF;
	s21 =	sshll.u32 s5, $0x1;
	s2 =	sadd.s32 s19, s18  }
0x9c: {  	s6 =	simm.s32 $0x0;
	s20 =	sshll.u32 s4, $0x1;
	s4 =	sadd.s32 s21, s2  }
0x9d: {  	[timem:s6], [sflag:s22] =	dma.local [hbm:s4], s20  }
0x9e: {  	_ =	swait.ge [sflag:s22], s20  }
0x9f: {  	s3 =	ssub.s32 $0x0, s20;
	[sflag:s22] =	ssyncset.done $0x0  }
0xa0: {  	[sflag:s22] =	ssyncadd.s32 s3;
	_ =	sdelay $0x1  }
0xa1: {  	s23 =	simm.s32 $0x1B8B  }
0xa2: {  	_ =	swait.ge [sflag:s23], $0x1  }
0xa3: {  	[sflag:s23] =	ssyncset.done $0x0  }
0xa4: {  	s25 =	simm.s32 $0x1B8E;
	s24 =	sld [smem:$0x3FFE];
	[sflag:s23] =	ssyncadd.s32 $0xFFFFFFFF  }
0xa5: {  	s26 =	simm.s32 $execute0_lowered;
	[smem:$0x3FD2] =	sst s25  }
0xa6: {  	s4 =	sshll.u32 s26, $0x1;
	_ =	strace $0x80000049;
	[dreg:$0x1] =	wrdreg $0xFFFFFFFF  }
0xa7: {  	s28 =	simm.s32 $_size_execute0_lowered;
	s2 =	sadd.s32 s2, s4;
	[dreg:$0x0] =	wrdreg $0x0  }
0xa8: {  	s4 =	sshll.u32 s28, $0x1;
	[dreg:$0x2] =	wrdreg s2  }
0xa9: {  	[dreg:$0x3] =	wrdreg s4  }
0xaa: {  	[dreg:$0x4] =	wrdreg $0xC0  }
0xab: {  	_ =	task [dreg:s6], $0x5FFFF  }
0xac: {  	[dreg:$0x1] =	wrdreg $0xFFFFFFFF  }
0xad: {  	[dreg:$0x0] =	wrdreg $0x60  }
0xae: {  	[dreg:$0x2] =	wrdreg s24  }
0xaf: {  	[dreg:$0x3] =	wrdreg $0xA8000  }
0xb0: {  	[dreg:$0x4] =	wrdreg $0x9  }
0xb1: {  	_ =	task.clear_ibuf [dreg:s6], $0x5FFFF;
	_ =	strace $0x90000049  }
0xb2: {  	s29 =	simm.s32 $0x9;
	_ =	strace $0x8000004B  }
0xb3: {  	_ =	swait.ge [sflag:s29], $0x1  }
0xb4: {  	[sflag:s29] =	ssyncadd.s32 $0xFFFFFFFF  }
0xb5: {  	_ =	strace $0x9000004B  }
0xb6: {  	_ =	sfence  }
0xb7: {  	s30 =	sld [smem:$0x0];
	_ =	sdelay $0x2  }
0xb8: {  	s31 =	sshll.u32 s1, $0xD;
	s1 =	sshrl.u32 s1, $0x2  }
0xb9: {  	s3 =	sand.u32 $0x4000, s31;
	s1 =	sadd.s32 s1, s30  }
0xba: {  	s0 =	sor.u32 s3, s0;
	s1 =	sshll.u32 s1, $0x11  }
0xbb: {  	s0 =	sor.u32 s1, s0  }
0xbc: {  	s0 =	sadd.s32 $0x8F2B, s0  }
0xbd: {  	[sflag:s0] =	ssyncadd.remote.s32 $0x1  }
0xbe: {  	_ =	sfence.sel $0xFFFF  }
0xbf: {  	[dreg:$0x0] =	wrdreg $0xFFFFFFFF;
	(pc) =	sbr.abs _section_cstart, $3  }
0xc0: {  	[dreg:$0x1] =	wrdreg $0xFFFFFFFF  }
0xc1: {  	_ =	task.clear_ibuf [dreg:s6], $0x2FFFF;
	_ =	strace $0x9FFFFFFF  }
0xc2: {  	(tm) =	ssettm $0x7FFFFFFF  }
0xc3: {  	_ =	shalt  }
tec
execute0_lowered:
.L_overlay_start_1:
0x0: {  	(tag) =	ssettag $0x1  }
0x1: {  	s5 =	rddreg [dreg:$0x0]  }
0x2: {  	s2 =	rddreg [dreg:$0x1]  }
0x3: {  	s0 =	rddreg [dreg:$0x2]  }
0x4: {  	s4 =	srdreg.scid;
	s1 =	stileid.u32  }
0x5: {  	s3 =	simm.s32 $0x0;
	s18 =	simm.s32 $0x2800;
	s19 =	simm.s32 $0x3  }
0x6: {  	s20 =	simm.s32 $0x1380;
	s21 =	simm.s32 $0x80;
	s22 =	simm.s32 $0x6800  }
0x7: {  	s23 =	simm.s32 $0x1;
	s24 =	simm.s32 $0x2;
	s6 =	sand.u32 $0x1, s4  }
0x8: {  	s7 =	smul.u32 $0x13880, s1;
	[smem:$0x7FF] =	sst s3;
	s4 =	sadd.s32 $0x15A00, s5  }
0x9: {  	s12 =	sadd.s32 $0x2000, s5;
	s10 =	smul.u32 $0x4E200, s1;
	s13 =	sshll.u32 s1, $0x4  }
0xa: {  	s8 =	smul.u32 $0x138800, s6;
	_ =	strace $0x8000004A;
	s9 =	sshll.u32 s6, $0x4  }
0xb: {  	s30 =	ssub.s32 $0x2, s6;
	s15 =	sadd.s32 s13, s12;
	s25 =	sor.u32 s1, s9  }
0xc: {  	s6 =	sshrl.u32 s30, $0x1;
	s31 =	sshrl.u32 s10, $0x2;
	s14 =	sadd.s32 $0x9C00, s15  }
0xd: {  	s15 =	sadd.s32 $0x13840, s15;
	s8 =	sadd.s32 s7, s8;
	s9 =	smul.u32 $0x2700, s25  }
0xe: {  	s17 =	ssub.s32 s30, s6;
	s10 =	sadd.s32 s31, s2;
	p0 =	sgt.u32 s25, $0x3  }
0xf: {  	s25 =	simm.s32 $0x2680;
	s8 =	sshrl.u32 s8, $0x3;
	s6 =	sadd.s32 $0x4000, s10  }
0x10: {  	s17 =	smax.u32 s17, $0x1;
	s16 =	sadd.s32 s8, s5;
	s5 =	sadd.s32 s7, s2  }
0x11: {  	s7 =	sadd.s32 $0x8000, s10;
	s9 =	sshrl.u32 s9, $0x3;
	s8 =	sadd.s32 $0xC000, s10  }
0x12: {  	s10 =	sadd.s32 $0x10000, s10;
	s9 =	sadd.s32 s12, s9;
	s16 =	sadd.s32 $0x3CC00, s16  }
0x13: {  	v0 =	vimm.f32 $0.0e+00;
	s11 =	sadd.s32 $0x9C40, s9;
	s12 =	sadd.s32 $0x270, s9;
	s13 =	sadd.s32 $0x9EB0, s9  }
.LBB2_1:
0x14: {  	s26 =	simm.s32 $0x0;
	s28 =	simm.s32 $0x200  }
.LBB2_2:
0x15: {  	p1 =	sne.s32 s28, $0xFE00;
	[tilespmem:s26+$0x2870] =	vst v0  }
0x16: {  	[tilespmem:s26+$0x2800] =	vst v0  }
0x17: {  	[tilespmem:s26+$0x2810] =	vst v0  }
.Ltmp0:
0x18: {  	[tilespmem:s26+$0x2820] =	vst v0;
	(pc) =	sbr.rel @p1 .LBB2_2-.Ltmp0, $4  }
0x19: {  	[tilespmem:s26+$0x2830] =	vst v0  }
0x1a: {  	[tilespmem:s26+$0x2840] =	vst v0  }
0x1b: {  	[tilespmem:s26+$0x2850] =	vst v0  }
0x1c: {  	[tilespmem:s26+$0x2860] =	vst v0;
	s26 =	sshra.s32 s28, $0x2;
	s28 =	sadd.s32 $0x200, s28  }
0x1d: {  	[tilespmem:s26+$0x2870] =	vst v0  }
0x1e: {  	[tilespmem:s26+$0x2800] =	vst v0  }
0x1f: {  	[tilespmem:s26+$0x2810] =	vst v0  }
0x20: {  	[tilespmem:s26+$0x2820] =	vst v0  }
0x21: {  	[tilespmem:s26+$0x2830] =	vst v0  }
0x22: {  	[tilespmem:s26+$0x2840] =	vst v0  }
0x23: {  	[tilespmem:s26+$0x2850] =	vst v0  }
0x24: {  	[tilespmem:s26+$0x2860] =	vst v0  }
0x25: {  	[spmem:s5] =	stream.linear.scatter [tilespmem:s18], [sflag:$0x3], $0x4000, $0x38;
	[tilespmem:$0x1E080] =	vst v63  }
0x26: {  	_ =	swait.ge [sflag:s19], $0x4000  }
0x27: {  	[sflag:s19] =	ssyncset.done $0x0  }
0x28: {  	[sflag:s19] =	ssyncadd.s32 $0xFFFFC000  }
0x29: {  	[spmem:s6] =	stream.linear.scatter [tilespmem:s18], [sflag:$0x3], $0x4000, $0x38;
	[tilespmem:$0x1E080] =	vst v63  }
0x2a: {  	_ =	swait.ge [sflag:s19], $0x4000  }
0x2b: {  	[sflag:s19] =	ssyncset.done $0x0  }
0x2c: {  	[sflag:s19] =	ssyncadd.s32 $0xFFFFC000  }
0x2d: {  	[spmem:s7] =	stream.linear.scatter [tilespmem:s18], [sflag:$0x3], $0x4000, $0x38;
	[tilespmem:$0x1E080] =	vst v63  }
0x2e: {  	_ =	swait.ge [sflag:s19], $0x4000  }
0x2f: {  	[sflag:s19] =	ssyncset.done $0x0  }
0x30: {  	[sflag:s19] =	ssyncadd.s32 $0xFFFFC000  }
0x31: {  	[spmem:s8] =	stream.linear.scatter [tilespmem:s18], [sflag:$0x3], $0x4000, $0x38;
	[tilespmem:$0x1E080] =	vst v63  }
0x32: {  	_ =	swait.ge [sflag:s19], $0x4000  }
0x33: {  	[sflag:s19] =	ssyncset.done $0x0  }
0x34: {  	[sflag:s19] =	ssyncadd.s32 $0xFFFFC000  }
0x35: {  	[spmem:s10] =	stream.linear.scatter [tilespmem:s18], [sflag:$0x3], $0x3880, $0x38;
	[tilespmem:$0x1E080] =	vst v63  }
0x36: {  	_ =	swait.ge [sflag:s19], $0x3880  }
0x37: {  	[sflag:s19] =	ssyncset.done $0x0  }
0x38: {  	[sflag:s19] =	ssyncadd.s32 $0xFFFFC780  }
0x39: {  	s30 =	simm.s32 $0x0;
	[bflag:$0x0] =	sbarrier.arrive $0xFFFF  }
0x3a: {  	[tilespmem:s30], [sflag:$0x3] =	stream.linear.gather [hbm4b:s9+s30], $0x1380, $0x38;
	[tilespmem:$0x1E080] =	vst v63  }
0x3b: {  	_ =	swait.ge [sflag:s19], $0x1380  }
0x3c: {  	[sflag:s19] =	ssyncset.done $0x0  }
0x3d: {  	[sflag:s19] =	ssyncadd.s32 $0xFFFFEC80  }
0x3e: {  	[tilespmem:s20], [sflag:$0x3] =	stream.linear.gather [hbm4b:s11+s30], $0x1380, $0x38;
	[tilespmem:$0x1E080] =	vst v63  }
0x3f: {  	_ =	swait.ge [sflag:s19], $0x1380  }
0x40: {  	[sflag:s19] =	ssyncset.done $0x0  }
0x41: {  	[sflag:s19] =	ssyncadd.s32 $0xFFFFEC80  }
0x42: {  	[tilespmem:s18], [sflag:$0x1] =	stream.indirect.gather [hbm4b:s4+s21], $0x80, s30, s21, $0xb8;
	[tilespmem:$0x1E080] =	vst v63  }
0x43: {  	s31 =	simm.s32 $0x80  }
0x44: {  	[tilespmem:s22], [sflag:$0x2] =	stream.indirect.gather [hbm4b:s4+s21], $0x80, s31, s21, $0xb8;
	[tilespmem:$0x1E080] =	vst v63  }
0x45: {  	_ =	swait.ge [sflag:s23], $0x4000  }
0x46: {  	[sflag:s23] =	ssyncset.done $0x0  }
0x47: {  	s29 =	simm.s32 $0x1380;
	[sflag:s23] =	ssyncadd.s32 $0xFFFFC000  }
0x48: {  	[spmem:s2] =	stream.indirect.scatter.add.f32 [tilespmem:s18], [sflag:$0x3], $0x80, s29, s21, $0xb8;
	[tilespmem:$0x1E080] =	vst v63  }
0x49: {  	_ =	swait.ge [sflag:s19], $0x4000  }
0x4a: {  	[sflag:s19] =	ssyncset.done $0x0  }
0x4b: {  	s30 =	simm.s32 $0x100;
	[sflag:s19] =	ssyncadd.s32 $0xFFFFC000  }
0x4c: {  	[tilespmem:s18], [sflag:$0x1] =	stream.indirect.gather [hbm4b:s4+s21], $0x80, s30, s21, $0xb8;
	[tilespmem:$0x1E080] =	vst v63  }
0x4d: {  	_ =	swait.ge [sflag:s24], $0x4000  }
0x4e: {  	[sflag:s24] =	ssyncset.done $0x0  }
0x4f: {  	s31 =	simm.s32 $0x1400;
	[sflag:s24] =	ssyncadd.s32 $0xFFFFC000  }
0x50: {  	[spmem:s2] =	stream.indirect.scatter.add.f32 [tilespmem:s22], [sflag:$0x3], $0x80, s31, s21, $0xb8;
	[tilespmem:$0x1E080] =	vst v63  }
0x51: {  	_ =	swait.ge [sflag:s19], $0x4000  }
0x52: {  	s28 =	simm.s32 $0x800;
	s26 =	simm.s32 $0x100;
	[sflag:s19] =	ssyncset.done $0x0  }
.LBB2_4:
0x53: {  	s29 =	sadd.s32 $0x80, s26  }
0x54: {  	[sflag:s19] =	ssyncadd.s32 $0xFFFFC000;
	s30 =	smov.u32 s28;
	s31 =	sadd.s32 $0x400, s28  }
0x55: {  	[tilespmem:s22], [sflag:$0x2] =	stream.indirect.gather [hbm4b:s4+s21], $0x80, s29, s21, $0xb8;
	[tilespmem:$0x1E080] =	vst v63  }
0x56: {  	p1 =	sne.s32 s28, $0x4800;
	_ =	swait.ge [sflag:s23], $0x4000  }
0x57: {  	[sflag:s23] =	ssyncset.done $0x0  }
0x58: {  	s28 =	sadd.s32 $0x1380, s26;
	[sflag:s23] =	ssyncadd.s32 $0xFFFFC000  }
0x59: {  	[spmem:s2] =	stream.indirect.scatter.add.f32 [tilespmem:s18], [sflag:$0x3], $0x80, s28, s21, $0xb8;
	[tilespmem:$0x1E080] =	vst v63  }
0x5a: {  	_ =	swait.ge [sflag:s19], $0x4000  }
0x5b: {  	[sflag:s19] =	ssyncset.done $0x0  }
0x5c: {  	s28 =	sadd.s32 $0x100, s26;
	[sflag:s19] =	ssyncadd.s32 $0xFFFFC000  }
0x5d: {  	[tilespmem:s18], [sflag:$0x1] =	stream.indirect.gather [hbm4b:s4+s21], $0x80, s28, s21, $0xb8;
	[tilespmem:$0x1E080] =	vst v63  }
0x5e: {  	_ =	swait.ge [sflag:s24], $0x4000  }
.Ltmp1:
0x5f: {  	[sflag:s24] =	ssyncset.done $0x0;
	(pc) =	sbr.rel @p1 .LBB2_4-.Ltmp1, $4  }
0x60: {  	s26 =	sadd.s32 $0x1400, s26;
	[sflag:s24] =	ssyncadd.s32 $0xFFFFC000  }
0x61: {  	[spmem:s2] =	stream.indirect.scatter.add.f32 [tilespmem:s22], [sflag:$0x3], $0x80, s26, s21, $0xb8;
	[tilespmem:$0x1E080] =	vst v63  }
0x62: {  	_ =	swait.ge [sflag:s19], $0x4000  }
0x63: {  	s28 =	smov.u32 s31;
	s26 =	sshra.s32 s30, $0x2;
	[sflag:s19] =	ssyncset.done $0x0  }
0x64: {  	s28 =	sadd.s32 $0x80, s26;
	[sflag:s19] =	ssyncadd.s32 $0xFFFFC000  }
0x65: {  	[tilespmem:s22], [sflag:$0x2] =	stream.indirect.gather [hbm4b:s4+s21], $0x80, s28, s21, $0xb8;
	[tilespmem:$0x1E080] =	vst v63  }
0x66: {  	_ =	swait.ge [sflag:s23], $0x4000  }
0x67: {  	[sflag:s23] =	ssyncset.done $0x0  }
0x68: {  	s28 =	sadd.s32 $0x1380, s26;
	[sflag:s23] =	ssyncadd.s32 $0xFFFFC000  }
0x69: {  	[spmem:s2] =	stream.indirect.scatter.add.f32 [tilespmem:s18], [sflag:$0x3], $0x80, s28, s21, $0xb8;
	[tilespmem:$0x1E080] =	vst v63  }
0x6a: {  	_ =	swait.ge [sflag:s19], $0x4000  }
0x6b: {  	[sflag:s19] =	ssyncset.done $0x0  }
0x6c: {  	s28 =	sadd.s32 $0x100, s26;
	[sflag:s19] =	ssyncadd.s32 $0xFFFFC000  }
0x6d: {  	[tilespmem:s18], [sflag:$0x1] =	stream.indirect.gather [hbm4b:s4+s21], $0x80, s28, s21, $0xb8;
	[tilespmem:$0x1E080] =	vst v63  }
0x6e: {  	_ =	swait.ge [sflag:s24], $0x4000  }
0x6f: {  	[sflag:s24] =	ssyncset.done $0x0  }
0x70: {  	s29 =	sadd.s32 $0x1400, s26;
	[sflag:s24] =	ssyncadd.s32 $0xFFFFC000  }
0x71: {  	[spmem:s2] =	stream.indirect.scatter.add.f32 [tilespmem:s22], [sflag:$0x3], $0x80, s29, s21, $0xb8;
	[tilespmem:$0x1E080] =	vst v63  }
0x72: {  	_ =	swait.ge [sflag:s19], $0x4000  }
0x73: {  	[sflag:s19] =	ssyncset.done $0x0  }
0x74: {  	[sflag:s19] =	ssyncadd.s32 $0xFFFFC000  }
0x75: {  	_ =	swait.ge [sflag:s23], $0x4000  }
0x76: {  	[sflag:s23] =	ssyncset.done $0x0  }
0x77: {  	[sflag:s23] =	ssyncadd.s32 $0xFFFFC000  }
0x78: {  	[spmem:s2] =	stream.indirect.scatter.add.f32 [tilespmem:s18], [sflag:$0x3], $0x80, s25, s21, $0xb8;
	[tilespmem:$0x1E080] =	vst v63  }
0x79: {  	_ =	swait.ge [sflag:s19], $0x4000  }
0x7a: {  	[sflag:s19] =	ssyncset.done $0x0  }
0x7b: {  	s30 =	simm.s32 $0x0;
	[sflag:s19] =	ssyncadd.s32 $0xFFFFC000  }
0x7c: {  	[tilespmem:s30], [sflag:$0x3] =	stream.linear.gather [hbm4b:s12+s30], $0x1380, $0x38;
	[tilespmem:$0x1E080] =	vst v63  }
0x7d: {  	_ =	swait.ge [sflag:s19], $0x1380  }
0x7e: {  	[sflag:s19] =	ssyncset.done $0x0  }
0x7f: {  	[sflag:s19] =	ssyncadd.s32 $0xFFFFEC80  }
0x80: {  	[tilespmem:s20], [sflag:$0x3] =	stream.linear.gather [hbm4b:s13+s30], $0x1380, $0x38;
	[tilespmem:$0x1E080] =	vst v63  }
0x81: {  	_ =	swait.ge [sflag:s19], $0x1380  }
0x82: {  	[sflag:s19] =	ssyncset.done $0x0  }
0x83: {  	[sflag:s19] =	ssyncadd.s32 $0xFFFFEC80  }
0x84: {  	[tilespmem:s18], [sflag:$0x1] =	stream.indirect.gather [hbm4b:s4+s21], $0x80, s30, s21, $0xb8;
	[tilespmem:$0x1E080] =	vst v63  }
0x85: {  	s31 =	simm.s32 $0x80  }
0x86: {  	[tilespmem:s22], [sflag:$0x2] =	stream.indirect.gather [hbm4b:s4+s21], $0x80, s31, s21, $0xb8;
	[tilespmem:$0x1E080] =	vst v63  }
0x87: {  	_ =	swait.ge [sflag:s23], $0x4000  }
0x88: {  	[sflag:s23] =	ssyncset.done $0x0  }
0x89: {  	s29 =	simm.s32 $0x1380;
	[sflag:s23] =	ssyncadd.s32 $0xFFFFC000  }
0x8a: {  	[spmem:s2] =	stream.indirect.scatter.add.f32 [tilespmem:s18], [sflag:$0x3], $0x80, s29, s21, $0xb8;
	[tilespmem:$0x1E080] =	vst v63  }
0x8b: {  	_ =	swait.ge [sflag:s19], $0x4000  }
0x8c: {  	[sflag:s19] =	ssyncset.done $0x0  }
0x8d: {  	s30 =	simm.s32 $0x100;
	[sflag:s19] =	ssyncadd.s32 $0xFFFFC000  }
0x8e: {  	[tilespmem:s18], [sflag:$0x1] =	stream.indirect.gather [hbm4b:s4+s21], $0x80, s30, s21, $0xb8;
	[tilespmem:$0x1E080] =	vst v63  }
0x8f: {  	_ =	swait.ge [sflag:s24], $0x4000  }
0x90: {  	[sflag:s24] =	ssyncset.done $0x0  }
0x91: {  	s31 =	simm.s32 $0x1400;
	[sflag:s24] =	ssyncadd.s32 $0xFFFFC000  }
0x92: {  	[spmem:s2] =	stream.indirect.scatter.add.f32 [tilespmem:s22], [sflag:$0x3], $0x80, s31, s21, $0xb8;
	[tilespmem:$0x1E080] =	vst v63  }
0x93: {  	_ =	swait.ge [sflag:s19], $0x4000  }
0x94: {  	s26 =	simm.s32 $0x100;
	s28 =	simm.s32 $0x800;
	[sflag:s19] =	ssyncset.done $0x0  }
.LBB2_6:
0x95: {  	s29 =	sadd.s32 $0x80, s26  }
0x96: {  	[sflag:s19] =	ssyncadd.s32 $0xFFFFC000;
	s30 =	smov.u32 s28;
	s31 =	sadd.s32 $0x400, s28  }
0x97: {  	[tilespmem:s22], [sflag:$0x2] =	stream.indirect.gather [hbm4b:s4+s21], $0x80, s29, s21, $0xb8;
	[tilespmem:$0x1E080] =	vst v63  }
0x98: {  	p1 =	sne.s32 s28, $0x4800;
	_ =	swait.ge [sflag:s23], $0x4000  }
0x99: {  	[sflag:s23] =	ssyncset.done $0x0  }
0x9a: {  	s28 =	sadd.s32 $0x1380, s26;
	[sflag:s23] =	ssyncadd.s32 $0xFFFFC000  }
0x9b: {  	[spmem:s2] =	stream.indirect.scatter.add.f32 [tilespmem:s18], [sflag:$0x3], $0x80, s28, s21, $0xb8;
	[tilespmem:$0x1E080] =	vst v63  }
0x9c: {  	_ =	swait.ge [sflag:s19], $0x4000  }
0x9d: {  	[sflag:s19] =	ssyncset.done $0x0  }
0x9e: {  	s28 =	sadd.s32 $0x100, s26;
	[sflag:s19] =	ssyncadd.s32 $0xFFFFC000  }
0x9f: {  	[tilespmem:s18], [sflag:$0x1] =	stream.indirect.gather [hbm4b:s4+s21], $0x80, s28, s21, $0xb8;
	[tilespmem:$0x1E080] =	vst v63  }
0xa0: {  	_ =	swait.ge [sflag:s24], $0x4000  }
.Ltmp2:
0xa1: {  	[sflag:s24] =	ssyncset.done $0x0;
	(pc) =	sbr.rel @p1 .LBB2_6-.Ltmp2, $4  }
0xa2: {  	s26 =	sadd.s32 $0x1400, s26;
	[sflag:s24] =	ssyncadd.s32 $0xFFFFC000  }
0xa3: {  	[spmem:s2] =	stream.indirect.scatter.add.f32 [tilespmem:s22], [sflag:$0x3], $0x80, s26, s21, $0xb8;
	[tilespmem:$0x1E080] =	vst v63  }
0xa4: {  	_ =	swait.ge [sflag:s19], $0x4000  }
0xa5: {  	s28 =	smov.u32 s31;
	s26 =	sshra.s32 s30, $0x2;
	[sflag:s19] =	ssyncset.done $0x0  }
0xa6: {  	s28 =	sadd.s32 $0x80, s26;
	[sflag:s19] =	ssyncadd.s32 $0xFFFFC000  }
0xa7: {  	[tilespmem:s22], [sflag:$0x2] =	stream.indirect.gather [hbm4b:s4+s21], $0x80, s28, s21, $0xb8;
	[tilespmem:$0x1E080] =	vst v63  }
0xa8: {  	_ =	swait.ge [sflag:s23], $0x4000  }
0xa9: {  	[sflag:s23] =	ssyncset.done $0x0  }
0xaa: {  	s30 =	sadd.s32 $0x1380, s26;
	[sflag:s23] =	ssyncadd.s32 $0xFFFFC000  }
0xab: {  	[spmem:s2] =	stream.indirect.scatter.add.f32 [tilespmem:s18], [sflag:$0x3], $0x80, s30, s21, $0xb8;
	[tilespmem:$0x1E080] =	vst v63  }
0xac: {  	_ =	swait.ge [sflag:s19], $0x4000  }
0xad: {  	[sflag:s19] =	ssyncset.done $0x0  }
0xae: {  	s31 =	sadd.s32 $0x100, s26;
	[sflag:s19] =	ssyncadd.s32 $0xFFFFC000  }
0xaf: {  	[tilespmem:s18], [sflag:$0x1] =	stream.indirect.gather [hbm4b:s4+s21], $0x80, s31, s21, $0xb8;
	[tilespmem:$0x1E080] =	vst v63  }
0xb0: {  	_ =	swait.ge [sflag:s24], $0x4000  }
0xb1: {  	[sflag:s24] =	ssyncset.done $0x0  }
0xb2: {  	s29 =	sadd.s32 $0x1400, s26;
	[sflag:s24] =	ssyncadd.s32 $0xFFFFC000  }
0xb3: {  	[spmem:s2] =	stream.indirect.scatter.add.f32 [tilespmem:s22], [sflag:$0x3], $0x80, s29, s21, $0xb8;
	[tilespmem:$0x1E080] =	vst v63  }
0xb4: {  	_ =	swait.ge [sflag:s19], $0x4000  }
0xb5: {  	[sflag:s19] =	ssyncset.done $0x0  }
0xb6: {  	[sflag:s19] =	ssyncadd.s32 $0xFFFFC000  }
0xb7: {  	_ =	swait.ge [sflag:s23], $0x4000  }
0xb8: {  	[sflag:s23] =	ssyncset.done $0x0  }
0xb9: {  	[sflag:s23] =	ssyncadd.s32 $0xFFFFC000  }
0xba: {  	[spmem:s2] =	stream.indirect.scatter.add.f32 [tilespmem:s18], [sflag:$0x3], $0x80, s25, s21, $0xb8;
	[tilespmem:$0x1E080] =	vst v63  }
0xbb: {  	_ =	swait.ge [sflag:s19], $0x4000  }
0xbc: {  	s26 =	simm.s32 @!p0 $0x0;
	[sflag:s19] =	ssyncset.done $0x0  }
0xbd: {  	s28 =	simm.s32 @!p0 $0x2700;
	s29 =	simm.s32 @!p0 $0x3;
	[sflag:s19] =	ssyncadd.s32 $0xFFFFC000  }
0xbe: {  	[tilespmem:s28], [sflag:$0x3] =	stream.linear.gather @!p0 [hbm4b:s14+s26], $0x80, $0x38;
	[tilespmem:$0x1E080] =	vst v63  }
0xbf: {  	_ =	swait.ge @!p0 [sflag:s29], $0x80  }
0xc0: {  	[sflag:s29] =	ssyncset.done @!p0 $0x0  }
0xc1: {  	s30 =	simm.s32 @!p0 $0x2780;
	[sflag:s29] =	ssyncadd.s32 @!p0 $0xFFFFFF80  }
0xc2: {  	[tilespmem:s30], [sflag:$0x3] =	stream.linear.gather @!p0 [hbm4b:s15+s26], $0x80, $0x38;
	[tilespmem:$0x1E080] =	vst v63  }
0xc3: {  	_ =	swait.ge @!p0 [sflag:s29], $0x80  }
0xc4: {  	[sflag:s29] =	ssyncset.done @!p0 $0x0  }
0xc5: {  	s31 =	simm.s32 @!p0 $0x2800;
	s26 =	simm.s32 @!p0 $0x80;
	[sflag:s29] =	ssyncadd.s32 @!p0 $0xFFFFFF80  }
0xc6: {  	[tilespmem:s31], [sflag:$0x1] =	stream.indirect.gather @!p0 [hbm4b:s4+s26], $0x80, s28, s26, $0xb8;
	[tilespmem:$0x1E080] =	vst v63  }
0xc7: {  	s28 =	simm.s32 @!p0 $0x1  }
0xc8: {  	_ =	swait.ge @!p0 [sflag:s28], $0x4000  }
0xc9: {  	[sflag:s28] =	ssyncset.done @!p0 $0x0  }
0xca: {  	[sflag:s28] =	ssyncadd.s32 @!p0 $0xFFFFC000  }
0xcb: {  	[spmem:s2] =	stream.indirect.scatter.add.f32 @!p0 [tilespmem:s31], [sflag:$0x3], $0x80, s30, s26, $0xb8;
	[tilespmem:$0x1E080] =	vst v63  }
0xcc: {  	s3 =	sadd.s32 $0x1, s3;
	_ =	swait.ge @!p0 [sflag:s29], $0x4000  }
0xcd: {  	p1 =	sne.s32 s3, s17;
	[sflag:s29] =	ssyncset.done @!p0 $0x0  }
0xce: {  	s30 =	sshll.u32 s1, $0x6;
	s31 =	sshrl.u32 s5, $0x3;
	[sflag:s29] =	ssyncadd.s32 @!p0 $0xFFFFC000  }
.Ltmp3:
0xcf: {  	s26 =	sor.u32 $0x1C03, s30;
	[bflag:$0x0] =	sbarrier.arrive $0xFFFF;
	(pc) =	sbr.rel @p1 .LBB2_1-.Ltmp3, $4  }
0xd0: {  	[hbm:s16], [sflag:s26] =	dma.local [spmem:s31], $0x2710  }
0xd1: {  	_ =	swait.ge [sflag:s19], $0x2710  }
0xd2: {  	[sflag:s19] =	ssyncset.done $0x0  }
0xd3: {  	[sflag:s19] =	ssyncadd.s32 $0xFFFFD8F0  }
0xd4: {  	_ =	sfence.sel $0x180000  }
0xd5: {  	[bflag:$0x0] =	sbarrier.arrive $0xFFFF  }
0xd6: {  	p0 =	sne.s32 s1, $0x0;
	_ =	strace $0x9000004A  }
0xd7: {  	s0 =	sadd.s32 @!p0 $0x100000, s0;
	[bflag:$0x2] =	sbarrier.arrive $0xFFFF  }
0xd8: {  	[sflag:s0] =	ssyncadd.tile.s32 @!p0 $0x1;
	_ =	shalt  }
.Lfunc_end2:
_tile_overlayer_lowered:
.L_overlay_start_2:
0xd9: {  	(tag) =	ssettag $0x2  }
0xda: {  	s0 =	rddreg [dreg:$0x0];
	s2 =	stileid.u32  }
0xdb: {  	s1 =	rddreg [dreg:$0x1];
	p0 =	sne.s32 s2, $0x0  }
0xdc: {  	s3 =	rddreg [dreg:$0x2];
	[bflag:$0x3] =	sbarrier.arrive $0xFFFF;
	s2 =	simm.s32 @!p0 $0x1C03  }
0xdd: {  	[timem:s3], [sflag:s2] =	dma.local @!p0 [hbm:s0], s1  }
0xde: {  	s0 =	simm.s32 @!p0 $0x3  }
0xdf: {  	_ =	swait.ge @!p0 [sflag:s0], s1  }
0xe0: {  	s1 =	ssub.s32 @!p0 $0x0, s1;
	[sflag:s0] =	ssyncset.done @!p0 $0x0  }
0xe1: {  	[sflag:s0] =	ssyncadd.s32 @!p0 s1  }
0xe2: {  	[bflag:$0x3] =	sbarrier.arrive $0xFFFF  }
0xe3: {  	_ =	shalt  }

// kernel: kernel.15.cloned.1.call-start
scs
__scs_entry_jumppad:
0x0: {  	(pc) =	sbr.rel $0x88, $3  }
0x1: {  	(tag) =	ssettag $0x0;
	lr =	simm.s32 $0x1  }
0x2: {  	[smem:$0x3F9B] =	sst lr;
	_ =	strace $0xD0000000  }
0x3: {  	_ = 	snop  }
0x4: {  	_ = 	snop  }
0x5: {  	_ = 	snop  }
0x6: {  	_ = 	snop  }
0x7: {  	_ = 	snop  }
__scs_overlays_trampoline_lowered:
0x8: {  	[smem:$0x3FAA] =	sst s0  }
0x9: {  	[smem:$0x3FAB] =	sst s1  }
0xa: {  	[smem:$0x3FAC] =	sst s2  }
0xb: {  	[smem:$0x3FAD] =	sst s3  }
0xc: {  	[smem:$0x3FAE] =	sst s4  }
0xd: {  	[smem:$0x3FAF] =	sst s5  }
0xe: {  	[smem:$0x3FB0] =	sst s6  }
0xf: {  	[smem:$0x3FB1] =	sst s7  }
0x10: {  	[smem:$0x3FB2] =	sst s8  }
0x11: {  	[smem:$0x3FB3] =	sst s9;
	s0 =	simm.s32 @!p0 $0x0  }
0x12: {  	s1 =	sld [smem:$0x3F99];
	s0 =	simm.s32 @p0 $0x1  }
0x13: {  	[smem:$0x3FB4] =	sst s0;
	s0 =	simm.s32 @!p1 $0x0  }
0x14: {  	s2 =	sld [smem:$0x3F98];
	s0 =	simm.s32 @p1 $0x1  }
0x15: {  	[smem:$0x3FB5] =	sst s0;
	s0 =	simm.s32 @!p2 $0x0  }
0x16: {  	s3 =	sld [smem:$0x3FDB];
	s0 =	simm.s32 @p2 $0x1  }
0x17: {  	s4 =	simm.s32 $0x1BF5;
	[smem:$0x3FB7] =	sst s0  }
0x18: {  	s0 =	sld [smem:$0x3F9A];
	_ =	swait.ge [sflag:s4], $0x0  }
0x19: {  	s7 =	sld [smem:$0x3F9B]  }
0x1a: {  	s8 =	sadd.s32 $0xFFFFE003, lr  }
0x1b: {  	s9 =	sadd.s32 $0xFFFFFEF7, lr;
	s5 =	simm.s32 $0xFFFFFFFF;
	p2 =	slt.u32 s8, $0xFFFFF086  }
0x1c: {  	p1 =	slt.u32 s9, $0xF7A;
	s5 =	simm.s32 @!p2 $0x0  }
0x1d: {  	s5 =	simm.s32 @p1 $0x1;
	p0 =	seq.s32 s7, s2  }
0x1e: {  	s7 =	smul.u32 @!p0 $0xF7A, s2;
	p2 =	seq.s32 @!p0 s5, $0x0  }
0x1f: {  	s9 =	smul.u32 $0xF7A, s1;
	s8 =	simm.s32 @!p0 $0x1BF5;
	p2 =	por !p2, p0  }
0x20: {  	[sflag:s8] =	ssyncset.s32 @!p0 $0xFFFFF086;
	s6 =	sadd.s32 @!p0 s3, s7;
	s7 =	simm.s32 @!p0 $0x108  }
0x21: {  	s3 =	sadd.s32 s3, s9;
	s6 =	sadd.s32 @!p0 $0x88, s6;
	s7 =	simm.s32 @p2 $0x1082  }
0x22: {  	[simem:s7], [sflag:s8] =	dma.local @!p0 [hbm:s6], $0xF7A  }
0x23: {  	s9 =	sor.u32 $0xD0000000, s2;
	s6 =	simm.s32 $0x108;
	_ =	swait.ge @!p0 [sflag:s8], $0x0  }
0x24: {  	s3 =	sadd.s32 $0x88, s3;
	s6 =	simm.s32 @!p1 $0x1082;
	[sflag:s4] =	ssyncset.s32 $0xFFFFF086  }
0x25: {  	[simem:s6], [sflag:s4] =	dma.local [hbm:s3], $0xF7A  }
0x26: {  	[smem:$0x3F9B] =	sst s1;
	(tag) =	ssettag s2;
	_ =	strace s9  }
0x27: {  	s1 =	sld [smem:$0x3FAB]  }
0x28: {  	s2 =	sld [smem:$0x3FAC]  }
0x29: {  	s4 =	sld [smem:$0x3FAE]  }
0x2a: {  	p0 =	seq.s32 s5, $0x0;
	s5 =	sld [smem:$0x3FAF]  }
0x2b: {  	s6 =	sld [smem:$0x3FB0]  }
0x2c: {  	s7 =	sld [smem:$0x3FB1]  }
0x2d: {  	s3 =	simm.s32 $0x108;
	s8 =	sld [smem:$0x3FB2]  }
0x2e: {  	s3 =	simm.s32 @!p0 $0x1082;
	s9 =	sld [smem:$0x3FB3]  }
0x2f: {  	lr =	sadd.s32 s0, s3;
	s0 =	sld [smem:$0x3FAA]  }
0x30: {  	s3 =	sld [smem:$0x3FAD]  }
0x31: {  	[smem:$0x3FB6] =	sst s10  }
0x32: {  	s10 =	sld [smem:$0x3FB4];
	_ =	sdelay $0x3  }
0x33: {  	p0 =	seq.s32 s10, $0x1;
	s10 =	sld [smem:$0x3FB6];
	_ =	sdelay $0x3  }
0x34: {  	[smem:$0x3FB6] =	sst s10  }
0x35: {  	s10 =	sld [smem:$0x3FB5];
	_ =	sdelay $0x3  }
0x36: {  	p1 =	seq.s32 s10, $0x1;
	s10 =	sld [smem:$0x3FB6];
	_ =	sdelay $0x3  }
0x37: {  	[smem:$0x3FB6] =	sst s10  }
0x38: {  	s10 =	sld [smem:$0x3FB7]  }
0x39: {  	_ = 	snop;
	(pc) =	sbr.ind lr, $3  }
0x3a: {  	_ = 	snop  }
0x3b: {  	_ = 	snop  }
0x3c: {  	p2 =	seq.s32 s10, $0x1;
	s10 =	sld [smem:$0x3FB6]  }
0x3d: {  	_ =	shalt  }
0x3e: {  	_ =	shalt  }
0x3f: {  	_ =	shalt  }
0x40: {  	_ =	shalt  }
0x41: {  	_ =	shalt  }
0x42: {  	_ =	shalt  }
0x43: {  	_ =	shalt  }
0x44: {  	_ =	shalt  }
0x45: {  	_ =	shalt  }
0x46: {  	_ =	shalt  }
0x47: {  	_ =	shalt  }
0x48: {  	_ =	shalt  }
0x49: {  	_ =	shalt  }
0x4a: {  	_ =	shalt  }
0x4b: {  	_ =	shalt  }
0x4c: {  	_ =	shalt  }
0x4d: {  	_ =	shalt  }
0x4e: {  	_ =	shalt  }
0x4f: {  	_ =	shalt  }
0x50: {  	_ =	shalt  }
0x51: {  	_ =	shalt  }
0x52: {  	_ =	shalt  }
0x53: {  	_ =	shalt  }
0x54: {  	_ =	shalt  }
0x55: {  	_ =	shalt  }
0x56: {  	_ =	shalt  }
0x57: {  	_ =	shalt  }
0x58: {  	_ =	shalt  }
0x59: {  	_ =	shalt  }
0x5a: {  	_ =	shalt  }
0x5b: {  	_ =	shalt  }
0x5c: {  	_ =	shalt  }
0x5d: {  	_ =	shalt  }
0x5e: {  	_ =	shalt  }
0x5f: {  	_ =	shalt  }
0x60: {  	_ =	shalt  }
0x61: {  	_ =	shalt  }
0x62: {  	_ =	shalt  }
0x63: {  	_ =	shalt  }
0x64: {  	_ =	shalt  }
0x65: {  	_ =	shalt  }
0x66: {  	_ =	shalt  }
0x67: {  	_ =	shalt  }
0x68: {  	_ =	shalt  }
0x69: {  	_ =	shalt  }
0x6a: {  	_ =	shalt  }
0x6b: {  	_ =	shalt  }
0x6c: {  	_ =	shalt  }
0x6d: {  	_ =	shalt  }
0x6e: {  	_ =	shalt  }
0x6f: {  	_ =	shalt  }
0x70: {  	_ =	shalt  }
0x71: {  	_ =	shalt  }
0x72: {  	_ =	shalt  }
0x73: {  	_ =	shalt  }
0x74: {  	_ =	shalt  }
0x75: {  	_ =	shalt  }
0x76: {  	_ =	shalt  }
0x77: {  	_ =	shalt  }
0x78: {  	_ =	shalt  }
0x79: {  	_ =	shalt  }
0x7a: {  	_ =	shalt  }
0x7b: {  	_ =	shalt  }
0x7c: {  	_ =	shalt  }
0x7d: {  	_ =	shalt  }
0x7e: {  	_ =	shalt  }
0x7f: {  	_ =	shalt  }
0x80: {  	_ =	shalt  }
0x81: {  	_ =	shalt  }
0x82: {  	_ =	shalt  }
0x83: {  	_ =	shalt  }
0x84: {  	_ =	shalt  }
0x85: {  	_ =	shalt  }
0x86: {  	_ =	shalt  }
0x87: {  	_ =	shalt  }
.Lfunc_end0:
.L_simem_size_0:
called_computation.2_lowered:
.L_overlay_start_0:
0x88: {  	s2 =	sld [smem:$0x3FD9]  }
0x89: {  	s3 =	sld [smem:$0x3FFE];
	_ =	sdelay $0x1  }
0x8a: {  	s1 =	srdreg.scid  }
0x8b: {  	s0 =	sand.u32 $0x1, s1  }
0x8c: {  	s17 =	sshll.u32 s0, $0xA;
	s2 =	sadd.s32 s3, s2  }
0x8d: {  	s2 =	sadd.s32 s2, s17  }
0x8e: {  	[smem:$0x3FC2] =	sst s2  }
0x8f: {  	_ = 	snop  }
0x90: {  	s2 =	sld [smem:$0x3FD0];
	(tm) =	ssettm $0x1  }
0x91: {  	s18 =	sld [smem:$0x3FFB];
	_ =	sdelay $0x3  }
0x92: {  	_ =	strace s18  }
0x93: {  	s3 =	sld [smem:$0x3FFC];
	_ =	sdelay $0x3  }
0x94: {  	_ =	strace s3  }
0x95: {  	s3 =	sld [smem:$0x3FFD];
	_ =	sdelay $0x3  }
0x96: {  	_ =	strace s3  }
0x97: {  	_ =	strace $0x8FFFFFFF  }
0x98: {  	s19 =	sld [smem:$0x3FDB];
	_ =	sdelay $0x1  }
0x99: {  	s4 =	simm.s32 $_scs_section_size  }
0x9a: {  	s5 =	simm.s32 $_size__tile_overlayer_lowered;
	s6 =	simm.s32 $_tile_overlayer_lowered  }
0x9b: {  	s22 =	simm.s32 $0x1BFF;
	s21 =	sshll.u32 s6, $0x1;
	s3 =	sadd.s32 s4, s19  }
0x9c: {  	s7 =	simm.s32 $0x0;
	s20 =	sshll.u32 s5, $0x1;
	s5 =	sadd.s32 s21, s3  }
0x9d: {  	[timem:s7], [sflag:s22] =	dma.local [hbm:s5], s20  }
0x9e: {  	_ =	swait.ge [sflag:s22], s20  }
0x9f: {  	s4 =	ssub.s32 $0x0, s20;
	[sflag:s22] =	ssyncset.done $0x0  }
0xa0: {  	[sflag:s22] =	ssyncadd.s32 s4;
	_ =	sdelay $0x1  }
0xa1: {  	s23 =	simm.s32 $0x1B8B  }
0xa2: {  	_ =	swait.ge [sflag:s23], $0x1  }
0xa3: {  	[sflag:s23] =	ssyncset.done $0x0  }
0xa4: {  	s25 =	simm.s32 $0x1B8E;
	s24 =	sld [smem:$0x3FFE];
	[sflag:s23] =	ssyncadd.s32 $0xFFFFFFFF  }
0xa5: {  	s26 =	simm.s32 $execute0_lowered;
	[smem:$0x3FD2] =	sst s25  }
0xa6: {  	s5 =	sshll.u32 s26, $0x1;
	_ =	strace $0x8000004C;
	[dreg:$0x1] =	wrdreg $0xFFFFFFFF  }
0xa7: {  	s28 =	simm.s32 $_size_execute0_lowered;
	s3 =	sadd.s32 s3, s5;
	[dreg:$0x0] =	wrdreg $0x0  }
0xa8: {  	s5 =	sshll.u32 s28, $0x1;
	[dreg:$0x2] =	wrdreg s3  }
0xa9: {  	[dreg:$0x3] =	wrdreg s5  }
0xaa: {  	[dreg:$0x4] =	wrdreg $0xC0  }
0xab: {  	_ =	task [dreg:s7], $0x5FFFF  }
0xac: {  	[dreg:$0x1] =	wrdreg $0xFFFFFFFF  }
0xad: {  	[dreg:$0x0] =	wrdreg $0x60  }
0xae: {  	[dreg:$0x2] =	wrdreg s2  }
0xaf: {  	[dreg:$0x3] =	wrdreg s24  }
0xb0: {  	[dreg:$0x4] =	wrdreg $0x78000  }
0xb1: {  	[dreg:$0x5] =	wrdreg $0x9  }
0xb2: {  	_ =	task.clear_ibuf [dreg:s7], $0x6FFFF;
	_ =	strace $0x9000004C  }
0xb3: {  	s29 =	simm.s32 $0x9;
	_ =	strace $0x8000004E  }
0xb4: {  	_ =	swait.ge [sflag:s29], $0x1  }
0xb5: {  	[sflag:s29] =	ssyncadd.s32 $0xFFFFFFFF  }
0xb6: {  	_ =	strace $0x9000004E  }
0xb7: {  	_ =	sfence  }
0xb8: {  	s30 =	sld [smem:$0x0];
	_ =	sdelay $0x2  }
0xb9: {  	s31 =	sshll.u32 s1, $0xD;
	s1 =	sshrl.u32 s1, $0x2  }
0xba: {  	s3 =	sand.u32 $0x4000, s31;
	s1 =	sadd.s32 s1, s30  }
0xbb: {  	s0 =	sor.u32 s3, s0;
	s1 =	sshll.u32 s1, $0x11  }
0xbc: {  	s0 =	sor.u32 s1, s0  }
0xbd: {  	s0 =	sadd.s32 $0x8F2B, s0  }
0xbe: {  	[sflag:s0] =	ssyncadd.remote.s32 $0x1  }
0xbf: {  	_ =	sfence.sel $0xFFFF  }
0xc0: {  	[dreg:$0x0] =	wrdreg $0xFFFFFFFF;
	(pc) =	sbr.abs _section_cstart, $3  }
0xc1: {  	[dreg:$0x1] =	wrdreg $0xFFFFFFFF  }
0xc2: {  	_ =	task.clear_ibuf [dreg:s7], $0x2FFFF;
	_ =	strace $0x9FFFFFFF  }
0xc3: {  	(tm) =	ssettm $0x7FFFFFFF  }
tec
execute0_lowered:
.L_overlay_start_1:
0x0: {  	(tag) =	ssettag $0x1  }
0x1: {  	s0 =	rddreg [dreg:$0x0]  }
0x2: {  	s1 =	rddreg [dreg:$0x1];
	s2 =	srdreg.scid  }
0x3: {  	s3 =	rddreg [dreg:$0x2];
	s11 =	stileid.u32  }
0x4: {  	s4 =	simm.s32 $0x0;
	s28 =	simm.s32 $0x1;
	s29 =	simm.s32 $0x2  }
0x5: {  	s30 =	simm.s32 $0x3;
	s31 =	simm.s32 $0x4;
	s6 =	smul.u32 $0x13880, s11  }
0x6: {  	s2 =	sand.u32 $0x1, s2;
	[smem:$0x7FF] =	sst s4;
	s12 =	smul.u32 $0x186A0, s11  }
0x7: {  	s7 =	sadd.s32 $0x2000, s1;
	s21 =	sshll.u32 s11, $0x4;
	s5 =	smul.u32 $0x138800, s2  }
0x8: {  	_ =	strace $0x8000004D;
	s13 =	sshll.u32 s2, $0x4;
	s2 =	ssub.s32 $0x2, s2  }
0x9: {  	s9 =	sor.u32 s11, s13;
	s14 =	sshrl.u32 s12, $0x2;
	s15 =	sshrl.u32 s2, $0x1  }
0xa: {  	s11 =	simm.s32 $0x1300;
	s12 =	simm.s32 $0x2580;
	s13 =	simm.s32 $0x2680  }
0xb: {  	s5 =	sadd.s32 s6, s5;
	s10 =	smul.u32 $0x2700, s9;
	s2 =	ssub.s32 s2, s15  }
0xc: {  	s6 =	sadd.s32 s21, s7;
	s21 =	simm.s32 $0x80;
	p0 =	sgt.u32 s9, $0x3  }
0xd: {  	s9 =	simm.s32 $0x1280;
	s8 =	sshrl.u32 s5, $0x3;
	s25 =	sadd.s32 $0x9C00, s6  }
0xe: {  	s5 =	sadd.s32 s14, s3;
	s6 =	sadd.s32 $0x13840, s6;
	[dreg:$0xb] =	wrdreg s25  }
0xf: {  	s26 =	smax.u32 s2, $0x1;
	s2 =	simm.s32 $0x2400;
	[dreg:$0xc] =	wrdreg s6  }
0x10: {  	s1 =	sadd.s32 s8, s1;
	s16 =	sadd.s32 $0x1400, s5;
	[dreg:$0xe] =	wrdreg s26  }
0x11: {  	s17 =	sadd.s32 $0x2800, s5;
	s18 =	sadd.s32 $0x3C00, s5;
	[dreg:$0x4] =	wrdreg s16  }
0x12: {  	s19 =	sshrl.u32 s10, $0x3;
	s20 =	sadd.s32 $0x5000, s5;
	[dreg:$0x5] =	wrdreg s17  }
0x13: {  	s25 =	simm.s32 $0x180;
	s26 =	simm.s32 $0x6400;
	[dreg:$0x6] =	wrdreg s18  }
0x14: {  	s6 =	simm.s32 $0x2480;
	s8 =	simm.s32 $0x1200;
	[dreg:$0x7] =	wrdreg s20  }
0x15: {  	s10 =	sadd.s32 s7, s19;
	s1 =	sadd.s32 $0x15A00, s1;
	s18 =	simm.s32 $0x2800  }
0x16: {  	s19 =	simm.s32 $0x5;
	s16 =	simm.s32 $0x1380;
	s17 =	simm.s32 $0x100  }
0x17: {  	s7 =	simm.s32 $0x2500;
	s22 =	sadd.s32 $0x9C40, s10;
	[dreg:$0xd] =	wrdreg s1  }
0x18: {  	s20 =	simm.s32 $0x2600;
	s23 =	sadd.s32 $0x270, s10;
	[dreg:$0x8] =	wrdreg s22  }
0x19: {  	s24 =	sadd.s32 $0x9EB0, s10;
	s1 =	simm.s32 $0x2380;
	[dreg:$0x9] =	wrdreg s23  }
0x1a: {  	v0 =	vimm.f32 $0.0e+00;
	[dreg:$0xa] =	wrdreg s24;
	s22 =	simm.s32 $0x3C00;
	s24 =	simm.s32 $0x5000  }
.LBB2_1:
0x1b: {  	s15 =	simm.s32 $0x0  }
0x1c: {  	s14 =	simm.s32 $0xA0;
	[tilespmem:s15+$0x2810] =	vst v0  }
.LBB2_2:
0x1d: {  	p1 =	sne.s32 s14, $0x4F60;
	[tilespmem:s15+$0x2818] =	vst v0;
	s23 =	smov.u32 s14;
	s14 =	sadd.s32 $0xA0, s14  }
.Ltmp0:
0x1e: {  	[tilespmem:s15+$0x2800] =	vst v0;
	(pc) =	sbr.rel @p1 .LBB2_2-.Ltmp0, $3  }
0x1f: {  	_ =	sdelay $0x1  }
0x20: {  	s15 =	sshra.s32 s23, $0x2  }
0x21: {  	[tilespmem:s15+$0x2810] =	vst v0  }
0x22: {  	[tilespmem:s15+$0x2818] =	vst v0  }
0x23: {  	[tilespmem:s15+$0x2800] =	vst v0  }
0x24: {  	[spmem:s5] =	stream.linear.scatter [tilespmem:s18], [sflag:$0x5], $0x1400, $0x38;
	[tilespmem:$0xD9A8] =	vst v63  }
0x25: {  	_ =	swait.ge [sflag:s19], $0x1400  }
0x26: {  	[sflag:s19] =	ssyncset.done $0x0  }
0x27: {  	s14 =	rddreg [dreg:$0x4];
	[sflag:s19] =	ssyncadd.s32 $0xFFFFEC00  }
0x28: {  	[spmem:s14] =	stream.linear.scatter [tilespmem:s18], [sflag:$0x5], $0x1400, $0x38;
	[tilespmem:$0xD9A8] =	vst v63  }
0x29: {  	_ =	swait.ge [sflag:s19], $0x1400  }
0x2a: {  	[sflag:s19] =	ssyncset.done $0x0  }
0x2b: {  	s15 =	rddreg [dreg:$0x5];
	[sflag:s19] =	ssyncadd.s32 $0xFFFFEC00  }
0x2c: {  	[spmem:s15] =	stream.linear.scatter [tilespmem:s18], [sflag:$0x5], $0x1400, $0x38;
	[tilespmem:$0xD9A8] =	vst v63  }
0x2d: {  	_ =	swait.ge [sflag:s19], $0x1400  }
0x2e: {  	[sflag:s19] =	ssyncset.done $0x0  }
0x2f: {  	s23 =	rddreg [dreg:$0x6];
	[sflag:s19] =	ssyncadd.s32 $0xFFFFEC00  }
0x30: {  	[spmem:s23] =	stream.linear.scatter [tilespmem:s18], [sflag:$0x5], $0x1400, $0x38;
	[tilespmem:$0xD9A8] =	vst v63  }
0x31: {  	_ =	swait.ge [sflag:s19], $0x1400  }
0x32: {  	[sflag:s19] =	ssyncset.done $0x0  }
0x33: {  	s15 =	rddreg [dreg:$0x7];
	[sflag:s19] =	ssyncadd.s32 $0xFFFFEC00  }
0x34: {  	[spmem:s15] =	stream.linear.scatter [tilespmem:s18], [sflag:$0x5], $0x11A8, $0x38;
	[tilespmem:$0xD9A8] =	vst v63  }
0x35: {  	_ =	swait.ge [sflag:s19], $0x11A8  }
0x36: {  	[sflag:s19] =	ssyncset.done $0x0  }
0x37: {  	[sflag:s19] =	ssyncadd.s32 $0xFFFFEE58  }
0x38: {  	s14 =	simm.s32 $0x0;
	[bflag:$0x0] =	sbarrier.arrive $0xFFFF  }
0x39: {  	[tilespmem:s14], [sflag:$0x5] =	stream.linear.gather [hbm4b:s10+s14], $0x1380, $0x38;
	[tilespmem:$0xD9A8] =	vst v63  }
0x3a: {  	_ =	swait.ge [sflag:s19], $0x1380  }
0x3b: {  	[sflag:s19] =	ssyncset.done $0x0  }
0x3c: {  	s23 =	rddreg [dreg:$0x8];
	[sflag:s19] =	ssyncadd.s32 $0xFFFFEC80  }
0x3d: {  	[tilespmem:s16], [sflag:$0x5] =	stream.linear.gather [hbm4b:s23+s14], $0x1380, $0x38;
	[tilespmem:$0xD9A8] =	vst v63  }
0x3e: {  	_ =	swait.ge [sflag:s19], $0x1380  }
0x3f: {  	[sflag:s19] =	ssyncset.done $0x0  }
0x40: {  	[sflag:s19] =	ssyncadd.s32 $0xFFFFEC80  }
0x41: {  	[tilespmem:s18], [sflag:$0x1] =	stream.indirect.gather [hbm4b:s0+s21], $0x28, s14, s21, $0xb8;
	[tilespmem:$0xD9A8] =	vst v63  }
0x42: {  	_ = 	snop  }
0x43: {  	[tilespmem:s22], [sflag:$0x1] =	stream.indirect.gather [hbm4b:s0+s21], $0x28, s21, s21, $0xb8;
	[tilespmem:$0xD9A8] =	vst v63  }
0x44: {  	_ = 	snop  }
0x45: {  	[tilespmem:s24], [sflag:$0x2] =	stream.indirect.gather [hbm4b:s0+s21], $0x28, s17, s21, $0xb8;
	[tilespmem:$0xD9A8] =	vst v63  }
0x46: {  	_ = 	snop  }
0x47: {  	[tilespmem:s26], [sflag:$0x2] =	stream.indirect.gather [hbm4b:s0+s21], $0x28, s25, s21, $0xb8;
	[tilespmem:$0xD9A8] =	vst v63  }
0x48: {  	_ =	swait.ge [sflag:s28], $0x1400  }
0x49: {  	[sflag:s28] =	ssyncset.done $0x0  }
0x4a: {  	[sflag:s28] =	ssyncadd.s32 $0xFFFFEC00  }
0x4b: {  	_ =	swait.ge [sflag:s28], $0x1400  }
0x4c: {  	[sflag:s28] =	ssyncset.done $0x0  }
0x4d: {  	s23 =	simm.s32 $0x1380;
	[sflag:s28] =	ssyncadd.s32 $0xFFFFEC00  }
0x4e: {  	[spmem:s3] =	stream.indirect.scatter.add.f32 [tilespmem:s18], [sflag:$0x3], $0x28, s23, s21, $0xb8;
	[tilespmem:$0xD9A8] =	vst v63  }
0x4f: {  	s15 =	simm.s32 $0x1400  }
0x50: {  	[spmem:s3] =	stream.indirect.scatter.add.f32 [tilespmem:s22], [sflag:$0x3], $0x28, s15, s21, $0xb8;
	[tilespmem:$0xD9A8] =	vst v63  }
0x51: {  	_ =	swait.ge [sflag:s29], $0x1400  }
0x52: {  	[sflag:s29] =	ssyncset.done $0x0  }
0x53: {  	[sflag:s29] =	ssyncadd.s32 $0xFFFFEC00  }
0x54: {  	_ =	swait.ge [sflag:s29], $0x1400  }
0x55: {  	[sflag:s29] =	ssyncset.done $0x0  }
0x56: {  	s23 =	simm.s32 $0x1480;
	[sflag:s29] =	ssyncadd.s32 $0xFFFFEC00  }
0x57: {  	[spmem:s3] =	stream.indirect.scatter.add.f32 [tilespmem:s24], [sflag:$0x4], $0x28, s23, s21, $0xb8;
	[tilespmem:$0xD9A8] =	vst v63  }
0x58: {  	s15 =	simm.s32 $0x1500  }
0x59: {  	[spmem:s3] =	stream.indirect.scatter.add.f32 [tilespmem:s26], [sflag:$0x4], $0x28, s15, s21, $0xb8;
	[tilespmem:$0xD9A8] =	vst v63  }
0x5a: {  	_ =	swait.ge [sflag:s30], $0x1400  }
0x5b: {  	[sflag:s30] =	ssyncset.done $0x0  }
0x5c: {  	[sflag:s30] =	ssyncadd.s32 $0xFFFFEC00  }
0x5d: {  	_ =	swait.ge [sflag:s30], $0x1400  }
0x5e: {  	[sflag:s30] =	ssyncset.done $0x0  }
0x5f: {  	s23 =	simm.s32 $0x200;
	[sflag:s30] =	ssyncadd.s32 $0xFFFFEC00  }
0x60: {  	[tilespmem:s18], [sflag:$0x1] =	stream.indirect.gather [hbm4b:s0+s21], $0x28, s23, s21, $0xb8;
	[tilespmem:$0xD9A8] =	vst v63  }
0x61: {  	s15 =	simm.s32 $0x280  }
0x62: {  	[tilespmem:s22], [sflag:$0x1] =	stream.indirect.gather [hbm4b:s0+s21], $0x28, s15, s21, $0xb8;
	[tilespmem:$0xD9A8] =	vst v63  }
0x63: {  	_ =	swait.ge [sflag:s31], $0x1400  }
0x64: {  	[sflag:s31] =	ssyncset.done $0x0  }
0x65: {  	[sflag:s31] =	ssyncadd.s32 $0xFFFFEC00  }
0x66: {  	_ =	swait.ge [sflag:s31], $0x1400  }
0x67: {  	s14 =	simm.s32 $0x800;
	[sflag:s31] =	ssyncset.done $0x0  }
0x68: {  	s23 =	simm.s32 $0x300;
	s15 =	simm.s32 $0x380;
	[sflag:s31] =	ssyncadd.s32 $0xFFFFEC00  }
0x69: {  	[tilespmem:s24], [sflag:$0x2] =	stream.indirect.gather [hbm4b:s0+s21], $0x28, s23, s21, $0xb8;
	[tilespmem:$0xD9A8] =	vst v63  }
.LBB2_4:
0x6a: {  	[tilespmem:s26], [sflag:$0x2] =	stream.indirect.gather [hbm4b:s0+s21], $0x28, s15, s21, $0xb8;
	[tilespmem:$0xD9A8] =	vst v63  }
0x6b: {  	s15 =	smov.u32 s14  }
0x6c: {  	p1 =	sne.s32 s14, $0x3800;
	s14 =	sadd.s32 $0x800, s14;
	_ =	swait.ge [sflag:s28], $0x1400  }
0x6d: {  	[sflag:s28] =	ssyncset.done $0x0  }
0x6e: {  	[sflag:s28] =	ssyncadd.s32 $0xFFFFEC00  }
0x6f: {  	_ =	swait.ge [sflag:s28], $0x1400  }
0x70: {  	s15 =	sshra.s32 s15, $0x2;
	[sflag:s28] =	ssyncset.done $0x0  }
0x71: {  	s23 =	sadd.s32 $0x1380, s15;
	[sflag:s28] =	ssyncadd.s32 $0xFFFFEC00  }
0x72: {  	[spmem:s3] =	stream.indirect.scatter.add.f32 [tilespmem:s18], [sflag:$0x3], $0x28, s23, s21, $0xb8;
	[tilespmem:$0xD9A8] =	vst v63  }
0x73: {  	s23 =	sadd.s32 $0x1400, s15  }
0x74: {  	[spmem:s3] =	stream.indirect.scatter.add.f32 [tilespmem:s22], [sflag:$0x3], $0x28, s23, s21, $0xb8;
	[tilespmem:$0xD9A8] =	vst v63  }
0x75: {  	_ =	swait.ge [sflag:s29], $0x1400  }
0x76: {  	[sflag:s29] =	ssyncset.done $0x0  }
0x77: {  	[sflag:s29] =	ssyncadd.s32 $0xFFFFEC00  }
0x78: {  	_ =	swait.ge [sflag:s29], $0x1400  }
0x79: {  	[sflag:s29] =	ssyncset.done $0x0  }
0x7a: {  	s23 =	sadd.s32 $0x1480, s15;
	[sflag:s29] =	ssyncadd.s32 $0xFFFFEC00  }
0x7b: {  	[spmem:s3] =	stream.indirect.scatter.add.f32 [tilespmem:s24], [sflag:$0x4], $0x28, s23, s21, $0xb8;
	[tilespmem:$0xD9A8] =	vst v63  }
0x7c: {  	s23 =	sadd.s32 $0x1500, s15  }
0x7d: {  	[spmem:s3] =	stream.indirect.scatter.add.f32 [tilespmem:s26], [sflag:$0x4], $0x28, s23, s21, $0xb8;
	[tilespmem:$0xD9A8] =	vst v63  }
0x7e: {  	_ =	swait.ge [sflag:s30], $0x1400  }
0x7f: {  	[sflag:s30] =	ssyncset.done $0x0  }
0x80: {  	[sflag:s30] =	ssyncadd.s32 $0xFFFFEC00  }
0x81: {  	_ =	swait.ge [sflag:s30], $0x1400  }
0x82: {  	[sflag:s30] =	ssyncset.done $0x0  }
0x83: {  	s23 =	sadd.s32 $0x200, s15;
	[sflag:s30] =	ssyncadd.s32 $0xFFFFEC00  }
0x84: {  	[tilespmem:s18], [sflag:$0x1] =	stream.indirect.gather [hbm4b:s0+s21], $0x28, s23, s21, $0xb8;
	[tilespmem:$0xD9A8] =	vst v63  }
0x85: {  	s23 =	sadd.s32 $0x280, s15  }
0x86: {  	[tilespmem:s22], [sflag:$0x1] =	stream.indirect.gather [hbm4b:s0+s21], $0x28, s23, s21, $0xb8;
	[tilespmem:$0xD9A8] =	vst v63  }
0x87: {  	_ =	swait.ge [sflag:s31], $0x1400  }
0x88: {  	[sflag:s31] =	ssyncset.done $0x0  }
0x89: {  	[sflag:s31] =	ssyncadd.s32 $0xFFFFEC00  }
.Ltmp1:
0x8a: {  	_ =	swait.ge [sflag:s31], $0x1400;
	(pc) =	sbr.rel @p1 .LBB2_4-.Ltmp1, $4  }
0x8b: {  	[sflag:s31] =	ssyncset.done $0x0  }
0x8c: {  	s23 =	sadd.s32 $0x300, s15;
	[sflag:s31] =	ssyncadd.s32 $0xFFFFEC00  }
0x8d: {  	[tilespmem:s24], [sflag:$0x2] =	stream.indirect.gather [hbm4b:s0+s21], $0x28, s23, s21, $0xb8;
	[tilespmem:$0xD9A8] =	vst v63  }
0x8e: {  	s15 =	sadd.s32 $0x380, s15  }
0x8f: {  	[tilespmem:s26], [sflag:$0x2] =	stream.indirect.gather [hbm4b:s0+s21], $0x28, s15, s21, $0xb8;
	[tilespmem:$0xD9A8] =	vst v63  }
0x90: {  	_ =	swait.ge [sflag:s28], $0x1400  }
0x91: {  	[sflag:s28] =	ssyncset.done $0x0  }
0x92: {  	[sflag:s28] =	ssyncadd.s32 $0xFFFFEC00  }
0x93: {  	_ =	swait.ge [sflag:s28], $0x1400  }
0x94: {  	[sflag:s28] =	ssyncset.done $0x0  }
0x95: {  	[sflag:s28] =	ssyncadd.s32 $0xFFFFEC00  }
0x96: {  	[spmem:s3] =	stream.indirect.scatter.add.f32 [tilespmem:s18], [sflag:$0x3], $0x28, s1, s21, $0xb8;
	[tilespmem:$0xD9A8] =	vst v63  }
0x97: {  	_ = 	snop  }
0x98: {  	[spmem:s3] =	stream.indirect.scatter.add.f32 [tilespmem:s22], [sflag:$0x3], $0x28, s2, s21, $0xb8;
	[tilespmem:$0xD9A8] =	vst v63  }
0x99: {  	_ =	swait.ge [sflag:s29], $0x1400  }
0x9a: {  	[sflag:s29] =	ssyncset.done $0x0  }
0x9b: {  	[sflag:s29] =	ssyncadd.s32 $0xFFFFEC00  }
0x9c: {  	_ =	swait.ge [sflag:s29], $0x1400  }
0x9d: {  	[sflag:s29] =	ssyncset.done $0x0  }
0x9e: {  	[sflag:s29] =	ssyncadd.s32 $0xFFFFEC00  }
0x9f: {  	[spmem:s3] =	stream.indirect.scatter.add.f32 [tilespmem:s24], [sflag:$0x4], $0x28, s6, s21, $0xb8;
	[tilespmem:$0xD9A8] =	vst v63  }
0xa0: {  	_ = 	snop  }
0xa1: {  	[spmem:s3] =	stream.indirect.scatter.add.f32 [tilespmem:s26], [sflag:$0x4], $0x28, s7, s21, $0xb8;
	[tilespmem:$0xD9A8] =	vst v63  }
0xa2: {  	_ =	swait.ge [sflag:s30], $0x1400  }
0xa3: {  	[sflag:s30] =	ssyncset.done $0x0  }
0xa4: {  	[sflag:s30] =	ssyncadd.s32 $0xFFFFEC00  }
0xa5: {  	_ =	swait.ge [sflag:s30], $0x1400  }
0xa6: {  	[sflag:s30] =	ssyncset.done $0x0  }
0xa7: {  	[sflag:s30] =	ssyncadd.s32 $0xFFFFEC00  }
0xa8: {  	[tilespmem:s18], [sflag:$0x1] =	stream.indirect.gather [hbm4b:s0+s21], $0x28, s8, s21, $0xb8;
	[tilespmem:$0xD9A8] =	vst v63  }
0xa9: {  	_ = 	snop  }
0xaa: {  	[tilespmem:s22], [sflag:$0x1] =	stream.indirect.gather [hbm4b:s0+s21], $0x28, s9, s21, $0xb8;
	[tilespmem:$0xD9A8] =	vst v63  }
0xab: {  	_ =	swait.ge [sflag:s31], $0x1400  }
0xac: {  	[sflag:s31] =	ssyncset.done $0x0  }
0xad: {  	[sflag:s31] =	ssyncadd.s32 $0xFFFFEC00  }
0xae: {  	_ =	swait.ge [sflag:s31], $0x1400  }
0xaf: {  	[sflag:s31] =	ssyncset.done $0x0  }
0xb0: {  	[sflag:s31] =	ssyncadd.s32 $0xFFFFEC00  }
0xb1: {  	[tilespmem:s24], [sflag:$0x2] =	stream.indirect.gather [hbm4b:s0+s21], $0x28, s11, s21, $0xb8;
	[tilespmem:$0xD9A8] =	vst v63  }
0xb2: {  	_ =	swait.ge [sflag:s28], $0x1400  }
0xb3: {  	[sflag:s28] =	ssyncset.done $0x0  }
0xb4: {  	[sflag:s28] =	ssyncadd.s32 $0xFFFFEC00  }
0xb5: {  	_ =	swait.ge [sflag:s28], $0x1400  }
0xb6: {  	[sflag:s28] =	ssyncset.done $0x0  }
0xb7: {  	[sflag:s28] =	ssyncadd.s32 $0xFFFFEC00  }
0xb8: {  	[spmem:s3] =	stream.indirect.scatter.add.f32 [tilespmem:s18], [sflag:$0x5], $0x28, s12, s21, $0xb8;
	[tilespmem:$0xD9A8] =	vst v63  }
0xb9: {  	_ =	swait.ge [sflag:s19], $0x1400  }
0xba: {  	[sflag:s19] =	ssyncset.done $0x0  }
0xbb: {  	[sflag:s19] =	ssyncadd.s32 $0xFFFFEC00  }
0xbc: {  	[spmem:s3] =	stream.indirect.scatter.add.f32 [tilespmem:s22], [sflag:$0x5], $0x28, s20, s21, $0xb8;
	[tilespmem:$0xD9A8] =	vst v63  }
0xbd: {  	_ =	swait.ge [sflag:s19], $0x1400  }
0xbe: {  	[sflag:s19] =	ssyncset.done $0x0  }
0xbf: {  	[sflag:s19] =	ssyncadd.s32 $0xFFFFEC00  }
0xc0: {  	_ =	swait.ge [sflag:s29], $0x1400  }
0xc1: {  	[sflag:s29] =	ssyncset.done $0x0  }
0xc2: {  	[sflag:s29] =	ssyncadd.s32 $0xFFFFEC00  }
0xc3: {  	[spmem:s3] =	stream.indirect.scatter.add.f32 [tilespmem:s24], [sflag:$0x5], $0x28, s13, s21, $0xb8;
	[tilespmem:$0xD9A8] =	vst v63  }
0xc4: {  	_ =	swait.ge [sflag:s19], $0x1400  }
0xc5: {  	[sflag:s19] =	ssyncset.done $0x0  }
0xc6: {  	s14 =	simm.s32 $0x0;
	s23 =	rddreg [dreg:$0x9];
	[sflag:s19] =	ssyncadd.s32 $0xFFFFEC00  }
0xc7: {  	[tilespmem:s14], [sflag:$0x5] =	stream.linear.gather [hbm4b:s23+s14], $0x1380, $0x38;
	[tilespmem:$0xD9A8] =	vst v63  }
0xc8: {  	_ =	swait.ge [sflag:s19], $0x1380  }
0xc9: {  	[sflag:s19] =	ssyncset.done $0x0  }
0xca: {  	s23 =	rddreg [dreg:$0xa];
	[sflag:s19] =	ssyncadd.s32 $0xFFFFEC80  }
0xcb: {  	[tilespmem:s16], [sflag:$0x5] =	stream.linear.gather [hbm4b:s23+s14], $0x1380, $0x38;
	[tilespmem:$0xD9A8] =	vst v63  }
0xcc: {  	_ =	swait.ge [sflag:s19], $0x1380  }
0xcd: {  	[sflag:s19] =	ssyncset.done $0x0  }
0xce: {  	[sflag:s19] =	ssyncadd.s32 $0xFFFFEC80  }
0xcf: {  	[tilespmem:s18], [sflag:$0x1] =	stream.indirect.gather [hbm4b:s0+s21], $0x28, s14, s21, $0xb8;
	[tilespmem:$0xD9A8] =	vst v63  }
0xd0: {  	_ = 	snop  }
0xd1: {  	[tilespmem:s22], [sflag:$0x1] =	stream.indirect.gather [hbm4b:s0+s21], $0x28, s21, s21, $0xb8;
	[tilespmem:$0xD9A8] =	vst v63  }
0xd2: {  	_ = 	snop  }
0xd3: {  	[tilespmem:s24], [sflag:$0x2] =	stream.indirect.gather [hbm4b:s0+s21], $0x28, s17, s21, $0xb8;
	[tilespmem:$0xD9A8] =	vst v63  }
0xd4: {  	_ = 	snop  }
0xd5: {  	[tilespmem:s26], [sflag:$0x2] =	stream.indirect.gather [hbm4b:s0+s21], $0x28, s25, s21, $0xb8;
	[tilespmem:$0xD9A8] =	vst v63  }
0xd6: {  	_ =	swait.ge [sflag:s28], $0x1400  }
0xd7: {  	[sflag:s28] =	ssyncset.done $0x0  }
0xd8: {  	[sflag:s28] =	ssyncadd.s32 $0xFFFFEC00  }
0xd9: {  	_ =	swait.ge [sflag:s28], $0x1400  }
0xda: {  	[sflag:s28] =	ssyncset.done $0x0  }
0xdb: {  	s16 =	simm.s32 $0x1380;
	[sflag:s28] =	ssyncadd.s32 $0xFFFFEC00  }
0xdc: {  	[spmem:s3] =	stream.indirect.scatter.add.f32 [tilespmem:s18], [sflag:$0x3], $0x28, s16, s21, $0xb8;
	[tilespmem:$0xD9A8] =	vst v63  }
0xdd: {  	s17 =	simm.s32 $0x1400  }
0xde: {  	[spmem:s3] =	stream.indirect.scatter.add.f32 [tilespmem:s22], [sflag:$0x3], $0x28, s17, s21, $0xb8;
	[tilespmem:$0xD9A8] =	vst v63  }
0xdf: {  	_ =	swait.ge [sflag:s29], $0x1400  }
0xe0: {  	[sflag:s29] =	ssyncset.done $0x0  }
0xe1: {  	[sflag:s29] =	ssyncadd.s32 $0xFFFFEC00  }
0xe2: {  	_ =	swait.ge [sflag:s29], $0x1400  }
0xe3: {  	[sflag:s29] =	ssyncset.done $0x0  }
0xe4: {  	s23 =	simm.s32 $0x1480;
	[sflag:s29] =	ssyncadd.s32 $0xFFFFEC00  }
0xe5: {  	[spmem:s3] =	stream.indirect.scatter.add.f32 [tilespmem:s24], [sflag:$0x4], $0x28, s23, s21, $0xb8;
	[tilespmem:$0xD9A8] =	vst v63  }
0xe6: {  	s15 =	simm.s32 $0x1500  }
0xe7: {  	[spmem:s3] =	stream.indirect.scatter.add.f32 [tilespmem:s26], [sflag:$0x4], $0x28, s15, s21, $0xb8;
	[tilespmem:$0xD9A8] =	vst v63  }
0xe8: {  	_ =	swait.ge [sflag:s30], $0x1400  }
0xe9: {  	[sflag:s30] =	ssyncset.done $0x0  }
0xea: {  	[sflag:s30] =	ssyncadd.s32 $0xFFFFEC00  }
0xeb: {  	_ =	swait.ge [sflag:s30], $0x1400  }
0xec: {  	[sflag:s30] =	ssyncset.done $0x0  }
0xed: {  	s16 =	simm.s32 $0x200;
	[sflag:s30] =	ssyncadd.s32 $0xFFFFEC00  }
0xee: {  	[tilespmem:s18], [sflag:$0x1] =	stream.indirect.gather [hbm4b:s0+s21], $0x28, s16, s21, $0xb8;
	[tilespmem:$0xD9A8] =	vst v63  }
0xef: {  	s17 =	simm.s32 $0x280  }
0xf0: {  	[tilespmem:s22], [sflag:$0x1] =	stream.indirect.gather [hbm4b:s0+s21], $0x28, s17, s21, $0xb8;
	[tilespmem:$0xD9A8] =	vst v63  }
0xf1: {  	_ =	swait.ge [sflag:s31], $0x1400  }
0xf2: {  	[sflag:s31] =	ssyncset.done $0x0  }
0xf3: {  	[sflag:s31] =	ssyncadd.s32 $0xFFFFEC00  }
0xf4: {  	_ =	swait.ge [sflag:s31], $0x1400  }
0xf5: {  	s14 =	simm.s32 $0x800;
	[sflag:s31] =	ssyncset.done $0x0  }
0xf6: {  	s23 =	simm.s32 $0x300;
	s15 =	simm.s32 $0x380;
	[sflag:s31] =	ssyncadd.s32 $0xFFFFEC00  }
0xf7: {  	[tilespmem:s24], [sflag:$0x2] =	stream.indirect.gather [hbm4b:s0+s21], $0x28, s23, s21, $0xb8;
	[tilespmem:$0xD9A8] =	vst v63  }
.LBB2_6:
0xf8: {  	[tilespmem:s26], [sflag:$0x2] =	stream.indirect.gather [hbm4b:s0+s21], $0x28, s15, s21, $0xb8;
	[tilespmem:$0xD9A8] =	vst v63  }
0xf9: {  	s15 =	smov.u32 s14  }
0xfa: {  	p1 =	sne.s32 s14, $0x3800;
	s14 =	sadd.s32 $0x800, s14;
	_ =	swait.ge [sflag:s28], $0x1400  }
0xfb: {  	[sflag:s28] =	ssyncset.done $0x0  }
0xfc: {  	[sflag:s28] =	ssyncadd.s32 $0xFFFFEC00  }
0xfd: {  	_ =	swait.ge [sflag:s28], $0x1400  }
0xfe: {  	s15 =	sshra.s32 s15, $0x2;
	[sflag:s28] =	ssyncset.done $0x0  }
0xff: {  	s23 =	sadd.s32 $0x1380, s15;
	[sflag:s28] =	ssyncadd.s32 $0xFFFFEC00  }
0x100: {  	[spmem:s3] =	stream.indirect.scatter.add.f32 [tilespmem:s18], [sflag:$0x3], $0x28, s23, s21, $0xb8;
	[tilespmem:$0xD9A8] =	vst v63  }
0x101: {  	s23 =	sadd.s32 $0x1400, s15  }
0x102: {  	[spmem:s3] =	stream.indirect.scatter.add.f32 [tilespmem:s22], [sflag:$0x3], $0x28, s23, s21, $0xb8;
	[tilespmem:$0xD9A8] =	vst v63  }
0x103: {  	_ =	swait.ge [sflag:s29], $0x1400  }
0x104: {  	[sflag:s29] =	ssyncset.done $0x0  }
0x105: {  	[sflag:s29] =	ssyncadd.s32 $0xFFFFEC00  }
0x106: {  	_ =	swait.ge [sflag:s29], $0x1400  }
0x107: {  	[sflag:s29] =	ssyncset.done $0x0  }
0x108: {  	s23 =	sadd.s32 $0x1480, s15;
	[sflag:s29] =	ssyncadd.s32 $0xFFFFEC00  }
0x109: {  	[spmem:s3] =	stream.indirect.scatter.add.f32 [tilespmem:s24], [sflag:$0x4], $0x28, s23, s21, $0xb8;
	[tilespmem:$0xD9A8] =	vst v63  }
0x10a: {  	s23 =	sadd.s32 $0x1500, s15  }
0x10b: {  	[spmem:s3] =	stream.indirect.scatter.add.f32 [tilespmem:s26], [sflag:$0x4], $0x28, s23, s21, $0xb8;
	[tilespmem:$0xD9A8] =	vst v63  }
0x10c: {  	_ =	swait.ge [sflag:s30], $0x1400  }
0x10d: {  	[sflag:s30] =	ssyncset.done $0x0  }
0x10e: {  	[sflag:s30] =	ssyncadd.s32 $0xFFFFEC00  }
0x10f: {  	_ =	swait.ge [sflag:s30], $0x1400  }
0x110: {  	[sflag:s30] =	ssyncset.done $0x0  }
0x111: {  	s23 =	sadd.s32 $0x200, s15;
	[sflag:s30] =	ssyncadd.s32 $0xFFFFEC00  }
0x112: {  	[tilespmem:s18], [sflag:$0x1] =	stream.indirect.gather [hbm4b:s0+s21], $0x28, s23, s21, $0xb8;
	[tilespmem:$0xD9A8] =	vst v63  }
0x113: {  	s23 =	sadd.s32 $0x280, s15  }
0x114: {  	[tilespmem:s22], [sflag:$0x1] =	stream.indirect.gather [hbm4b:s0+s21], $0x28, s23, s21, $0xb8;
	[tilespmem:$0xD9A8] =	vst v63  }
0x115: {  	_ =	swait.ge [sflag:s31], $0x1400  }
0x116: {  	[sflag:s31] =	ssyncset.done $0x0  }
0x117: {  	[sflag:s31] =	ssyncadd.s32 $0xFFFFEC00  }
.Ltmp2:
0x118: {  	_ =	swait.ge [sflag:s31], $0x1400;
	(pc) =	sbr.rel @p1 .LBB2_6-.Ltmp2, $4  }
0x119: {  	[sflag:s31] =	ssyncset.done $0x0  }
0x11a: {  	s23 =	sadd.s32 $0x300, s15;
	[sflag:s31] =	ssyncadd.s32 $0xFFFFEC00  }
0x11b: {  	[tilespmem:s24], [sflag:$0x2] =	stream.indirect.gather [hbm4b:s0+s21], $0x28, s23, s21, $0xb8;
	[tilespmem:$0xD9A8] =	vst v63  }
0x11c: {  	s15 =	sadd.s32 $0x380, s15  }
0x11d: {  	[tilespmem:s26], [sflag:$0x2] =	stream.indirect.gather [hbm4b:s0+s21], $0x28, s15, s21, $0xb8;
	[tilespmem:$0xD9A8] =	vst v63  }
0x11e: {  	_ =	swait.ge [sflag:s28], $0x1400  }
0x11f: {  	[sflag:s28] =	ssyncset.done $0x0  }
0x120: {  	[sflag:s28] =	ssyncadd.s32 $0xFFFFEC00  }
0x121: {  	_ =	swait.ge [sflag:s28], $0x1400  }
0x122: {  	[sflag:s28] =	ssyncset.done $0x0  }
0x123: {  	[sflag:s28] =	ssyncadd.s32 $0xFFFFEC00  }
0x124: {  	[spmem:s3] =	stream.indirect.scatter.add.f32 [tilespmem:s18], [sflag:$0x3], $0x28, s1, s21, $0xb8;
	[tilespmem:$0xD9A8] =	vst v63  }
0x125: {  	_ = 	snop  }
0x126: {  	[spmem:s3] =	stream.indirect.scatter.add.f32 [tilespmem:s22], [sflag:$0x3], $0x28, s2, s21, $0xb8;
	[tilespmem:$0xD9A8] =	vst v63  }
0x127: {  	_ =	swait.ge [sflag:s29], $0x1400  }
0x128: {  	[sflag:s29] =	ssyncset.done $0x0  }
0x129: {  	[sflag:s29] =	ssyncadd.s32 $0xFFFFEC00  }
0x12a: {  	_ =	swait.ge [sflag:s29], $0x1400  }
0x12b: {  	[sflag:s29] =	ssyncset.done $0x0  }
0x12c: {  	[sflag:s29] =	ssyncadd.s32 $0xFFFFEC00  }
0x12d: {  	[spmem:s3] =	stream.indirect.scatter.add.f32 [tilespmem:s24], [sflag:$0x4], $0x28, s6, s21, $0xb8;
	[tilespmem:$0xD9A8] =	vst v63  }
0x12e: {  	_ = 	snop  }
0x12f: {  	[spmem:s3] =	stream.indirect.scatter.add.f32 [tilespmem:s26], [sflag:$0x4], $0x28, s7, s21, $0xb8;
	[tilespmem:$0xD9A8] =	vst v63  }
0x130: {  	_ =	swait.ge [sflag:s30], $0x1400  }
0x131: {  	[sflag:s30] =	ssyncset.done $0x0  }
0x132: {  	[sflag:s30] =	ssyncadd.s32 $0xFFFFEC00  }
0x133: {  	_ =	swait.ge [sflag:s30], $0x1400  }
0x134: {  	[sflag:s30] =	ssyncset.done $0x0  }
0x135: {  	[sflag:s30] =	ssyncadd.s32 $0xFFFFEC00  }
0x136: {  	[tilespmem:s18], [sflag:$0x1] =	stream.indirect.gather [hbm4b:s0+s21], $0x28, s8, s21, $0xb8;
	[tilespmem:$0xD9A8] =	vst v63  }
0x137: {  	_ = 	snop  }
0x138: {  	[tilespmem:s22], [sflag:$0x1] =	stream.indirect.gather [hbm4b:s0+s21], $0x28, s9, s21, $0xb8;
	[tilespmem:$0xD9A8] =	vst v63  }
0x139: {  	_ =	swait.ge [sflag:s31], $0x1400  }
0x13a: {  	[sflag:s31] =	ssyncset.done $0x0  }
0x13b: {  	[sflag:s31] =	ssyncadd.s32 $0xFFFFEC00  }
0x13c: {  	_ =	swait.ge [sflag:s31], $0x1400  }
0x13d: {  	[sflag:s31] =	ssyncset.done $0x0  }
0x13e: {  	[sflag:s31] =	ssyncadd.s32 $0xFFFFEC00  }
0x13f: {  	[tilespmem:s24], [sflag:$0x2] =	stream.indirect.gather [hbm4b:s0+s21], $0x28, s11, s21, $0xb8;
	[tilespmem:$0xD9A8] =	vst v63  }
0x140: {  	_ =	swait.ge [sflag:s28], $0x1400  }
0x141: {  	[sflag:s28] =	ssyncset.done $0x0  }
0x142: {  	[sflag:s28] =	ssyncadd.s32 $0xFFFFEC00  }
0x143: {  	_ =	swait.ge [sflag:s28], $0x1400  }
0x144: {  	[sflag:s28] =	ssyncset.done $0x0  }
0x145: {  	[sflag:s28] =	ssyncadd.s32 $0xFFFFEC00  }
0x146: {  	[spmem:s3] =	stream.indirect.scatter.add.f32 [tilespmem:s18], [sflag:$0x5], $0x28, s12, s21, $0xb8;
	[tilespmem:$0xD9A8] =	vst v63  }
0x147: {  	_ =	swait.ge [sflag:s19], $0x1400  }
0x148: {  	[sflag:s19] =	ssyncset.done $0x0  }
0x149: {  	[sflag:s19] =	ssyncadd.s32 $0xFFFFEC00  }
0x14a: {  	[spmem:s3] =	stream.indirect.scatter.add.f32 [tilespmem:s22], [sflag:$0x5], $0x28, s20, s21, $0xb8;
	[tilespmem:$0xD9A8] =	vst v63  }
0x14b: {  	_ =	swait.ge [sflag:s19], $0x1400  }
0x14c: {  	[sflag:s19] =	ssyncset.done $0x0  }
0x14d: {  	[sflag:s19] =	ssyncadd.s32 $0xFFFFEC00  }
0x14e: {  	_ =	swait.ge [sflag:s29], $0x1400  }
0x14f: {  	[sflag:s29] =	ssyncset.done $0x0  }
0x150: {  	[sflag:s29] =	ssyncadd.s32 $0xFFFFEC00  }
0x151: {  	[spmem:s3] =	stream.indirect.scatter.add.f32 [tilespmem:s24], [sflag:$0x5], $0x28, s13, s21, $0xb8;
	[tilespmem:$0xD9A8] =	vst v63  }
0x152: {  	_ =	swait.ge [sflag:s19], $0x1400  }
0x153: {  	s14 =	simm.s32 @!p0 $0x0;
	s15 =	simm.s32 @!p0 $0x2700;
	[sflag:s19] =	ssyncset.done $0x0  }
0x154: {  	s23 =	simm.s32 @!p0 $0x5;
	s16 =	rddreg [dreg:$0xb];
	[sflag:s19] =	ssyncadd.s32 $0xFFFFEC00  }
0x155: {  	[tilespmem:s15], [sflag:$0x5] =	stream.linear.gather @!p0 [hbm4b:s16+s14], $0x80, $0x38;
	[tilespmem:$0xD9A8] =	vst v63  }
0x156: {  	_ =	swait.ge @!p0 [sflag:s23], $0x80  }
0x157: {  	[sflag:s23] =	ssyncset.done @!p0 $0x0  }
0x158: {  	s16 =	simm.s32 @!p0 $0x2780;
	s17 =	rddreg [dreg:$0xc];
	[sflag:s23] =	ssyncadd.s32 @!p0 $0xFFFFFF80  }
0x159: {  	[tilespmem:s16], [sflag:$0x5] =	stream.linear.gather @!p0 [hbm4b:s17+s14], $0x80, $0x38;
	[tilespmem:$0xD9A8] =	vst v63  }
0x15a: {  	_ =	swait.ge @!p0 [sflag:s23], $0x80  }
0x15b: {  	[sflag:s23] =	ssyncset.done @!p0 $0x0  }
0x15c: {  	s14 =	simm.s32 @!p0 $0x80;
	s17 =	simm.s32 @!p0 $0x2800;
	[sflag:s23] =	ssyncadd.s32 @!p0 $0xFFFFFF80  }
0x15d: {  	[tilespmem:s17], [sflag:$0x1] =	stream.indirect.gather @!p0 [hbm4b:s0+s14], $0x28, s15, s14, $0xb8;
	[tilespmem:$0xD9A8] =	vst v63  }
0x15e: {  	s15 =	simm.s32 @!p0 $0x1  }
0x15f: {  	_ =	swait.ge @!p0 [sflag:s15], $0x1400  }
0x160: {  	[sflag:s15] =	ssyncset.done @!p0 $0x0  }
0x161: {  	[sflag:s15] =	ssyncadd.s32 @!p0 $0xFFFFEC00  }
0x162: {  	[spmem:s3] =	stream.indirect.scatter.add.f32 @!p0 [tilespmem:s17], [sflag:$0x5], $0x28, s16, s14, $0xb8;
	[tilespmem:$0xD9A8] =	vst v63  }
0x163: {  	_ =	swait.ge @!p0 [sflag:s23], $0x1400  }
0x164: {  	[sflag:s23] =	ssyncset.done @!p0 $0x0  }
0x165: {  	s15 =	stileid.u32;
	[sflag:s23] =	ssyncadd.s32 @!p0 $0xFFFFEC00  }
0x166: {  	s14 =	sshll.u32 s15, $0x6;
	s16 =	sshrl.u32 s5, $0x3;
	[bflag:$0x0] =	sbarrier.arrive $0xFFFF  }
0x167: {  	s14 =	sor.u32 $0x1C05, s14;
	s23 =	simm.s32 $0x10;
	s17 =	rddreg [dreg:$0xd]  }
0x168: {  	[hbm:s17@s23], [sflag:s14] =	dma.strided [spmem:s16@s19], $0xC35, s28, $0x5   }
0x169: {  	_ =	swait.ge [sflag:s19], $0xC35  }
0x16a: {  	s4 =	sadd.s32 $0x1, s4;
	s23 =	rddreg [dreg:$0xe]  }
0x16b: {  	p1 =	sne.s32 s4, s23  }
.Ltmp3:
0x16c: {  	_ = 	snop;
	(pc) =	sbr.rel @p1 .LBB2_1-.Ltmp3, $3  }
0x16d: {  	_ =	sdelay $0x1  }
0x16e: {  	[sflag:s19] =	ssyncset.done $0x0  }
0x16f: {  	s16 =	simm.s32 $0x1380;
	s17 =	simm.s32 $0x100;
	[sflag:s19] =	ssyncadd.s32 $0xFFFFF3CB  }
0x170: {  	_ =	sfence.sel $0x180000  }
0x171: {  	[bflag:$0x0] =	sbarrier.arrive $0xFFFF  }
0x172: {  	_ =	strace $0x9000004D  }
0x173: {  	s0 =	stileid.u32;
	[bflag:$0x2] =	sbarrier.arrive $0xFFFF  }
0x174: {  	p0 =	sne.s32 s0, $0x0;
	s0 =	rddreg [dreg:$0x3]  }
0x175: {  	s0 =	sadd.s32 @!p0 $0x100000, s0  }
0x176: {  	[sflag:s0] =	ssyncadd.tile.s32 @!p0 $0x1;
	_ =	shalt  }
.Lfunc_end2:
_tile_overlayer_lowered:
.L_overlay_start_2:
0x177: {  	(tag) =	ssettag $0x2  }
0x178: {  	s0 =	rddreg [dreg:$0x0];
	s2 =	stileid.u32  }
0x179: {  	s1 =	rddreg [dreg:$0x1];
	p0 =	sne.s32 s2, $0x0  }
0x17a: {  	s3 =	rddreg [dreg:$0x2];
	[bflag:$0x3] =	sbarrier.arrive $0xFFFF;
	s2 =	simm.s32 @!p0 $0x1C05  }
0x17b: {  	[timem:s3], [sflag:s2] =	dma.local @!p0 [hbm:s0], s1  }
0x17c: {  	s0 =	simm.s32 @!p0 $0x5  }
0x17d: {  	_ =	swait.ge @!p0 [sflag:s0], s1  }
0x17e: {  	s1 =	ssub.s32 @!p0 $0x0, s1;
	[sflag:s0] =	ssyncset.done @!p0 $0x0  }
0x17f: {  	[sflag:s0] =	ssyncadd.s32 @!p0 s1  }
0x180: {  	[bflag:$0x3] =	sbarrier.arrive $0xFFFF  }
0x181: {  	_ =	shalt  }

// kernel: kernel.9.cloned.1.call-start
scs
__scs_entry_jumppad:
0x0: {  	(pc) =	sbr.rel $0x88, $3  }
0x1: {  	(tag) =	ssettag $0x0;
	lr =	simm.s32 $0x1  }
0x2: {  	[smem:$0x3F9B] =	sst lr;
	_ =	strace $0xD0000000  }
0x3: {  	_ = 	snop  }
0x4: {  	_ = 	snop  }
0x5: {  	_ = 	snop  }
0x6: {  	_ = 	snop  }
0x7: {  	_ = 	snop  }
__scs_overlays_trampoline_lowered:
0x8: {  	[smem:$0x3FAA] =	sst s0  }
0x9: {  	[smem:$0x3FAB] =	sst s1  }
0xa: {  	[smem:$0x3FAC] =	sst s2  }
0xb: {  	[smem:$0x3FAD] =	sst s3  }
0xc: {  	[smem:$0x3FAE] =	sst s4  }
0xd: {  	[smem:$0x3FAF] =	sst s5  }
0xe: {  	[smem:$0x3FB0] =	sst s6  }
0xf: {  	[smem:$0x3FB1] =	sst s7  }
0x10: {  	[smem:$0x3FB2] =	sst s8  }
0x11: {  	[smem:$0x3FB3] =	sst s9;
	s0 =	simm.s32 @!p0 $0x0  }
0x12: {  	s1 =	sld [smem:$0x3F99];
	s0 =	simm.s32 @p0 $0x1  }
0x13: {  	[smem:$0x3FB4] =	sst s0;
	s0 =	simm.s32 @!p1 $0x0  }
0x14: {  	s2 =	sld [smem:$0x3F98];
	s0 =	simm.s32 @p1 $0x1  }
0x15: {  	[smem:$0x3FB5] =	sst s0;
	s0 =	simm.s32 @!p2 $0x0  }
0x16: {  	s3 =	sld [smem:$0x3FDB];
	s0 =	simm.s32 @p2 $0x1  }
0x17: {  	s4 =	simm.s32 $0x1BF5;
	[smem:$0x3FB7] =	sst s0  }
0x18: {  	s0 =	sld [smem:$0x3F9A];
	_ =	swait.ge [sflag:s4], $0x0  }
0x19: {  	s7 =	sld [smem:$0x3F9B]  }
0x1a: {  	s8 =	sadd.s32 $0xFFFFE003, lr  }
0x1b: {  	s9 =	sadd.s32 $0xFFFFFEF7, lr;
	s5 =	simm.s32 $0xFFFFFFFF;
	p2 =	slt.u32 s8, $0xFFFFF086  }
0x1c: {  	p1 =	slt.u32 s9, $0xF7A;
	s5 =	simm.s32 @!p2 $0x0  }
0x1d: {  	s5 =	simm.s32 @p1 $0x1;
	p0 =	seq.s32 s7, s2  }
0x1e: {  	s7 =	smul.u32 @!p0 $0xF7A, s2;
	p2 =	seq.s32 @!p0 s5, $0x0  }
0x1f: {  	s9 =	smul.u32 $0xF7A, s1;
	s8 =	simm.s32 @!p0 $0x1BF5;
	p2 =	por !p2, p0  }
0x20: {  	[sflag:s8] =	ssyncset.s32 @!p0 $0xFFFFF086;
	s6 =	sadd.s32 @!p0 s3, s7;
	s7 =	simm.s32 @!p0 $0x108  }
0x21: {  	s3 =	sadd.s32 s3, s9;
	s6 =	sadd.s32 @!p0 $0x88, s6;
	s7 =	simm.s32 @p2 $0x1082  }
0x22: {  	[simem:s7], [sflag:s8] =	dma.local @!p0 [hbm:s6], $0xF7A  }
0x23: {  	s9 =	sor.u32 $0xD0000000, s2;
	s6 =	simm.s32 $0x108;
	_ =	swait.ge @!p0 [sflag:s8], $0x0  }
0x24: {  	s3 =	sadd.s32 $0x88, s3;
	s6 =	simm.s32 @!p1 $0x1082;
	[sflag:s4] =	ssyncset.s32 $0xFFFFF086  }
0x25: {  	[simem:s6], [sflag:s4] =	dma.local [hbm:s3], $0xF7A  }
0x26: {  	[smem:$0x3F9B] =	sst s1;
	(tag) =	ssettag s2;
	_ =	strace s9  }
0x27: {  	s1 =	sld [smem:$0x3FAB]  }
0x28: {  	s2 =	sld [smem:$0x3FAC]  }
0x29: {  	s4 =	sld [smem:$0x3FAE]  }
0x2a: {  	p0 =	seq.s32 s5, $0x0;
	s5 =	sld [smem:$0x3FAF]  }
0x2b: {  	s6 =	sld [smem:$0x3FB0]  }
0x2c: {  	s7 =	sld [smem:$0x3FB1]  }
0x2d: {  	s3 =	simm.s32 $0x108;
	s8 =	sld [smem:$0x3FB2]  }
0x2e: {  	s3 =	simm.s32 @!p0 $0x1082;
	s9 =	sld [smem:$0x3FB3]  }
0x2f: {  	lr =	sadd.s32 s0, s3;
	s0 =	sld [smem:$0x3FAA]  }
0x30: {  	s3 =	sld [smem:$0x3FAD]  }
0x31: {  	[smem:$0x3FB6] =	sst s10  }
0x32: {  	s10 =	sld [smem:$0x3FB4];
	_ =	sdelay $0x3  }
0x33: {  	p0 =	seq.s32 s10, $0x1;
	s10 =	sld [smem:$0x3FB6];
	_ =	sdelay $0x3  }
0x34: {  	[smem:$0x3FB6] =	sst s10  }
0x35: {  	s10 =	sld [smem:$0x3FB5];
	_ =	sdelay $0x3  }
0x36: {  	p1 =	seq.s32 s10, $0x1;
	s10 =	sld [smem:$0x3FB6];
	_ =	sdelay $0x3  }
0x37: {  	[smem:$0x3FB6] =	sst s10  }
0x38: {  	s10 =	sld [smem:$0x3FB7]  }
0x39: {  	_ = 	snop;
	(pc) =	sbr.ind lr, $3  }
0x3a: {  	_ = 	snop  }
0x3b: {  	_ = 	snop  }
0x3c: {  	p2 =	seq.s32 s10, $0x1;
	s10 =	sld [smem:$0x3FB6]  }
0x3d: {  	_ =	shalt  }
0x3e: {  	_ =	shalt  }
0x3f: {  	_ =	shalt  }
0x40: {  	_ =	shalt  }
0x41: {  	_ =	shalt  }
0x42: {  	_ =	shalt  }
0x43: {  	_ =	shalt  }
0x44: {  	_ =	shalt  }
0x45: {  	_ =	shalt  }
0x46: {  	_ =	shalt  }
0x47: {  	_ =	shalt  }
0x48: {  	_ =	shalt  }
0x49: {  	_ =	shalt  }
0x4a: {  	_ =	shalt  }
0x4b: {  	_ =	shalt  }
0x4c: {  	_ =	shalt  }
0x4d: {  	_ =	shalt  }
0x4e: {  	_ =	shalt  }
0x4f: {  	_ =	shalt  }
0x50: {  	_ =	shalt  }
0x51: {  	_ =	shalt  }
0x52: {  	_ =	shalt  }
0x53: {  	_ =	shalt  }
0x54: {  	_ =	shalt  }
0x55: {  	_ =	shalt  }
0x56: {  	_ =	shalt  }
0x57: {  	_ =	shalt  }
0x58: {  	_ =	shalt  }
0x59: {  	_ =	shalt  }
0x5a: {  	_ =	shalt  }
0x5b: {  	_ =	shalt  }
0x5c: {  	_ =	shalt  }
0x5d: {  	_ =	shalt  }
0x5e: {  	_ =	shalt  }
0x5f: {  	_ =	shalt  }
0x60: {  	_ =	shalt  }
0x61: {  	_ =	shalt  }
0x62: {  	_ =	shalt  }
0x63: {  	_ =	shalt  }
0x64: {  	_ =	shalt  }
0x65: {  	_ =	shalt  }
0x66: {  	_ =	shalt  }
0x67: {  	_ =	shalt  }
0x68: {  	_ =	shalt  }
0x69: {  	_ =	shalt  }
0x6a: {  	_ =	shalt  }
0x6b: {  	_ =	shalt  }
0x6c: {  	_ =	shalt  }
0x6d: {  	_ =	shalt  }
0x6e: {  	_ =	shalt  }
0x6f: {  	_ =	shalt  }
0x70: {  	_ =	shalt  }
0x71: {  	_ =	shalt  }
0x72: {  	_ =	shalt  }
0x73: {  	_ =	shalt  }
0x74: {  	_ =	shalt  }
0x75: {  	_ =	shalt  }
0x76: {  	_ =	shalt  }
0x77: {  	_ =	shalt  }
0x78: {  	_ =	shalt  }
0x79: {  	_ =	shalt  }
0x7a: {  	_ =	shalt  }
0x7b: {  	_ =	shalt  }
0x7c: {  	_ =	shalt  }
0x7d: {  	_ =	shalt  }
0x7e: {  	_ =	shalt  }
0x7f: {  	_ =	shalt  }
0x80: {  	_ =	shalt  }
0x81: {  	_ =	shalt  }
0x82: {  	_ =	shalt  }
0x83: {  	_ =	shalt  }
0x84: {  	_ =	shalt  }
0x85: {  	_ =	shalt  }
0x86: {  	_ =	shalt  }
0x87: {  	_ =	shalt  }
.Lfunc_end0:
.L_simem_size_0:
called_computation_lowered:
.L_overlay_start_0:
0x88: {  	s2 =	sld [smem:$0x3FD9]  }
0x89: {  	s3 =	sld [smem:$0x3FFE];
	_ =	sdelay $0x1  }
0x8a: {  	s1 =	srdreg.scid  }
0x8b: {  	s0 =	sand.u32 $0x1, s1  }
0x8c: {  	s17 =	sshll.u32 s0, $0xA;
	s2 =	sadd.s32 s3, s2  }
0x8d: {  	s2 =	sadd.s32 s2, s17  }
0x8e: {  	[smem:$0x3FC2] =	sst s2  }
0x8f: {  	_ = 	snop  }
0x90: {  	s2 =	sld [smem:$0x3FD0];
	(tm) =	ssettm $0x1  }
0x91: {  	s18 =	sld [smem:$0x3FFB];
	_ =	sdelay $0x3  }
0x92: {  	_ =	strace s18  }
0x93: {  	s3 =	sld [smem:$0x3FFC];
	_ =	sdelay $0x3  }
0x94: {  	_ =	strace s3  }
0x95: {  	s3 =	sld [smem:$0x3FFD];
	_ =	sdelay $0x3  }
0x96: {  	_ =	strace s3  }
0x97: {  	_ =	strace $0x8FFFFFFF  }
0x98: {  	s19 =	sld [smem:$0x3FDB];
	_ =	sdelay $0x1  }
0x99: {  	s4 =	simm.s32 $_scs_section_size  }
0x9a: {  	s5 =	simm.s32 $_size__tile_overlayer_lowered;
	s6 =	simm.s32 $_tile_overlayer_lowered  }
0x9b: {  	s22 =	simm.s32 $0x1BFF;
	s21 =	sshll.u32 s6, $0x1;
	s3 =	sadd.s32 s4, s19  }
0x9c: {  	s7 =	simm.s32 $0x0;
	s20 =	sshll.u32 s5, $0x1;
	s5 =	sadd.s32 s21, s3  }
0x9d: {  	[timem:s7], [sflag:s22] =	dma.local [hbm:s5], s20  }
0x9e: {  	_ =	swait.ge [sflag:s22], s20  }
0x9f: {  	s4 =	ssub.s32 $0x0, s20;
	[sflag:s22] =	ssyncset.done $0x0  }
0xa0: {  	[sflag:s22] =	ssyncadd.s32 s4;
	_ =	sdelay $0x1  }
0xa1: {  	s23 =	simm.s32 $0x1B8B  }
0xa2: {  	_ =	swait.ge [sflag:s23], $0x1  }
0xa3: {  	[sflag:s23] =	ssyncset.done $0x0  }
0xa4: {  	s25 =	simm.s32 $0x1B8E;
	s24 =	sld [smem:$0x3FFE];
	[sflag:s23] =	ssyncadd.s32 $0xFFFFFFFF  }
0xa5: {  	s26 =	simm.s32 $execute0_lowered;
	[smem:$0x3FD2] =	sst s25  }
0xa6: {  	s5 =	sshll.u32 s26, $0x1;
	_ =	strace $0x80000046;
	[dreg:$0x1] =	wrdreg $0xFFFFFFFF  }
0xa7: {  	s28 =	simm.s32 $_size_execute0_lowered;
	s3 =	sadd.s32 s3, s5;
	[dreg:$0x0] =	wrdreg $0x0  }
0xa8: {  	s5 =	sshll.u32 s28, $0x1;
	[dreg:$0x2] =	wrdreg s3  }
0xa9: {  	[dreg:$0x3] =	wrdreg s5  }
0xaa: {  	[dreg:$0x4] =	wrdreg $0xC0  }
0xab: {  	_ =	task [dreg:s7], $0x5FFFF  }
0xac: {  	[dreg:$0x1] =	wrdreg $0xFFFFFFFF  }
0xad: {  	[dreg:$0x0] =	wrdreg $0x60  }
0xae: {  	[dreg:$0x2] =	wrdreg s24  }
0xaf: {  	[dreg:$0x3] =	wrdreg s2  }
0xb0: {  	[dreg:$0x4] =	wrdreg $0x24000  }
0xb1: {  	[dreg:$0x5] =	wrdreg $0x9  }
0xb2: {  	_ =	task.clear_ibuf [dreg:s7], $0x6FFFF;
	_ =	strace $0x90000046  }
0xb3: {  	s29 =	simm.s32 $0x9;
	_ =	strace $0x80000048  }
0xb4: {  	_ =	swait.ge [sflag:s29], $0x1  }
0xb5: {  	[sflag:s29] =	ssyncadd.s32 $0xFFFFFFFF  }
0xb6: {  	_ =	strace $0x90000048  }
0xb7: {  	_ =	sfence  }
0xb8: {  	s30 =	sld [smem:$0x0];
	_ =	sdelay $0x2  }
0xb9: {  	s31 =	sshll.u32 s1, $0xD;
	s1 =	sshrl.u32 s1, $0x2  }
0xba: {  	s3 =	sand.u32 $0x4000, s31;
	s1 =	sadd.s32 s1, s30  }
0xbb: {  	s0 =	sor.u32 s3, s0;
	s1 =	sshll.u32 s1, $0x11  }
0xbc: {  	s0 =	sor.u32 s1, s0  }
0xbd: {  	s0 =	sadd.s32 $0x8F2B, s0  }
0xbe: {  	[sflag:s0] =	ssyncadd.remote.s32 $0x1  }
0xbf: {  	_ =	sfence.sel $0xFFFF  }
0xc0: {  	[dreg:$0x0] =	wrdreg $0xFFFFFFFF;
	(pc) =	sbr.abs _section_cstart, $3  }
0xc1: {  	[dreg:$0x1] =	wrdreg $0xFFFFFFFF  }
0xc2: {  	_ =	task.clear_ibuf [dreg:s7], $0x2FFFF;
	_ =	strace $0x9FFFFFFF  }
0xc3: {  	(tm) =	ssettm $0x7FFFFFFF  }
tec
execute0_lowered:
.L_overlay_start_1:
0x0: {  	(tag) =	ssettag $0x1  }
0x1: {  	s4 =	rddreg [dreg:$0x0]  }
0x2: {  	s12 =	rddreg [dreg:$0x1]  }
0x3: {  	s1 =	rddreg [dreg:$0x2]  }
0x4: {  	s0 =	rddreg [dreg:$0x3];
	s3 =	simm.s32 $0x0  }
0x5: {  	s5 =	srdreg.scid;
	s2 =	stileid.u32;
	s17 =	simm.s32 $0x1400  }
0x6: {  	s18 =	simm.s32 $0x1;
	[smem:$0x7FF] =	sst s3;
	s29 =	smul.u32 $0x9C40, s2  }
0x7: {  	s7 =	sand.u32 $0x1, s5;
	s11 =	sadd.s32 $0x2000, s4;
	s10 =	smul.u32 $0x2710, s2  }
0x8: {  	s16 =	sshll.u32 s2, $0x4;
	_ =	strace $0x80000047;
	s6 =	sshll.u32 s7, $0x4  }
0x9: {  	s30 =	ssub.s32 $0x2, s7;
	s14 =	smul.u32 $0x27100, s7;
	s19 =	sor.u32 s2, s6  }
0xa: {  	s5 =	sshrl.u32 s29, $0x2;
	s31 =	sshrl.u32 s30, $0x1;
	s4 =	sadd.s32 s10, s1  }
0xb: {  	s8 =	sadd.s32 s5, s1;
	s9 =	smul.u32 $0x2700, s19;
	s13 =	ssub.s32 s30, s31  }
0xc: {  	s14 =	sadd.s32 s10, s14;
	p0 =	sgt.u32 s19, $0x3;
	s5 =	sadd.s32 $0x800, s8  }
0xd: {  	s6 =	sadd.s32 $0x1000, s8;
	s7 =	sadd.s32 $0x1800, s8;
	s8 =	sadd.s32 $0x2000, s8  }
0xe: {  	s14 =	sshrl.u32 s14, $0x3;
	s13 =	smax.u32 s13, $0x1;
	s9 =	sshrl.u32 s9, $0x3  }
0xf: {  	s12 =	sadd.s32 s12, s14;
	s14 =	simm.s32 $0x1C00;
	s15 =	sadd.s32 s11, s9  }
0x10: {  	s11 =	sadd.s32 s16, s11;
	s16 =	simm.s32 $0x80;
	s9 =	sadd.s32 $0x9C40, s15  }
0x11: {  	v0 =	vimm.f32 $1.000000000e+00;
	v1 =	vimm.f32 $0.0e+00;
	s10 =	sadd.s32 $0x9EB0, s15;
	s11 =	sadd.s32 $0x13840, s11;
	s15 =	simm.s32 $0x2  }
.LBB2_1:
0x12: {  	s19 =	simm.s32 $0x0  }
.LBB2_2:
0x13: {  	p1 =	sne.s32 s19, $0x1FC0  }
.Ltmp0:
0x14: {  	_ = 	snop;
	(pc) =	sbr.rel @p1 .LBB2_2-.Ltmp0, $3  }
0x15: {  	_ =	sdelay $0x1  }
0x16: {  	s20 =	sshra.s32 s19, $0x2  }
0x17: {  	s19 =	sadd.s32 $0x40, s19;
	[tilespmem:s20+$0x1400] =	vst v0  }
0x18: {  	s19 =	simm.s32 $0x40;
	s20 =	simm.s32 $0x0  }
.LBB2_4:
0x19: {  	p1 =	sne.s32 s19, $0x1FC0;
	[tilespmem:s20+$0x1C00] =	vst v1;
	s20 =	smov.u32 s19;
	s19 =	sadd.s32 $0x40, s19  }
.Ltmp1:
0x1a: {  	(pc) =	sbr.rel @p1 .LBB2_4-.Ltmp1, $2  }
0x1b: {  	_ =	sdelay $0x2  }
0x1c: {  	s20 =	sshra.s32 s20, $0x2  }
0x1d: {  	[tilespmem:s20+$0x1C00] =	vst v1  }
0x1e: {  	[spmem:s4] =	stream.linear.scatter [tilespmem:s14], [sflag:$0x2], $0x800, $0x38;
	[tilespmem:$0x4B10] =	vst v63  }
0x1f: {  	_ =	swait.ge [sflag:s15], $0x800  }
0x20: {  	[sflag:s15] =	ssyncset.done $0x0  }
0x21: {  	[sflag:s15] =	ssyncadd.s32 $0xFFFFF800  }
0x22: {  	[spmem:s5] =	stream.linear.scatter [tilespmem:s14], [sflag:$0x2], $0x800, $0x38;
	[tilespmem:$0x4B10] =	vst v63  }
0x23: {  	_ =	swait.ge [sflag:s15], $0x800  }
0x24: {  	[sflag:s15] =	ssyncset.done $0x0  }
0x25: {  	[sflag:s15] =	ssyncadd.s32 $0xFFFFF800  }
0x26: {  	[spmem:s6] =	stream.linear.scatter [tilespmem:s14], [sflag:$0x2], $0x800, $0x38;
	[tilespmem:$0x4B10] =	vst v63  }
0x27: {  	_ =	swait.ge [sflag:s15], $0x800  }
0x28: {  	[sflag:s15] =	ssyncset.done $0x0  }
0x29: {  	[sflag:s15] =	ssyncadd.s32 $0xFFFFF800  }
0x2a: {  	[spmem:s7] =	stream.linear.scatter [tilespmem:s14], [sflag:$0x2], $0x800, $0x38;
	[tilespmem:$0x4B10] =	vst v63  }
0x2b: {  	_ =	swait.ge [sflag:s15], $0x800  }
0x2c: {  	[sflag:s15] =	ssyncset.done $0x0  }
0x2d: {  	[sflag:s15] =	ssyncadd.s32 $0xFFFFF800  }
0x2e: {  	[spmem:s8] =	stream.linear.scatter [tilespmem:s14], [sflag:$0x2], $0x710, $0x38;
	[tilespmem:$0x4B10] =	vst v63  }
0x2f: {  	_ =	swait.ge [sflag:s15], $0x710  }
0x30: {  	[sflag:s15] =	ssyncset.done $0x0  }
0x31: {  	[sflag:s15] =	ssyncadd.s32 $0xFFFFF8F0  }
0x32: {  	s19 =	simm.s32 $0x0;
	[bflag:$0x0] =	sbarrier.arrive $0xFFFF  }
0x33: {  	[tilespmem:s19], [sflag:$0x2] =	stream.linear.gather [hbm4b:s9+s19], $0x1380, $0x38;
	[tilespmem:$0x4B10] =	vst v63  }
0x34: {  	_ =	swait.ge [sflag:s15], $0x1380  }
0x35: {  	p1 =	por $0x1, $0x1;
	[sflag:s15] =	ssyncset.done $0x0  }
0x36: {  	s21 =	simm.s32 @!p1 $0x1;
	[sflag:s15] =	ssyncadd.s32 $0xFFFFEC80  }
0x37: {  	[spmem:s1] =	stream.indirect.scatter.add.f32 [tilespmem:s17], [sflag:$0x1], $0x10, s19, s16, $0xb8;
	[tilespmem:$0x4B10] =	vst v63  }
0x38: {  	_ =	swait.ge @!p1 [sflag:s21], $0x800  }
0x39: {  	s20 =	simm.s32 $0x1;
	[sflag:s21] =	ssyncset.done @!p1 $0x0  }
.LBB2_6:
0x3a: {  	[sflag:s21] =	ssyncadd.s32 @!p1 $0xFFFFF800  }
0x3b: {  	s19 =	sadd.s32 $0x80, s19;
	s21 =	smov.u32 s20;
	s20 =	sadd.s32 $0x1, s20  }
0x3c: {  	p2 =	sne.s32 s20, $0x27  }
0x3d: {  	[spmem:s1] =	stream.indirect.scatter.add.f32 [tilespmem:s17], [sflag:$0x1], $0x10, s19, s16, $0xb8;
	[tilespmem:$0x4B10] =	vst v63  }
.Ltmp2:
0x3e: {  	_ = 	snop;
	(pc) =	sbr.rel @p2 .LBB2_6-.Ltmp2, $4  }
0x3f: {  	p1 =	slt.u32 s21, $0xC  }
0x40: {  	s21 =	simm.s32 @!p1 $0x1  }
0x41: {  	_ =	swait.ge @!p1 [sflag:s21], $0x800  }
0x42: {  	[sflag:s21] =	ssyncset.done @!p1 $0x0  }
0x43: {  	[sflag:s21] =	ssyncadd.s32 @!p1 $0xFFFFF800  }
0x44: {  	_ =	swait.ge [sflag:s18], $0x800  }
0x45: {  	[sflag:s18] =	ssyncset.done $0x0  }
0x46: {  	[sflag:s18] =	ssyncadd.s32 $0xFFFFF800  }
0x47: {  	_ =	swait.ge [sflag:s18], $0x800  }
0x48: {  	[sflag:s18] =	ssyncset.done $0x0  }
0x49: {  	[sflag:s18] =	ssyncadd.s32 $0xFFFFF800  }
0x4a: {  	_ =	swait.ge [sflag:s18], $0x800  }
0x4b: {  	[sflag:s18] =	ssyncset.done $0x0  }
0x4c: {  	[sflag:s18] =	ssyncadd.s32 $0xFFFFF800  }
0x4d: {  	_ =	swait.ge [sflag:s18], $0x800  }
0x4e: {  	[sflag:s18] =	ssyncset.done $0x0  }
0x4f: {  	[sflag:s18] =	ssyncadd.s32 $0xFFFFF800  }
0x50: {  	_ =	swait.ge [sflag:s18], $0x800  }
0x51: {  	[sflag:s18] =	ssyncset.done $0x0  }
0x52: {  	[sflag:s18] =	ssyncadd.s32 $0xFFFFF800  }
0x53: {  	_ =	swait.ge [sflag:s18], $0x800  }
0x54: {  	[sflag:s18] =	ssyncset.done $0x0  }
0x55: {  	[sflag:s18] =	ssyncadd.s32 $0xFFFFF800  }
0x56: {  	_ =	swait.ge [sflag:s18], $0x800  }
0x57: {  	[sflag:s18] =	ssyncset.done $0x0  }
0x58: {  	[sflag:s18] =	ssyncadd.s32 $0xFFFFF800  }
0x59: {  	_ =	swait.ge [sflag:s18], $0x800  }
0x5a: {  	[sflag:s18] =	ssyncset.done $0x0  }
0x5b: {  	[sflag:s18] =	ssyncadd.s32 $0xFFFFF800  }
0x5c: {  	_ =	swait.ge [sflag:s18], $0x800  }
0x5d: {  	[sflag:s18] =	ssyncset.done $0x0  }
0x5e: {  	[sflag:s18] =	ssyncadd.s32 $0xFFFFF800  }
0x5f: {  	_ =	swait.ge [sflag:s18], $0x800  }
0x60: {  	[sflag:s18] =	ssyncset.done $0x0  }
0x61: {  	[sflag:s18] =	ssyncadd.s32 $0xFFFFF800  }
0x62: {  	_ =	swait.ge [sflag:s18], $0x800  }
0x63: {  	[sflag:s18] =	ssyncset.done $0x0  }
0x64: {  	[sflag:s18] =	ssyncadd.s32 $0xFFFFF800  }
0x65: {  	_ =	swait.ge [sflag:s18], $0x800  }
0x66: {  	[sflag:s18] =	ssyncset.done $0x0  }
0x67: {  	s19 =	simm.s32 $0x0;
	[sflag:s18] =	ssyncadd.s32 $0xFFFFF800  }
0x68: {  	[tilespmem:s19], [sflag:$0x2] =	stream.linear.gather [hbm4b:s10+s19], $0x1380, $0x38;
	[tilespmem:$0x4B10] =	vst v63  }
0x69: {  	_ =	swait.ge [sflag:s15], $0x1380  }
0x6a: {  	p1 =	por $0x1, $0x1;
	[sflag:s15] =	ssyncset.done $0x0  }
0x6b: {  	s21 =	simm.s32 @!p1 $0x1;
	[sflag:s15] =	ssyncadd.s32 $0xFFFFEC80  }
0x6c: {  	[spmem:s1] =	stream.indirect.scatter.add.f32 [tilespmem:s17], [sflag:$0x1], $0x10, s19, s16, $0xb8;
	[tilespmem:$0x4B10] =	vst v63  }
0x6d: {  	_ =	swait.ge @!p1 [sflag:s21], $0x800  }
0x6e: {  	s20 =	simm.s32 $0x1;
	[sflag:s21] =	ssyncset.done @!p1 $0x0  }
.LBB2_8:
0x6f: {  	[sflag:s21] =	ssyncadd.s32 @!p1 $0xFFFFF800  }
0x70: {  	s19 =	sadd.s32 $0x80, s19;
	s21 =	smov.u32 s20;
	s20 =	sadd.s32 $0x1, s20  }
0x71: {  	p2 =	sne.s32 s20, $0x27  }
0x72: {  	[spmem:s1] =	stream.indirect.scatter.add.f32 [tilespmem:s17], [sflag:$0x1], $0x10, s19, s16, $0xb8;
	[tilespmem:$0x4B10] =	vst v63  }
.Ltmp3:
0x73: {  	_ = 	snop;
	(pc) =	sbr.rel @p2 .LBB2_8-.Ltmp3, $4  }
0x74: {  	p1 =	slt.u32 s21, $0xC  }
0x75: {  	s21 =	simm.s32 @!p1 $0x1  }
0x76: {  	_ =	swait.ge @!p1 [sflag:s21], $0x800  }
0x77: {  	[sflag:s21] =	ssyncset.done @!p1 $0x0  }
0x78: {  	[sflag:s21] =	ssyncadd.s32 @!p1 $0xFFFFF800  }
0x79: {  	_ =	swait.ge [sflag:s18], $0x800  }
0x7a: {  	[sflag:s18] =	ssyncset.done $0x0  }
0x7b: {  	[sflag:s18] =	ssyncadd.s32 $0xFFFFF800  }
0x7c: {  	_ =	swait.ge [sflag:s18], $0x800  }
0x7d: {  	[sflag:s18] =	ssyncset.done $0x0  }
0x7e: {  	[sflag:s18] =	ssyncadd.s32 $0xFFFFF800  }
0x7f: {  	_ =	swait.ge [sflag:s18], $0x800  }
0x80: {  	[sflag:s18] =	ssyncset.done $0x0  }
0x81: {  	[sflag:s18] =	ssyncadd.s32 $0xFFFFF800  }
0x82: {  	_ =	swait.ge [sflag:s18], $0x800  }
0x83: {  	[sflag:s18] =	ssyncset.done $0x0  }
0x84: {  	[sflag:s18] =	ssyncadd.s32 $0xFFFFF800  }
0x85: {  	_ =	swait.ge [sflag:s18], $0x800  }
0x86: {  	[sflag:s18] =	ssyncset.done $0x0  }
0x87: {  	[sflag:s18] =	ssyncadd.s32 $0xFFFFF800  }
0x88: {  	_ =	swait.ge [sflag:s18], $0x800  }
0x89: {  	[sflag:s18] =	ssyncset.done $0x0  }
0x8a: {  	[sflag:s18] =	ssyncadd.s32 $0xFFFFF800  }
0x8b: {  	_ =	swait.ge [sflag:s18], $0x800  }
0x8c: {  	[sflag:s18] =	ssyncset.done $0x0  }
0x8d: {  	[sflag:s18] =	ssyncadd.s32 $0xFFFFF800  }
0x8e: {  	_ =	swait.ge [sflag:s18], $0x800  }
0x8f: {  	[sflag:s18] =	ssyncset.done $0x0  }
0x90: {  	[sflag:s18] =	ssyncadd.s32 $0xFFFFF800  }
0x91: {  	_ =	swait.ge [sflag:s18], $0x800  }
0x92: {  	[sflag:s18] =	ssyncset.done $0x0  }
0x93: {  	[sflag:s18] =	ssyncadd.s32 $0xFFFFF800  }
0x94: {  	_ =	swait.ge [sflag:s18], $0x800  }
0x95: {  	[sflag:s18] =	ssyncset.done $0x0  }
0x96: {  	[sflag:s18] =	ssyncadd.s32 $0xFFFFF800  }
0x97: {  	_ =	swait.ge [sflag:s18], $0x800  }
0x98: {  	[sflag:s18] =	ssyncset.done $0x0  }
0x99: {  	[sflag:s18] =	ssyncadd.s32 $0xFFFFF800  }
0x9a: {  	_ =	swait.ge [sflag:s18], $0x800  }
0x9b: {  	[sflag:s18] =	ssyncset.done $0x0  }
0x9c: {  	s19 =	simm.s32 @!p0 $0x0;
	s20 =	simm.s32 @!p0 $0x1380;
	[sflag:s18] =	ssyncadd.s32 $0xFFFFF800  }
0x9d: {  	[tilespmem:s20], [sflag:$0x2] =	stream.linear.gather @!p0 [hbm4b:s11+s19], $0x80, $0x38;
	[tilespmem:$0x4B10] =	vst v63  }
0x9e: {  	s19 =	simm.s32 @!p0 $0x2  }
0x9f: {  	_ =	swait.ge @!p0 [sflag:s19], $0x80  }
0xa0: {  	[sflag:s19] =	ssyncset.done @!p0 $0x0  }
0xa1: {  	s21 =	simm.s32 @!p0 $0x80;
	s22 =	simm.s32 @!p0 $0x1400;
	[sflag:s19] =	ssyncadd.s32 @!p0 $0xFFFFFF80  }
0xa2: {  	[spmem:s1] =	stream.indirect.scatter.add.f32 @!p0 [tilespmem:s22], [sflag:$0x2], $0x10, s20, s21, $0xb8;
	[tilespmem:$0x4B10] =	vst v63  }
0xa3: {  	_ =	swait.ge @!p0 [sflag:s19], $0x800  }
0xa4: {  	s30 =	sshll.u32 s2, $0x6;
	s3 =	sadd.s32 $0x1, s3;
	[sflag:s19] =	ssyncset.done @!p0 $0x0  }
0xa5: {  	s31 =	sshrl.u32 s4, $0x3;
	p1 =	sne.s32 s3, s13;
	[sflag:s19] =	ssyncadd.s32 @!p0 $0xFFFFF800  }
.Ltmp4:
0xa6: {  	s19 =	sor.u32 $0x1C02, s30;
	[bflag:$0x0] =	sbarrier.arrive $0xFFFF;
	(pc) =	sbr.rel @p1 .LBB2_1-.Ltmp4, $4  }
0xa7: {  	[hbm:s12], [sflag:s19] =	dma.local [spmem:s31], $0x4E2  }
0xa8: {  	_ =	swait.ge [sflag:s15], $0x4E2  }
0xa9: {  	[sflag:s15] =	ssyncset.done $0x0  }
0xaa: {  	[sflag:s15] =	ssyncadd.s32 $0xFFFFFB1E  }
0xab: {  	_ =	sfence.sel $0x180000  }
0xac: {  	[bflag:$0x0] =	sbarrier.arrive $0xFFFF  }
0xad: {  	p0 =	sne.s32 s2, $0x0;
	_ =	strace $0x90000047  }
0xae: {  	s0 =	sadd.s32 @!p0 $0x100000, s0;
	[bflag:$0x2] =	sbarrier.arrive $0xFFFF  }
0xaf: {  	[sflag:s0] =	ssyncadd.tile.s32 @!p0 $0x1;
	_ =	shalt  }
.Lfunc_end2:
_tile_overlayer_lowered:
.L_overlay_start_2:
0xb0: {  	(tag) =	ssettag $0x2  }
0xb1: {  	s0 =	rddreg [dreg:$0x0];
	s2 =	stileid.u32  }
0xb2: {  	s1 =	rddreg [dreg:$0x1];
	p0 =	sne.s32 s2, $0x0  }
0xb3: {  	s3 =	rddreg [dreg:$0x2];
	[bflag:$0x3] =	sbarrier.arrive $0xFFFF;
	s2 =	simm.s32 @!p0 $0x1C02  }
0xb4: {  	[timem:s3], [sflag:s2] =	dma.local @!p0 [hbm:s0], s1  }
0xb5: {  	s0 =	simm.s32 @!p0 $0x2  }
0xb6: {  	_ =	swait.ge @!p0 [sflag:s0], s1  }
0xb7: {  	s1 =	ssub.s32 @!p0 $0x0, s1;
	[sflag:s0] =	ssyncset.done @!p0 $0x0  }
0xb8: {  	[sflag:s0] =	ssyncadd.s32 @!p0 s1  }
0xb9: {  	[bflag:$0x3] =	sbarrier.arrive $0xFFFF  }
0xba: {  	_ =	shalt  }

</sc_bundles>
